<compile_context>
chip_gen: v7x
topology: tpu7x:2x2x1
jax: 0.10.2.dev20260603
libtpu: 0.0.44.dev20260713+nightly
codegen_flags: <defaults>
</compile_context>

<pallas_src>
import functools

import jax
import jax.numpy as jnp
from jax import lax
from jax.experimental import pallas as pl
from jax.experimental.pallas import tpu as pltpu
from jax.experimental.pallas import tpu_sc as plsc

_VOCAB = 100000
_MAXLEN = 10000
_D = 64
_B = 4096
_S = 200

_R = _B * _S
_NW = 32
_ROWS_PER_W = _R // _NW
_CHUNK = 128
_NCH = _ROWS_PER_W // _CHUNK
_NBLK = _R // _CHUNK
_LANES = 16


def _sc_embed_sum(notes, times, token_emb, pos_emb):
    mesh = plsc.VectorSubcoreMesh(core_axis_name="c", subcore_axis_name="s")

    @functools.partial(
        pl.kernel,
        mesh=mesh,
        out_type=jax.ShapeDtypeStruct((_R, _D), jnp.float32),
        compiler_params=pltpu.CompilerParams(use_tc_tiling_on_sc=False),
        scratch_types=[
            pltpu.VMEM((4, _CHUNK), jnp.int32),
            pltpu.VMEM((4, _CHUNK), jnp.int32),
            pltpu.VMEM((2, _CHUNK, _D), jnp.float32),
            pltpu.VMEM((2, _CHUNK, _D), jnp.float32),
            pltpu.VMEM((2, _CHUNK, _D), jnp.float32),
            pltpu.VMEM_SHARED((_MAXLEN, _D), jnp.float32),
            pltpu.SemaphoreType.DMA,
            pltpu.SemaphoreType.DMA,
            pltpu.SemaphoreType.DMA,
            pltpu.SemaphoreType.DMA,
            pltpu.SemaphoreType.DMA,
            pltpu.SemaphoreType.DMA,
            pltpu.SemaphoreType.DMA,
            pltpu.SemaphoreType.DMA,
            pltpu.SemaphoreType.DMA,
            pltpu.SemaphoreType.DMA,
        ],
    )
    def body(notes_hbm, times_hbm, token_hbm, pos_hbm, out_hbm,
             nidx_v, tidx_v, abuf, bbuf, obuf, pos_sh,
             gi0, gi1, gi2, gi3, ga0, ga1, gb0, gb1, so0, so1):
        sid = lax.axis_index("s")
        wid = sid * 2 + lax.axis_index("c")
        blk0 = wid * _NCH
        row0 = wid * _ROWS_PER_W

        _TROWS = _MAXLEN // 16
        tslice = pl.ds(sid * _TROWS, _TROWS)
        pltpu.sync_copy(pos_hbm.at[tslice], pos_sh.at[tslice])
        plsc.subcore_barrier()

        gis = (gi0, gi1, gi2, gi3)
        gas = (ga0, ga1)
        gbs = (gb0, gb1)
        sos = (so0, so1)

        def idx_row(j):
            return jnp.minimum(blk0 + j, _NBLK - 1)

        def issue_idx(j, s):
            pltpu.async_copy(notes_hbm.at[idx_row(j)], nidx_v.at[s], gis[s])
            pltpu.async_copy(times_hbm.at[idx_row(j)], tidx_v.at[s], gis[s])

        def wait_idx(j, s):
            pltpu.make_async_copy(
                notes_hbm.at[idx_row(j)], nidx_v.at[s], gis[s]).wait()
            pltpu.make_async_copy(
                times_hbm.at[idx_row(j)], tidx_v.at[s], gis[s]).wait()

        def issue_gathers(s, p):
            pltpu.async_copy(token_hbm.at[nidx_v.at[s]], abuf.at[p], gas[p])
            pltpu.async_copy(pos_sh.at[tidx_v.at[s]], bbuf.at[p], gbs[p])

        def wait_gathers(s, p):
            pltpu.make_async_copy(
                token_hbm.at[nidx_v.at[s]], abuf.at[p], gas[p]).wait()
            pltpu.make_async_copy(
                pos_sh.at[tidx_v.at[s]], bbuf.at[p], gbs[p]).wait()

        def add(p):
            a, b, o = abuf.at[p], bbuf.at[p], obuf.at[p]

            @plsc.parallel_loop(0, _CHUNK, step=1, unroll=4)
            def _(r):
                for k in range(0, _D, _LANES):
                    sl = pl.ds(k, _LANES)
                    o[r, sl] = a[r, sl] + b[r, sl]

        def issue_scatter(j, p):
            pltpu.async_copy(
                obuf.at[p], out_hbm.at[pl.ds(row0 + j * _CHUNK, _CHUNK)],
                sos[p])

        def wait_scatter(p):
            pltpu.make_async_copy(
                obuf.at[p], out_hbm.at[pl.ds(row0, _CHUNK)], sos[p]).wait()

        def step(j, s, p, first):
            wait_gathers(s, p)
            issue_idx(j + 4, s)
            if not first:
                wait_scatter(p)
            add(p)
            wait_idx(j + 2, (s + 2) % 4)
            issue_gathers((s + 2) % 4, p)
            issue_scatter(j, p)

        for k in range(4):
            issue_idx(k, k)
        for k in range(2):
            wait_idx(k, k)
            issue_gathers(k, k)
        step(0, 0, 0, True)
        step(1, 1, 1, True)

        def loop_body(q, carry):
            j = 4 * q + 2
            step(j, 2, 0, False)
            step(j + 1, 3, 1, False)
            step(j + 2, 0, 0, False)
            step(j + 3, 1, 1, False)
            return carry

        lax.fori_loop(0, (_NCH - 4) // 4, loop_body, 0)

        for j, s, p in ((_NCH - 2, 2, 0), (_NCH - 1, 3, 1)):
            wait_gathers(s, p)
            wait_scatter(p)
            add(p)
            issue_scatter(j, p)
        wait_scatter(0)
        wait_scatter(1)
        wait_idx(_NCH + 0, 0)
        wait_idx(_NCH + 1, 1)

    return body(notes, times, token_emb, pos_emb)


@jax.jit
def kernel(x, token_emb, pos_emb):
    notes = x[:, 0, :].astype(jnp.int32).reshape(_NBLK, _CHUNK)
    times = x[:, 1, :].astype(jnp.int32).reshape(_NBLK, _CHUNK)
    out = _sc_embed_sum(notes, times, token_emb, pos_emb)
    return out.reshape(_B, _S, _D)

# --- scband reference (transcript-rebuilt; emitter-appended) ---
"""Pipeline reference for scband-token-and-position-embedding-249108103654 (READ-ONLY COPY).

The authoritative reference and input builder live on the scoring server;
editing this copy changes nothing except your own understanding.
"""

import jax, jax.numpy as jnp
import numpy as np

VOCAB_SIZE = 100000
MAX_LEN = 10000
EMBED_DIM = 64
BATCH = 4096
SEQ = 200

def setup_inputs(seed: int = 0) -> dict:
    key = jax.random.key(seed)
    k1, k2, k3 = jax.random.split(key, 3)
    # x packs two index streams: x[:,0,:] are note tokens, x[:,1,:] are time positions.
    # Values drawn < MAX_LEN (=10000) so they are valid for both tables (vocab=100000, max_len=10000).
    x = jax.random.randint(k1, (BATCH, 2, SEQ), 0, MAX_LEN, dtype=jnp.int64 if jax.config.jax_enable_x64 else jnp.int32)
    token_emb = jax.random.normal(k2, (VOCAB_SIZE, EMBED_DIM), dtype=jnp.float32) * 0.05
    pos_emb = jax.random.normal(k3, (MAX_LEN, EMBED_DIM), dtype=jnp.float32) * 0.05
    return {"x": x, "token_emb": token_emb, "pos_emb": pos_emb}

def reference(x, token_emb, pos_emb):
    L = x.shape[-1]
    notes = x[:, 0:1, :]
    times = x[:, 1:2, :]
    notes = jnp.reshape(notes, (-1, L))
    times = jnp.reshape(times, (-1, L))
    times_e = jnp.take(pos_emb, times, axis=0)
    notes_e = jnp.take(token_emb, notes, axis=0)
    return notes_e + times_e

if __name__ == "__main__":
    import jax
    _d = setup_inputs()
    print(jax.jit(kernel)(*tuple(_d.values())))

</pallas_src>

<mosaic_0001>
#map = affine_map<(d0, d1) -> (0, 0)>
module attributes {stable_mosaic.version = 14 : i64} {
  func.func @body(%arg0: i32, %arg1: i32, %arg2: memref<6400x128xi32, #tpu.memory_space<hbm>>, %arg3: memref<6400x128xi32, #tpu.memory_space<hbm>>, %arg4: memref<100000x64xf32, #tpu.memory_space<hbm>>, %arg5: memref<10000x64xf32, #tpu.memory_space<hbm>>, %arg6: memref<819200x64xf32, #tpu.memory_space<hbm>>, %arg7: memref<4x128xi32, #tpu.memory_space<vmem>>, %arg8: memref<4x128xi32, #tpu.memory_space<vmem>>, %arg9: memref<2x128x64xf32, #tpu.memory_space<vmem>>, %arg10: memref<2x128x64xf32, #tpu.memory_space<vmem>>, %arg11: memref<2x128x64xf32, #tpu.memory_space<vmem>>, %arg12: memref<10000x64xf32, #tpu.memory_space<vmem_shared>>, %arg13: memref<!tpu.dma_semaphore, #tpu.memory_space<semaphore_mem>>, %arg14: memref<!tpu.dma_semaphore, #tpu.memory_space<semaphore_mem>>, %arg15: memref<!tpu.dma_semaphore, #tpu.memory_space<semaphore_mem>>, %arg16: memref<!tpu.dma_semaphore, #tpu.memory_space<semaphore_mem>>, %arg17: memref<!tpu.dma_semaphore, #tpu.memory_space<semaphore_mem>>, %arg18: memref<!tpu.dma_semaphore, #tpu.memory_space<semaphore_mem>>, %arg19: memref<!tpu.dma_semaphore, #tpu.memory_space<semaphore_mem>>, %arg20: memref<!tpu.dma_semaphore, #tpu.memory_space<semaphore_mem>>, %arg21: memref<!tpu.dma_semaphore, #tpu.memory_space<semaphore_mem>>, %arg22: memref<!tpu.dma_semaphore, #tpu.memory_space<semaphore_mem>>) attributes {dimension_semantics = [#tpu.dimension_semantics<core_parallel>, #tpu.dimension_semantics<subcore_parallel>], iteration_bounds = array<i64: 2, 16>, scalar_prefetch = 0 : i64, scratch_operands = 16 : i64, tpu.core_type = #tpu.core_type<sc_vector_subcore>, window_params = [{transform_indices = #map}, {transform_indices = #map}, {transform_indices = #map}, {transform_indices = #map}, {transform_indices = #map}]} {
    %mul3A = arith.constant 2 : i32
    %mul3A_0 = arith.muli %arg1, %mul3A : i32
    %add3A = arith.addi %mul3A_0, %arg0 : i32
    %mul3A_1 = arith.constant 200 : i32
    %mul3A_2 = arith.muli %add3A, %mul3A_1 : i32
    %mul3A_3 = arith.constant 25600 : i32
    %mul3A_4 = arith.muli %add3A, %mul3A_3 : i32
    %mul3A_5 = arith.constant 625 : i32
    %mul3A_6 = arith.muli %arg1, %mul3A_5 : i32
    "tpu.region"() ({
      %run_scoped3A = tpu.sem_alloc : memref<!tpu.dma_semaphore, #tpu.memory_space<semaphore_mem>>
      %dma_start3A_744 = arith.constant 0 : i32
      %dma_start3A_745 = tpu.memref_slice %arg12[%mul3A_6, %dma_start3A_744] : memref<10000x64xf32, #tpu.memory_space<vmem_shared>> -> memref<625x64xf32, #tpu.memory_space<vmem_shared>>
      %dma_start3A_746 = arith.constant 0 : i32
      %dma_start3A_747 = tpu.memref_slice %arg5[%mul3A_6, %dma_start3A_746] : memref<10000x64xf32, #tpu.memory_space<hbm>> -> memref<625x64xf32, #tpu.memory_space<hbm>>
      tpu.enqueue_dma source(%dma_start3A_747 : memref<625x64xf32, #tpu.memory_space<hbm>>) target(%dma_start3A_745 : memref<625x64xf32, #tpu.memory_space<vmem_shared>>) target_semaphore(%run_scoped3A : memref<!tpu.dma_semaphore, #tpu.memory_space<semaphore_mem>>)
      %dma_wait3A_748 = arith.constant 0 : i32
      %dma_wait3A_749 = tpu.memref_slice %arg12[%mul3A_6, %dma_wait3A_748] : memref<10000x64xf32, #tpu.memory_space<vmem_shared>> -> memref<625x64xf32, #tpu.memory_space<vmem_shared>>
      %dma_wait3A_750 = arith.constant 0 : i32
      %dma_wait3A_751 = tpu.memref_slice %arg5[%mul3A_6, %dma_wait3A_750] : memref<10000x64xf32, #tpu.memory_space<hbm>> -> memref<625x64xf32, #tpu.memory_space<hbm>>
      tpu.wait_dma2 semaphore(%run_scoped3A : memref<!tpu.dma_semaphore, #tpu.memory_space<semaphore_mem>>) src(%dma_wait3A_751 : memref<625x64xf32, #tpu.memory_space<hbm>>) dst(%dma_wait3A_749 : memref<625x64xf32, #tpu.memory_space<vmem_shared>>)
      tpu.yield
    }) : () -> ()
    %barrier3A = arith.constant 0 : index
    tpu.barrier barrier_id(%barrier3A)
    %add3A_7 = arith.constant 0 : i32
    %add3A_8 = arith.addi %mul3A_2, %add3A_7 : i32
    %min3A = arith.constant 6399 : i32
    %min3A_9 = arith.minsi %add3A_8, %min3A : i32
    %dma_start3A = arith.constant 0 : i32
    %dma_start3A_10 = arith.constant 0 : i32
    %dma_start3A_11 = tpu.memref_slice %arg7[%dma_start3A, %dma_start3A_10] : memref<4x128xi32, #tpu.memory_space<vmem>> -> memref<1x128xi32, #tpu.memory_space<vmem>>
    %dma_start3A_12 = tpu.memref_squeeze %dma_start3A_11 : memref<1x128xi32, #tpu.memory_space<vmem>> -> memref<128xi32, #tpu.memory_space<vmem>>
    %dma_start3A_13 = arith.constant 0 : i32
    %dma_start3A_14 = tpu.memref_slice %arg2[%min3A_9, %dma_start3A_13] : memref<6400x128xi32, #tpu.memory_space<hbm>> -> memref<1x128xi32, #tpu.memory_space<hbm>>
    %dma_start3A_15 = tpu.memref_squeeze %dma_start3A_14 : memref<1x128xi32, #tpu.memory_space<hbm>> -> memref<128xi32, #tpu.memory_space<hbm>>
    %dma_start3A_16 = arith.constant 0 : i32
    %dma_start3A_17 = tpu.memref_slice %arg7[%dma_start3A, %dma_start3A_16] : memref<4x128xi32, #tpu.memory_space<vmem>> -> memref<1x128xi32, #tpu.memory_space<vmem>>
    %dma_start3A_18 = tpu.memref_squeeze %dma_start3A_17 : memref<1x128xi32, #tpu.memory_space<vmem>> -> memref<128xi32, #tpu.memory_space<vmem>>
    %dma_start3A_19 = arith.constant 0 : i32
    %dma_start3A_20 = tpu.memref_slice %arg2[%min3A_9, %dma_start3A_19] : memref<6400x128xi32, #tpu.memory_space<hbm>> -> memref<1x128xi32, #tpu.memory_space<hbm>>
    %dma_start3A_21 = tpu.memref_squeeze %dma_start3A_20 : memref<1x128xi32, #tpu.memory_space<hbm>> -> memref<128xi32, #tpu.memory_space<hbm>>
    tpu.enqueue_dma source(%dma_start3A_21 : memref<128xi32, #tpu.memory_space<hbm>>) target(%dma_start3A_18 : memref<128xi32, #tpu.memory_space<vmem>>) target_semaphore(%arg13 : memref<!tpu.dma_semaphore, #tpu.memory_space<semaphore_mem>>)
    %add3A_22 = arith.constant 0 : i32
    %add3A_23 = arith.addi %mul3A_2, %add3A_22 : i32
    %min3A_24 = arith.constant 6399 : i32
    %min3A_25 = arith.minsi %add3A_23, %min3A_24 : i32
    %dma_start3A_26 = arith.constant 0 : i32
    %dma_start3A_27 = arith.constant 0 : i32
    %dma_start3A_28 = tpu.memref_slice %arg8[%dma_start3A_26, %dma_start3A_27] : memref<4x128xi32, #tpu.memory_space<vmem>> -> memref<1x128xi32, #tpu.memory_space<vmem>>
    %dma_start3A_29 = tpu.memref_squeeze %dma_start3A_28 : memref<1x128xi32, #tpu.memory_space<vmem>> -> memref<128xi32, #tpu.memory_space<vmem>>
    %dma_start3A_30 = arith.constant 0 : i32
    %dma_start3A_31 = tpu.memref_slice %arg3[%min3A_25, %dma_start3A_30] : memref<6400x128xi32, #tpu.memory_space<hbm>> -> memref<1x128xi32, #tpu.memory_space<hbm>>
    %dma_start3A_32 = tpu.memref_squeeze %dma_start3A_31 : memref<1x128xi32, #tpu.memory_space<hbm>> -> memref<128xi32, #tpu.memory_space<hbm>>
    %dma_start3A_33 = arith.constant 0 : i32
    %dma_start3A_34 = tpu.memref_slice %arg8[%dma_start3A_26, %dma_start3A_33] : memref<4x128xi32, #tpu.memory_space<vmem>> -> memref<1x128xi32, #tpu.memory_space<vmem>>
    %dma_start3A_35 = tpu.memref_squeeze %dma_start3A_34 : memref<1x128xi32, #tpu.memory_space<vmem>> -> memref<128xi32, #tpu.memory_space<vmem>>
    %dma_start3A_36 = arith.constant 0 : i32
    %dma_start3A_37 = tpu.memref_slice %arg3[%min3A_25, %dma_start3A_36] : memref<6400x128xi32, #tpu.memory_space<hbm>> -> memref<1x128xi32, #tpu.memory_space<hbm>>
    %dma_start3A_38 = tpu.memref_squeeze %dma_start3A_37 : memref<1x128xi32, #tpu.memory_space<hbm>> -> memref<128xi32, #tpu.memory_space<hbm>>
    tpu.enqueue_dma source(%dma_start3A_38 : memref<128xi32, #tpu.memory_space<hbm>>) target(%dma_start3A_35 : memref<128xi32, #tpu.memory_space<vmem>>) target_semaphore(%arg13 : memref<!tpu.dma_semaphore, #tpu.memory_space<semaphore_mem>>)
    %add3A_39 = arith.constant 1 : i32
    %add3A_40 = arith.addi %mul3A_2, %add3A_39 : i32
    %min3A_41 = arith.constant 6399 : i32
    %min3A_42 = arith.minsi %add3A_40, %min3A_41 : i32
    %dma_start3A_43 = arith.constant 1 : i32
    %dma_start3A_44 = arith.constant 0 : i32
    %dma_start3A_45 = tpu.memref_slice %arg7[%dma_start3A_43, %dma_start3A_44] : memref<4x128xi32, #tpu.memory_space<vmem>> -> memref<1x128xi32, #tpu.memory_space<vmem>>
    %dma_start3A_46 = tpu.memref_squeeze %dma_start3A_45 : memref<1x128xi32, #tpu.memory_space<vmem>> -> memref<128xi32, #tpu.memory_space<vmem>>
    %dma_start3A_47 = arith.constant 0 : i32
    %dma_start3A_48 = tpu.memref_slice %arg2[%min3A_42, %dma_start3A_47] : memref<6400x128xi32, #tpu.memory_space<hbm>> -> memref<1x128xi32, #tpu.memory_space<hbm>>
    %dma_start3A_49 = tpu.memref_squeeze %dma_start3A_48 : memref<1x128xi32, #tpu.memory_space<hbm>> -> memref<128xi32, #tpu.memory_space<hbm>>
    %dma_start3A_50 = arith.constant 0 : i32
    %dma_start3A_51 = tpu.memref_slice %arg7[%dma_start3A_43, %dma_start3A_50] : memref<4x128xi32, #tpu.memory_space<vmem>> -> memref<1x128xi32, #tpu.memory_space<vmem>>
    %dma_start3A_52 = tpu.memref_squeeze %dma_start3A_51 : memref<1x128xi32, #tpu.memory_space<vmem>> -> memref<128xi32, #tpu.memory_space<vmem>>
    %dma_start3A_53 = arith.constant 0 : i32
    %dma_start3A_54 = tpu.memref_slice %arg2[%min3A_42, %dma_start3A_53] : memref<6400x128xi32, #tpu.memory_space<hbm>> -> memref<1x128xi32, #tpu.memory_space<hbm>>
    %dma_start3A_55 = tpu.memref_squeeze %dma_start3A_54 : memref<1x128xi32, #tpu.memory_space<hbm>> -> memref<128xi32, #tpu.memory_space<hbm>>
    tpu.enqueue_dma source(%dma_start3A_55 : memref<128xi32, #tpu.memory_space<hbm>>) target(%dma_start3A_52 : memref<128xi32, #tpu.memory_space<vmem>>) target_semaphore(%arg14 : memref<!tpu.dma_semaphore, #tpu.memory_space<semaphore_mem>>)
    %add3A_56 = arith.constant 1 : i32
    %add3A_57 = arith.addi %mul3A_2, %add3A_56 : i32
    %min3A_58 = arith.constant 6399 : i32
    %min3A_59 = arith.minsi %add3A_57, %min3A_58 : i32
    %dma_start3A_60 = arith.constant 1 : i32
    %dma_start3A_61 = arith.constant 0 : i32
    %dma_start3A_62 = tpu.memref_slice %arg8[%dma_start3A_60, %dma_start3A_61] : memref<4x128xi32, #tpu.memory_space<vmem>> -> memref<1x128xi32, #tpu.memory_space<vmem>>
    %dma_start3A_63 = tpu.memref_squeeze %dma_start3A_62 : memref<1x128xi32, #tpu.memory_space<vmem>> -> memref<128xi32, #tpu.memory_space<vmem>>
    %dma_start3A_64 = arith.constant 0 : i32
    %dma_start3A_65 = tpu.memref_slice %arg3[%min3A_59, %dma_start3A_64] : memref<6400x128xi32, #tpu.memory_space<hbm>> -> memref<1x128xi32, #tpu.memory_space<hbm>>
    %dma_start3A_66 = tpu.memref_squeeze %dma_start3A_65 : memref<1x128xi32, #tpu.memory_space<hbm>> -> memref<128xi32, #tpu.memory_space<hbm>>
    %dma_start3A_67 = arith.constant 0 : i32
    %dma_start3A_68 = tpu.memref_slice %arg8[%dma_start3A_60, %dma_start3A_67] : memref<4x128xi32, #tpu.memory_space<vmem>> -> memref<1x128xi32, #tpu.memory_space<vmem>>
    %dma_start3A_69 = tpu.memref_squeeze %dma_start3A_68 : memref<1x128xi32, #tpu.memory_space<vmem>> -> memref<128xi32, #tpu.memory_space<vmem>>
    %dma_start3A_70 = arith.constant 0 : i32
    %dma_start3A_71 = tpu.memref_slice %arg3[%min3A_59, %dma_start3A_70] : memref<6400x128xi32, #tpu.memory_space<hbm>> -> memref<1x128xi32, #tpu.memory_space<hbm>>
    %dma_start3A_72 = tpu.memref_squeeze %dma_start3A_71 : memref<1x128xi32, #tpu.memory_space<hbm>> -> memref<128xi32, #tpu.memory_space<hbm>>
    tpu.enqueue_dma source(%dma_start3A_72 : memref<128xi32, #tpu.memory_space<hbm>>) target(%dma_start3A_69 : memref<128xi32, #tpu.memory_space<vmem>>) target_semaphore(%arg14 : memref<!tpu.dma_semaphore, #tpu.memory_space<semaphore_mem>>)
    %add3A_73 = arith.constant 2 : i32
    %add3A_74 = arith.addi %mul3A_2, %add3A_73 : i32
    %min3A_75 = arith.constant 6399 : i32
    %min3A_76 = arith.minsi %add3A_74, %min3A_75 : i32
    %dma_start3A_77 = arith.constant 2 : i32
    %dma_start3A_78 = arith.constant 0 : i32
    %dma_start3A_79 = tpu.memref_slice %arg7[%dma_start3A_77, %dma_start3A_78] : memref<4x128xi32, #tpu.memory_space<vmem>> -> memref<1x128xi32, #tpu.memory_space<vmem>>
    %dma_start3A_80 = tpu.memref_squeeze %dma_start3A_79 : memref<1x128xi32, #tpu.memory_space<vmem>> -> memref<128xi32, #tpu.memory_space<vmem>>
    %dma_start3A_81 = arith.constant 0 : i32
    %dma_start3A_82 = tpu.memref_slice %arg2[%min3A_76, %dma_start3A_81] : memref<6400x128xi32, #tpu.memory_space<hbm>> -> memref<1x128xi32, #tpu.memory_space<hbm>>
    %dma_start3A_83 = tpu.memref_squeeze %dma_start3A_82 : memref<1x128xi32, #tpu.memory_space<hbm>> -> memref<128xi32, #tpu.memory_space<hbm>>
    %dma_start3A_84 = arith.constant 0 : i32
    %dma_start3A_85 = tpu.memref_slice %arg7[%dma_start3A_77, %dma_start3A_84] : memref<4x128xi32, #tpu.memory_space<vmem>> -> memref<1x128xi32, #tpu.memory_space<vmem>>
    %dma_start3A_86 = tpu.memref_squeeze %dma_start3A_85 : memref<1x128xi32, #tpu.memory_space<vmem>> -> memref<128xi32, #tpu.memory_space<vmem>>
    %dma_start3A_87 = arith.constant 0 : i32
    %dma_start3A_88 = tpu.memref_slice %arg2[%min3A_76, %dma_start3A_87] : memref<6400x128xi32, #tpu.memory_space<hbm>> -> memref<1x128xi32, #tpu.memory_space<hbm>>
    %dma_start3A_89 = tpu.memref_squeeze %dma_start3A_88 : memref<1x128xi32, #tpu.memory_space<hbm>> -> memref<128xi32, #tpu.memory_space<hbm>>
    tpu.enqueue_dma source(%dma_start3A_89 : memref<128xi32, #tpu.memory_space<hbm>>) target(%dma_start3A_86 : memref<128xi32, #tpu.memory_space<vmem>>) target_semaphore(%arg15 : memref<!tpu.dma_semaphore, #tpu.memory_space<semaphore_mem>>)
    %add3A_90 = arith.constant 2 : i32
    %add3A_91 = arith.addi %mul3A_2, %add3A_90 : i32
    %min3A_92 = arith.constant 6399 : i32
    %min3A_93 = arith.minsi %add3A_91, %min3A_92 : i32
    %dma_start3A_94 = arith.constant 2 : i32
    %dma_start3A_95 = arith.constant 0 : i32
    %dma_start3A_96 = tpu.memref_slice %arg8[%dma_start3A_94, %dma_start3A_95] : memref<4x128xi32, #tpu.memory_space<vmem>> -> memref<1x128xi32, #tpu.memory_space<vmem>>
    %dma_start3A_97 = tpu.memref_squeeze %dma_start3A_96 : memref<1x128xi32, #tpu.memory_space<vmem>> -> memref<128xi32, #tpu.memory_space<vmem>>
    %dma_start3A_98 = arith.constant 0 : i32
    %dma_start3A_99 = tpu.memref_slice %arg3[%min3A_93, %dma_start3A_98] : memref<6400x128xi32, #tpu.memory_space<hbm>> -> memref<1x128xi32, #tpu.memory_space<hbm>>
    %dma_start3A_100 = tpu.memref_squeeze %dma_start3A_99 : memref<1x128xi32, #tpu.memory_space<hbm>> -> memref<128xi32, #tpu.memory_space<hbm>>
    %dma_start3A_101 = arith.constant 0 : i32
    %dma_start3A_102 = tpu.memref_slice %arg8[%dma_start3A_94, %dma_start3A_101] : memref<4x128xi32, #tpu.memory_space<vmem>> -> memref<1x128xi32, #tpu.memory_space<vmem>>
    %dma_start3A_103 = tpu.memref_squeeze %dma_start3A_102 : memref<1x128xi32, #tpu.memory_space<vmem>> -> memref<128xi32, #tpu.memory_space<vmem>>
    %dma_start3A_104 = arith.constant 0 : i32
    %dma_start3A_105 = tpu.memref_slice %arg3[%min3A_93, %dma_start3A_104] : memref<6400x128xi32, #tpu.memory_space<hbm>> -> memref<1x128xi32, #tpu.memory_space<hbm>>
    %dma_start3A_106 = tpu.memref_squeeze %dma_start3A_105 : memref<1x128xi32, #tpu.memory_space<hbm>> -> memref<128xi32, #tpu.memory_space<hbm>>
    tpu.enqueue_dma source(%dma_start3A_106 : memref<128xi32, #tpu.memory_space<hbm>>) target(%dma_start3A_103 : memref<128xi32, #tpu.memory_space<vmem>>) target_semaphore(%arg15 : memref<!tpu.dma_semaphore, #tpu.memory_space<semaphore_mem>>)
    %add3A_107 = arith.constant 3 : i32
    %add3A_108 = arith.addi %mul3A_2, %add3A_107 : i32
    %min3A_109 = arith.constant 6399 : i32
    %min3A_110 = arith.minsi %add3A_108, %min3A_109 : i32
    %dma_start3A_111 = arith.constant 3 : i32
    %dma_start3A_112 = arith.constant 0 : i32
    %dma_start3A_113 = tpu.memref_slice %arg7[%dma_start3A_111, %dma_start3A_112] : memref<4x128xi32, #tpu.memory_space<vmem>> -> memref<1x128xi32, #tpu.memory_space<vmem>>
    %dma_start3A_114 = tpu.memref_squeeze %dma_start3A_113 : memref<1x128xi32, #tpu.memory_space<vmem>> -> memref<128xi32, #tpu.memory_space<vmem>>
    %dma_start3A_115 = arith.constant 0 : i32
    %dma_start3A_116 = tpu.memref_slice %arg2[%min3A_110, %dma_start3A_115] : memref<6400x128xi32, #tpu.memory_space<hbm>> -> memref<1x128xi32, #tpu.memory_space<hbm>>
    %dma_start3A_117 = tpu.memref_squeeze %dma_start3A_116 : memref<1x128xi32, #tpu.memory_space<hbm>> -> memref<128xi32, #tpu.memory_space<hbm>>
    %dma_start3A_118 = arith.constant 0 : i32
    %dma_start3A_119 = tpu.memref_slice %arg7[%dma_start3A_111, %dma_start3A_118] : memref<4x128xi32, #tpu.memory_space<vmem>> -> memref<1x128xi32, #tpu.memory_space<vmem>>
    %dma_start3A_120 = tpu.memref_squeeze %dma_start3A_119 : memref<1x128xi32, #tpu.memory_space<vmem>> -> memref<128xi32, #tpu.memory_space<vmem>>
    %dma_start3A_121 = arith.constant 0 : i32
    %dma_start3A_122 = tpu.memref_slice %arg2[%min3A_110, %dma_start3A_121] : memref<6400x128xi32, #tpu.memory_space<hbm>> -> memref<1x128xi32, #tpu.memory_space<hbm>>
    %dma_start3A_123 = tpu.memref_squeeze %dma_start3A_122 : memref<1x128xi32, #tpu.memory_space<hbm>> -> memref<128xi32, #tpu.memory_space<hbm>>
    tpu.enqueue_dma source(%dma_start3A_123 : memref<128xi32, #tpu.memory_space<hbm>>) target(%dma_start3A_120 : memref<128xi32, #tpu.memory_space<vmem>>) target_semaphore(%arg16 : memref<!tpu.dma_semaphore, #tpu.memory_space<semaphore_mem>>)
    %add3A_124 = arith.constant 3 : i32
    %add3A_125 = arith.addi %mul3A_2, %add3A_124 : i32
    %min3A_126 = arith.constant 6399 : i32
    %min3A_127 = arith.minsi %add3A_125, %min3A_126 : i32
    %dma_start3A_128 = arith.constant 3 : i32
    %dma_start3A_129 = arith.constant 0 : i32
    %dma_start3A_130 = tpu.memref_slice %arg8[%dma_start3A_128, %dma_start3A_129] : memref<4x128xi32, #tpu.memory_space<vmem>> -> memref<1x128xi32, #tpu.memory_space<vmem>>
    %dma_start3A_131 = tpu.memref_squeeze %dma_start3A_130 : memref<1x128xi32, #tpu.memory_space<vmem>> -> memref<128xi32, #tpu.memory_space<vmem>>
    %dma_start3A_132 = arith.constant 0 : i32
    %dma_start3A_133 = tpu.memref_slice %arg3[%min3A_127, %dma_start3A_132] : memref<6400x128xi32, #tpu.memory_space<hbm>> -> memref<1x128xi32, #tpu.memory_space<hbm>>
    %dma_start3A_134 = tpu.memref_squeeze %dma_start3A_133 : memref<1x128xi32, #tpu.memory_space<hbm>> -> memref<128xi32, #tpu.memory_space<hbm>>
    %dma_start3A_135 = arith.constant 0 : i32
    %dma_start3A_136 = tpu.memref_slice %arg8[%dma_start3A_128, %dma_start3A_135] : memref<4x128xi32, #tpu.memory_space<vmem>> -> memref<1x128xi32, #tpu.memory_space<vmem>>
    %dma_start3A_137 = tpu.memref_squeeze %dma_start3A_136 : memref<1x128xi32, #tpu.memory_space<vmem>> -> memref<128xi32, #tpu.memory_space<vmem>>
    %dma_start3A_138 = arith.constant 0 : i32
    %dma_start3A_139 = tpu.memref_slice %arg3[%min3A_127, %dma_start3A_138] : memref<6400x128xi32, #tpu.memory_space<hbm>> -> memref<1x128xi32, #tpu.memory_space<hbm>>
    %dma_start3A_140 = tpu.memref_squeeze %dma_start3A_139 : memref<1x128xi32, #tpu.memory_space<hbm>> -> memref<128xi32, #tpu.memory_space<hbm>>
    tpu.enqueue_dma source(%dma_start3A_140 : memref<128xi32, #tpu.memory_space<hbm>>) target(%dma_start3A_137 : memref<128xi32, #tpu.memory_space<vmem>>) target_semaphore(%arg16 : memref<!tpu.dma_semaphore, #tpu.memory_space<semaphore_mem>>)
    %add3A_141 = arith.constant 0 : i32
    %add3A_142 = arith.addi %mul3A_2, %add3A_141 : i32
    %min3A_143 = arith.constant 6399 : i32
    %min3A_144 = arith.minsi %add3A_142, %min3A_143 : i32
    %dma_wait3A = arith.constant 0 : i32
    %dma_wait3A_145 = arith.constant 0 : i32
    %dma_wait3A_146 = tpu.memref_slice %arg7[%dma_wait3A, %dma_wait3A_145] : memref<4x128xi32, #tpu.memory_space<vmem>> -> memref<1x128xi32, #tpu.memory_space<vmem>>
    %dma_wait3A_147 = tpu.memref_squeeze %dma_wait3A_146 : memref<1x128xi32, #tpu.memory_space<vmem>> -> memref<128xi32, #tpu.memory_space<vmem>>
    %dma_wait3A_148 = arith.constant 0 : i32
    %dma_wait3A_149 = tpu.memref_slice %arg2[%min3A_144, %dma_wait3A_148] : memref<6400x128xi32, #tpu.memory_space<hbm>> -> memref<1x128xi32, #tpu.memory_space<hbm>>
    %dma_wait3A_150 = tpu.memref_squeeze %dma_wait3A_149 : memref<1x128xi32, #tpu.memory_space<hbm>> -> memref<128xi32, #tpu.memory_space<hbm>>
    %dma_wait3A_151 = arith.constant 0 : i32
    %dma_wait3A_152 = tpu.memref_slice %arg7[%dma_wait3A, %dma_wait3A_151] : memref<4x128xi32, #tpu.memory_space<vmem>> -> memref<1x128xi32, #tpu.memory_space<vmem>>
    %dma_wait3A_153 = tpu.memref_squeeze %dma_wait3A_152 : memref<1x128xi32, #tpu.memory_space<vmem>> -> memref<128xi32, #tpu.memory_space<vmem>>
    %dma_wait3A_154 = arith.constant 0 : i32
    %dma_wait3A_155 = tpu.memref_slice %arg2[%min3A_144, %dma_wait3A_154] : memref<6400x128xi32, #tpu.memory_space<hbm>> -> memref<1x128xi32, #tpu.memory_space<hbm>>
    %dma_wait3A_156 = tpu.memref_squeeze %dma_wait3A_155 : memref<1x128xi32, #tpu.memory_space<hbm>> -> memref<128xi32, #tpu.memory_space<hbm>>
    tpu.wait_dma2 semaphore(%arg13 : memref<!tpu.dma_semaphore, #tpu.memory_space<semaphore_mem>>) src(%dma_wait3A_156 : memref<128xi32, #tpu.memory_space<hbm>>) dst(%dma_wait3A_153 : memref<128xi32, #tpu.memory_space<vmem>>)
    %add3A_157 = arith.constant 0 : i32
    %add3A_158 = arith.addi %mul3A_2, %add3A_157 : i32
    %min3A_159 = arith.constant 6399 : i32
    %min3A_160 = arith.minsi %add3A_158, %min3A_159 : i32
    %dma_wait3A_161 = arith.constant 0 : i32
    %dma_wait3A_162 = arith.constant 0 : i32
    %dma_wait3A_163 = tpu.memref_slice %arg8[%dma_wait3A_161, %dma_wait3A_162] : memref<4x128xi32, #tpu.memory_space<vmem>> -> memref<1x128xi32, #tpu.memory_space<vmem>>
    %dma_wait3A_164 = tpu.memref_squeeze %dma_wait3A_163 : memref<1x128xi32, #tpu.memory_space<vmem>> -> memref<128xi32, #tpu.memory_space<vmem>>
    %dma_wait3A_165 = arith.constant 0 : i32
    %dma_wait3A_166 = tpu.memref_slice %arg3[%min3A_160, %dma_wait3A_165] : memref<6400x128xi32, #tpu.memory_space<hbm>> -> memref<1x128xi32, #tpu.memory_space<hbm>>
    %dma_wait3A_167 = tpu.memref_squeeze %dma_wait3A_166 : memref<1x128xi32, #tpu.memory_space<hbm>> -> memref<128xi32, #tpu.memory_space<hbm>>
    %dma_wait3A_168 = arith.constant 0 : i32
    %dma_wait3A_169 = tpu.memref_slice %arg8[%dma_wait3A_161, %dma_wait3A_168] : memref<4x128xi32, #tpu.memory_space<vmem>> -> memref<1x128xi32, #tpu.memory_space<vmem>>
    %dma_wait3A_170 = tpu.memref_squeeze %dma_wait3A_169 : memref<1x128xi32, #tpu.memory_space<vmem>> -> memref<128xi32, #tpu.memory_space<vmem>>
    %dma_wait3A_171 = arith.constant 0 : i32
    %dma_wait3A_172 = tpu.memref_slice %arg3[%min3A_160, %dma_wait3A_171] : memref<6400x128xi32, #tpu.memory_space<hbm>> -> memref<1x128xi32, #tpu.memory_space<hbm>>
    %dma_wait3A_173 = tpu.memref_squeeze %dma_wait3A_172 : memref<1x128xi32, #tpu.memory_space<hbm>> -> memref<128xi32, #tpu.memory_space<hbm>>
    tpu.wait_dma2 semaphore(%arg13 : memref<!tpu.dma_semaphore, #tpu.memory_space<semaphore_mem>>) src(%dma_wait3A_173 : memref<128xi32, #tpu.memory_space<hbm>>) dst(%dma_wait3A_170 : memref<128xi32, #tpu.memory_space<vmem>>)
    %dma_start3A_174 = arith.constant 0 : i32
    %dma_start3A_175 = arith.constant 0 : i32
    %dma_start3A_176 = arith.constant 0 : i32
    %dma_start3A_177 = arith.constant 0 : i32
    %dma_start3A_178 = tpu.memref_slice %arg9[%dma_start3A_175, %dma_start3A_176, %dma_start3A_177] : memref<2x128x64xf32, #tpu.memory_space<vmem>> -> memref<1x128x64xf32, #tpu.memory_space<vmem>>
    %dma_start3A_179 = tpu.memref_squeeze %dma_start3A_178 : memref<1x128x64xf32, #tpu.memory_space<vmem>> -> memref<128x64xf32, #tpu.memory_space<vmem>>
    %dma_start3A_180 = arith.constant 0 : i32
    %dma_start3A_181 = tpu.memref_slice %arg7[%dma_start3A_174, %dma_start3A_180] : memref<4x128xi32, #tpu.memory_space<vmem>> -> memref<1x128xi32, #tpu.memory_space<vmem>>
    %dma_start3A_182 = tpu.memref_squeeze %dma_start3A_181 : memref<1x128xi32, #tpu.memory_space<vmem>> -> memref<128xi32, #tpu.memory_space<vmem>>
    %dma_start3A_183 = arith.constant 0 : i32
    %dma_start3A_184 = arith.constant 0 : i32
    %dma_start3A_185 = tpu.memref_slice %arg4[%dma_start3A_183, %dma_start3A_184] : memref<100000x64xf32, #tpu.memory_space<hbm>> -> memref<100000x64xf32, #tpu.memory_space<hbm>>
    tpu.enqueue_indirect_dma source(%dma_start3A_185 : memref<100000x64xf32, #tpu.memory_space<hbm>>) target(%dma_start3A_179 : memref<128x64xf32, #tpu.memory_space<vmem>>) offsets(%dma_start3A_182 : memref<128xi32, #tpu.memory_space<vmem>>) semaphore(%arg17 : memref<!tpu.dma_semaphore, #tpu.memory_space<semaphore_mem>>)
    %dma_start3A_186 = arith.constant 0 : i32
    %dma_start3A_187 = arith.constant 0 : i32
    %dma_start3A_188 = arith.constant 0 : i32
    %dma_start3A_189 = arith.constant 0 : i32
    %dma_start3A_190 = tpu.memref_slice %arg10[%dma_start3A_187, %dma_start3A_188, %dma_start3A_189] : memref<2x128x64xf32, #tpu.memory_space<vmem>> -> memref<1x128x64xf32, #tpu.memory_space<vmem>>
    %dma_start3A_191 = tpu.memref_squeeze %dma_start3A_190 : memref<1x128x64xf32, #tpu.memory_space<vmem>> -> memref<128x64xf32, #tpu.memory_space<vmem>>
    %dma_start3A_192 = arith.constant 0 : i32
    %dma_start3A_193 = tpu.memref_slice %arg8[%dma_start3A_186, %dma_start3A_192] : memref<4x128xi32, #tpu.memory_space<vmem>> -> memref<1x128xi32, #tpu.memory_space<vmem>>
    %dma_start3A_194 = tpu.memref_squeeze %dma_start3A_193 : memref<1x128xi32, #tpu.memory_space<vmem>> -> memref<128xi32, #tpu.memory_space<vmem>>
    %dma_start3A_195 = arith.constant 0 : i32
    %dma_start3A_196 = arith.constant 0 : i32
    %dma_start3A_197 = tpu.memref_slice %arg12[%dma_start3A_195, %dma_start3A_196] : memref<10000x64xf32, #tpu.memory_space<vmem_shared>> -> memref<10000x64xf32, #tpu.memory_space<vmem_shared>>
    tpu.enqueue_indirect_dma source(%dma_start3A_197 : memref<10000x64xf32, #tpu.memory_space<vmem_shared>>) target(%dma_start3A_191 : memref<128x64xf32, #tpu.memory_space<vmem>>) offsets(%dma_start3A_194 : memref<128xi32, #tpu.memory_space<vmem>>) semaphore(%arg19 : memref<!tpu.dma_semaphore, #tpu.memory_space<semaphore_mem>>)
    %add3A_198 = arith.constant 1 : i32
    %add3A_199 = arith.addi %mul3A_2, %add3A_198 : i32
    %min3A_200 = arith.constant 6399 : i32
    %min3A_201 = arith.minsi %add3A_199, %min3A_200 : i32
    %dma_wait3A_202 = arith.constant 1 : i32
    %dma_wait3A_203 = arith.constant 0 : i32
    %dma_wait3A_204 = tpu.memref_slice %arg7[%dma_wait3A_202, %dma_wait3A_203] : memref<4x128xi32, #tpu.memory_space<vmem>> -> memref<1x128xi32, #tpu.memory_space<vmem>>
    %dma_wait3A_205 = tpu.memref_squeeze %dma_wait3A_204 : memref<1x128xi32, #tpu.memory_space<vmem>> -> memref<128xi32, #tpu.memory_space<vmem>>
    %dma_wait3A_206 = arith.constant 0 : i32
    %dma_wait3A_207 = tpu.memref_slice %arg2[%min3A_201, %dma_wait3A_206] : memref<6400x128xi32, #tpu.memory_space<hbm>> -> memref<1x128xi32, #tpu.memory_space<hbm>>
    %dma_wait3A_208 = tpu.memref_squeeze %dma_wait3A_207 : memref<1x128xi32, #tpu.memory_space<hbm>> -> memref<128xi32, #tpu.memory_space<hbm>>
    %dma_wait3A_209 = arith.constant 0 : i32
    %dma_wait3A_210 = tpu.memref_slice %arg7[%dma_wait3A_202, %dma_wait3A_209] : memref<4x128xi32, #tpu.memory_space<vmem>> -> memref<1x128xi32, #tpu.memory_space<vmem>>
    %dma_wait3A_211 = tpu.memref_squeeze %dma_wait3A_210 : memref<1x128xi32, #tpu.memory_space<vmem>> -> memref<128xi32, #tpu.memory_space<vmem>>
    %dma_wait3A_212 = arith.constant 0 : i32
    %dma_wait3A_213 = tpu.memref_slice %arg2[%min3A_201, %dma_wait3A_212] : memref<6400x128xi32, #tpu.memory_space<hbm>> -> memref<1x128xi32, #tpu.memory_space<hbm>>
    %dma_wait3A_214 = tpu.memref_squeeze %dma_wait3A_213 : memref<1x128xi32, #tpu.memory_space<hbm>> -> memref<128xi32, #tpu.memory_space<hbm>>
    tpu.wait_dma2 semaphore(%arg14 : memref<!tpu.dma_semaphore, #tpu.memory_space<semaphore_mem>>) src(%dma_wait3A_214 : memref<128xi32, #tpu.memory_space<hbm>>) dst(%dma_wait3A_211 : memref<128xi32, #tpu.memory_space<vmem>>)
    %add3A_215 = arith.constant 1 : i32
    %add3A_216 = arith.addi %mul3A_2, %add3A_215 : i32
    %min3A_217 = arith.constant 6399 : i32
    %min3A_218 = arith.minsi %add3A_216, %min3A_217 : i32
    %dma_wait3A_219 = arith.constant 1 : i32
    %dma_wait3A_220 = arith.constant 0 : i32
    %dma_wait3A_221 = tpu.memref_slice %arg8[%dma_wait3A_219, %dma_wait3A_220] : memref<4x128xi32, #tpu.memory_space<vmem>> -> memref<1x128xi32, #tpu.memory_space<vmem>>
    %dma_wait3A_222 = tpu.memref_squeeze %dma_wait3A_221 : memref<1x128xi32, #tpu.memory_space<vmem>> -> memref<128xi32, #tpu.memory_space<vmem>>
    %dma_wait3A_223 = arith.constant 0 : i32
    %dma_wait3A_224 = tpu.memref_slice %arg3[%min3A_218, %dma_wait3A_223] : memref<6400x128xi32, #tpu.memory_space<hbm>> -> memref<1x128xi32, #tpu.memory_space<hbm>>
    %dma_wait3A_225 = tpu.memref_squeeze %dma_wait3A_224 : memref<1x128xi32, #tpu.memory_space<hbm>> -> memref<128xi32, #tpu.memory_space<hbm>>
    %dma_wait3A_226 = arith.constant 0 : i32
    %dma_wait3A_227 = tpu.memref_slice %arg8[%dma_wait3A_219, %dma_wait3A_226] : memref<4x128xi32, #tpu.memory_space<vmem>> -> memref<1x128xi32, #tpu.memory_space<vmem>>
    %dma_wait3A_228 = tpu.memref_squeeze %dma_wait3A_227 : memref<1x128xi32, #tpu.memory_space<vmem>> -> memref<128xi32, #tpu.memory_space<vmem>>
    %dma_wait3A_229 = arith.constant 0 : i32
    %dma_wait3A_230 = tpu.memref_slice %arg3[%min3A_218, %dma_wait3A_229] : memref<6400x128xi32, #tpu.memory_space<hbm>> -> memref<1x128xi32, #tpu.memory_space<hbm>>
    %dma_wait3A_231 = tpu.memref_squeeze %dma_wait3A_230 : memref<1x128xi32, #tpu.memory_space<hbm>> -> memref<128xi32, #tpu.memory_space<hbm>>
    tpu.wait_dma2 semaphore(%arg14 : memref<!tpu.dma_semaphore, #tpu.memory_space<semaphore_mem>>) src(%dma_wait3A_231 : memref<128xi32, #tpu.memory_space<hbm>>) dst(%dma_wait3A_228 : memref<128xi32, #tpu.memory_space<vmem>>)
    %dma_start3A_232 = arith.constant 1 : i32
    %dma_start3A_233 = arith.constant 1 : i32
    %dma_start3A_234 = arith.constant 0 : i32
    %dma_start3A_235 = arith.constant 0 : i32
    %dma_start3A_236 = tpu.memref_slice %arg9[%dma_start3A_233, %dma_start3A_234, %dma_start3A_235] : memref<2x128x64xf32, #tpu.memory_space<vmem>> -> memref<1x128x64xf32, #tpu.memory_space<vmem>>
    %dma_start3A_237 = tpu.memref_squeeze %dma_start3A_236 : memref<1x128x64xf32, #tpu.memory_space<vmem>> -> memref<128x64xf32, #tpu.memory_space<vmem>>
    %dma_start3A_238 = arith.constant 0 : i32
    %dma_start3A_239 = tpu.memref_slice %arg7[%dma_start3A_232, %dma_start3A_238] : memref<4x128xi32, #tpu.memory_space<vmem>> -> memref<1x128xi32, #tpu.memory_space<vmem>>
    %dma_start3A_240 = tpu.memref_squeeze %dma_start3A_239 : memref<1x128xi32, #tpu.memory_space<vmem>> -> memref<128xi32, #tpu.memory_space<vmem>>
    %dma_start3A_241 = arith.constant 0 : i32
    %dma_start3A_242 = arith.constant 0 : i32
    %dma_start3A_243 = tpu.memref_slice %arg4[%dma_start3A_241, %dma_start3A_242] : memref<100000x64xf32, #tpu.memory_space<hbm>> -> memref<100000x64xf32, #tpu.memory_space<hbm>>
    tpu.enqueue_indirect_dma source(%dma_start3A_243 : memref<100000x64xf32, #tpu.memory_space<hbm>>) target(%dma_start3A_237 : memref<128x64xf32, #tpu.memory_space<vmem>>) offsets(%dma_start3A_240 : memref<128xi32, #tpu.memory_space<vmem>>) semaphore(%arg18 : memref<!tpu.dma_semaphore, #tpu.memory_space<semaphore_mem>>)
    %dma_start3A_244 = arith.constant 1 : i32
    %dma_start3A_245 = arith.constant 1 : i32
    %dma_start3A_246 = arith.constant 0 : i32
    %dma_start3A_247 = arith.constant 0 : i32
    %dma_start3A_248 = tpu.memref_slice %arg10[%dma_start3A_245, %dma_start3A_246, %dma_start3A_247] : memref<2x128x64xf32, #tpu.memory_space<vmem>> -> memref<1x128x64xf32, #tpu.memory_space<vmem>>
    %dma_start3A_249 = tpu.memref_squeeze %dma_start3A_248 : memref<1x128x64xf32, #tpu.memory_space<vmem>> -> memref<128x64xf32, #tpu.memory_space<vmem>>
    %dma_start3A_250 = arith.constant 0 : i32
    %dma_start3A_251 = tpu.memref_slice %arg8[%dma_start3A_244, %dma_start3A_250] : memref<4x128xi32, #tpu.memory_space<vmem>> -> memref<1x128xi32, #tpu.memory_space<vmem>>
    %dma_start3A_252 = tpu.memref_squeeze %dma_start3A_251 : memref<1x128xi32, #tpu.memory_space<vmem>> -> memref<128xi32, #tpu.memory_space<vmem>>
    %dma_start3A_253 = arith.constant 0 : i32
    %dma_start3A_254 = arith.constant 0 : i32
    %dma_start3A_255 = tpu.memref_slice %arg12[%dma_start3A_253, %dma_start3A_254] : memref<10000x64xf32, #tpu.memory_space<vmem_shared>> -> memref<10000x64xf32, #tpu.memory_space<vmem_shared>>
    tpu.enqueue_indirect_dma source(%dma_start3A_255 : memref<10000x64xf32, #tpu.memory_space<vmem_shared>>) target(%dma_start3A_249 : memref<128x64xf32, #tpu.memory_space<vmem>>) offsets(%dma_start3A_252 : memref<128xi32, #tpu.memory_space<vmem>>) semaphore(%arg20 : memref<!tpu.dma_semaphore, #tpu.memory_space<semaphore_mem>>)
    %dma_wait3A_256 = arith.constant 0 : i32
    %dma_wait3A_257 = arith.constant 0 : i32
    %dma_wait3A_258 = arith.constant 0 : i32
    %dma_wait3A_259 = arith.constant 0 : i32
    %dma_wait3A_260 = tpu.memref_slice %arg9[%dma_wait3A_257, %dma_wait3A_258, %dma_wait3A_259] : memref<2x128x64xf32, #tpu.memory_space<vmem>> -> memref<1x128x64xf32, #tpu.memory_space<vmem>>
    %dma_wait3A_261 = tpu.memref_squeeze %dma_wait3A_260 : memref<1x128x64xf32, #tpu.memory_space<vmem>> -> memref<128x64xf32, #tpu.memory_space<vmem>>
    %dma_wait3A_262 = arith.constant 0 : i32
    %dma_wait3A_263 = tpu.memref_slice %arg7[%dma_wait3A_256, %dma_wait3A_262] : memref<4x128xi32, #tpu.memory_space<vmem>> -> memref<1x128xi32, #tpu.memory_space<vmem>>
    %dma_wait3A_264 = tpu.memref_squeeze %dma_wait3A_263 : memref<1x128xi32, #tpu.memory_space<vmem>> -> memref<128xi32, #tpu.memory_space<vmem>>
    %dma_wait3A_265 = arith.constant 0 : i32
    %dma_wait3A_266 = arith.constant 0 : i32
    %dma_wait3A_267 = tpu.memref_slice %arg4[%dma_wait3A_265, %dma_wait3A_266] : memref<100000x64xf32, #tpu.memory_space<hbm>> -> memref<100000x64xf32, #tpu.memory_space<hbm>>
    tpu.wait_indirect_dma semaphore(%arg17 : memref<!tpu.dma_semaphore, #tpu.memory_space<semaphore_mem>>) src(%dma_wait3A_267 : memref<100000x64xf32, #tpu.memory_space<hbm>>) dst(%dma_wait3A_261 : memref<128x64xf32, #tpu.memory_space<vmem>>)
    %dma_wait3A_268 = arith.constant 0 : i32
    %dma_wait3A_269 = arith.constant 0 : i32
    %dma_wait3A_270 = arith.constant 0 : i32
    %dma_wait3A_271 = arith.constant 0 : i32
    %dma_wait3A_272 = tpu.memref_slice %arg10[%dma_wait3A_269, %dma_wait3A_270, %dma_wait3A_271] : memref<2x128x64xf32, #tpu.memory_space<vmem>> -> memref<1x128x64xf32, #tpu.memory_space<vmem>>
    %dma_wait3A_273 = tpu.memref_squeeze %dma_wait3A_272 : memref<1x128x64xf32, #tpu.memory_space<vmem>> -> memref<128x64xf32, #tpu.memory_space<vmem>>
    %dma_wait3A_274 = arith.constant 0 : i32
    %dma_wait3A_275 = tpu.memref_slice %arg8[%dma_wait3A_268, %dma_wait3A_274] : memref<4x128xi32, #tpu.memory_space<vmem>> -> memref<1x128xi32, #tpu.memory_space<vmem>>
    %dma_wait3A_276 = tpu.memref_squeeze %dma_wait3A_275 : memref<1x128xi32, #tpu.memory_space<vmem>> -> memref<128xi32, #tpu.memory_space<vmem>>
    %dma_wait3A_277 = arith.constant 0 : i32
    %dma_wait3A_278 = arith.constant 0 : i32
    %dma_wait3A_279 = tpu.memref_slice %arg12[%dma_wait3A_277, %dma_wait3A_278] : memref<10000x64xf32, #tpu.memory_space<vmem_shared>> -> memref<10000x64xf32, #tpu.memory_space<vmem_shared>>
    tpu.wait_indirect_dma semaphore(%arg19 : memref<!tpu.dma_semaphore, #tpu.memory_space<semaphore_mem>>) src(%dma_wait3A_279 : memref<10000x64xf32, #tpu.memory_space<vmem_shared>>) dst(%dma_wait3A_273 : memref<128x64xf32, #tpu.memory_space<vmem>>)
    %add3A_280 = arith.constant 4 : i32
    %add3A_281 = arith.addi %mul3A_2, %add3A_280 : i32
    %min3A_282 = arith.constant 6399 : i32
    %min3A_283 = arith.minsi %add3A_281, %min3A_282 : i32
    %dma_start3A_284 = arith.constant 0 : i32
    %dma_start3A_285 = arith.constant 0 : i32
    %dma_start3A_286 = tpu.memref_slice %arg7[%dma_start3A_284, %dma_start3A_285] : memref<4x128xi32, #tpu.memory_space<vmem>> -> memref<1x128xi32, #tpu.memory_space<vmem>>
    %dma_start3A_287 = tpu.memref_squeeze %dma_start3A_286 : memref<1x128xi32, #tpu.memory_space<vmem>> -> memref<128xi32, #tpu.memory_space<vmem>>
    %dma_start3A_288 = arith.constant 0 : i32
    %dma_start3A_289 = tpu.memref_slice %arg2[%min3A_283, %dma_start3A_288] : memref<6400x128xi32, #tpu.memory_space<hbm>> -> memref<1x128xi32, #tpu.memory_space<hbm>>
    %dma_start3A_290 = tpu.memref_squeeze %dma_start3A_289 : memref<1x128xi32, #tpu.memory_space<hbm>> -> memref<128xi32, #tpu.memory_space<hbm>>
    %dma_start3A_291 = arith.constant 0 : i32
    %dma_start3A_292 = tpu.memref_slice %arg7[%dma_start3A_284, %dma_start3A_291] : memref<4x128xi32, #tpu.memory_space<vmem>> -> memref<1x128xi32, #tpu.memory_space<vmem>>
    %dma_start3A_293 = tpu.memref_squeeze %dma_start3A_292 : memref<1x128xi32, #tpu.memory_space<vmem>> -> memref<128xi32, #tpu.memory_space<vmem>>
    %dma_start3A_294 = arith.constant 0 : i32
    %dma_start3A_295 = tpu.memref_slice %arg2[%min3A_283, %dma_start3A_294] : memref<6400x128xi32, #tpu.memory_space<hbm>> -> memref<1x128xi32, #tpu.memory_space<hbm>>
    %dma_start3A_296 = tpu.memref_squeeze %dma_start3A_295 : memref<1x128xi32, #tpu.memory_space<hbm>> -> memref<128xi32, #tpu.memory_space<hbm>>
    tpu.enqueue_dma source(%dma_start3A_296 : memref<128xi32, #tpu.memory_space<hbm>>) target(%dma_start3A_293 : memref<128xi32, #tpu.memory_space<vmem>>) target_semaphore(%arg13 : memref<!tpu.dma_semaphore, #tpu.memory_space<semaphore_mem>>)
    %add3A_297 = arith.constant 4 : i32
    %add3A_298 = arith.addi %mul3A_2, %add3A_297 : i32
    %min3A_299 = arith.constant 6399 : i32
    %min3A_300 = arith.minsi %add3A_298, %min3A_299 : i32
    %dma_start3A_301 = arith.constant 0 : i32
    %dma_start3A_302 = arith.constant 0 : i32
    %dma_start3A_303 = tpu.memref_slice %arg8[%dma_start3A_301, %dma_start3A_302] : memref<4x128xi32, #tpu.memory_space<vmem>> -> memref<1x128xi32, #tpu.memory_space<vmem>>
    %dma_start3A_304 = tpu.memref_squeeze %dma_start3A_303 : memref<1x128xi32, #tpu.memory_space<vmem>> -> memref<128xi32, #tpu.memory_space<vmem>>
    %dma_start3A_305 = arith.constant 0 : i32
    %dma_start3A_306 = tpu.memref_slice %arg3[%min3A_300, %dma_start3A_305] : memref<6400x128xi32, #tpu.memory_space<hbm>> -> memref<1x128xi32, #tpu.memory_space<hbm>>
    %dma_start3A_307 = tpu.memref_squeeze %dma_start3A_306 : memref<1x128xi32, #tpu.memory_space<hbm>> -> memref<128xi32, #tpu.memory_space<hbm>>
    %dma_start3A_308 = arith.constant 0 : i32
    %dma_start3A_309 = tpu.memref_slice %arg8[%dma_start3A_301, %dma_start3A_308] : memref<4x128xi32, #tpu.memory_space<vmem>> -> memref<1x128xi32, #tpu.memory_space<vmem>>
    %dma_start3A_310 = tpu.memref_squeeze %dma_start3A_309 : memref<1x128xi32, #tpu.memory_space<vmem>> -> memref<128xi32, #tpu.memory_space<vmem>>
    %dma_start3A_311 = arith.constant 0 : i32
    %dma_start3A_312 = tpu.memref_slice %arg3[%min3A_300, %dma_start3A_311] : memref<6400x128xi32, #tpu.memory_space<hbm>> -> memref<1x128xi32, #tpu.memory_space<hbm>>
    %dma_start3A_313 = tpu.memref_squeeze %dma_start3A_312 : memref<1x128xi32, #tpu.memory_space<hbm>> -> memref<128xi32, #tpu.memory_space<hbm>>
    tpu.enqueue_dma source(%dma_start3A_313 : memref<128xi32, #tpu.memory_space<hbm>>) target(%dma_start3A_310 : memref<128xi32, #tpu.memory_space<vmem>>) target_semaphore(%arg13 : memref<!tpu.dma_semaphore, #tpu.memory_space<semaphore_mem>>)
    %parallel_loop3A = arith.constant 0 : i32
    %parallel_loop3A_314 = arith.constant 128 : i32
    %parallel_loop3A_315 = arith.constant 1 : i32
    %parallel_loop3A_316 = arith.constant 0 : i32
    %parallel_loop3A_317 = arith.constant 0 : i32
    %parallel_loop3A_318 = arith.constant 0 : i32
    scf.for %parallel_loop3A_744 = %parallel_loop3A to %parallel_loop3A_314 step %parallel_loop3A_315  : i32 {
      %parallel_loop3A_745 = arith.constant 0 : i32
      %parallel_loop3A_746 = arith.constant 0 : i32
      %parallel_loop3A_747 = tpu.memref_slice %arg9[%parallel_loop3A_316, %parallel_loop3A_745, %parallel_loop3A_746] : memref<2x128x64xf32, #tpu.memory_space<vmem>> -> memref<1x128x64xf32, #tpu.memory_space<vmem>>
      %parallel_loop3A_748 = tpu.memref_squeeze %parallel_loop3A_747 : memref<1x128x64xf32, #tpu.memory_space<vmem>> -> memref<128x64xf32, #tpu.memory_space<vmem>>
      %parallel_loop3A_749 = arith.index_cast %parallel_loop3A_744 : i32 to index
      %parallel_loop3A_750 = arith.constant 0 : index
      %parallel_loop3A_751 = tpu.vector_load %parallel_loop3A_748[%parallel_loop3A_749, %parallel_loop3A_750] {strides = array<i32>} : memref<128x64xf32, #tpu.memory_space<vmem>>, vector<1x16xf32>,
      %parallel_loop3A_752 = vector.shape_cast %parallel_loop3A_751 : vector<1x16xf32> to vector<16xf32>
      %parallel_loop3A_753 = arith.constant 0 : i32
      %parallel_loop3A_754 = arith.constant 0 : i32
      %parallel_loop3A_755 = tpu.memref_slice %arg10[%parallel_loop3A_317, %parallel_loop3A_753, %parallel_loop3A_754] : memref<2x128x64xf32, #tpu.memory_space<vmem>> -> memref<1x128x64xf32, #tpu.memory_space<vmem>>
      %parallel_loop3A_756 = tpu.memref_squeeze %parallel_loop3A_755 : memref<1x128x64xf32, #tpu.memory_space<vmem>> -> memref<128x64xf32, #tpu.memory_space<vmem>>
      %parallel_loop3A_757 = arith.index_cast %parallel_loop3A_744 : i32 to index
      %parallel_loop3A_758 = arith.constant 0 : index
      %parallel_loop3A_759 = tpu.vector_load %parallel_loop3A_756[%parallel_loop3A_757, %parallel_loop3A_758] {strides = array<i32>} : memref<128x64xf32, #tpu.memory_space<vmem>>, vector<1x16xf32>,
      %parallel_loop3A_760 = vector.shape_cast %parallel_loop3A_759 : vector<1x16xf32> to vector<16xf32>
      %parallel_loop3A_761 = arith.addf %parallel_loop3A_752, %parallel_loop3A_760 : vector<16xf32>
      %parallel_loop3A_762 = arith.constant 0 : i32
      %parallel_loop3A_763 = arith.constant 0 : i32
      %parallel_loop3A_764 = tpu.memref_slice %arg11[%parallel_loop3A_318, %parallel_loop3A_762, %parallel_loop3A_763] : memref<2x128x64xf32, #tpu.memory_space<vmem>> -> memref<1x128x64xf32, #tpu.memory_space<vmem>>
      %parallel_loop3A_765 = tpu.memref_squeeze %parallel_loop3A_764 : memref<1x128x64xf32, #tpu.memory_space<vmem>> -> memref<128x64xf32, #tpu.memory_space<vmem>>
      %parallel_loop3A_766 = arith.index_cast %parallel_loop3A_744 : i32 to index
      %parallel_loop3A_767 = arith.constant 0 : index
      %parallel_loop3A_768 = tpu.vector_load %parallel_loop3A_765[%parallel_loop3A_766, %parallel_loop3A_767] {strides = array<i32>} : memref<128x64xf32, #tpu.memory_space<vmem>>, vector<1x16xf32>,
      %parallel_loop3A_769 = vector.shape_cast %parallel_loop3A_768 : vector<1x16xf32> to vector<16xf32>
      %parallel_loop3A_770 = vector.shape_cast %parallel_loop3A_761 : vector<16xf32> to vector<1x16xf32>
      tpu.vector_store %parallel_loop3A_765[%parallel_loop3A_766, %parallel_loop3A_767], %parallel_loop3A_770 {strides = array<i32>} : memref<128x64xf32, #tpu.memory_space<vmem>>, vector<1x16xf32>,
      %parallel_loop3A_771 = arith.constant 0 : i32
      %parallel_loop3A_772 = arith.constant 0 : i32
      %parallel_loop3A_773 = tpu.memref_slice %arg9[%parallel_loop3A_316, %parallel_loop3A_771, %parallel_loop3A_772] : memref<2x128x64xf32, #tpu.memory_space<vmem>> -> memref<1x128x64xf32, #tpu.memory_space<vmem>>
      %parallel_loop3A_774 = tpu.memref_squeeze %parallel_loop3A_773 : memref<1x128x64xf32, #tpu.memory_space<vmem>> -> memref<128x64xf32, #tpu.memory_space<vmem>>
      %parallel_loop3A_775 = arith.index_cast %parallel_loop3A_744 : i32 to index
      %parallel_loop3A_776 = arith.constant 16 : index
      %parallel_loop3A_777 = tpu.vector_load %parallel_loop3A_774[%parallel_loop3A_775, %parallel_loop3A_776] {strides = array<i32>} : memref<128x64xf32, #tpu.memory_space<vmem>>, vector<1x16xf32>,
      %parallel_loop3A_778 = vector.shape_cast %parallel_loop3A_777 : vector<1x16xf32> to vector<16xf32>
      %parallel_loop3A_779 = arith.constant 0 : i32
      %parallel_loop3A_780 = arith.constant 0 : i32
      %parallel_loop3A_781 = tpu.memref_slice %arg10[%parallel_loop3A_317, %parallel_loop3A_779, %parallel_loop3A_780] : memref<2x128x64xf32, #tpu.memory_space<vmem>> -> memref<1x128x64xf32, #tpu.memory_space<vmem>>
      %parallel_loop3A_782 = tpu.memref_squeeze %parallel_loop3A_781 : memref<1x128x64xf32, #tpu.memory_space<vmem>> -> memref<128x64xf32, #tpu.memory_space<vmem>>
      %parallel_loop3A_783 = arith.index_cast %parallel_loop3A_744 : i32 to index
      %parallel_loop3A_784 = arith.constant 16 : index
      %parallel_loop3A_785 = tpu.vector_load %parallel_loop3A_782[%parallel_loop3A_783, %parallel_loop3A_784] {strides = array<i32>} : memref<128x64xf32, #tpu.memory_space<vmem>>, vector<1x16xf32>,
      %parallel_loop3A_786 = vector.shape_cast %parallel_loop3A_785 : vector<1x16xf32> to vector<16xf32>
      %parallel_loop3A_787 = arith.addf %parallel_loop3A_778, %parallel_loop3A_786 : vector<16xf32>
      %parallel_loop3A_788 = arith.constant 0 : i32
      %parallel_loop3A_789 = arith.constant 0 : i32
      %parallel_loop3A_790 = tpu.memref_slice %arg11[%parallel_loop3A_318, %parallel_loop3A_788, %parallel_loop3A_789] : memref<2x128x64xf32, #tpu.memory_space<vmem>> -> memref<1x128x64xf32, #tpu.memory_space<vmem>>
      %parallel_loop3A_791 = tpu.memref_squeeze %parallel_loop3A_790 : memref<1x128x64xf32, #tpu.memory_space<vmem>> -> memref<128x64xf32, #tpu.memory_space<vmem>>
      %parallel_loop3A_792 = arith.index_cast %parallel_loop3A_744 : i32 to index
      %parallel_loop3A_793 = arith.constant 16 : index
      %parallel_loop3A_794 = tpu.vector_load %parallel_loop3A_791[%parallel_loop3A_792, %parallel_loop3A_793] {strides = array<i32>} : memref<128x64xf32, #tpu.memory_space<vmem>>, vector<1x16xf32>,
      %parallel_loop3A_795 = vector.shape_cast %parallel_loop3A_794 : vector<1x16xf32> to vector<16xf32>
      %parallel_loop3A_796 = vector.shape_cast %parallel_loop3A_787 : vector<16xf32> to vector<1x16xf32>
      tpu.vector_store %parallel_loop3A_791[%parallel_loop3A_792, %parallel_loop3A_793], %parallel_loop3A_796 {strides = array<i32>} : memref<128x64xf32, #tpu.memory_space<vmem>>, vector<1x16xf32>,
      %parallel_loop3A_797 = arith.constant 0 : i32
      %parallel_loop3A_798 = arith.constant 0 : i32
      %parallel_loop3A_799 = tpu.memref_slice %arg9[%parallel_loop3A_316, %parallel_loop3A_797, %parallel_loop3A_798] : memref<2x128x64xf32, #tpu.memory_space<vmem>> -> memref<1x128x64xf32, #tpu.memory_space<vmem>>
      %parallel_loop3A_800 = tpu.memref_squeeze %parallel_loop3A_799 : memref<1x128x64xf32, #tpu.memory_space<vmem>> -> memref<128x64xf32, #tpu.memory_space<vmem>>
      %parallel_loop3A_801 = arith.index_cast %parallel_loop3A_744 : i32 to index
      %parallel_loop3A_802 = arith.constant 32 : index
      %parallel_loop3A_803 = tpu.vector_load %parallel_loop3A_800[%parallel_loop3A_801, %parallel_loop3A_802] {strides = array<i32>} : memref<128x64xf32, #tpu.memory_space<vmem>>, vector<1x16xf32>,
      %parallel_loop3A_804 = vector.shape_cast %parallel_loop3A_803 : vector<1x16xf32> to vector<16xf32>
      %parallel_loop3A_805 = arith.constant 0 : i32
      %parallel_loop3A_806 = arith.constant 0 : i32
      %parallel_loop3A_807 = tpu.memref_slice %arg10[%parallel_loop3A_317, %parallel_loop3A_805, %parallel_loop3A_806] : memref<2x128x64xf32, #tpu.memory_space<vmem>> -> memref<1x128x64xf32, #tpu.memory_space<vmem>>
      %parallel_loop3A_808 = tpu.memref_squeeze %parallel_loop3A_807 : memref<1x128x64xf32, #tpu.memory_space<vmem>> -> memref<128x64xf32, #tpu.memory_space<vmem>>
      %parallel_loop3A_809 = arith.index_cast %parallel_loop3A_744 : i32 to index
      %parallel_loop3A_810 = arith.constant 32 : index
      %parallel_loop3A_811 = tpu.vector_load %parallel_loop3A_808[%parallel_loop3A_809, %parallel_loop3A_810] {strides = array<i32>} : memref<128x64xf32, #tpu.memory_space<vmem>>, vector<1x16xf32>,
      %parallel_loop3A_812 = vector.shape_cast %parallel_loop3A_811 : vector<1x16xf32> to vector<16xf32>
      %parallel_loop3A_813 = arith.addf %parallel_loop3A_804, %parallel_loop3A_812 : vector<16xf32>
      %parallel_loop3A_814 = arith.constant 0 : i32
      %parallel_loop3A_815 = arith.constant 0 : i32
      %parallel_loop3A_816 = tpu.memref_slice %arg11[%parallel_loop3A_318, %parallel_loop3A_814, %parallel_loop3A_815] : memref<2x128x64xf32, #tpu.memory_space<vmem>> -> memref<1x128x64xf32, #tpu.memory_space<vmem>>
      %parallel_loop3A_817 = tpu.memref_squeeze %parallel_loop3A_816 : memref<1x128x64xf32, #tpu.memory_space<vmem>> -> memref<128x64xf32, #tpu.memory_space<vmem>>
      %parallel_loop3A_818 = arith.index_cast %parallel_loop3A_744 : i32 to index
      %parallel_loop3A_819 = arith.constant 32 : index
      %parallel_loop3A_820 = tpu.vector_load %parallel_loop3A_817[%parallel_loop3A_818, %parallel_loop3A_819] {strides = array<i32>} : memref<128x64xf32, #tpu.memory_space<vmem>>, vector<1x16xf32>,
      %parallel_loop3A_821 = vector.shape_cast %parallel_loop3A_820 : vector<1x16xf32> to vector<16xf32>
      %parallel_loop3A_822 = vector.shape_cast %parallel_loop3A_813 : vector<16xf32> to vector<1x16xf32>
      tpu.vector_store %parallel_loop3A_817[%parallel_loop3A_818, %parallel_loop3A_819], %parallel_loop3A_822 {strides = array<i32>} : memref<128x64xf32, #tpu.memory_space<vmem>>, vector<1x16xf32>,
      %parallel_loop3A_823 = arith.constant 0 : i32
      %parallel_loop3A_824 = arith.constant 0 : i32
      %parallel_loop3A_825 = tpu.memref_slice %arg9[%parallel_loop3A_316, %parallel_loop3A_823, %parallel_loop3A_824] : memref<2x128x64xf32, #tpu.memory_space<vmem>> -> memref<1x128x64xf32, #tpu.memory_space<vmem>>
      %parallel_loop3A_826 = tpu.memref_squeeze %parallel_loop3A_825 : memref<1x128x64xf32, #tpu.memory_space<vmem>> -> memref<128x64xf32, #tpu.memory_space<vmem>>
      %parallel_loop3A_827 = arith.index_cast %parallel_loop3A_744 : i32 to index
      %parallel_loop3A_828 = arith.constant 48 : index
      %parallel_loop3A_829 = tpu.vector_load %parallel_loop3A_826[%parallel_loop3A_827, %parallel_loop3A_828] {strides = array<i32>} : memref<128x64xf32, #tpu.memory_space<vmem>>, vector<1x16xf32>,
      %parallel_loop3A_830 = vector.shape_cast %parallel_loop3A_829 : vector<1x16xf32> to vector<16xf32>
      %parallel_loop3A_831 = arith.constant 0 : i32
      %parallel_loop3A_832 = arith.constant 0 : i32
      %parallel_loop3A_833 = tpu.memref_slice %arg10[%parallel_loop3A_317, %parallel_loop3A_831, %parallel_loop3A_832] : memref<2x128x64xf32, #tpu.memory_space<vmem>> -> memref<1x128x64xf32, #tpu.memory_space<vmem>>
      %parallel_loop3A_834 = tpu.memref_squeeze %parallel_loop3A_833 : memref<1x128x64xf32, #tpu.memory_space<vmem>> -> memref<128x64xf32, #tpu.memory_space<vmem>>
      %parallel_loop3A_835 = arith.index_cast %parallel_loop3A_744 : i32 to index
      %parallel_loop3A_836 = arith.constant 48 : index
      %parallel_loop3A_837 = tpu.vector_load %parallel_loop3A_834[%parallel_loop3A_835, %parallel_loop3A_836] {strides = array<i32>} : memref<128x64xf32, #tpu.memory_space<vmem>>, vector<1x16xf32>,
      %parallel_loop3A_838 = vector.shape_cast %parallel_loop3A_837 : vector<1x16xf32> to vector<16xf32>
      %parallel_loop3A_839 = arith.addf %parallel_loop3A_830, %parallel_loop3A_838 : vector<16xf32>
      %parallel_loop3A_840 = arith.constant 0 : i32
      %parallel_loop3A_841 = arith.constant 0 : i32
      %parallel_loop3A_842 = tpu.memref_slice %arg11[%parallel_loop3A_318, %parallel_loop3A_840, %parallel_loop3A_841] : memref<2x128x64xf32, #tpu.memory_space<vmem>> -> memref<1x128x64xf32, #tpu.memory_space<vmem>>
      %parallel_loop3A_843 = tpu.memref_squeeze %parallel_loop3A_842 : memref<1x128x64xf32, #tpu.memory_space<vmem>> -> memref<128x64xf32, #tpu.memory_space<vmem>>
      %parallel_loop3A_844 = arith.index_cast %parallel_loop3A_744 : i32 to index
      %parallel_loop3A_845 = arith.constant 48 : index
      %parallel_loop3A_846 = tpu.vector_load %parallel_loop3A_843[%parallel_loop3A_844, %parallel_loop3A_845] {strides = array<i32>} : memref<128x64xf32, #tpu.memory_space<vmem>>, vector<1x16xf32>,
      %parallel_loop3A_847 = vector.shape_cast %parallel_loop3A_846 : vector<1x16xf32> to vector<16xf32>
      %parallel_loop3A_848 = vector.shape_cast %parallel_loop3A_839 : vector<16xf32> to vector<1x16xf32>
      tpu.vector_store %parallel_loop3A_843[%parallel_loop3A_844, %parallel_loop3A_845], %parallel_loop3A_848 {strides = array<i32>} : memref<128x64xf32, #tpu.memory_space<vmem>>, vector<1x16xf32>,
    } {sc.loop_unroll_factor = 4 : i64, sc.parallel_access}
    %add3A_319 = arith.constant 2 : i32
    %add3A_320 = arith.addi %mul3A_2, %add3A_319 : i32
    %min3A_321 = arith.constant 6399 : i32
    %min3A_322 = arith.minsi %add3A_320, %min3A_321 : i32
    %dma_wait3A_323 = arith.constant 2 : i32
    %dma_wait3A_324 = arith.constant 0 : i32
    %dma_wait3A_325 = tpu.memref_slice %arg7[%dma_wait3A_323, %dma_wait3A_324] : memref<4x128xi32, #tpu.memory_space<vmem>> -> memref<1x128xi32, #tpu.memory_space<vmem>>
    %dma_wait3A_326 = tpu.memref_squeeze %dma_wait3A_325 : memref<1x128xi32, #tpu.memory_space<vmem>> -> memref<128xi32, #tpu.memory_space<vmem>>
    %dma_wait3A_327 = arith.constant 0 : i32
    %dma_wait3A_328 = tpu.memref_slice %arg2[%min3A_322, %dma_wait3A_327] : memref<6400x128xi32, #tpu.memory_space<hbm>> -> memref<1x128xi32, #tpu.memory_space<hbm>>
    %dma_wait3A_329 = tpu.memref_squeeze %dma_wait3A_328 : memref<1x128xi32, #tpu.memory_space<hbm>> -> memref<128xi32, #tpu.memory_space<hbm>>
    %dma_wait3A_330 = arith.constant 0 : i32
    %dma_wait3A_331 = tpu.memref_slice %arg7[%dma_wait3A_323, %dma_wait3A_330] : memref<4x128xi32, #tpu.memory_space<vmem>> -> memref<1x128xi32, #tpu.memory_space<vmem>>
    %dma_wait3A_332 = tpu.memref_squeeze %dma_wait3A_331 : memref<1x128xi32, #tpu.memory_space<vmem>> -> memref<128xi32, #tpu.memory_space<vmem>>
    %dma_wait3A_333 = arith.constant 0 : i32
    %dma_wait3A_334 = tpu.memref_slice %arg2[%min3A_322, %dma_wait3A_333] : memref<6400x128xi32, #tpu.memory_space<hbm>> -> memref<1x128xi32, #tpu.memory_space<hbm>>
    %dma_wait3A_335 = tpu.memref_squeeze %dma_wait3A_334 : memref<1x128xi32, #tpu.memory_space<hbm>> -> memref<128xi32, #tpu.memory_space<hbm>>
    tpu.wait_dma2 semaphore(%arg15 : memref<!tpu.dma_semaphore, #tpu.memory_space<semaphore_mem>>) src(%dma_wait3A_335 : memref<128xi32, #tpu.memory_space<hbm>>) dst(%dma_wait3A_332 : memref<128xi32, #tpu.memory_space<vmem>>)
    %add3A_336 = arith.constant 2 : i32
    %add3A_337 = arith.addi %mul3A_2, %add3A_336 : i32
    %min3A_338 = arith.constant 6399 : i32
    %min3A_339 = arith.minsi %add3A_337, %min3A_338 : i32
    %dma_wait3A_340 = arith.constant 2 : i32
    %dma_wait3A_341 = arith.constant 0 : i32
    %dma_wait3A_342 = tpu.memref_slice %arg8[%dma_wait3A_340, %dma_wait3A_341] : memref<4x128xi32, #tpu.memory_space<vmem>> -> memref<1x128xi32, #tpu.memory_space<vmem>>
    %dma_wait3A_343 = tpu.memref_squeeze %dma_wait3A_342 : memref<1x128xi32, #tpu.memory_space<vmem>> -> memref<128xi32, #tpu.memory_space<vmem>>
    %dma_wait3A_344 = arith.constant 0 : i32
    %dma_wait3A_345 = tpu.memref_slice %arg3[%min3A_339, %dma_wait3A_344] : memref<6400x128xi32, #tpu.memory_space<hbm>> -> memref<1x128xi32, #tpu.memory_space<hbm>>
    %dma_wait3A_346 = tpu.memref_squeeze %dma_wait3A_345 : memref<1x128xi32, #tpu.memory_space<hbm>> -> memref<128xi32, #tpu.memory_space<hbm>>
    %dma_wait3A_347 = arith.constant 0 : i32
    %dma_wait3A_348 = tpu.memref_slice %arg8[%dma_wait3A_340, %dma_wait3A_347] : memref<4x128xi32, #tpu.memory_space<vmem>> -> memref<1x128xi32, #tpu.memory_space<vmem>>
    %dma_wait3A_349 = tpu.memref_squeeze %dma_wait3A_348 : memref<1x128xi32, #tpu.memory_space<vmem>> -> memref<128xi32, #tpu.memory_space<vmem>>
    %dma_wait3A_350 = arith.constant 0 : i32
    %dma_wait3A_351 = tpu.memref_slice %arg3[%min3A_339, %dma_wait3A_350] : memref<6400x128xi32, #tpu.memory_space<hbm>> -> memref<1x128xi32, #tpu.memory_space<hbm>>
    %dma_wait3A_352 = tpu.memref_squeeze %dma_wait3A_351 : memref<1x128xi32, #tpu.memory_space<hbm>> -> memref<128xi32, #tpu.memory_space<hbm>>
    tpu.wait_dma2 semaphore(%arg15 : memref<!tpu.dma_semaphore, #tpu.memory_space<semaphore_mem>>) src(%dma_wait3A_352 : memref<128xi32, #tpu.memory_space<hbm>>) dst(%dma_wait3A_349 : memref<128xi32, #tpu.memory_space<vmem>>)
    %dma_start3A_353 = arith.constant 2 : i32
    %dma_start3A_354 = arith.constant 0 : i32
    %dma_start3A_355 = arith.constant 0 : i32
    %dma_start3A_356 = arith.constant 0 : i32
    %dma_start3A_357 = tpu.memref_slice %arg9[%dma_start3A_354, %dma_start3A_355, %dma_start3A_356] : memref<2x128x64xf32, #tpu.memory_space<vmem>> -> memref<1x128x64xf32, #tpu.memory_space<vmem>>
    %dma_start3A_358 = tpu.memref_squeeze %dma_start3A_357 : memref<1x128x64xf32, #tpu.memory_space<vmem>> -> memref<128x64xf32, #tpu.memory_space<vmem>>
    %dma_start3A_359 = arith.constant 0 : i32
    %dma_start3A_360 = tpu.memref_slice %arg7[%dma_start3A_353, %dma_start3A_359] : memref<4x128xi32, #tpu.memory_space<vmem>> -> memref<1x128xi32, #tpu.memory_space<vmem>>
    %dma_start3A_361 = tpu.memref_squeeze %dma_start3A_360 : memref<1x128xi32, #tpu.memory_space<vmem>> -> memref<128xi32, #tpu.memory_space<vmem>>
    %dma_start3A_362 = arith.constant 0 : i32
    %dma_start3A_363 = arith.constant 0 : i32
    %dma_start3A_364 = tpu.memref_slice %arg4[%dma_start3A_362, %dma_start3A_363] : memref<100000x64xf32, #tpu.memory_space<hbm>> -> memref<100000x64xf32, #tpu.memory_space<hbm>>
    tpu.enqueue_indirect_dma source(%dma_start3A_364 : memref<100000x64xf32, #tpu.memory_space<hbm>>) target(%dma_start3A_358 : memref<128x64xf32, #tpu.memory_space<vmem>>) offsets(%dma_start3A_361 : memref<128xi32, #tpu.memory_space<vmem>>) semaphore(%arg17 : memref<!tpu.dma_semaphore, #tpu.memory_space<semaphore_mem>>)
    %dma_start3A_365 = arith.constant 2 : i32
    %dma_start3A_366 = arith.constant 0 : i32
    %dma_start3A_367 = arith.constant 0 : i32
    %dma_start3A_368 = arith.constant 0 : i32
    %dma_start3A_369 = tpu.memref_slice %arg10[%dma_start3A_366, %dma_start3A_367, %dma_start3A_368] : memref<2x128x64xf32, #tpu.memory_space<vmem>> -> memref<1x128x64xf32, #tpu.memory_space<vmem>>
    %dma_start3A_370 = tpu.memref_squeeze %dma_start3A_369 : memref<1x128x64xf32, #tpu.memory_space<vmem>> -> memref<128x64xf32, #tpu.memory_space<vmem>>
    %dma_start3A_371 = arith.constant 0 : i32
    %dma_start3A_372 = tpu.memref_slice %arg8[%dma_start3A_365, %dma_start3A_371] : memref<4x128xi32, #tpu.memory_space<vmem>> -> memref<1x128xi32, #tpu.memory_space<vmem>>
    %dma_start3A_373 = tpu.memref_squeeze %dma_start3A_372 : memref<1x128xi32, #tpu.memory_space<vmem>> -> memref<128xi32, #tpu.memory_space<vmem>>
    %dma_start3A_374 = arith.constant 0 : i32
    %dma_start3A_375 = arith.constant 0 : i32
    %dma_start3A_376 = tpu.memref_slice %arg12[%dma_start3A_374, %dma_start3A_375] : memref<10000x64xf32, #tpu.memory_space<vmem_shared>> -> memref<10000x64xf32, #tpu.memory_space<vmem_shared>>
    tpu.enqueue_indirect_dma source(%dma_start3A_376 : memref<10000x64xf32, #tpu.memory_space<vmem_shared>>) target(%dma_start3A_370 : memref<128x64xf32, #tpu.memory_space<vmem>>) offsets(%dma_start3A_373 : memref<128xi32, #tpu.memory_space<vmem>>) semaphore(%arg19 : memref<!tpu.dma_semaphore, #tpu.memory_space<semaphore_mem>>)
    %add3A_377 = arith.constant 0 : i32
    %add3A_378 = arith.addi %mul3A_4, %add3A_377 : i32
    %dma_start3A_379 = arith.constant 0 : i32
    %dma_start3A_380 = arith.constant 0 : i32
    %dma_start3A_381 = arith.constant 0 : i32
    %dma_start3A_382 = tpu.memref_slice %arg11[%dma_start3A_379, %dma_start3A_380, %dma_start3A_381] : memref<2x128x64xf32, #tpu.memory_space<vmem>> -> memref<1x128x64xf32, #tpu.memory_space<vmem>>
    %dma_start3A_383 = tpu.memref_squeeze %dma_start3A_382 : memref<1x128x64xf32, #tpu.memory_space<vmem>> -> memref<128x64xf32, #tpu.memory_space<vmem>>
    %dma_start3A_384 = arith.constant 0 : i32
    %dma_start3A_385 = tpu.memref_slice %arg6[%add3A_378, %dma_start3A_384] : memref<819200x64xf32, #tpu.memory_space<hbm>> -> memref<128x64xf32, #tpu.memory_space<hbm>>
    %dma_start3A_386 = arith.constant 0 : i32
    %dma_start3A_387 = tpu.memref_slice %arg6[%add3A_378, %dma_start3A_386] : memref<819200x64xf32, #tpu.memory_space<hbm>> -> memref<128x64xf32, #tpu.memory_space<hbm>>
    %dma_start3A_388 = arith.constant 0 : i32
    %dma_start3A_389 = arith.constant 0 : i32
    %dma_start3A_390 = tpu.memref_slice %arg11[%dma_start3A_379, %dma_start3A_388, %dma_start3A_389] : memref<2x128x64xf32, #tpu.memory_space<vmem>> -> memref<1x128x64xf32, #tpu.memory_space<vmem>>
    %dma_start3A_391 = tpu.memref_squeeze %dma_start3A_390 : memref<1x128x64xf32, #tpu.memory_space<vmem>> -> memref<128x64xf32, #tpu.memory_space<vmem>>
    tpu.enqueue_dma source(%dma_start3A_391 : memref<128x64xf32, #tpu.memory_space<vmem>>) target(%dma_start3A_387 : memref<128x64xf32, #tpu.memory_space<hbm>>) target_semaphore(%arg21 : memref<!tpu.dma_semaphore, #tpu.memory_space<semaphore_mem>>)
    %dma_wait3A_392 = arith.constant 1 : i32
    %dma_wait3A_393 = arith.constant 1 : i32
    %dma_wait3A_394 = arith.constant 0 : i32
    %dma_wait3A_395 = arith.constant 0 : i32
    %dma_wait3A_396 = tpu.memref_slice %arg9[%dma_wait3A_393, %dma_wait3A_394, %dma_wait3A_395] : memref<2x128x64xf32, #tpu.memory_space<vmem>> -> memref<1x128x64xf32, #tpu.memory_space<vmem>>
    %dma_wait3A_397 = tpu.memref_squeeze %dma_wait3A_396 : memref<1x128x64xf32, #tpu.memory_space<vmem>> -> memref<128x64xf32, #tpu.memory_space<vmem>>
    %dma_wait3A_398 = arith.constant 0 : i32
    %dma_wait3A_399 = tpu.memref_slice %arg7[%dma_wait3A_392, %dma_wait3A_398] : memref<4x128xi32, #tpu.memory_space<vmem>> -> memref<1x128xi32, #tpu.memory_space<vmem>>
    %dma_wait3A_400 = tpu.memref_squeeze %dma_wait3A_399 : memref<1x128xi32, #tpu.memory_space<vmem>> -> memref<128xi32, #tpu.memory_space<vmem>>
    %dma_wait3A_401 = arith.constant 0 : i32
    %dma_wait3A_402 = arith.constant 0 : i32
    %dma_wait3A_403 = tpu.memref_slice %arg4[%dma_wait3A_401, %dma_wait3A_402] : memref<100000x64xf32, #tpu.memory_space<hbm>> -> memref<100000x64xf32, #tpu.memory_space<hbm>>
    tpu.wait_indirect_dma semaphore(%arg18 : memref<!tpu.dma_semaphore, #tpu.memory_space<semaphore_mem>>) src(%dma_wait3A_403 : memref<100000x64xf32, #tpu.memory_space<hbm>>) dst(%dma_wait3A_397 : memref<128x64xf32, #tpu.memory_space<vmem>>)
    %dma_wait3A_404 = arith.constant 1 : i32
    %dma_wait3A_405 = arith.constant 1 : i32
    %dma_wait3A_406 = arith.constant 0 : i32
    %dma_wait3A_407 = arith.constant 0 : i32
    %dma_wait3A_408 = tpu.memref_slice %arg10[%dma_wait3A_405, %dma_wait3A_406, %dma_wait3A_407] : memref<2x128x64xf32, #tpu.memory_space<vmem>> -> memref<1x128x64xf32, #tpu.memory_space<vmem>>
    %dma_wait3A_409 = tpu.memref_squeeze %dma_wait3A_408 : memref<1x128x64xf32, #tpu.memory_space<vmem>> -> memref<128x64xf32, #tpu.memory_space<vmem>>
    %dma_wait3A_410 = arith.constant 0 : i32
    %dma_wait3A_411 = tpu.memref_slice %arg8[%dma_wait3A_404, %dma_wait3A_410] : memref<4x128xi32, #tpu.memory_space<vmem>> -> memref<1x128xi32, #tpu.memory_space<vmem>>
    %dma_wait3A_412 = tpu.memref_squeeze %dma_wait3A_411 : memref<1x128xi32, #tpu.memory_space<vmem>> -> memref<128xi32, #tpu.memory_space<vmem>>
    %dma_wait3A_413 = arith.constant 0 : i32
    %dma_wait3A_414 = arith.constant 0 : i32
    %dma_wait3A_415 = tpu.memref_slice %arg12[%dma_wait3A_413, %dma_wait3A_414] : memref<10000x64xf32, #tpu.memory_space<vmem_shared>> -> memref<10000x64xf32, #tpu.memory_space<vmem_shared>>
    tpu.wait_indirect_dma semaphore(%arg20 : memref<!tpu.dma_semaphore, #tpu.memory_space<semaphore_mem>>) src(%dma_wait3A_415 : memref<10000x64xf32, #tpu.memory_space<vmem_shared>>) dst(%dma_wait3A_409 : memref<128x64xf32, #tpu.memory_space<vmem>>)
    %add3A_416 = arith.constant 5 : i32
    %add3A_417 = arith.addi %mul3A_2, %add3A_416 : i32
    %min3A_418 = arith.constant 6399 : i32
    %min3A_419 = arith.minsi %add3A_417, %min3A_418 : i32
    %dma_start3A_420 = arith.constant 1 : i32
    %dma_start3A_421 = arith.constant 0 : i32
    %dma_start3A_422 = tpu.memref_slice %arg7[%dma_start3A_420, %dma_start3A_421] : memref<4x128xi32, #tpu.memory_space<vmem>> -> memref<1x128xi32, #tpu.memory_space<vmem>>
    %dma_start3A_423 = tpu.memref_squeeze %dma_start3A_422 : memref<1x128xi32, #tpu.memory_space<vmem>> -> memref<128xi32, #tpu.memory_space<vmem>>
    %dma_start3A_424 = arith.constant 0 : i32
    %dma_start3A_425 = tpu.memref_slice %arg2[%min3A_419, %dma_start3A_424] : memref<6400x128xi32, #tpu.memory_space<hbm>> -> memref<1x128xi32, #tpu.memory_space<hbm>>
    %dma_start3A_426 = tpu.memref_squeeze %dma_start3A_425 : memref<1x128xi32, #tpu.memory_space<hbm>> -> memref<128xi32, #tpu.memory_space<hbm>>
    %dma_start3A_427 = arith.constant 0 : i32
    %dma_start3A_428 = tpu.memref_slice %arg7[%dma_start3A_420, %dma_start3A_427] : memref<4x128xi32, #tpu.memory_space<vmem>> -> memref<1x128xi32, #tpu.memory_space<vmem>>
    %dma_start3A_429 = tpu.memref_squeeze %dma_start3A_428 : memref<1x128xi32, #tpu.memory_space<vmem>> -> memref<128xi32, #tpu.memory_space<vmem>>
    %dma_start3A_430 = arith.constant 0 : i32
    %dma_start3A_431 = tpu.memref_slice %arg2[%min3A_419, %dma_start3A_430] : memref<6400x128xi32, #tpu.memory_space<hbm>> -> memref<1x128xi32, #tpu.memory_space<hbm>>
    %dma_start3A_432 = tpu.memref_squeeze %dma_start3A_431 : memref<1x128xi32, #tpu.memory_space<hbm>> -> memref<128xi32, #tpu.memory_space<hbm>>
    tpu.enqueue_dma source(%dma_start3A_432 : memref<128xi32, #tpu.memory_space<hbm>>) target(%dma_start3A_429 : memref<128xi32, #tpu.memory_space<vmem>>) target_semaphore(%arg14 : memref<!tpu.dma_semaphore, #tpu.memory_space<semaphore_mem>>)
    %add3A_433 = arith.constant 5 : i32
    %add3A_434 = arith.addi %mul3A_2, %add3A_433 : i32
    %min3A_435 = arith.constant 6399 : i32
    %min3A_436 = arith.minsi %add3A_434, %min3A_435 : i32
    %dma_start3A_437 = arith.constant 1 : i32
    %dma_start3A_438 = arith.constant 0 : i32
    %dma_start3A_439 = tpu.memref_slice %arg8[%dma_start3A_437, %dma_start3A_438] : memref<4x128xi32, #tpu.memory_space<vmem>> -> memref<1x128xi32, #tpu.memory_space<vmem>>
    %dma_start3A_440 = tpu.memref_squeeze %dma_start3A_439 : memref<1x128xi32, #tpu.memory_space<vmem>> -> memref<128xi32, #tpu.memory_space<vmem>>
    %dma_start3A_441 = arith.constant 0 : i32
    %dma_start3A_442 = tpu.memref_slice %arg3[%min3A_436, %dma_start3A_441] : memref<6400x128xi32, #tpu.memory_space<hbm>> -> memref<1x128xi32, #tpu.memory_space<hbm>>
    %dma_start3A_443 = tpu.memref_squeeze %dma_start3A_442 : memref<1x128xi32, #tpu.memory_space<hbm>> -> memref<128xi32, #tpu.memory_space<hbm>>
    %dma_start3A_444 = arith.constant 0 : i32
    %dma_start3A_445 = tpu.memref_slice %arg8[%dma_start3A_437, %dma_start3A_444] : memref<4x128xi32, #tpu.memory_space<vmem>> -> memref<1x128xi32, #tpu.memory_space<vmem>>
    %dma_start3A_446 = tpu.memref_squeeze %dma_start3A_445 : memref<1x128xi32, #tpu.memory_space<vmem>> -> memref<128xi32, #tpu.memory_space<vmem>>
    %dma_start3A_447 = arith.constant 0 : i32
    %dma_start3A_448 = tpu.memref_slice %arg3[%min3A_436, %dma_start3A_447] : memref<6400x128xi32, #tpu.memory_space<hbm>> -> memref<1x128xi32, #tpu.memory_space<hbm>>
    %dma_start3A_449 = tpu.memref_squeeze %dma_start3A_448 : memref<1x128xi32, #tpu.memory_space<hbm>> -> memref<128xi32, #tpu.memory_space<hbm>>
    tpu.enqueue_dma source(%dma_start3A_449 : memref<128xi32, #tpu.memory_space<hbm>>) target(%dma_start3A_446 : memref<128xi32, #tpu.memory_space<vmem>>) target_semaphore(%arg14 : memref<!tpu.dma_semaphore, #tpu.memory_space<semaphore_mem>>)
    %parallel_loop3A_450 = arith.constant 0 : i32
    %parallel_loop3A_451 = arith.constant 128 : i32
    %parallel_loop3A_452 = arith.constant 1 : i32
    %parallel_loop3A_453 = arith.constant 1 : i32
    %parallel_loop3A_454 = arith.constant 1 : i32
    %parallel_loop3A_455 = arith.constant 1 : i32
    scf.for %parallel_loop3A_744 = %parallel_loop3A_450 to %parallel_loop3A_451 step %parallel_loop3A_452  : i32 {
      %parallel_loop3A_745 = arith.constant 0 : i32
      %parallel_loop3A_746 = arith.constant 0 : i32
      %parallel_loop3A_747 = tpu.memref_slice %arg9[%parallel_loop3A_453, %parallel_loop3A_745, %parallel_loop3A_746] : memref<2x128x64xf32, #tpu.memory_space<vmem>> -> memref<1x128x64xf32, #tpu.memory_space<vmem>>
      %parallel_loop3A_748 = tpu.memref_squeeze %parallel_loop3A_747 : memref<1x128x64xf32, #tpu.memory_space<vmem>> -> memref<128x64xf32, #tpu.memory_space<vmem>>
      %parallel_loop3A_749 = arith.index_cast %parallel_loop3A_744 : i32 to index
      %parallel_loop3A_750 = arith.constant 0 : index
      %parallel_loop3A_751 = tpu.vector_load %parallel_loop3A_748[%parallel_loop3A_749, %parallel_loop3A_750] {strides = array<i32>} : memref<128x64xf32, #tpu.memory_space<vmem>>, vector<1x16xf32>,
      %parallel_loop3A_752 = vector.shape_cast %parallel_loop3A_751 : vector<1x16xf32> to vector<16xf32>
      %parallel_loop3A_753 = arith.constant 0 : i32
      %parallel_loop3A_754 = arith.constant 0 : i32
      %parallel_loop3A_755 = tpu.memref_slice %arg10[%parallel_loop3A_454, %parallel_loop3A_753, %parallel_loop3A_754] : memref<2x128x64xf32, #tpu.memory_space<vmem>> -> memref<1x128x64xf32, #tpu.memory_space<vmem>>
      %parallel_loop3A_756 = tpu.memref_squeeze %parallel_loop3A_755 : memref<1x128x64xf32, #tpu.memory_space<vmem>> -> memref<128x64xf32, #tpu.memory_space<vmem>>
      %parallel_loop3A_757 = arith.index_cast %parallel_loop3A_744 : i32 to index
      %parallel_loop3A_758 = arith.constant 0 : index
      %parallel_loop3A_759 = tpu.vector_load %parallel_loop3A_756[%parallel_loop3A_757, %parallel_loop3A_758] {strides = array<i32>} : memref<128x64xf32, #tpu.memory_space<vmem>>, vector<1x16xf32>,
      %parallel_loop3A_760 = vector.shape_cast %parallel_loop3A_759 : vector<1x16xf32> to vector<16xf32>
      %parallel_loop3A_761 = arith.addf %parallel_loop3A_752, %parallel_loop3A_760 : vector<16xf32>
      %parallel_loop3A_762 = arith.constant 0 : i32
      %parallel_loop3A_763 = arith.constant 0 : i32
      %parallel_loop3A_764 = tpu.memref_slice %arg11[%parallel_loop3A_455, %parallel_loop3A_762, %parallel_loop3A_763] : memref<2x128x64xf32, #tpu.memory_space<vmem>> -> memref<1x128x64xf32, #tpu.memory_space<vmem>>
      %parallel_loop3A_765 = tpu.memref_squeeze %parallel_loop3A_764 : memref<1x128x64xf32, #tpu.memory_space<vmem>> -> memref<128x64xf32, #tpu.memory_space<vmem>>
      %parallel_loop3A_766 = arith.index_cast %parallel_loop3A_744 : i32 to index
      %parallel_loop3A_767 = arith.constant 0 : index
      %parallel_loop3A_768 = tpu.vector_load %parallel_loop3A_765[%parallel_loop3A_766, %parallel_loop3A_767] {strides = array<i32>} : memref<128x64xf32, #tpu.memory_space<vmem>>, vector<1x16xf32>,
      %parallel_loop3A_769 = vector.shape_cast %parallel_loop3A_768 : vector<1x16xf32> to vector<16xf32>
      %parallel_loop3A_770 = vector.shape_cast %parallel_loop3A_761 : vector<16xf32> to vector<1x16xf32>
      tpu.vector_store %parallel_loop3A_765[%parallel_loop3A_766, %parallel_loop3A_767], %parallel_loop3A_770 {strides = array<i32>} : memref<128x64xf32, #tpu.memory_space<vmem>>, vector<1x16xf32>,
      %parallel_loop3A_771 = arith.constant 0 : i32
      %parallel_loop3A_772 = arith.constant 0 : i32
      %parallel_loop3A_773 = tpu.memref_slice %arg9[%parallel_loop3A_453, %parallel_loop3A_771, %parallel_loop3A_772] : memref<2x128x64xf32, #tpu.memory_space<vmem>> -> memref<1x128x64xf32, #tpu.memory_space<vmem>>
      %parallel_loop3A_774 = tpu.memref_squeeze %parallel_loop3A_773 : memref<1x128x64xf32, #tpu.memory_space<vmem>> -> memref<128x64xf32, #tpu.memory_space<vmem>>
      %parallel_loop3A_775 = arith.index_cast %parallel_loop3A_744 : i32 to index
      %parallel_loop3A_776 = arith.constant 16 : index
      %parallel_loop3A_777 = tpu.vector_load %parallel_loop3A_774[%parallel_loop3A_775, %parallel_loop3A_776] {strides = array<i32>} : memref<128x64xf32, #tpu.memory_space<vmem>>, vector<1x16xf32>,
      %parallel_loop3A_778 = vector.shape_cast %parallel_loop3A_777 : vector<1x16xf32> to vector<16xf32>
      %parallel_loop3A_779 = arith.constant 0 : i32
      %parallel_loop3A_780 = arith.constant 0 : i32
      %parallel_loop3A_781 = tpu.memref_slice %arg10[%parallel_loop3A_454, %parallel_loop3A_779, %parallel_loop3A_780] : memref<2x128x64xf32, #tpu.memory_space<vmem>> -> memref<1x128x64xf32, #tpu.memory_space<vmem>>
      %parallel_loop3A_782 = tpu.memref_squeeze %parallel_loop3A_781 : memref<1x128x64xf32, #tpu.memory_space<vmem>> -> memref<128x64xf32, #tpu.memory_space<vmem>>
      %parallel_loop3A_783 = arith.index_cast %parallel_loop3A_744 : i32 to index
      %parallel_loop3A_784 = arith.constant 16 : index
      %parallel_loop3A_785 = tpu.vector_load %parallel_loop3A_782[%parallel_loop3A_783, %parallel_loop3A_784] {strides = array<i32>} : memref<128x64xf32, #tpu.memory_space<vmem>>, vector<1x16xf32>,
      %parallel_loop3A_786 = vector.shape_cast %parallel_loop3A_785 : vector<1x16xf32> to vector<16xf32>
      %parallel_loop3A_787 = arith.addf %parallel_loop3A_778, %parallel_loop3A_786 : vector<16xf32>
      %parallel_loop3A_788 = arith.constant 0 : i32
      %parallel_loop3A_789 = arith.constant 0 : i32
      %parallel_loop3A_790 = tpu.memref_slice %arg11[%parallel_loop3A_455, %parallel_loop3A_788, %parallel_loop3A_789] : memref<2x128x64xf32, #tpu.memory_space<vmem>> -> memref<1x128x64xf32, #tpu.memory_space<vmem>>
      %parallel_loop3A_791 = tpu.memref_squeeze %parallel_loop3A_790 : memref<1x128x64xf32, #tpu.memory_space<vmem>> -> memref<128x64xf32, #tpu.memory_space<vmem>>
      %parallel_loop3A_792 = arith.index_cast %parallel_loop3A_744 : i32 to index
      %parallel_loop3A_793 = arith.constant 16 : index
      %parallel_loop3A_794 = tpu.vector_load %parallel_loop3A_791[%parallel_loop3A_792, %parallel_loop3A_793] {strides = array<i32>} : memref<128x64xf32, #tpu.memory_space<vmem>>, vector<1x16xf32>,
      %parallel_loop3A_795 = vector.shape_cast %parallel_loop3A_794 : vector<1x16xf32> to vector<16xf32>
      %parallel_loop3A_796 = vector.shape_cast %parallel_loop3A_787 : vector<16xf32> to vector<1x16xf32>
      tpu.vector_store %parallel_loop3A_791[%parallel_loop3A_792, %parallel_loop3A_793], %parallel_loop3A_796 {strides = array<i32>} : memref<128x64xf32, #tpu.memory_space<vmem>>, vector<1x16xf32>,
      %parallel_loop3A_797 = arith.constant 0 : i32
      %parallel_loop3A_798 = arith.constant 0 : i32
      %parallel_loop3A_799 = tpu.memref_slice %arg9[%parallel_loop3A_453, %parallel_loop3A_797, %parallel_loop3A_798] : memref<2x128x64xf32, #tpu.memory_space<vmem>> -> memref<1x128x64xf32, #tpu.memory_space<vmem>>
      %parallel_loop3A_800 = tpu.memref_squeeze %parallel_loop3A_799 : memref<1x128x64xf32, #tpu.memory_space<vmem>> -> memref<128x64xf32, #tpu.memory_space<vmem>>
      %parallel_loop3A_801 = arith.index_cast %parallel_loop3A_744 : i32 to index
      %parallel_loop3A_802 = arith.constant 32 : index
      %parallel_loop3A_803 = tpu.vector_load %parallel_loop3A_800[%parallel_loop3A_801, %parallel_loop3A_802] {strides = array<i32>} : memref<128x64xf32, #tpu.memory_space<vmem>>, vector<1x16xf32>,
      %parallel_loop3A_804 = vector.shape_cast %parallel_loop3A_803 : vector<1x16xf32> to vector<16xf32>
      %parallel_loop3A_805 = arith.constant 0 : i32
      %parallel_loop3A_806 = arith.constant 0 : i32
      %parallel_loop3A_807 = tpu.memref_slice %arg10[%parallel_loop3A_454, %parallel_loop3A_805, %parallel_loop3A_806] : memref<2x128x64xf32, #tpu.memory_space<vmem>> -> memref<1x128x64xf32, #tpu.memory_space<vmem>>
      %parallel_loop3A_808 = tpu.memref_squeeze %parallel_loop3A_807 : memref<1x128x64xf32, #tpu.memory_space<vmem>> -> memref<128x64xf32, #tpu.memory_space<vmem>>
      %parallel_loop3A_809 = arith.index_cast %parallel_loop3A_744 : i32 to index
      %parallel_loop3A_810 = arith.constant 32 : index
      %parallel_loop3A_811 = tpu.vector_load %parallel_loop3A_808[%parallel_loop3A_809, %parallel_loop3A_810] {strides = array<i32>} : memref<128x64xf32, #tpu.memory_space<vmem>>, vector<1x16xf32>,
      %parallel_loop3A_812 = vector.shape_cast %parallel_loop3A_811 : vector<1x16xf32> to vector<16xf32>
      %parallel_loop3A_813 = arith.addf %parallel_loop3A_804, %parallel_loop3A_812 : vector<16xf32>
      %parallel_loop3A_814 = arith.constant 0 : i32
      %parallel_loop3A_815 = arith.constant 0 : i32
      %parallel_loop3A_816 = tpu.memref_slice %arg11[%parallel_loop3A_455, %parallel_loop3A_814, %parallel_loop3A_815] : memref<2x128x64xf32, #tpu.memory_space<vmem>> -> memref<1x128x64xf32, #tpu.memory_space<vmem>>
      %parallel_loop3A_817 = tpu.memref_squeeze %parallel_loop3A_816 : memref<1x128x64xf32, #tpu.memory_space<vmem>> -> memref<128x64xf32, #tpu.memory_space<vmem>>
      %parallel_loop3A_818 = arith.index_cast %parallel_loop3A_744 : i32 to index
      %parallel_loop3A_819 = arith.constant 32 : index
      %parallel_loop3A_820 = tpu.vector_load %parallel_loop3A_817[%parallel_loop3A_818, %parallel_loop3A_819] {strides = array<i32>} : memref<128x64xf32, #tpu.memory_space<vmem>>, vector<1x16xf32>,
      %parallel_loop3A_821 = vector.shape_cast %parallel_loop3A_820 : vector<1x16xf32> to vector<16xf32>
      %parallel_loop3A_822 = vector.shape_cast %parallel_loop3A_813 : vector<16xf32> to vector<1x16xf32>
      tpu.vector_store %parallel_loop3A_817[%parallel_loop3A_818, %parallel_loop3A_819], %parallel_loop3A_822 {strides = array<i32>} : memref<128x64xf32, #tpu.memory_space<vmem>>, vector<1x16xf32>,
      %parallel_loop3A_823 = arith.constant 0 : i32
      %parallel_loop3A_824 = arith.constant 0 : i32
      %parallel_loop3A_825 = tpu.memref_slice %arg9[%parallel_loop3A_453, %parallel_loop3A_823, %parallel_loop3A_824] : memref<2x128x64xf32, #tpu.memory_space<vmem>> -> memref<1x128x64xf32, #tpu.memory_space<vmem>>
      %parallel_loop3A_826 = tpu.memref_squeeze %parallel_loop3A_825 : memref<1x128x64xf32, #tpu.memory_space<vmem>> -> memref<128x64xf32, #tpu.memory_space<vmem>>
      %parallel_loop3A_827 = arith.index_cast %parallel_loop3A_744 : i32 to index
      %parallel_loop3A_828 = arith.constant 48 : index
      %parallel_loop3A_829 = tpu.vector_load %parallel_loop3A_826[%parallel_loop3A_827, %parallel_loop3A_828] {strides = array<i32>} : memref<128x64xf32, #tpu.memory_space<vmem>>, vector<1x16xf32>,
      %parallel_loop3A_830 = vector.shape_cast %parallel_loop3A_829 : vector<1x16xf32> to vector<16xf32>
      %parallel_loop3A_831 = arith.constant 0 : i32
      %parallel_loop3A_832 = arith.constant 0 : i32
      %parallel_loop3A_833 = tpu.memref_slice %arg10[%parallel_loop3A_454, %parallel_loop3A_831, %parallel_loop3A_832] : memref<2x128x64xf32, #tpu.memory_space<vmem>> -> memref<1x128x64xf32, #tpu.memory_space<vmem>>
      %parallel_loop3A_834 = tpu.memref_squeeze %parallel_loop3A_833 : memref<1x128x64xf32, #tpu.memory_space<vmem>> -> memref<128x64xf32, #tpu.memory_space<vmem>>
      %parallel_loop3A_835 = arith.index_cast %parallel_loop3A_744 : i32 to index
      %parallel_loop3A_836 = arith.constant 48 : index
      %parallel_loop3A_837 = tpu.vector_load %parallel_loop3A_834[%parallel_loop3A_835, %parallel_loop3A_836] {strides = array<i32>} : memref<128x64xf32, #tpu.memory_space<vmem>>, vector<1x16xf32>,
      %parallel_loop3A_838 = vector.shape_cast %parallel_loop3A_837 : vector<1x16xf32> to vector<16xf32>
      %parallel_loop3A_839 = arith.addf %parallel_loop3A_830, %parallel_loop3A_838 : vector<16xf32>
      %parallel_loop3A_840 = arith.constant 0 : i32
      %parallel_loop3A_841 = arith.constant 0 : i32
      %parallel_loop3A_842 = tpu.memref_slice %arg11[%parallel_loop3A_455, %parallel_loop3A_840, %parallel_loop3A_841] : memref<2x128x64xf32, #tpu.memory_space<vmem>> -> memref<1x128x64xf32, #tpu.memory_space<vmem>>
      %parallel_loop3A_843 = tpu.memref_squeeze %parallel_loop3A_842 : memref<1x128x64xf32, #tpu.memory_space<vmem>> -> memref<128x64xf32, #tpu.memory_space<vmem>>
      %parallel_loop3A_844 = arith.index_cast %parallel_loop3A_744 : i32 to index
      %parallel_loop3A_845 = arith.constant 48 : index
      %parallel_loop3A_846 = tpu.vector_load %parallel_loop3A_843[%parallel_loop3A_844, %parallel_loop3A_845] {strides = array<i32>} : memref<128x64xf32, #tpu.memory_space<vmem>>, vector<1x16xf32>,
      %parallel_loop3A_847 = vector.shape_cast %parallel_loop3A_846 : vector<1x16xf32> to vector<16xf32>
      %parallel_loop3A_848 = vector.shape_cast %parallel_loop3A_839 : vector<16xf32> to vector<1x16xf32>
      tpu.vector_store %parallel_loop3A_843[%parallel_loop3A_844, %parallel_loop3A_845], %parallel_loop3A_848 {strides = array<i32>} : memref<128x64xf32, #tpu.memory_space<vmem>>, vector<1x16xf32>,
    } {sc.loop_unroll_factor = 4 : i64, sc.parallel_access}
    %add3A_456 = arith.constant 3 : i32
    %add3A_457 = arith.addi %mul3A_2, %add3A_456 : i32
    %min3A_458 = arith.constant 6399 : i32
    %min3A_459 = arith.minsi %add3A_457, %min3A_458 : i32
    %dma_wait3A_460 = arith.constant 3 : i32
    %dma_wait3A_461 = arith.constant 0 : i32
    %dma_wait3A_462 = tpu.memref_slice %arg7[%dma_wait3A_460, %dma_wait3A_461] : memref<4x128xi32, #tpu.memory_space<vmem>> -> memref<1x128xi32, #tpu.memory_space<vmem>>
    %dma_wait3A_463 = tpu.memref_squeeze %dma_wait3A_462 : memref<1x128xi32, #tpu.memory_space<vmem>> -> memref<128xi32, #tpu.memory_space<vmem>>
    %dma_wait3A_464 = arith.constant 0 : i32
    %dma_wait3A_465 = tpu.memref_slice %arg2[%min3A_459, %dma_wait3A_464] : memref<6400x128xi32, #tpu.memory_space<hbm>> -> memref<1x128xi32, #tpu.memory_space<hbm>>
    %dma_wait3A_466 = tpu.memref_squeeze %dma_wait3A_465 : memref<1x128xi32, #tpu.memory_space<hbm>> -> memref<128xi32, #tpu.memory_space<hbm>>
    %dma_wait3A_467 = arith.constant 0 : i32
    %dma_wait3A_468 = tpu.memref_slice %arg7[%dma_wait3A_460, %dma_wait3A_467] : memref<4x128xi32, #tpu.memory_space<vmem>> -> memref<1x128xi32, #tpu.memory_space<vmem>>
    %dma_wait3A_469 = tpu.memref_squeeze %dma_wait3A_468 : memref<1x128xi32, #tpu.memory_space<vmem>> -> memref<128xi32, #tpu.memory_space<vmem>>
    %dma_wait3A_470 = arith.constant 0 : i32
    %dma_wait3A_471 = tpu.memref_slice %arg2[%min3A_459, %dma_wait3A_470] : memref<6400x128xi32, #tpu.memory_space<hbm>> -> memref<1x128xi32, #tpu.memory_space<hbm>>
    %dma_wait3A_472 = tpu.memref_squeeze %dma_wait3A_471 : memref<1x128xi32, #tpu.memory_space<hbm>> -> memref<128xi32, #tpu.memory_space<hbm>>
    tpu.wait_dma2 semaphore(%arg16 : memref<!tpu.dma_semaphore, #tpu.memory_space<semaphore_mem>>) src(%dma_wait3A_472 : memref<128xi32, #tpu.memory_space<hbm>>) dst(%dma_wait3A_469 : memref<128xi32, #tpu.memory_space<vmem>>)
    %add3A_473 = arith.constant 3 : i32
    %add3A_474 = arith.addi %mul3A_2, %add3A_473 : i32
    %min3A_475 = arith.constant 6399 : i32
    %min3A_476 = arith.minsi %add3A_474, %min3A_475 : i32
    %dma_wait3A_477 = arith.constant 3 : i32
    %dma_wait3A_478 = arith.constant 0 : i32
    %dma_wait3A_479 = tpu.memref_slice %arg8[%dma_wait3A_477, %dma_wait3A_478] : memref<4x128xi32, #tpu.memory_space<vmem>> -> memref<1x128xi32, #tpu.memory_space<vmem>>
    %dma_wait3A_480 = tpu.memref_squeeze %dma_wait3A_479 : memref<1x128xi32, #tpu.memory_space<vmem>> -> memref<128xi32, #tpu.memory_space<vmem>>
    %dma_wait3A_481 = arith.constant 0 : i32
    %dma_wait3A_482 = tpu.memref_slice %arg3[%min3A_476, %dma_wait3A_481] : memref<6400x128xi32, #tpu.memory_space<hbm>> -> memref<1x128xi32, #tpu.memory_space<hbm>>
    %dma_wait3A_483 = tpu.memref_squeeze %dma_wait3A_482 : memref<1x128xi32, #tpu.memory_space<hbm>> -> memref<128xi32, #tpu.memory_space<hbm>>
    %dma_wait3A_484 = arith.constant 0 : i32
    %dma_wait3A_485 = tpu.memref_slice %arg8[%dma_wait3A_477, %dma_wait3A_484] : memref<4x128xi32, #tpu.memory_space<vmem>> -> memref<1x128xi32, #tpu.memory_space<vmem>>
    %dma_wait3A_486 = tpu.memref_squeeze %dma_wait3A_485 : memref<1x128xi32, #tpu.memory_space<vmem>> -> memref<128xi32, #tpu.memory_space<vmem>>
    %dma_wait3A_487 = arith.constant 0 : i32
    %dma_wait3A_488 = tpu.memref_slice %arg3[%min3A_476, %dma_wait3A_487] : memref<6400x128xi32, #tpu.memory_space<hbm>> -> memref<1x128xi32, #tpu.memory_space<hbm>>
    %dma_wait3A_489 = tpu.memref_squeeze %dma_wait3A_488 : memref<1x128xi32, #tpu.memory_space<hbm>> -> memref<128xi32, #tpu.memory_space<hbm>>
    tpu.wait_dma2 semaphore(%arg16 : memref<!tpu.dma_semaphore, #tpu.memory_space<semaphore_mem>>) src(%dma_wait3A_489 : memref<128xi32, #tpu.memory_space<hbm>>) dst(%dma_wait3A_486 : memref<128xi32, #tpu.memory_space<vmem>>)
    %dma_start3A_490 = arith.constant 3 : i32
    %dma_start3A_491 = arith.constant 1 : i32
    %dma_start3A_492 = arith.constant 0 : i32
    %dma_start3A_493 = arith.constant 0 : i32
    %dma_start3A_494 = tpu.memref_slice %arg9[%dma_start3A_491, %dma_start3A_492, %dma_start3A_493] : memref<2x128x64xf32, #tpu.memory_space<vmem>> -> memref<1x128x64xf32, #tpu.memory_space<vmem>>
    %dma_start3A_495 = tpu.memref_squeeze %dma_start3A_494 : memref<1x128x64xf32, #tpu.memory_space<vmem>> -> memref<128x64xf32, #tpu.memory_space<vmem>>
    %dma_start3A_496 = arith.constant 0 : i32
    %dma_start3A_497 = tpu.memref_slice %arg7[%dma_start3A_490, %dma_start3A_496] : memref<4x128xi32, #tpu.memory_space<vmem>> -> memref<1x128xi32, #tpu.memory_space<vmem>>
    %dma_start3A_498 = tpu.memref_squeeze %dma_start3A_497 : memref<1x128xi32, #tpu.memory_space<vmem>> -> memref<128xi32, #tpu.memory_space<vmem>>
    %dma_start3A_499 = arith.constant 0 : i32
    %dma_start3A_500 = arith.constant 0 : i32
    %dma_start3A_501 = tpu.memref_slice %arg4[%dma_start3A_499, %dma_start3A_500] : memref<100000x64xf32, #tpu.memory_space<hbm>> -> memref<100000x64xf32, #tpu.memory_space<hbm>>
    tpu.enqueue_indirect_dma source(%dma_start3A_501 : memref<100000x64xf32, #tpu.memory_space<hbm>>) target(%dma_start3A_495 : memref<128x64xf32, #tpu.memory_space<vmem>>) offsets(%dma_start3A_498 : memref<128xi32, #tpu.memory_space<vmem>>) semaphore(%arg18 : memref<!tpu.dma_semaphore, #tpu.memory_space<semaphore_mem>>)
    %dma_start3A_502 = arith.constant 3 : i32
    %dma_start3A_503 = arith.constant 1 : i32
    %dma_start3A_504 = arith.constant 0 : i32
    %dma_start3A_505 = arith.constant 0 : i32
    %dma_start3A_506 = tpu.memref_slice %arg10[%dma_start3A_503, %dma_start3A_504, %dma_start3A_505] : memref<2x128x64xf32, #tpu.memory_space<vmem>> -> memref<1x128x64xf32, #tpu.memory_space<vmem>>
    %dma_start3A_507 = tpu.memref_squeeze %dma_start3A_506 : memref<1x128x64xf32, #tpu.memory_space<vmem>> -> memref<128x64xf32, #tpu.memory_space<vmem>>
    %dma_start3A_508 = arith.constant 0 : i32
    %dma_start3A_509 = tpu.memref_slice %arg8[%dma_start3A_502, %dma_start3A_508] : memref<4x128xi32, #tpu.memory_space<vmem>> -> memref<1x128xi32, #tpu.memory_space<vmem>>
    %dma_start3A_510 = tpu.memref_squeeze %dma_start3A_509 : memref<1x128xi32, #tpu.memory_space<vmem>> -> memref<128xi32, #tpu.memory_space<vmem>>
    %dma_start3A_511 = arith.constant 0 : i32
    %dma_start3A_512 = arith.constant 0 : i32
    %dma_start3A_513 = tpu.memref_slice %arg12[%dma_start3A_511, %dma_start3A_512] : memref<10000x64xf32, #tpu.memory_space<vmem_shared>> -> memref<10000x64xf32, #tpu.memory_space<vmem_shared>>
    tpu.enqueue_indirect_dma source(%dma_start3A_513 : memref<10000x64xf32, #tpu.memory_space<vmem_shared>>) target(%dma_start3A_507 : memref<128x64xf32, #tpu.memory_space<vmem>>) offsets(%dma_start3A_510 : memref<128xi32, #tpu.memory_space<vmem>>) semaphore(%arg20 : memref<!tpu.dma_semaphore, #tpu.memory_space<semaphore_mem>>)
    %add3A_514 = arith.constant 128 : i32
    %add3A_515 = arith.addi %mul3A_4, %add3A_514 : i32
    %dma_start3A_516 = arith.constant 1 : i32
    %dma_start3A_517 = arith.constant 0 : i32
    %dma_start3A_518 = arith.constant 0 : i32
    %dma_start3A_519 = tpu.memref_slice %arg11[%dma_start3A_516, %dma_start3A_517, %dma_start3A_518] : memref<2x128x64xf32, #tpu.memory_space<vmem>> -> memref<1x128x64xf32, #tpu.memory_space<vmem>>
    %dma_start3A_520 = tpu.memref_squeeze %dma_start3A_519 : memref<1x128x64xf32, #tpu.memory_space<vmem>> -> memref<128x64xf32, #tpu.memory_space<vmem>>
    %dma_start3A_521 = arith.constant 0 : i32
    %dma_start3A_522 = tpu.memref_slice %arg6[%add3A_515, %dma_start3A_521] : memref<819200x64xf32, #tpu.memory_space<hbm>> -> memref<128x64xf32, #tpu.memory_space<hbm>>
    %dma_start3A_523 = arith.constant 0 : i32
    %dma_start3A_524 = tpu.memref_slice %arg6[%add3A_515, %dma_start3A_523] : memref<819200x64xf32, #tpu.memory_space<hbm>> -> memref<128x64xf32, #tpu.memory_space<hbm>>
    %dma_start3A_525 = arith.constant 0 : i32
    %dma_start3A_526 = arith.constant 0 : i32
    %dma_start3A_527 = tpu.memref_slice %arg11[%dma_start3A_516, %dma_start3A_525, %dma_start3A_526] : memref<2x128x64xf32, #tpu.memory_space<vmem>> -> memref<1x128x64xf32, #tpu.memory_space<vmem>>
    %dma_start3A_528 = tpu.memref_squeeze %dma_start3A_527 : memref<1x128x64xf32, #tpu.memory_space<vmem>> -> memref<128x64xf32, #tpu.memory_space<vmem>>
    tpu.enqueue_dma source(%dma_start3A_528 : memref<128x64xf32, #tpu.memory_space<vmem>>) target(%dma_start3A_524 : memref<128x64xf32, #tpu.memory_space<hbm>>) target_semaphore(%arg22 : memref<!tpu.dma_semaphore, #tpu.memory_space<semaphore_mem>>)
    %scan3A = arith.constant 0 : i32
    %scan3A_529 = arith.constant 0 : i32
    %scan3A_530 = arith.constant 49 : i32
    %scan3A_531 = arith.addi %scan3A_529, %scan3A_530 : i32
    %scan3A_532 = arith.constant 1 : i32
    scf.for %scan3A_744 = %scan3A_529 to %scan3A_531 step %scan3A_532  : i32 {
      %mul3A_745 = arith.constant 4 : i32
      %mul3A_746 = arith.muli %mul3A_745, %scan3A_744 : i32
      %add3A_747 = arith.constant 2 : i32
      %add3A_748 = arith.addi %mul3A_746, %add3A_747 : i32
      %dma_wait3A_749 = arith.constant 2 : i32
      %dma_wait3A_750 = arith.constant 0 : i32
      %dma_wait3A_751 = arith.constant 0 : i32
      %dma_wait3A_752 = arith.constant 0 : i32
      %dma_wait3A_753 = tpu.memref_slice %arg9[%dma_wait3A_750, %dma_wait3A_751, %dma_wait3A_752] : memref<2x128x64xf32, #tpu.memory_space<vmem>> -> memref<1x128x64xf32, #tpu.memory_space<vmem>>
      %dma_wait3A_754 = tpu.memref_squeeze %dma_wait3A_753 : memref<1x128x64xf32, #tpu.memory_space<vmem>> -> memref<128x64xf32, #tpu.memory_space<vmem>>
      %dma_wait3A_755 = arith.constant 0 : i32
      %dma_wait3A_756 = tpu.memref_slice %arg7[%dma_wait3A_749, %dma_wait3A_755] : memref<4x128xi32, #tpu.memory_space<vmem>> -> memref<1x128xi32, #tpu.memory_space<vmem>>
      %dma_wait3A_757 = tpu.memref_squeeze %dma_wait3A_756 : memref<1x128xi32, #tpu.memory_space<vmem>> -> memref<128xi32, #tpu.memory_space<vmem>>
      %dma_wait3A_758 = arith.constant 0 : i32
      %dma_wait3A_759 = arith.constant 0 : i32
      %dma_wait3A_760 = tpu.memref_slice %arg4[%dma_wait3A_758, %dma_wait3A_759] : memref<100000x64xf32, #tpu.memory_space<hbm>> -> memref<100000x64xf32, #tpu.memory_space<hbm>>
      tpu.wait_indirect_dma semaphore(%arg17 : memref<!tpu.dma_semaphore, #tpu.memory_space<semaphore_mem>>) src(%dma_wait3A_760 : memref<100000x64xf32, #tpu.memory_space<hbm>>) dst(%dma_wait3A_754 : memref<128x64xf32, #tpu.memory_space<vmem>>)
      %dma_wait3A_761 = arith.constant 2 : i32
      %dma_wait3A_762 = arith.constant 0 : i32
      %dma_wait3A_763 = arith.constant 0 : i32
      %dma_wait3A_764 = arith.constant 0 : i32
      %dma_wait3A_765 = tpu.memref_slice %arg10[%dma_wait3A_762, %dma_wait3A_763, %dma_wait3A_764] : memref<2x128x64xf32, #tpu.memory_space<vmem>> -> memref<1x128x64xf32, #tpu.memory_space<vmem>>
      %dma_wait3A_766 = tpu.memref_squeeze %dma_wait3A_765 : memref<1x128x64xf32, #tpu.memory_space<vmem>> -> memref<128x64xf32, #tpu.memory_space<vmem>>
      %dma_wait3A_767 = arith.constant 0 : i32
      %dma_wait3A_768 = tpu.memref_slice %arg8[%dma_wait3A_761, %dma_wait3A_767] : memref<4x128xi32, #tpu.memory_space<vmem>> -> memref<1x128xi32, #tpu.memory_space<vmem>>
      %dma_wait3A_769 = tpu.memref_squeeze %dma_wait3A_768 : memref<1x128xi32, #tpu.memory_space<vmem>> -> memref<128xi32, #tpu.memory_space<vmem>>
      %dma_wait3A_770 = arith.constant 0 : i32
      %dma_wait3A_771 = arith.constant 0 : i32
      %dma_wait3A_772 = tpu.memref_slice %arg12[%dma_wait3A_770, %dma_wait3A_771] : memref<10000x64xf32, #tpu.memory_space<vmem_shared>> -> memref<10000x64xf32, #tpu.memory_space<vmem_shared>>
      tpu.wait_indirect_dma semaphore(%arg19 : memref<!tpu.dma_semaphore, #tpu.memory_space<semaphore_mem>>) src(%dma_wait3A_772 : memref<10000x64xf32, #tpu.memory_space<vmem_shared>>) dst(%dma_wait3A_766 : memref<128x64xf32, #tpu.memory_space<vmem>>)
      %add3A_773 = arith.constant 4 : i32
      %add3A_774 = arith.addi %add3A_748, %add3A_773 : i32
      %add3A_775 = arith.addi %mul3A_2, %add3A_774 : i32
      %min3A_776 = arith.constant 6399 : i32
      %min3A_777 = arith.minsi %add3A_775, %min3A_776 : i32
      %dma_start3A_778 = arith.constant 2 : i32
      %dma_start3A_779 = arith.constant 0 : i32
      %dma_start3A_780 = tpu.memref_slice %arg7[%dma_start3A_778, %dma_start3A_779] : memref<4x128xi32, #tpu.memory_space<vmem>> -> memref<1x128xi32, #tpu.memory_space<vmem>>
      %dma_start3A_781 = tpu.memref_squeeze %dma_start3A_780 : memref<1x128xi32, #tpu.memory_space<vmem>> -> memref<128xi32, #tpu.memory_space<vmem>>
      %dma_start3A_782 = arith.constant 0 : i32
      %dma_start3A_783 = tpu.memref_slice %arg2[%min3A_777, %dma_start3A_782] : memref<6400x128xi32, #tpu.memory_space<hbm>> -> memref<1x128xi32, #tpu.memory_space<hbm>>
      %dma_start3A_784 = tpu.memref_squeeze %dma_start3A_783 : memref<1x128xi32, #tpu.memory_space<hbm>> -> memref<128xi32, #tpu.memory_space<hbm>>
      %dma_start3A_785 = arith.constant 0 : i32
      %dma_start3A_786 = tpu.memref_slice %arg7[%dma_start3A_778, %dma_start3A_785] : memref<4x128xi32, #tpu.memory_space<vmem>> -> memref<1x128xi32, #tpu.memory_space<vmem>>
      %dma_start3A_787 = tpu.memref_squeeze %dma_start3A_786 : memref<1x128xi32, #tpu.memory_space<vmem>> -> memref<128xi32, #tpu.memory_space<vmem>>
      %dma_start3A_788 = arith.constant 0 : i32
      %dma_start3A_789 = tpu.memref_slice %arg2[%min3A_777, %dma_start3A_788] : memref<6400x128xi32, #tpu.memory_space<hbm>> -> memref<1x128xi32, #tpu.memory_space<hbm>>
      %dma_start3A_790 = tpu.memref_squeeze %dma_start3A_789 : memref<1x128xi32, #tpu.memory_space<hbm>> -> memref<128xi32, #tpu.memory_space<hbm>>
      tpu.enqueue_dma source(%dma_start3A_790 : memref<128xi32, #tpu.memory_space<hbm>>) target(%dma_start3A_787 : memref<128xi32, #tpu.memory_space<vmem>>) target_semaphore(%arg15 : memref<!tpu.dma_semaphore, #tpu.memory_space<semaphore_mem>>)
      %add3A_791 = arith.addi %mul3A_2, %add3A_774 : i32
      %min3A_792 = arith.constant 6399 : i32
      %min3A_793 = arith.minsi %add3A_791, %min3A_792 : i32
      %dma_start3A_794 = arith.constant 2 : i32
      %dma_start3A_795 = arith.constant 0 : i32
      %dma_start3A_796 = tpu.memref_slice %arg8[%dma_start3A_794, %dma_start3A_795] : memref<4x128xi32, #tpu.memory_space<vmem>> -> memref<1x128xi32, #tpu.memory_space<vmem>>
      %dma_start3A_797 = tpu.memref_squeeze %dma_start3A_796 : memref<1x128xi32, #tpu.memory_space<vmem>> -> memref<128xi32, #tpu.memory_space<vmem>>
      %dma_start3A_798 = arith.constant 0 : i32
      %dma_start3A_799 = tpu.memref_slice %arg3[%min3A_793, %dma_start3A_798] : memref<6400x128xi32, #tpu.memory_space<hbm>> -> memref<1x128xi32, #tpu.memory_space<hbm>>
      %dma_start3A_800 = tpu.memref_squeeze %dma_start3A_799 : memref<1x128xi32, #tpu.memory_space<hbm>> -> memref<128xi32, #tpu.memory_space<hbm>>
      %dma_start3A_801 = arith.constant 0 : i32
      %dma_start3A_802 = tpu.memref_slice %arg8[%dma_start3A_794, %dma_start3A_801] : memref<4x128xi32, #tpu.memory_space<vmem>> -> memref<1x128xi32, #tpu.memory_space<vmem>>
      %dma_start3A_803 = tpu.memref_squeeze %dma_start3A_802 : memref<1x128xi32, #tpu.memory_space<vmem>> -> memref<128xi32, #tpu.memory_space<vmem>>
      %dma_start3A_804 = arith.constant 0 : i32
      %dma_start3A_805 = tpu.memref_slice %arg3[%min3A_793, %dma_start3A_804] : memref<6400x128xi32, #tpu.memory_space<hbm>> -> memref<1x128xi32, #tpu.memory_space<hbm>>
      %dma_start3A_806 = tpu.memref_squeeze %dma_start3A_805 : memref<1x128xi32, #tpu.memory_space<hbm>> -> memref<128xi32, #tpu.memory_space<hbm>>
      tpu.enqueue_dma source(%dma_start3A_806 : memref<128xi32, #tpu.memory_space<hbm>>) target(%dma_start3A_803 : memref<128xi32, #tpu.memory_space<vmem>>) target_semaphore(%arg15 : memref<!tpu.dma_semaphore, #tpu.memory_space<semaphore_mem>>)
      %dma_wait3A_807 = arith.constant 0 : i32
      %dma_wait3A_808 = arith.constant 0 : i32
      %dma_wait3A_809 = arith.constant 0 : i32
      %dma_wait3A_810 = tpu.memref_slice %arg11[%dma_wait3A_807, %dma_wait3A_808, %dma_wait3A_809] : memref<2x128x64xf32, #tpu.memory_space<vmem>> -> memref<1x128x64xf32, #tpu.memory_space<vmem>>
      %dma_wait3A_811 = tpu.memref_squeeze %dma_wait3A_810 : memref<1x128x64xf32, #tpu.memory_space<vmem>> -> memref<128x64xf32, #tpu.memory_space<vmem>>
      %dma_wait3A_812 = arith.constant 0 : i32
      %dma_wait3A_813 = tpu.memref_slice %arg6[%mul3A_4, %dma_wait3A_812] : memref<819200x64xf32, #tpu.memory_space<hbm>> -> memref<128x64xf32, #tpu.memory_space<hbm>>
      %dma_wait3A_814 = arith.constant 0 : i32
      %dma_wait3A_815 = tpu.memref_slice %arg6[%mul3A_4, %dma_wait3A_814] : memref<819200x64xf32, #tpu.memory_space<hbm>> -> memref<128x64xf32, #tpu.memory_space<hbm>>
      %dma_wait3A_816 = arith.constant 0 : i32
      %dma_wait3A_817 = arith.constant 0 : i32
      %dma_wait3A_818 = tpu.memref_slice %arg11[%dma_wait3A_807, %dma_wait3A_816, %dma_wait3A_817] : memref<2x128x64xf32, #tpu.memory_space<vmem>> -> memref<1x128x64xf32, #tpu.memory_space<vmem>>
      %dma_wait3A_819 = tpu.memref_squeeze %dma_wait3A_818 : memref<1x128x64xf32, #tpu.memory_space<vmem>> -> memref<128x64xf32, #tpu.memory_space<vmem>>
      tpu.wait_dma2 semaphore(%arg21 : memref<!tpu.dma_semaphore, #tpu.memory_space<semaphore_mem>>) src(%dma_wait3A_819 : memref<128x64xf32, #tpu.memory_space<vmem>>) dst(%dma_wait3A_815 : memref<128x64xf32, #tpu.memory_space<hbm>>)
      %parallel_loop3A_820 = arith.constant 0 : i32
      %parallel_loop3A_821 = arith.constant 128 : i32
      %parallel_loop3A_822 = arith.constant 1 : i32
      %parallel_loop3A_823 = arith.constant 0 : i32
      %parallel_loop3A_824 = arith.constant 0 : i32
      %parallel_loop3A_825 = arith.constant 0 : i32
      scf.for %parallel_loop3A_1359 = %parallel_loop3A_820 to %parallel_loop3A_821 step %parallel_loop3A_822  : i32 {
        %parallel_loop3A_1360 = arith.constant 0 : i32
        %parallel_loop3A_1361 = arith.constant 0 : i32
        %parallel_loop3A_1362 = tpu.memref_slice %arg9[%parallel_loop3A_823, %parallel_loop3A_1360, %parallel_loop3A_1361] : memref<2x128x64xf32, #tpu.memory_space<vmem>> -> memref<1x128x64xf32, #tpu.memory_space<vmem>>
        %parallel_loop3A_1363 = tpu.memref_squeeze %parallel_loop3A_1362 : memref<1x128x64xf32, #tpu.memory_space<vmem>> -> memref<128x64xf32, #tpu.memory_space<vmem>>
        %parallel_loop3A_1364 = arith.index_cast %parallel_loop3A_1359 : i32 to index
        %parallel_loop3A_1365 = arith.constant 0 : index
        %parallel_loop3A_1366 = tpu.vector_load %parallel_loop3A_1363[%parallel_loop3A_1364, %parallel_loop3A_1365] {strides = array<i32>} : memref<128x64xf32, #tpu.memory_space<vmem>>, vector<1x16xf32>,
        %parallel_loop3A_1367 = vector.shape_cast %parallel_loop3A_1366 : vector<1x16xf32> to vector<16xf32>
        %parallel_loop3A_1368 = arith.constant 0 : i32
        %parallel_loop3A_1369 = arith.constant 0 : i32
        %parallel_loop3A_1370 = tpu.memref_slice %arg10[%parallel_loop3A_824, %parallel_loop3A_1368, %parallel_loop3A_1369] : memref<2x128x64xf32, #tpu.memory_space<vmem>> -> memref<1x128x64xf32, #tpu.memory_space<vmem>>
        %parallel_loop3A_1371 = tpu.memref_squeeze %parallel_loop3A_1370 : memref<1x128x64xf32, #tpu.memory_space<vmem>> -> memref<128x64xf32, #tpu.memory_space<vmem>>
        %parallel_loop3A_1372 = arith.index_cast %parallel_loop3A_1359 : i32 to index
        %parallel_loop3A_1373 = arith.constant 0 : index
        %parallel_loop3A_1374 = tpu.vector_load %parallel_loop3A_1371[%parallel_loop3A_1372, %parallel_loop3A_1373] {strides = array<i32>} : memref<128x64xf32, #tpu.memory_space<vmem>>, vector<1x16xf32>,
        %parallel_loop3A_1375 = vector.shape_cast %parallel_loop3A_1374 : vector<1x16xf32> to vector<16xf32>
        %parallel_loop3A_1376 = arith.addf %parallel_loop3A_1367, %parallel_loop3A_1375 : vector<16xf32>
        %parallel_loop3A_1377 = arith.constant 0 : i32
        %parallel_loop3A_1378 = arith.constant 0 : i32
        %parallel_loop3A_1379 = tpu.memref_slice %arg11[%parallel_loop3A_825, %parallel_loop3A_1377, %parallel_loop3A_1378] : memref<2x128x64xf32, #tpu.memory_space<vmem>> -> memref<1x128x64xf32, #tpu.memory_space<vmem>>
        %parallel_loop3A_1380 = tpu.memref_squeeze %parallel_loop3A_1379 : memref<1x128x64xf32, #tpu.memory_space<vmem>> -> memref<128x64xf32, #tpu.memory_space<vmem>>
        %parallel_loop3A_1381 = arith.index_cast %parallel_loop3A_1359 : i32 to index
        %parallel_loop3A_1382 = arith.constant 0 : index
        %parallel_loop3A_1383 = tpu.vector_load %parallel_loop3A_1380[%parallel_loop3A_1381, %parallel_loop3A_1382] {strides = array<i32>} : memref<128x64xf32, #tpu.memory_space<vmem>>, vector<1x16xf32>,
        %parallel_loop3A_1384 = vector.shape_cast %parallel_loop3A_1383 : vector<1x16xf32> to vector<16xf32>
        %parallel_loop3A_1385 = vector.shape_cast %parallel_loop3A_1376 : vector<16xf32> to vector<1x16xf32>
        tpu.vector_store %parallel_loop3A_1380[%parallel_loop3A_1381, %parallel_loop3A_1382], %parallel_loop3A_1385 {strides = array<i32>} : memref<128x64xf32, #tpu.memory_space<vmem>>, vector<1x16xf32>,
        %parallel_loop3A_1386 = arith.constant 0 : i32
        %parallel_loop3A_1387 = arith.constant 0 : i32
        %parallel_loop3A_1388 = tpu.memref_slice %arg9[%parallel_loop3A_823, %parallel_loop3A_1386, %parallel_loop3A_1387] : memref<2x128x64xf32, #tpu.memory_space<vmem>> -> memref<1x128x64xf32, #tpu.memory_space<vmem>>
        %parallel_loop3A_1389 = tpu.memref_squeeze %parallel_loop3A_1388 : memref<1x128x64xf32, #tpu.memory_space<vmem>> -> memref<128x64xf32, #tpu.memory_space<vmem>>
        %parallel_loop3A_1390 = arith.index_cast %parallel_loop3A_1359 : i32 to index
        %parallel_loop3A_1391 = arith.constant 16 : index
        %parallel_loop3A_1392 = tpu.vector_load %parallel_loop3A_1389[%parallel_loop3A_1390, %parallel_loop3A_1391] {strides = array<i32>} : memref<128x64xf32, #tpu.memory_space<vmem>>, vector<1x16xf32>,
        %parallel_loop3A_1393 = vector.shape_cast %parallel_loop3A_1392 : vector<1x16xf32> to vector<16xf32>
        %parallel_loop3A_1394 = arith.constant 0 : i32
        %parallel_loop3A_1395 = arith.constant 0 : i32
        %parallel_loop3A_1396 = tpu.memref_slice %arg10[%parallel_loop3A_824, %parallel_loop3A_1394, %parallel_loop3A_1395] : memref<2x128x64xf32, #tpu.memory_space<vmem>> -> memref<1x128x64xf32, #tpu.memory_space<vmem>>
        %parallel_loop3A_1397 = tpu.memref_squeeze %parallel_loop3A_1396 : memref<1x128x64xf32, #tpu.memory_space<vmem>> -> memref<128x64xf32, #tpu.memory_space<vmem>>
        %parallel_loop3A_1398 = arith.index_cast %parallel_loop3A_1359 : i32 to index
        %parallel_loop3A_1399 = arith.constant 16 : index
        %parallel_loop3A_1400 = tpu.vector_load %parallel_loop3A_1397[%parallel_loop3A_1398, %parallel_loop3A_1399] {strides = array<i32>} : memref<128x64xf32, #tpu.memory_space<vmem>>, vector<1x16xf32>,
        %parallel_loop3A_1401 = vector.shape_cast %parallel_loop3A_1400 : vector<1x16xf32> to vector<16xf32>
        %parallel_loop3A_1402 = arith.addf %parallel_loop3A_1393, %parallel_loop3A_1401 : vector<16xf32>
        %parallel_loop3A_1403 = arith.constant 0 : i32
        %parallel_loop3A_1404 = arith.constant 0 : i32
        %parallel_loop3A_1405 = tpu.memref_slice %arg11[%parallel_loop3A_825, %parallel_loop3A_1403, %parallel_loop3A_1404] : memref<2x128x64xf32, #tpu.memory_space<vmem>> -> memref<1x128x64xf32, #tpu.memory_space<vmem>>
        %parallel_loop3A_1406 = tpu.memref_squeeze %parallel_loop3A_1405 : memref<1x128x64xf32, #tpu.memory_space<vmem>> -> memref<128x64xf32, #tpu.memory_space<vmem>>
        %parallel_loop3A_1407 = arith.index_cast %parallel_loop3A_1359 : i32 to index
        %parallel_loop3A_1408 = arith.constant 16 : index
        %parallel_loop3A_1409 = tpu.vector_load %parallel_loop3A_1406[%parallel_loop3A_1407, %parallel_loop3A_1408] {strides = array<i32>} : memref<128x64xf32, #tpu.memory_space<vmem>>, vector<1x16xf32>,
        %parallel_loop3A_1410 = vector.shape_cast %parallel_loop3A_1409 : vector<1x16xf32> to vector<16xf32>
        %parallel_loop3A_1411 = vector.shape_cast %parallel_loop3A_1402 : vector<16xf32> to vector<1x16xf32>
        tpu.vector_store %parallel_loop3A_1406[%parallel_loop3A_1407, %parallel_loop3A_1408], %parallel_loop3A_1411 {strides = array<i32>} : memref<128x64xf32, #tpu.memory_space<vmem>>, vector<1x16xf32>,
        %parallel_loop3A_1412 = arith.constant 0 : i32
        %parallel_loop3A_1413 = arith.constant 0 : i32
        %parallel_loop3A_1414 = tpu.memref_slice %arg9[%parallel_loop3A_823, %parallel_loop3A_1412, %parallel_loop3A_1413] : memref<2x128x64xf32, #tpu.memory_space<vmem>> -> memref<1x128x64xf32, #tpu.memory_space<vmem>>
        %parallel_loop3A_1415 = tpu.memref_squeeze %parallel_loop3A_1414 : memref<1x128x64xf32, #tpu.memory_space<vmem>> -> memref<128x64xf32, #tpu.memory_space<vmem>>
        %parallel_loop3A_1416 = arith.index_cast %parallel_loop3A_1359 : i32 to index
        %parallel_loop3A_1417 = arith.constant 32 : index
        %parallel_loop3A_1418 = tpu.vector_load %parallel_loop3A_1415[%parallel_loop3A_1416, %parallel_loop3A_1417] {strides = array<i32>} : memref<128x64xf32, #tpu.memory_space<vmem>>, vector<1x16xf32>,
        %parallel_loop3A_1419 = vector.shape_cast %parallel_loop3A_1418 : vector<1x16xf32> to vector<16xf32>
        %parallel_loop3A_1420 = arith.constant 0 : i32
        %parallel_loop3A_1421 = arith.constant 0 : i32
        %parallel_loop3A_1422 = tpu.memref_slice %arg10[%parallel_loop3A_824, %parallel_loop3A_1420, %parallel_loop3A_1421] : memref<2x128x64xf32, #tpu.memory_space<vmem>> -> memref<1x128x64xf32, #tpu.memory_space<vmem>>
        %parallel_loop3A_1423 = tpu.memref_squeeze %parallel_loop3A_1422 : memref<1x128x64xf32, #tpu.memory_space<vmem>> -> memref<128x64xf32, #tpu.memory_space<vmem>>
        %parallel_loop3A_1424 = arith.index_cast %parallel_loop3A_1359 : i32 to index
        %parallel_loop3A_1425 = arith.constant 32 : index
        %parallel_loop3A_1426 = tpu.vector_load %parallel_loop3A_1423[%parallel_loop3A_1424, %parallel_loop3A_1425] {strides = array<i32>} : memref<128x64xf32, #tpu.memory_space<vmem>>, vector<1x16xf32>,
        %parallel_loop3A_1427 = vector.shape_cast %parallel_loop3A_1426 : vector<1x16xf32> to vector<16xf32>
        %parallel_loop3A_1428 = arith.addf %parallel_loop3A_1419, %parallel_loop3A_1427 : vector<16xf32>
        %parallel_loop3A_1429 = arith.constant 0 : i32
        %parallel_loop3A_1430 = arith.constant 0 : i32
        %parallel_loop3A_1431 = tpu.memref_slice %arg11[%parallel_loop3A_825, %parallel_loop3A_1429, %parallel_loop3A_1430] : memref<2x128x64xf32, #tpu.memory_space<vmem>> -> memref<1x128x64xf32, #tpu.memory_space<vmem>>
        %parallel_loop3A_1432 = tpu.memref_squeeze %parallel_loop3A_1431 : memref<1x128x64xf32, #tpu.memory_space<vmem>> -> memref<128x64xf32, #tpu.memory_space<vmem>>
        %parallel_loop3A_1433 = arith.index_cast %parallel_loop3A_1359 : i32 to index
        %parallel_loop3A_1434 = arith.constant 32 : index
        %parallel_loop3A_1435 = tpu.vector_load %parallel_loop3A_1432[%parallel_loop3A_1433, %parallel_loop3A_1434] {strides = array<i32>} : memref<128x64xf32, #tpu.memory_space<vmem>>, vector<1x16xf32>,
        %parallel_loop3A_1436 = vector.shape_cast %parallel_loop3A_1435 : vector<1x16xf32> to vector<16xf32>
        %parallel_loop3A_1437 = vector.shape_cast %parallel_loop3A_1428 : vector<16xf32> to vector<1x16xf32>
        tpu.vector_store %parallel_loop3A_1432[%parallel_loop3A_1433, %parallel_loop3A_1434], %parallel_loop3A_1437 {strides = array<i32>} : memref<128x64xf32, #tpu.memory_space<vmem>>, vector<1x16xf32>,
        %parallel_loop3A_1438 = arith.constant 0 : i32
        %parallel_loop3A_1439 = arith.constant 0 : i32
        %parallel_loop3A_1440 = tpu.memref_slice %arg9[%parallel_loop3A_823, %parallel_loop3A_1438, %parallel_loop3A_1439] : memref<2x128x64xf32, #tpu.memory_space<vmem>> -> memref<1x128x64xf32, #tpu.memory_space<vmem>>
        %parallel_loop3A_1441 = tpu.memref_squeeze %parallel_loop3A_1440 : memref<1x128x64xf32, #tpu.memory_space<vmem>> -> memref<128x64xf32, #tpu.memory_space<vmem>>
        %parallel_loop3A_1442 = arith.index_cast %parallel_loop3A_1359 : i32 to index
        %parallel_loop3A_1443 = arith.constant 48 : index
        %parallel_loop3A_1444 = tpu.vector_load %parallel_loop3A_1441[%parallel_loop3A_1442, %parallel_loop3A_1443] {strides = array<i32>} : memref<128x64xf32, #tpu.memory_space<vmem>>, vector<1x16xf32>,
        %parallel_loop3A_1445 = vector.shape_cast %parallel_loop3A_1444 : vector<1x16xf32> to vector<16xf32>
        %parallel_loop3A_1446 = arith.constant 0 : i32
        %parallel_loop3A_1447 = arith.constant 0 : i32
        %parallel_loop3A_1448 = tpu.memref_slice %arg10[%parallel_loop3A_824, %parallel_loop3A_1446, %parallel_loop3A_1447] : memref<2x128x64xf32, #tpu.memory_space<vmem>> -> memref<1x128x64xf32, #tpu.memory_space<vmem>>
        %parallel_loop3A_1449 = tpu.memref_squeeze %parallel_loop3A_1448 : memref<1x128x64xf32, #tpu.memory_space<vmem>> -> memref<128x64xf32, #tpu.memory_space<vmem>>
        %parallel_loop3A_1450 = arith.index_cast %parallel_loop3A_1359 : i32 to index
        %parallel_loop3A_1451 = arith.constant 48 : index
        %parallel_loop3A_1452 = tpu.vector_load %parallel_loop3A_1449[%parallel_loop3A_1450, %parallel_loop3A_1451] {strides = array<i32>} : memref<128x64xf32, #tpu.memory_space<vmem>>, vector<1x16xf32>,
        %parallel_loop3A_1453 = vector.shape_cast %parallel_loop3A_1452 : vector<1x16xf32> to vector<16xf32>
        %parallel_loop3A_1454 = arith.addf %parallel_loop3A_1445, %parallel_loop3A_1453 : vector<16xf32>
        %parallel_loop3A_1455 = arith.constant 0 : i32
        %parallel_loop3A_1456 = arith.constant 0 : i32
        %parallel_loop3A_1457 = tpu.memref_slice %arg11[%parallel_loop3A_825, %parallel_loop3A_1455, %parallel_loop3A_1456] : memref<2x128x64xf32, #tpu.memory_space<vmem>> -> memref<1x128x64xf32, #tpu.memory_space<vmem>>
        %parallel_loop3A_1458 = tpu.memref_squeeze %parallel_loop3A_1457 : memref<1x128x64xf32, #tpu.memory_space<vmem>> -> memref<128x64xf32, #tpu.memory_space<vmem>>
        %parallel_loop3A_1459 = arith.index_cast %parallel_loop3A_1359 : i32 to index
        %parallel_loop3A_1460 = arith.constant 48 : index
        %parallel_loop3A_1461 = tpu.vector_load %parallel_loop3A_1458[%parallel_loop3A_1459, %parallel_loop3A_1460] {strides = array<i32>} : memref<128x64xf32, #tpu.memory_space<vmem>>, vector<1x16xf32>,
        %parallel_loop3A_1462 = vector.shape_cast %parallel_loop3A_1461 : vector<1x16xf32> to vector<16xf32>
        %parallel_loop3A_1463 = vector.shape_cast %parallel_loop3A_1454 : vector<16xf32> to vector<1x16xf32>
        tpu.vector_store %parallel_loop3A_1458[%parallel_loop3A_1459, %parallel_loop3A_1460], %parallel_loop3A_1463 {strides = array<i32>} : memref<128x64xf32, #tpu.memory_space<vmem>>, vector<1x16xf32>,
      } {sc.loop_unroll_factor = 4 : i64, sc.parallel_access}
      %add3A_826 = arith.constant 2 : i32
      %add3A_827 = arith.addi %add3A_748, %add3A_826 : i32
      %add3A_828 = arith.addi %mul3A_2, %add3A_827 : i32
      %min3A_829 = arith.constant 6399 : i32
      %min3A_830 = arith.minsi %add3A_828, %min3A_829 : i32
      %dma_wait3A_831 = arith.constant 0 : i32
      %dma_wait3A_832 = arith.constant 0 : i32
      %dma_wait3A_833 = tpu.memref_slice %arg7[%dma_wait3A_831, %dma_wait3A_832] : memref<4x128xi32, #tpu.memory_space<vmem>> -> memref<1x128xi32, #tpu.memory_space<vmem>>
      %dma_wait3A_834 = tpu.memref_squeeze %dma_wait3A_833 : memref<1x128xi32, #tpu.memory_space<vmem>> -> memref<128xi32, #tpu.memory_space<vmem>>
      %dma_wait3A_835 = arith.constant 0 : i32
      %dma_wait3A_836 = tpu.memref_slice %arg2[%min3A_830, %dma_wait3A_835] : memref<6400x128xi32, #tpu.memory_space<hbm>> -> memref<1x128xi32, #tpu.memory_space<hbm>>
      %dma_wait3A_837 = tpu.memref_squeeze %dma_wait3A_836 : memref<1x128xi32, #tpu.memory_space<hbm>> -> memref<128xi32, #tpu.memory_space<hbm>>
      %dma_wait3A_838 = arith.constant 0 : i32
      %dma_wait3A_839 = tpu.memref_slice %arg7[%dma_wait3A_831, %dma_wait3A_838] : memref<4x128xi32, #tpu.memory_space<vmem>> -> memref<1x128xi32, #tpu.memory_space<vmem>>
      %dma_wait3A_840 = tpu.memref_squeeze %dma_wait3A_839 : memref<1x128xi32, #tpu.memory_space<vmem>> -> memref<128xi32, #tpu.memory_space<vmem>>
      %dma_wait3A_841 = arith.constant 0 : i32
      %dma_wait3A_842 = tpu.memref_slice %arg2[%min3A_830, %dma_wait3A_841] : memref<6400x128xi32, #tpu.memory_space<hbm>> -> memref<1x128xi32, #tpu.memory_space<hbm>>
      %dma_wait3A_843 = tpu.memref_squeeze %dma_wait3A_842 : memref<1x128xi32, #tpu.memory_space<hbm>> -> memref<128xi32, #tpu.memory_space<hbm>>
      tpu.wait_dma2 semaphore(%arg13 : memref<!tpu.dma_semaphore, #tpu.memory_space<semaphore_mem>>) src(%dma_wait3A_843 : memref<128xi32, #tpu.memory_space<hbm>>) dst(%dma_wait3A_840 : memref<128xi32, #tpu.memory_space<vmem>>)
      %add3A_844 = arith.addi %mul3A_2, %add3A_827 : i32
      %min3A_845 = arith.constant 6399 : i32
      %min3A_846 = arith.minsi %add3A_844, %min3A_845 : i32
      %dma_wait3A_847 = arith.constant 0 : i32
      %dma_wait3A_848 = arith.constant 0 : i32
      %dma_wait3A_849 = tpu.memref_slice %arg8[%dma_wait3A_847, %dma_wait3A_848] : memref<4x128xi32, #tpu.memory_space<vmem>> -> memref<1x128xi32, #tpu.memory_space<vmem>>
      %dma_wait3A_850 = tpu.memref_squeeze %dma_wait3A_849 : memref<1x128xi32, #tpu.memory_space<vmem>> -> memref<128xi32, #tpu.memory_space<vmem>>
      %dma_wait3A_851 = arith.constant 0 : i32
      %dma_wait3A_852 = tpu.memref_slice %arg3[%min3A_846, %dma_wait3A_851] : memref<6400x128xi32, #tpu.memory_space<hbm>> -> memref<1x128xi32, #tpu.memory_space<hbm>>
      %dma_wait3A_853 = tpu.memref_squeeze %dma_wait3A_852 : memref<1x128xi32, #tpu.memory_space<hbm>> -> memref<128xi32, #tpu.memory_space<hbm>>
      %dma_wait3A_854 = arith.constant 0 : i32
      %dma_wait3A_855 = tpu.memref_slice %arg8[%dma_wait3A_847, %dma_wait3A_854] : memref<4x128xi32, #tpu.memory_space<vmem>> -> memref<1x128xi32, #tpu.memory_space<vmem>>
      %dma_wait3A_856 = tpu.memref_squeeze %dma_wait3A_855 : memref<1x128xi32, #tpu.memory_space<vmem>> -> memref<128xi32, #tpu.memory_space<vmem>>
      %dma_wait3A_857 = arith.constant 0 : i32
      %dma_wait3A_858 = tpu.memref_slice %arg3[%min3A_846, %dma_wait3A_857] : memref<6400x128xi32, #tpu.memory_space<hbm>> -> memref<1x128xi32, #tpu.memory_space<hbm>>
      %dma_wait3A_859 = tpu.memref_squeeze %dma_wait3A_858 : memref<1x128xi32, #tpu.memory_space<hbm>> -> memref<128xi32, #tpu.memory_space<hbm>>
      tpu.wait_dma2 semaphore(%arg13 : memref<!tpu.dma_semaphore, #tpu.memory_space<semaphore_mem>>) src(%dma_wait3A_859 : memref<128xi32, #tpu.memory_space<hbm>>) dst(%dma_wait3A_856 : memref<128xi32, #tpu.memory_space<vmem>>)
      %dma_start3A_860 = arith.constant 0 : i32
      %dma_start3A_861 = arith.constant 0 : i32
      %dma_start3A_862 = arith.constant 0 : i32
      %dma_start3A_863 = arith.constant 0 : i32
      %dma_start3A_864 = tpu.memref_slice %arg9[%dma_start3A_861, %dma_start3A_862, %dma_start3A_863] : memref<2x128x64xf32, #tpu.memory_space<vmem>> -> memref<1x128x64xf32, #tpu.memory_space<vmem>>
      %dma_start3A_865 = tpu.memref_squeeze %dma_start3A_864 : memref<1x128x64xf32, #tpu.memory_space<vmem>> -> memref<128x64xf32, #tpu.memory_space<vmem>>
      %dma_start3A_866 = arith.constant 0 : i32
      %dma_start3A_867 = tpu.memref_slice %arg7[%dma_start3A_860, %dma_start3A_866] : memref<4x128xi32, #tpu.memory_space<vmem>> -> memref<1x128xi32, #tpu.memory_space<vmem>>
      %dma_start3A_868 = tpu.memref_squeeze %dma_start3A_867 : memref<1x128xi32, #tpu.memory_space<vmem>> -> memref<128xi32, #tpu.memory_space<vmem>>
      %dma_start3A_869 = arith.constant 0 : i32
      %dma_start3A_870 = arith.constant 0 : i32
      %dma_start3A_871 = tpu.memref_slice %arg4[%dma_start3A_869, %dma_start3A_870] : memref<100000x64xf32, #tpu.memory_space<hbm>> -> memref<100000x64xf32, #tpu.memory_space<hbm>>
      tpu.enqueue_indirect_dma source(%dma_start3A_871 : memref<100000x64xf32, #tpu.memory_space<hbm>>) target(%dma_start3A_865 : memref<128x64xf32, #tpu.memory_space<vmem>>) offsets(%dma_start3A_868 : memref<128xi32, #tpu.memory_space<vmem>>) semaphore(%arg17 : memref<!tpu.dma_semaphore, #tpu.memory_space<semaphore_mem>>)
      %dma_start3A_872 = arith.constant 0 : i32
      %dma_start3A_873 = arith.constant 0 : i32
      %dma_start3A_874 = arith.constant 0 : i32
      %dma_start3A_875 = arith.constant 0 : i32
      %dma_start3A_876 = tpu.memref_slice %arg10[%dma_start3A_873, %dma_start3A_874, %dma_start3A_875] : memref<2x128x64xf32, #tpu.memory_space<vmem>> -> memref<1x128x64xf32, #tpu.memory_space<vmem>>
      %dma_start3A_877 = tpu.memref_squeeze %dma_start3A_876 : memref<1x128x64xf32, #tpu.memory_space<vmem>> -> memref<128x64xf32, #tpu.memory_space<vmem>>
      %dma_start3A_878 = arith.constant 0 : i32
      %dma_start3A_879 = tpu.memref_slice %arg8[%dma_start3A_872, %dma_start3A_878] : memref<4x128xi32, #tpu.memory_space<vmem>> -> memref<1x128xi32, #tpu.memory_space<vmem>>
      %dma_start3A_880 = tpu.memref_squeeze %dma_start3A_879 : memref<1x128xi32, #tpu.memory_space<vmem>> -> memref<128xi32, #tpu.memory_space<vmem>>
      %dma_start3A_881 = arith.constant 0 : i32
      %dma_start3A_882 = arith.constant 0 : i32
      %dma_start3A_883 = tpu.memref_slice %arg12[%dma_start3A_881, %dma_start3A_882] : memref<10000x64xf32, #tpu.memory_space<vmem_shared>> -> memref<10000x64xf32, #tpu.memory_space<vmem_shared>>
      tpu.enqueue_indirect_dma source(%dma_start3A_883 : memref<10000x64xf32, #tpu.memory_space<vmem_shared>>) target(%dma_start3A_877 : memref<128x64xf32, #tpu.memory_space<vmem>>) offsets(%dma_start3A_880 : memref<128xi32, #tpu.memory_space<vmem>>) semaphore(%arg19 : memref<!tpu.dma_semaphore, #tpu.memory_space<semaphore_mem>>)
      %mul3A_884 = arith.constant 128 : i32
      %mul3A_885 = arith.muli %add3A_748, %mul3A_884 : i32
      %add3A_886 = arith.addi %mul3A_4, %mul3A_885 : i32
      %dma_start3A_887 = arith.constant 0 : i32
      %dma_start3A_888 = arith.constant 0 : i32
      %dma_start3A_889 = arith.constant 0 : i32
      %dma_start3A_890 = tpu.memref_slice %arg11[%dma_start3A_887, %dma_start3A_888, %dma_start3A_889] : memref<2x128x64xf32, #tpu.memory_space<vmem>> -> memref<1x128x64xf32, #tpu.memory_space<vmem>>
      %dma_start3A_891 = tpu.memref_squeeze %dma_start3A_890 : memref<1x128x64xf32, #tpu.memory_space<vmem>> -> memref<128x64xf32, #tpu.memory_space<vmem>>
      %dma_start3A_892 = arith.constant 0 : i32
      %dma_start3A_893 = tpu.memref_slice %arg6[%add3A_886, %dma_start3A_892] : memref<819200x64xf32, #tpu.memory_space<hbm>> -> memref<128x64xf32, #tpu.memory_space<hbm>>
      %dma_start3A_894 = arith.constant 0 : i32
      %dma_start3A_895 = tpu.memref_slice %arg6[%add3A_886, %dma_start3A_894] : memref<819200x64xf32, #tpu.memory_space<hbm>> -> memref<128x64xf32, #tpu.memory_space<hbm>>
      %dma_start3A_896 = arith.constant 0 : i32
      %dma_start3A_897 = arith.constant 0 : i32
      %dma_start3A_898 = tpu.memref_slice %arg11[%dma_start3A_887, %dma_start3A_896, %dma_start3A_897] : memref<2x128x64xf32, #tpu.memory_space<vmem>> -> memref<1x128x64xf32, #tpu.memory_space<vmem>>
      %dma_start3A_899 = tpu.memref_squeeze %dma_start3A_898 : memref<1x128x64xf32, #tpu.memory_space<vmem>> -> memref<128x64xf32, #tpu.memory_space<vmem>>
      tpu.enqueue_dma source(%dma_start3A_899 : memref<128x64xf32, #tpu.memory_space<vmem>>) target(%dma_start3A_895 : memref<128x64xf32, #tpu.memory_space<hbm>>) target_semaphore(%arg21 : memref<!tpu.dma_semaphore, #tpu.memory_space<semaphore_mem>>)
      %add3A_900 = arith.constant 1 : i32
      %add3A_901 = arith.addi %add3A_748, %add3A_900 : i32
      %dma_wait3A_902 = arith.constant 3 : i32
      %dma_wait3A_903 = arith.constant 1 : i32
      %dma_wait3A_904 = arith.constant 0 : i32
      %dma_wait3A_905 = arith.constant 0 : i32
      %dma_wait3A_906 = tpu.memref_slice %arg9[%dma_wait3A_903, %dma_wait3A_904, %dma_wait3A_905] : memref<2x128x64xf32, #tpu.memory_space<vmem>> -> memref<1x128x64xf32, #tpu.memory_space<vmem>>
      %dma_wait3A_907 = tpu.memref_squeeze %dma_wait3A_906 : memref<1x128x64xf32, #tpu.memory_space<vmem>> -> memref<128x64xf32, #tpu.memory_space<vmem>>
      %dma_wait3A_908 = arith.constant 0 : i32
      %dma_wait3A_909 = tpu.memref_slice %arg7[%dma_wait3A_902, %dma_wait3A_908] : memref<4x128xi32, #tpu.memory_space<vmem>> -> memref<1x128xi32, #tpu.memory_space<vmem>>
      %dma_wait3A_910 = tpu.memref_squeeze %dma_wait3A_909 : memref<1x128xi32, #tpu.memory_space<vmem>> -> memref<128xi32, #tpu.memory_space<vmem>>
      %dma_wait3A_911 = arith.constant 0 : i32
      %dma_wait3A_912 = arith.constant 0 : i32
      %dma_wait3A_913 = tpu.memref_slice %arg4[%dma_wait3A_911, %dma_wait3A_912] : memref<100000x64xf32, #tpu.memory_space<hbm>> -> memref<100000x64xf32, #tpu.memory_space<hbm>>
      tpu.wait_indirect_dma semaphore(%arg18 : memref<!tpu.dma_semaphore, #tpu.memory_space<semaphore_mem>>) src(%dma_wait3A_913 : memref<100000x64xf32, #tpu.memory_space<hbm>>) dst(%dma_wait3A_907 : memref<128x64xf32, #tpu.memory_space<vmem>>)
      %dma_wait3A_914 = arith.constant 3 : i32
      %dma_wait3A_915 = arith.constant 1 : i32
      %dma_wait3A_916 = arith.constant 0 : i32
      %dma_wait3A_917 = arith.constant 0 : i32
      %dma_wait3A_918 = tpu.memref_slice %arg10[%dma_wait3A_915, %dma_wait3A_916, %dma_wait3A_917] : memref<2x128x64xf32, #tpu.memory_space<vmem>> -> memref<1x128x64xf32, #tpu.memory_space<vmem>>
      %dma_wait3A_919 = tpu.memref_squeeze %dma_wait3A_918 : memref<1x128x64xf32, #tpu.memory_space<vmem>> -> memref<128x64xf32, #tpu.memory_space<vmem>>
      %dma_wait3A_920 = arith.constant 0 : i32
      %dma_wait3A_921 = tpu.memref_slice %arg8[%dma_wait3A_914, %dma_wait3A_920] : memref<4x128xi32, #tpu.memory_space<vmem>> -> memref<1x128xi32, #tpu.memory_space<vmem>>
      %dma_wait3A_922 = tpu.memref_squeeze %dma_wait3A_921 : memref<1x128xi32, #tpu.memory_space<vmem>> -> memref<128xi32, #tpu.memory_space<vmem>>
      %dma_wait3A_923 = arith.constant 0 : i32
      %dma_wait3A_924 = arith.constant 0 : i32
      %dma_wait3A_925 = tpu.memref_slice %arg12[%dma_wait3A_923, %dma_wait3A_924] : memref<10000x64xf32, #tpu.memory_space<vmem_shared>> -> memref<10000x64xf32, #tpu.memory_space<vmem_shared>>
      tpu.wait_indirect_dma semaphore(%arg20 : memref<!tpu.dma_semaphore, #tpu.memory_space<semaphore_mem>>) src(%dma_wait3A_925 : memref<10000x64xf32, #tpu.memory_space<vmem_shared>>) dst(%dma_wait3A_919 : memref<128x64xf32, #tpu.memory_space<vmem>>)
      %add3A_926 = arith.constant 4 : i32
      %add3A_927 = arith.addi %add3A_901, %add3A_926 : i32
      %add3A_928 = arith.addi %mul3A_2, %add3A_927 : i32
      %min3A_929 = arith.constant 6399 : i32
      %min3A_930 = arith.minsi %add3A_928, %min3A_929 : i32
      %dma_start3A_931 = arith.constant 3 : i32
      %dma_start3A_932 = arith.constant 0 : i32
      %dma_start3A_933 = tpu.memref_slice %arg7[%dma_start3A_931, %dma_start3A_932] : memref<4x128xi32, #tpu.memory_space<vmem>> -> memref<1x128xi32, #tpu.memory_space<vmem>>
      %dma_start3A_934 = tpu.memref_squeeze %dma_start3A_933 : memref<1x128xi32, #tpu.memory_space<vmem>> -> memref<128xi32, #tpu.memory_space<vmem>>
      %dma_start3A_935 = arith.constant 0 : i32
      %dma_start3A_936 = tpu.memref_slice %arg2[%min3A_930, %dma_start3A_935] : memref<6400x128xi32, #tpu.memory_space<hbm>> -> memref<1x128xi32, #tpu.memory_space<hbm>>
      %dma_start3A_937 = tpu.memref_squeeze %dma_start3A_936 : memref<1x128xi32, #tpu.memory_space<hbm>> -> memref<128xi32, #tpu.memory_space<hbm>>
      %dma_start3A_938 = arith.constant 0 : i32
      %dma_start3A_939 = tpu.memref_slice %arg7[%dma_start3A_931, %dma_start3A_938] : memref<4x128xi32, #tpu.memory_space<vmem>> -> memref<1x128xi32, #tpu.memory_space<vmem>>
      %dma_start3A_940 = tpu.memref_squeeze %dma_start3A_939 : memref<1x128xi32, #tpu.memory_space<vmem>> -> memref<128xi32, #tpu.memory_space<vmem>>
      %dma_start3A_941 = arith.constant 0 : i32
      %dma_start3A_942 = tpu.memref_slice %arg2[%min3A_930, %dma_start3A_941] : memref<6400x128xi32, #tpu.memory_space<hbm>> -> memref<1x128xi32, #tpu.memory_space<hbm>>
      %dma_start3A_943 = tpu.memref_squeeze %dma_start3A_942 : memref<1x128xi32, #tpu.memory_space<hbm>> -> memref<128xi32, #tpu.memory_space<hbm>>
      tpu.enqueue_dma source(%dma_start3A_943 : memref<128xi32, #tpu.memory_space<hbm>>) target(%dma_start3A_940 : memref<128xi32, #tpu.memory_space<vmem>>) target_semaphore(%arg16 : memref<!tpu.dma_semaphore, #tpu.memory_space<semaphore_mem>>)
      %add3A_944 = arith.addi %mul3A_2, %add3A_927 : i32
      %min3A_945 = arith.constant 6399 : i32
      %min3A_946 = arith.minsi %add3A_944, %min3A_945 : i32
      %dma_start3A_947 = arith.constant 3 : i32
      %dma_start3A_948 = arith.constant 0 : i32
      %dma_start3A_949 = tpu.memref_slice %arg8[%dma_start3A_947, %dma_start3A_948] : memref<4x128xi32, #tpu.memory_space<vmem>> -> memref<1x128xi32, #tpu.memory_space<vmem>>
      %dma_start3A_950 = tpu.memref_squeeze %dma_start3A_949 : memref<1x128xi32, #tpu.memory_space<vmem>> -> memref<128xi32, #tpu.memory_space<vmem>>
      %dma_start3A_951 = arith.constant 0 : i32
      %dma_start3A_952 = tpu.memref_slice %arg3[%min3A_946, %dma_start3A_951] : memref<6400x128xi32, #tpu.memory_space<hbm>> -> memref<1x128xi32, #tpu.memory_space<hbm>>
      %dma_start3A_953 = tpu.memref_squeeze %dma_start3A_952 : memref<1x128xi32, #tpu.memory_space<hbm>> -> memref<128xi32, #tpu.memory_space<hbm>>
      %dma_start3A_954 = arith.constant 0 : i32
      %dma_start3A_955 = tpu.memref_slice %arg8[%dma_start3A_947, %dma_start3A_954] : memref<4x128xi32, #tpu.memory_space<vmem>> -> memref<1x128xi32, #tpu.memory_space<vmem>>
      %dma_start3A_956 = tpu.memref_squeeze %dma_start3A_955 : memref<1x128xi32, #tpu.memory_space<vmem>> -> memref<128xi32, #tpu.memory_space<vmem>>
      %dma_start3A_957 = arith.constant 0 : i32
      %dma_start3A_958 = tpu.memref_slice %arg3[%min3A_946, %dma_start3A_957] : memref<6400x128xi32, #tpu.memory_space<hbm>> -> memref<1x128xi32, #tpu.memory_space<hbm>>
      %dma_start3A_959 = tpu.memref_squeeze %dma_start3A_958 : memref<1x128xi32, #tpu.memory_space<hbm>> -> memref<128xi32, #tpu.memory_space<hbm>>
      tpu.enqueue_dma source(%dma_start3A_959 : memref<128xi32, #tpu.memory_space<hbm>>) target(%dma_start3A_956 : memref<128xi32, #tpu.memory_space<vmem>>) target_semaphore(%arg16 : memref<!tpu.dma_semaphore, #tpu.memory_space<semaphore_mem>>)
      %dma_wait3A_960 = arith.constant 1 : i32
      %dma_wait3A_961 = arith.constant 0 : i32
      %dma_wait3A_962 = arith.constant 0 : i32
      %dma_wait3A_963 = tpu.memref_slice %arg11[%dma_wait3A_960, %dma_wait3A_961, %dma_wait3A_962] : memref<2x128x64xf32, #tpu.memory_space<vmem>> -> memref<1x128x64xf32, #tpu.memory_space<vmem>>
      %dma_wait3A_964 = tpu.memref_squeeze %dma_wait3A_963 : memref<1x128x64xf32, #tpu.memory_space<vmem>> -> memref<128x64xf32, #tpu.memory_space<vmem>>
      %dma_wait3A_965 = arith.constant 0 : i32
      %dma_wait3A_966 = tpu.memref_slice %arg6[%mul3A_4, %dma_wait3A_965] : memref<819200x64xf32, #tpu.memory_space<hbm>> -> memref<128x64xf32, #tpu.memory_space<hbm>>
      %dma_wait3A_967 = arith.constant 0 : i32
      %dma_wait3A_968 = tpu.memref_slice %arg6[%mul3A_4, %dma_wait3A_967] : memref<819200x64xf32, #tpu.memory_space<hbm>> -> memref<128x64xf32, #tpu.memory_space<hbm>>
      %dma_wait3A_969 = arith.constant 0 : i32
      %dma_wait3A_970 = arith.constant 0 : i32
      %dma_wait3A_971 = tpu.memref_slice %arg11[%dma_wait3A_960, %dma_wait3A_969, %dma_wait3A_970] : memref<2x128x64xf32, #tpu.memory_space<vmem>> -> memref<1x128x64xf32, #tpu.memory_space<vmem>>
      %dma_wait3A_972 = tpu.memref_squeeze %dma_wait3A_971 : memref<1x128x64xf32, #tpu.memory_space<vmem>> -> memref<128x64xf32, #tpu.memory_space<vmem>>
      tpu.wait_dma2 semaphore(%arg22 : memref<!tpu.dma_semaphore, #tpu.memory_space<semaphore_mem>>) src(%dma_wait3A_972 : memref<128x64xf32, #tpu.memory_space<vmem>>) dst(%dma_wait3A_968 : memref<128x64xf32, #tpu.memory_space<hbm>>)
      %parallel_loop3A_973 = arith.constant 0 : i32
      %parallel_loop3A_974 = arith.constant 128 : i32
      %parallel_loop3A_975 = arith.constant 1 : i32
      %parallel_loop3A_976 = arith.constant 1 : i32
      %parallel_loop3A_977 = arith.constant 1 : i32
      %parallel_loop3A_978 = arith.constant 1 : i32
      scf.for %parallel_loop3A_1359 = %parallel_loop3A_973 to %parallel_loop3A_974 step %parallel_loop3A_975  : i32 {
        %parallel_loop3A_1360 = arith.constant 0 : i32
        %parallel_loop3A_1361 = arith.constant 0 : i32
        %parallel_loop3A_1362 = tpu.memref_slice %arg9[%parallel_loop3A_976, %parallel_loop3A_1360, %parallel_loop3A_1361] : memref<2x128x64xf32, #tpu.memory_space<vmem>> -> memref<1x128x64xf32, #tpu.memory_space<vmem>>
        %parallel_loop3A_1363 = tpu.memref_squeeze %parallel_loop3A_1362 : memref<1x128x64xf32, #tpu.memory_space<vmem>> -> memref<128x64xf32, #tpu.memory_space<vmem>>
        %parallel_loop3A_1364 = arith.index_cast %parallel_loop3A_1359 : i32 to index
        %parallel_loop3A_1365 = arith.constant 0 : index
        %parallel_loop3A_1366 = tpu.vector_load %parallel_loop3A_1363[%parallel_loop3A_1364, %parallel_loop3A_1365] {strides = array<i32>} : memref<128x64xf32, #tpu.memory_space<vmem>>, vector<1x16xf32>,
        %parallel_loop3A_1367 = vector.shape_cast %parallel_loop3A_1366 : vector<1x16xf32> to vector<16xf32>
        %parallel_loop3A_1368 = arith.constant 0 : i32
        %parallel_loop3A_1369 = arith.constant 0 : i32
        %parallel_loop3A_1370 = tpu.memref_slice %arg10[%parallel_loop3A_977, %parallel_loop3A_1368, %parallel_loop3A_1369] : memref<2x128x64xf32, #tpu.memory_space<vmem>> -> memref<1x128x64xf32, #tpu.memory_space<vmem>>
        %parallel_loop3A_1371 = tpu.memref_squeeze %parallel_loop3A_1370 : memref<1x128x64xf32, #tpu.memory_space<vmem>> -> memref<128x64xf32, #tpu.memory_space<vmem>>
        %parallel_loop3A_1372 = arith.index_cast %parallel_loop3A_1359 : i32 to index
        %parallel_loop3A_1373 = arith.constant 0 : index
        %parallel_loop3A_1374 = tpu.vector_load %parallel_loop3A_1371[%parallel_loop3A_1372, %parallel_loop3A_1373] {strides = array<i32>} : memref<128x64xf32, #tpu.memory_space<vmem>>, vector<1x16xf32>,
        %parallel_loop3A_1375 = vector.shape_cast %parallel_loop3A_1374 : vector<1x16xf32> to vector<16xf32>
        %parallel_loop3A_1376 = arith.addf %parallel_loop3A_1367, %parallel_loop3A_1375 : vector<16xf32>
        %parallel_loop3A_1377 = arith.constant 0 : i32
        %parallel_loop3A_1378 = arith.constant 0 : i32
        %parallel_loop3A_1379 = tpu.memref_slice %arg11[%parallel_loop3A_978, %parallel_loop3A_1377, %parallel_loop3A_1378] : memref<2x128x64xf32, #tpu.memory_space<vmem>> -> memref<1x128x64xf32, #tpu.memory_space<vmem>>
        %parallel_loop3A_1380 = tpu.memref_squeeze %parallel_loop3A_1379 : memref<1x128x64xf32, #tpu.memory_space<vmem>> -> memref<128x64xf32, #tpu.memory_space<vmem>>
        %parallel_loop3A_1381 = arith.index_cast %parallel_loop3A_1359 : i32 to index
        %parallel_loop3A_1382 = arith.constant 0 : index
        %parallel_loop3A_1383 = tpu.vector_load %parallel_loop3A_1380[%parallel_loop3A_1381, %parallel_loop3A_1382] {strides = array<i32>} : memref<128x64xf32, #tpu.memory_space<vmem>>, vector<1x16xf32>,
        %parallel_loop3A_1384 = vector.shape_cast %parallel_loop3A_1383 : vector<1x16xf32> to vector<16xf32>
        %parallel_loop3A_1385 = vector.shape_cast %parallel_loop3A_1376 : vector<16xf32> to vector<1x16xf32>
        tpu.vector_store %parallel_loop3A_1380[%parallel_loop3A_1381, %parallel_loop3A_1382], %parallel_loop3A_1385 {strides = array<i32>} : memref<128x64xf32, #tpu.memory_space<vmem>>, vector<1x16xf32>,
        %parallel_loop3A_1386 = arith.constant 0 : i32
        %parallel_loop3A_1387 = arith.constant 0 : i32
        %parallel_loop3A_1388 = tpu.memref_slice %arg9[%parallel_loop3A_976, %parallel_loop3A_1386, %parallel_loop3A_1387] : memref<2x128x64xf32, #tpu.memory_space<vmem>> -> memref<1x128x64xf32, #tpu.memory_space<vmem>>
        %parallel_loop3A_1389 = tpu.memref_squeeze %parallel_loop3A_1388 : memref<1x128x64xf32, #tpu.memory_space<vmem>> -> memref<128x64xf32, #tpu.memory_space<vmem>>
        %parallel_loop3A_1390 = arith.index_cast %parallel_loop3A_1359 : i32 to index
        %parallel_loop3A_1391 = arith.constant 16 : index
        %parallel_loop3A_1392 = tpu.vector_load %parallel_loop3A_1389[%parallel_loop3A_1390, %parallel_loop3A_1391] {strides = array<i32>} : memref<128x64xf32, #tpu.memory_space<vmem>>, vector<1x16xf32>,
        %parallel_loop3A_1393 = vector.shape_cast %parallel_loop3A_1392 : vector<1x16xf32> to vector<16xf32>
        %parallel_loop3A_1394 = arith.constant 0 : i32
        %parallel_loop3A_1395 = arith.constant 0 : i32
        %parallel_loop3A_1396 = tpu.memref_slice %arg10[%parallel_loop3A_977, %parallel_loop3A_1394, %parallel_loop3A_1395] : memref<2x128x64xf32, #tpu.memory_space<vmem>> -> memref<1x128x64xf32, #tpu.memory_space<vmem>>
        %parallel_loop3A_1397 = tpu.memref_squeeze %parallel_loop3A_1396 : memref<1x128x64xf32, #tpu.memory_space<vmem>> -> memref<128x64xf32, #tpu.memory_space<vmem>>
        %parallel_loop3A_1398 = arith.index_cast %parallel_loop3A_1359 : i32 to index
        %parallel_loop3A_1399 = arith.constant 16 : index
        %parallel_loop3A_1400 = tpu.vector_load %parallel_loop3A_1397[%parallel_loop3A_1398, %parallel_loop3A_1399] {strides = array<i32>} : memref<128x64xf32, #tpu.memory_space<vmem>>, vector<1x16xf32>,
        %parallel_loop3A_1401 = vector.shape_cast %parallel_loop3A_1400 : vector<1x16xf32> to vector<16xf32>
        %parallel_loop3A_1402 = arith.addf %parallel_loop3A_1393, %parallel_loop3A_1401 : vector<16xf32>
        %parallel_loop3A_1403 = arith.constant 0 : i32
        %parallel_loop3A_1404 = arith.constant 0 : i32
        %parallel_loop3A_1405 = tpu.memref_slice %arg11[%parallel_loop3A_978, %parallel_loop3A_1403, %parallel_loop3A_1404] : memref<2x128x64xf32, #tpu.memory_space<vmem>> -> memref<1x128x64xf32, #tpu.memory_space<vmem>>
        %parallel_loop3A_1406 = tpu.memref_squeeze %parallel_loop3A_1405 : memref<1x128x64xf32, #tpu.memory_space<vmem>> -> memref<128x64xf32, #tpu.memory_space<vmem>>
        %parallel_loop3A_1407 = arith.index_cast %parallel_loop3A_1359 : i32 to index
        %parallel_loop3A_1408 = arith.constant 16 : index
        %parallel_loop3A_1409 = tpu.vector_load %parallel_loop3A_1406[%parallel_loop3A_1407, %parallel_loop3A_1408] {strides = array<i32>} : memref<128x64xf32, #tpu.memory_space<vmem>>, vector<1x16xf32>,
        %parallel_loop3A_1410 = vector.shape_cast %parallel_loop3A_1409 : vector<1x16xf32> to vector<16xf32>
        %parallel_loop3A_1411 = vector.shape_cast %parallel_loop3A_1402 : vector<16xf32> to vector<1x16xf32>
        tpu.vector_store %parallel_loop3A_1406[%parallel_loop3A_1407, %parallel_loop3A_1408], %parallel_loop3A_1411 {strides = array<i32>} : memref<128x64xf32, #tpu.memory_space<vmem>>, vector<1x16xf32>,
        %parallel_loop3A_1412 = arith.constant 0 : i32
        %parallel_loop3A_1413 = arith.constant 0 : i32
        %parallel_loop3A_1414 = tpu.memref_slice %arg9[%parallel_loop3A_976, %parallel_loop3A_1412, %parallel_loop3A_1413] : memref<2x128x64xf32, #tpu.memory_space<vmem>> -> memref<1x128x64xf32, #tpu.memory_space<vmem>>
        %parallel_loop3A_1415 = tpu.memref_squeeze %parallel_loop3A_1414 : memref<1x128x64xf32, #tpu.memory_space<vmem>> -> memref<128x64xf32, #tpu.memory_space<vmem>>
        %parallel_loop3A_1416 = arith.index_cast %parallel_loop3A_1359 : i32 to index
        %parallel_loop3A_1417 = arith.constant 32 : index
        %parallel_loop3A_1418 = tpu.vector_load %parallel_loop3A_1415[%parallel_loop3A_1416, %parallel_loop3A_1417] {strides = array<i32>} : memref<128x64xf32, #tpu.memory_space<vmem>>, vector<1x16xf32>,
        %parallel_loop3A_1419 = vector.shape_cast %parallel_loop3A_1418 : vector<1x16xf32> to vector<16xf32>
        %parallel_loop3A_1420 = arith.constant 0 : i32
        %parallel_loop3A_1421 = arith.constant 0 : i32
        %parallel_loop3A_1422 = tpu.memref_slice %arg10[%parallel_loop3A_977, %parallel_loop3A_1420, %parallel_loop3A_1421] : memref<2x128x64xf32, #tpu.memory_space<vmem>> -> memref<1x128x64xf32, #tpu.memory_space<vmem>>
        %parallel_loop3A_1423 = tpu.memref_squeeze %parallel_loop3A_1422 : memref<1x128x64xf32, #tpu.memory_space<vmem>> -> memref<128x64xf32, #tpu.memory_space<vmem>>
        %parallel_loop3A_1424 = arith.index_cast %parallel_loop3A_1359 : i32 to index
        %parallel_loop3A_1425 = arith.constant 32 : index
        %parallel_loop3A_1426 = tpu.vector_load %parallel_loop3A_1423[%parallel_loop3A_1424, %parallel_loop3A_1425] {strides = array<i32>} : memref<128x64xf32, #tpu.memory_space<vmem>>, vector<1x16xf32>,
        %parallel_loop3A_1427 = vector.shape_cast %parallel_loop3A_1426 : vector<1x16xf32> to vector<16xf32>
        %parallel_loop3A_1428 = arith.addf %parallel_loop3A_1419, %parallel_loop3A_1427 : vector<16xf32>
        %parallel_loop3A_1429 = arith.constant 0 : i32
        %parallel_loop3A_1430 = arith.constant 0 : i32
        %parallel_loop3A_1431 = tpu.memref_slice %arg11[%parallel_loop3A_978, %parallel_loop3A_1429, %parallel_loop3A_1430] : memref<2x128x64xf32, #tpu.memory_space<vmem>> -> memref<1x128x64xf32, #tpu.memory_space<vmem>>
        %parallel_loop3A_1432 = tpu.memref_squeeze %parallel_loop3A_1431 : memref<1x128x64xf32, #tpu.memory_space<vmem>> -> memref<128x64xf32, #tpu.memory_space<vmem>>
        %parallel_loop3A_1433 = arith.index_cast %parallel_loop3A_1359 : i32 to index
        %parallel_loop3A_1434 = arith.constant 32 : index
        %parallel_loop3A_1435 = tpu.vector_load %parallel_loop3A_1432[%parallel_loop3A_1433, %parallel_loop3A_1434] {strides = array<i32>} : memref<128x64xf32, #tpu.memory_space<vmem>>, vector<1x16xf32>,
        %parallel_loop3A_1436 = vector.shape_cast %parallel_loop3A_1435 : vector<1x16xf32> to vector<16xf32>
        %parallel_loop3A_1437 = vector.shape_cast %parallel_loop3A_1428 : vector<16xf32> to vector<1x16xf32>
        tpu.vector_store %parallel_loop3A_1432[%parallel_loop3A_1433, %parallel_loop3A_1434], %parallel_loop3A_1437 {strides = array<i32>} : memref<128x64xf32, #tpu.memory_space<vmem>>, vector<1x16xf32>,
        %parallel_loop3A_1438 = arith.constant 0 : i32
        %parallel_loop3A_1439 = arith.constant 0 : i32
        %parallel_loop3A_1440 = tpu.memref_slice %arg9[%parallel_loop3A_976, %parallel_loop3A_1438, %parallel_loop3A_1439] : memref<2x128x64xf32, #tpu.memory_space<vmem>> -> memref<1x128x64xf32, #tpu.memory_space<vmem>>
        %parallel_loop3A_1441 = tpu.memref_squeeze %parallel_loop3A_1440 : memref<1x128x64xf32, #tpu.memory_space<vmem>> -> memref<128x64xf32, #tpu.memory_space<vmem>>
        %parallel_loop3A_1442 = arith.index_cast %parallel_loop3A_1359 : i32 to index
        %parallel_loop3A_1443 = arith.constant 48 : index
        %parallel_loop3A_1444 = tpu.vector_load %parallel_loop3A_1441[%parallel_loop3A_1442, %parallel_loop3A_1443] {strides = array<i32>} : memref<128x64xf32, #tpu.memory_space<vmem>>, vector<1x16xf32>,
        %parallel_loop3A_1445 = vector.shape_cast %parallel_loop3A_1444 : vector<1x16xf32> to vector<16xf32>
        %parallel_loop3A_1446 = arith.constant 0 : i32
        %parallel_loop3A_1447 = arith.constant 0 : i32
        %parallel_loop3A_1448 = tpu.memref_slice %arg10[%parallel_loop3A_977, %parallel_loop3A_1446, %parallel_loop3A_1447] : memref<2x128x64xf32, #tpu.memory_space<vmem>> -> memref<1x128x64xf32, #tpu.memory_space<vmem>>
        %parallel_loop3A_1449 = tpu.memref_squeeze %parallel_loop3A_1448 : memref<1x128x64xf32, #tpu.memory_space<vmem>> -> memref<128x64xf32, #tpu.memory_space<vmem>>
        %parallel_loop3A_1450 = arith.index_cast %parallel_loop3A_1359 : i32 to index
        %parallel_loop3A_1451 = arith.constant 48 : index
        %parallel_loop3A_1452 = tpu.vector_load %parallel_loop3A_1449[%parallel_loop3A_1450, %parallel_loop3A_1451] {strides = array<i32>} : memref<128x64xf32, #tpu.memory_space<vmem>>, vector<1x16xf32>,
        %parallel_loop3A_1453 = vector.shape_cast %parallel_loop3A_1452 : vector<1x16xf32> to vector<16xf32>
        %parallel_loop3A_1454 = arith.addf %parallel_loop3A_1445, %parallel_loop3A_1453 : vector<16xf32>
        %parallel_loop3A_1455 = arith.constant 0 : i32
        %parallel_loop3A_1456 = arith.constant 0 : i32
        %parallel_loop3A_1457 = tpu.memref_slice %arg11[%parallel_loop3A_978, %parallel_loop3A_1455, %parallel_loop3A_1456] : memref<2x128x64xf32, #tpu.memory_space<vmem>> -> memref<1x128x64xf32, #tpu.memory_space<vmem>>
        %parallel_loop3A_1458 = tpu.memref_squeeze %parallel_loop3A_1457 : memref<1x128x64xf32, #tpu.memory_space<vmem>> -> memref<128x64xf32, #tpu.memory_space<vmem>>
        %parallel_loop3A_1459 = arith.index_cast %parallel_loop3A_1359 : i32 to index
        %parallel_loop3A_1460 = arith.constant 48 : index
        %parallel_loop3A_1461 = tpu.vector_load %parallel_loop3A_1458[%parallel_loop3A_1459, %parallel_loop3A_1460] {strides = array<i32>} : memref<128x64xf32, #tpu.memory_space<vmem>>, vector<1x16xf32>,
        %parallel_loop3A_1462 = vector.shape_cast %parallel_loop3A_1461 : vector<1x16xf32> to vector<16xf32>
        %parallel_loop3A_1463 = vector.shape_cast %parallel_loop3A_1454 : vector<16xf32> to vector<1x16xf32>
        tpu.vector_store %parallel_loop3A_1458[%parallel_loop3A_1459, %parallel_loop3A_1460], %parallel_loop3A_1463 {strides = array<i32>} : memref<128x64xf32, #tpu.memory_space<vmem>>, vector<1x16xf32>,
      } {sc.loop_unroll_factor = 4 : i64, sc.parallel_access}
      %add3A_979 = arith.constant 2 : i32
      %add3A_980 = arith.addi %add3A_901, %add3A_979 : i32
      %add3A_981 = arith.addi %mul3A_2, %add3A_980 : i32
      %min3A_982 = arith.constant 6399 : i32
      %min3A_983 = arith.minsi %add3A_981, %min3A_982 : i32
      %dma_wait3A_984 = arith.constant 1 : i32
      %dma_wait3A_985 = arith.constant 0 : i32
      %dma_wait3A_986 = tpu.memref_slice %arg7[%dma_wait3A_984, %dma_wait3A_985] : memref<4x128xi32, #tpu.memory_space<vmem>> -> memref<1x128xi32, #tpu.memory_space<vmem>>
      %dma_wait3A_987 = tpu.memref_squeeze %dma_wait3A_986 : memref<1x128xi32, #tpu.memory_space<vmem>> -> memref<128xi32, #tpu.memory_space<vmem>>
      %dma_wait3A_988 = arith.constant 0 : i32
      %dma_wait3A_989 = tpu.memref_slice %arg2[%min3A_983, %dma_wait3A_988] : memref<6400x128xi32, #tpu.memory_space<hbm>> -> memref<1x128xi32, #tpu.memory_space<hbm>>
      %dma_wait3A_990 = tpu.memref_squeeze %dma_wait3A_989 : memref<1x128xi32, #tpu.memory_space<hbm>> -> memref<128xi32, #tpu.memory_space<hbm>>
      %dma_wait3A_991 = arith.constant 0 : i32
      %dma_wait3A_992 = tpu.memref_slice %arg7[%dma_wait3A_984, %dma_wait3A_991] : memref<4x128xi32, #tpu.memory_space<vmem>> -> memref<1x128xi32, #tpu.memory_space<vmem>>
      %dma_wait3A_993 = tpu.memref_squeeze %dma_wait3A_992 : memref<1x128xi32, #tpu.memory_space<vmem>> -> memref<128xi32, #tpu.memory_space<vmem>>
      %dma_wait3A_994 = arith.constant 0 : i32
      %dma_wait3A_995 = tpu.memref_slice %arg2[%min3A_983, %dma_wait3A_994] : memref<6400x128xi32, #tpu.memory_space<hbm>> -> memref<1x128xi32, #tpu.memory_space<hbm>>
      %dma_wait3A_996 = tpu.memref_squeeze %dma_wait3A_995 : memref<1x128xi32, #tpu.memory_space<hbm>> -> memref<128xi32, #tpu.memory_space<hbm>>
      tpu.wait_dma2 semaphore(%arg14 : memref<!tpu.dma_semaphore, #tpu.memory_space<semaphore_mem>>) src(%dma_wait3A_996 : memref<128xi32, #tpu.memory_space<hbm>>) dst(%dma_wait3A_993 : memref<128xi32, #tpu.memory_space<vmem>>)
      %add3A_997 = arith.addi %mul3A_2, %add3A_980 : i32
      %min3A_998 = arith.constant 6399 : i32
      %min3A_999 = arith.minsi %add3A_997, %min3A_998 : i32
      %dma_wait3A_1000 = arith.constant 1 : i32
      %dma_wait3A_1001 = arith.constant 0 : i32
      %dma_wait3A_1002 = tpu.memref_slice %arg8[%dma_wait3A_1000, %dma_wait3A_1001] : memref<4x128xi32, #tpu.memory_space<vmem>> -> memref<1x128xi32, #tpu.memory_space<vmem>>
      %dma_wait3A_1003 = tpu.memref_squeeze %dma_wait3A_1002 : memref<1x128xi32, #tpu.memory_space<vmem>> -> memref<128xi32, #tpu.memory_space<vmem>>
      %dma_wait3A_1004 = arith.constant 0 : i32
      %dma_wait3A_1005 = tpu.memref_slice %arg3[%min3A_999, %dma_wait3A_1004] : memref<6400x128xi32, #tpu.memory_space<hbm>> -> memref<1x128xi32, #tpu.memory_space<hbm>>
      %dma_wait3A_1006 = tpu.memref_squeeze %dma_wait3A_1005 : memref<1x128xi32, #tpu.memory_space<hbm>> -> memref<128xi32, #tpu.memory_space<hbm>>
      %dma_wait3A_1007 = arith.constant 0 : i32
      %dma_wait3A_1008 = tpu.memref_slice %arg8[%dma_wait3A_1000, %dma_wait3A_1007] : memref<4x128xi32, #tpu.memory_space<vmem>> -> memref<1x128xi32, #tpu.memory_space<vmem>>
      %dma_wait3A_1009 = tpu.memref_squeeze %dma_wait3A_1008 : memref<1x128xi32, #tpu.memory_space<vmem>> -> memref<128xi32, #tpu.memory_space<vmem>>
      %dma_wait3A_1010 = arith.constant 0 : i32
      %dma_wait3A_1011 = tpu.memref_slice %arg3[%min3A_999, %dma_wait3A_1010] : memref<6400x128xi32, #tpu.memory_space<hbm>> -> memref<1x128xi32, #tpu.memory_space<hbm>>
      %dma_wait3A_1012 = tpu.memref_squeeze %dma_wait3A_1011 : memref<1x128xi32, #tpu.memory_space<hbm>> -> memref<128xi32, #tpu.memory_space<hbm>>
      tpu.wait_dma2 semaphore(%arg14 : memref<!tpu.dma_semaphore, #tpu.memory_space<semaphore_mem>>) src(%dma_wait3A_1012 : memref<128xi32, #tpu.memory_space<hbm>>) dst(%dma_wait3A_1009 : memref<128xi32, #tpu.memory_space<vmem>>)
      %dma_start3A_1013 = arith.constant 1 : i32
      %dma_start3A_1014 = arith.constant 1 : i32
      %dma_start3A_1015 = arith.constant 0 : i32
      %dma_start3A_1016 = arith.constant 0 : i32
      %dma_start3A_1017 = tpu.memref_slice %arg9[%dma_start3A_1014, %dma_start3A_1015, %dma_start3A_1016] : memref<2x128x64xf32, #tpu.memory_space<vmem>> -> memref<1x128x64xf32, #tpu.memory_space<vmem>>
      %dma_start3A_1018 = tpu.memref_squeeze %dma_start3A_1017 : memref<1x128x64xf32, #tpu.memory_space<vmem>> -> memref<128x64xf32, #tpu.memory_space<vmem>>
      %dma_start3A_1019 = arith.constant 0 : i32
      %dma_start3A_1020 = tpu.memref_slice %arg7[%dma_start3A_1013, %dma_start3A_1019] : memref<4x128xi32, #tpu.memory_space<vmem>> -> memref<1x128xi32, #tpu.memory_space<vmem>>
      %dma_start3A_1021 = tpu.memref_squeeze %dma_start3A_1020 : memref<1x128xi32, #tpu.memory_space<vmem>> -> memref<128xi32, #tpu.memory_space<vmem>>
      %dma_start3A_1022 = arith.constant 0 : i32
      %dma_start3A_1023 = arith.constant 0 : i32
      %dma_start3A_1024 = tpu.memref_slice %arg4[%dma_start3A_1022, %dma_start3A_1023] : memref<100000x64xf32, #tpu.memory_space<hbm>> -> memref<100000x64xf32, #tpu.memory_space<hbm>>
      tpu.enqueue_indirect_dma source(%dma_start3A_1024 : memref<100000x64xf32, #tpu.memory_space<hbm>>) target(%dma_start3A_1018 : memref<128x64xf32, #tpu.memory_space<vmem>>) offsets(%dma_start3A_1021 : memref<128xi32, #tpu.memory_space<vmem>>) semaphore(%arg18 : memref<!tpu.dma_semaphore, #tpu.memory_space<semaphore_mem>>)
      %dma_start3A_1025 = arith.constant 1 : i32
      %dma_start3A_1026 = arith.constant 1 : i32
      %dma_start3A_1027 = arith.constant 0 : i32
      %dma_start3A_1028 = arith.constant 0 : i32
      %dma_start3A_1029 = tpu.memref_slice %arg10[%dma_start3A_1026, %dma_start3A_1027, %dma_start3A_1028] : memref<2x128x64xf32, #tpu.memory_space<vmem>> -> memref<1x128x64xf32, #tpu.memory_space<vmem>>
      %dma_start3A_1030 = tpu.memref_squeeze %dma_start3A_1029 : memref<1x128x64xf32, #tpu.memory_space<vmem>> -> memref<128x64xf32, #tpu.memory_space<vmem>>
      %dma_start3A_1031 = arith.constant 0 : i32
      %dma_start3A_1032 = tpu.memref_slice %arg8[%dma_start3A_1025, %dma_start3A_1031] : memref<4x128xi32, #tpu.memory_space<vmem>> -> memref<1x128xi32, #tpu.memory_space<vmem>>
      %dma_start3A_1033 = tpu.memref_squeeze %dma_start3A_1032 : memref<1x128xi32, #tpu.memory_space<vmem>> -> memref<128xi32, #tpu.memory_space<vmem>>
      %dma_start3A_1034 = arith.constant 0 : i32
      %dma_start3A_1035 = arith.constant 0 : i32
      %dma_start3A_1036 = tpu.memref_slice %arg12[%dma_start3A_1034, %dma_start3A_1035] : memref<10000x64xf32, #tpu.memory_space<vmem_shared>> -> memref<10000x64xf32, #tpu.memory_space<vmem_shared>>
      tpu.enqueue_indirect_dma source(%dma_start3A_1036 : memref<10000x64xf32, #tpu.memory_space<vmem_shared>>) target(%dma_start3A_1030 : memref<128x64xf32, #tpu.memory_space<vmem>>) offsets(%dma_start3A_1033 : memref<128xi32, #tpu.memory_space<vmem>>) semaphore(%arg20 : memref<!tpu.dma_semaphore, #tpu.memory_space<semaphore_mem>>)
      %mul3A_1037 = arith.constant 128 : i32
      %mul3A_1038 = arith.muli %add3A_901, %mul3A_1037 : i32
      %add3A_1039 = arith.addi %mul3A_4, %mul3A_1038 : i32
      %dma_start3A_1040 = arith.constant 1 : i32
      %dma_start3A_1041 = arith.constant 0 : i32
      %dma_start3A_1042 = arith.constant 0 : i32
      %dma_start3A_1043 = tpu.memref_slice %arg11[%dma_start3A_1040, %dma_start3A_1041, %dma_start3A_1042] : memref<2x128x64xf32, #tpu.memory_space<vmem>> -> memref<1x128x64xf32, #tpu.memory_space<vmem>>
      %dma_start3A_1044 = tpu.memref_squeeze %dma_start3A_1043 : memref<1x128x64xf32, #tpu.memory_space<vmem>> -> memref<128x64xf32, #tpu.memory_space<vmem>>
      %dma_start3A_1045 = arith.constant 0 : i32
      %dma_start3A_1046 = tpu.memref_slice %arg6[%add3A_1039, %dma_start3A_1045] : memref<819200x64xf32, #tpu.memory_space<hbm>> -> memref<128x64xf32, #tpu.memory_space<hbm>>
      %dma_start3A_1047 = arith.constant 0 : i32
      %dma_start3A_1048 = tpu.memref_slice %arg6[%add3A_1039, %dma_start3A_1047] : memref<819200x64xf32, #tpu.memory_space<hbm>> -> memref<128x64xf32, #tpu.memory_space<hbm>>
      %dma_start3A_1049 = arith.constant 0 : i32
      %dma_start3A_1050 = arith.constant 0 : i32
      %dma_start3A_1051 = tpu.memref_slice %arg11[%dma_start3A_1040, %dma_start3A_1049, %dma_start3A_1050] : memref<2x128x64xf32, #tpu.memory_space<vmem>> -> memref<1x128x64xf32, #tpu.memory_space<vmem>>
      %dma_start3A_1052 = tpu.memref_squeeze %dma_start3A_1051 : memref<1x128x64xf32, #tpu.memory_space<vmem>> -> memref<128x64xf32, #tpu.memory_space<vmem>>
      tpu.enqueue_dma source(%dma_start3A_1052 : memref<128x64xf32, #tpu.memory_space<vmem>>) target(%dma_start3A_1048 : memref<128x64xf32, #tpu.memory_space<hbm>>) target_semaphore(%arg22 : memref<!tpu.dma_semaphore, #tpu.memory_space<semaphore_mem>>)
      %add3A_1053 = arith.constant 2 : i32
      %add3A_1054 = arith.addi %add3A_748, %add3A_1053 : i32
      %dma_wait3A_1055 = arith.constant 0 : i32
      %dma_wait3A_1056 = arith.constant 0 : i32
      %dma_wait3A_1057 = arith.constant 0 : i32
      %dma_wait3A_1058 = arith.constant 0 : i32
      %dma_wait3A_1059 = tpu.memref_slice %arg9[%dma_wait3A_1056, %dma_wait3A_1057, %dma_wait3A_1058] : memref<2x128x64xf32, #tpu.memory_space<vmem>> -> memref<1x128x64xf32, #tpu.memory_space<vmem>>
      %dma_wait3A_1060 = tpu.memref_squeeze %dma_wait3A_1059 : memref<1x128x64xf32, #tpu.memory_space<vmem>> -> memref<128x64xf32, #tpu.memory_space<vmem>>
      %dma_wait3A_1061 = arith.constant 0 : i32
      %dma_wait3A_1062 = tpu.memref_slice %arg7[%dma_wait3A_1055, %dma_wait3A_1061] : memref<4x128xi32, #tpu.memory_space<vmem>> -> memref<1x128xi32, #tpu.memory_space<vmem>>
      %dma_wait3A_1063 = tpu.memref_squeeze %dma_wait3A_1062 : memref<1x128xi32, #tpu.memory_space<vmem>> -> memref<128xi32, #tpu.memory_space<vmem>>
      %dma_wait3A_1064 = arith.constant 0 : i32
      %dma_wait3A_1065 = arith.constant 0 : i32
      %dma_wait3A_1066 = tpu.memref_slice %arg4[%dma_wait3A_1064, %dma_wait3A_1065] : memref<100000x64xf32, #tpu.memory_space<hbm>> -> memref<100000x64xf32, #tpu.memory_space<hbm>>
      tpu.wait_indirect_dma semaphore(%arg17 : memref<!tpu.dma_semaphore, #tpu.memory_space<semaphore_mem>>) src(%dma_wait3A_1066 : memref<100000x64xf32, #tpu.memory_space<hbm>>) dst(%dma_wait3A_1060 : memref<128x64xf32, #tpu.memory_space<vmem>>)
      %dma_wait3A_1067 = arith.constant 0 : i32
      %dma_wait3A_1068 = arith.constant 0 : i32
      %dma_wait3A_1069 = arith.constant 0 : i32
      %dma_wait3A_1070 = arith.constant 0 : i32
      %dma_wait3A_1071 = tpu.memref_slice %arg10[%dma_wait3A_1068, %dma_wait3A_1069, %dma_wait3A_1070] : memref<2x128x64xf32, #tpu.memory_space<vmem>> -> memref<1x128x64xf32, #tpu.memory_space<vmem>>
      %dma_wait3A_1072 = tpu.memref_squeeze %dma_wait3A_1071 : memref<1x128x64xf32, #tpu.memory_space<vmem>> -> memref<128x64xf32, #tpu.memory_space<vmem>>
      %dma_wait3A_1073 = arith.constant 0 : i32
      %dma_wait3A_1074 = tpu.memref_slice %arg8[%dma_wait3A_1067, %dma_wait3A_1073] : memref<4x128xi32, #tpu.memory_space<vmem>> -> memref<1x128xi32, #tpu.memory_space<vmem>>
      %dma_wait3A_1075 = tpu.memref_squeeze %dma_wait3A_1074 : memref<1x128xi32, #tpu.memory_space<vmem>> -> memref<128xi32, #tpu.memory_space<vmem>>
      %dma_wait3A_1076 = arith.constant 0 : i32
      %dma_wait3A_1077 = arith.constant 0 : i32
      %dma_wait3A_1078 = tpu.memref_slice %arg12[%dma_wait3A_1076, %dma_wait3A_1077] : memref<10000x64xf32, #tpu.memory_space<vmem_shared>> -> memref<10000x64xf32, #tpu.memory_space<vmem_shared>>
      tpu.wait_indirect_dma semaphore(%arg19 : memref<!tpu.dma_semaphore, #tpu.memory_space<semaphore_mem>>) src(%dma_wait3A_1078 : memref<10000x64xf32, #tpu.memory_space<vmem_shared>>) dst(%dma_wait3A_1072 : memref<128x64xf32, #tpu.memory_space<vmem>>)
      %add3A_1079 = arith.constant 4 : i32
      %add3A_1080 = arith.addi %add3A_1054, %add3A_1079 : i32
      %add3A_1081 = arith.addi %mul3A_2, %add3A_1080 : i32
      %min3A_1082 = arith.constant 6399 : i32
      %min3A_1083 = arith.minsi %add3A_1081, %min3A_1082 : i32
      %dma_start3A_1084 = arith.constant 0 : i32
      %dma_start3A_1085 = arith.constant 0 : i32
      %dma_start3A_1086 = tpu.memref_slice %arg7[%dma_start3A_1084, %dma_start3A_1085] : memref<4x128xi32, #tpu.memory_space<vmem>> -> memref<1x128xi32, #tpu.memory_space<vmem>>
      %dma_start3A_1087 = tpu.memref_squeeze %dma_start3A_1086 : memref<1x128xi32, #tpu.memory_space<vmem>> -> memref<128xi32, #tpu.memory_space<vmem>>
      %dma_start3A_1088 = arith.constant 0 : i32
      %dma_start3A_1089 = tpu.memref_slice %arg2[%min3A_1083, %dma_start3A_1088] : memref<6400x128xi32, #tpu.memory_space<hbm>> -> memref<1x128xi32, #tpu.memory_space<hbm>>
      %dma_start3A_1090 = tpu.memref_squeeze %dma_start3A_1089 : memref<1x128xi32, #tpu.memory_space<hbm>> -> memref<128xi32, #tpu.memory_space<hbm>>
      %dma_start3A_1091 = arith.constant 0 : i32
      %dma_start3A_1092 = tpu.memref_slice %arg7[%dma_start3A_1084, %dma_start3A_1091] : memref<4x128xi32, #tpu.memory_space<vmem>> -> memref<1x128xi32, #tpu.memory_space<vmem>>
      %dma_start3A_1093 = tpu.memref_squeeze %dma_start3A_1092 : memref<1x128xi32, #tpu.memory_space<vmem>> -> memref<128xi32, #tpu.memory_space<vmem>>
      %dma_start3A_1094 = arith.constant 0 : i32
      %dma_start3A_1095 = tpu.memref_slice %arg2[%min3A_1083, %dma_start3A_1094] : memref<6400x128xi32, #tpu.memory_space<hbm>> -> memref<1x128xi32, #tpu.memory_space<hbm>>
      %dma_start3A_1096 = tpu.memref_squeeze %dma_start3A_1095 : memref<1x128xi32, #tpu.memory_space<hbm>> -> memref<128xi32, #tpu.memory_space<hbm>>
      tpu.enqueue_dma source(%dma_start3A_1096 : memref<128xi32, #tpu.memory_space<hbm>>) target(%dma_start3A_1093 : memref<128xi32, #tpu.memory_space<vmem>>) target_semaphore(%arg13 : memref<!tpu.dma_semaphore, #tpu.memory_space<semaphore_mem>>)
      %add3A_1097 = arith.addi %mul3A_2, %add3A_1080 : i32
      %min3A_1098 = arith.constant 6399 : i32
      %min3A_1099 = arith.minsi %add3A_1097, %min3A_1098 : i32
      %dma_start3A_1100 = arith.constant 0 : i32
      %dma_start3A_1101 = arith.constant 0 : i32
      %dma_start3A_1102 = tpu.memref_slice %arg8[%dma_start3A_1100, %dma_start3A_1101] : memref<4x128xi32, #tpu.memory_space<vmem>> -> memref<1x128xi32, #tpu.memory_space<vmem>>
      %dma_start3A_1103 = tpu.memref_squeeze %dma_start3A_1102 : memref<1x128xi32, #tpu.memory_space<vmem>> -> memref<128xi32, #tpu.memory_space<vmem>>
      %dma_start3A_1104 = arith.constant 0 : i32
      %dma_start3A_1105 = tpu.memref_slice %arg3[%min3A_1099, %dma_start3A_1104] : memref<6400x128xi32, #tpu.memory_space<hbm>> -> memref<1x128xi32, #tpu.memory_space<hbm>>
      %dma_start3A_1106 = tpu.memref_squeeze %dma_start3A_1105 : memref<1x128xi32, #tpu.memory_space<hbm>> -> memref<128xi32, #tpu.memory_space<hbm>>
      %dma_start3A_1107 = arith.constant 0 : i32
      %dma_start3A_1108 = tpu.memref_slice %arg8[%dma_start3A_1100, %dma_start3A_1107] : memref<4x128xi32, #tpu.memory_space<vmem>> -> memref<1x128xi32, #tpu.memory_space<vmem>>
      %dma_start3A_1109 = tpu.memref_squeeze %dma_start3A_1108 : memref<1x128xi32, #tpu.memory_space<vmem>> -> memref<128xi32, #tpu.memory_space<vmem>>
      %dma_start3A_1110 = arith.constant 0 : i32
      %dma_start3A_1111 = tpu.memref_slice %arg3[%min3A_1099, %dma_start3A_1110] : memref<6400x128xi32, #tpu.memory_space<hbm>> -> memref<1x128xi32, #tpu.memory_space<hbm>>
      %dma_start3A_1112 = tpu.memref_squeeze %dma_start3A_1111 : memref<1x128xi32, #tpu.memory_space<hbm>> -> memref<128xi32, #tpu.memory_space<hbm>>
      tpu.enqueue_dma source(%dma_start3A_1112 : memref<128xi32, #tpu.memory_space<hbm>>) target(%dma_start3A_1109 : memref<128xi32, #tpu.memory_space<vmem>>) target_semaphore(%arg13 : memref<!tpu.dma_semaphore, #tpu.memory_space<semaphore_mem>>)
      %dma_wait3A_1113 = arith.constant 0 : i32
      %dma_wait3A_1114 = arith.constant 0 : i32
      %dma_wait3A_1115 = arith.constant 0 : i32
      %dma_wait3A_1116 = tpu.memref_slice %arg11[%dma_wait3A_1113, %dma_wait3A_1114, %dma_wait3A_1115] : memref<2x128x64xf32, #tpu.memory_space<vmem>> -> memref<1x128x64xf32, #tpu.memory_space<vmem>>
      %dma_wait3A_1117 = tpu.memref_squeeze %dma_wait3A_1116 : memref<1x128x64xf32, #tpu.memory_space<vmem>> -> memref<128x64xf32, #tpu.memory_space<vmem>>
      %dma_wait3A_1118 = arith.constant 0 : i32
      %dma_wait3A_1119 = tpu.memref_slice %arg6[%mul3A_4, %dma_wait3A_1118] : memref<819200x64xf32, #tpu.memory_space<hbm>> -> memref<128x64xf32, #tpu.memory_space<hbm>>
      %dma_wait3A_1120 = arith.constant 0 : i32
      %dma_wait3A_1121 = tpu.memref_slice %arg6[%mul3A_4, %dma_wait3A_1120] : memref<819200x64xf32, #tpu.memory_space<hbm>> -> memref<128x64xf32, #tpu.memory_space<hbm>>
      %dma_wait3A_1122 = arith.constant 0 : i32
      %dma_wait3A_1123 = arith.constant 0 : i32
      %dma_wait3A_1124 = tpu.memref_slice %arg11[%dma_wait3A_1113, %dma_wait3A_1122, %dma_wait3A_1123] : memref<2x128x64xf32, #tpu.memory_space<vmem>> -> memref<1x128x64xf32, #tpu.memory_space<vmem>>
      %dma_wait3A_1125 = tpu.memref_squeeze %dma_wait3A_1124 : memref<1x128x64xf32, #tpu.memory_space<vmem>> -> memref<128x64xf32, #tpu.memory_space<vmem>>
      tpu.wait_dma2 semaphore(%arg21 : memref<!tpu.dma_semaphore, #tpu.memory_space<semaphore_mem>>) src(%dma_wait3A_1125 : memref<128x64xf32, #tpu.memory_space<vmem>>) dst(%dma_wait3A_1121 : memref<128x64xf32, #tpu.memory_space<hbm>>)
      %parallel_loop3A_1126 = arith.constant 0 : i32
      %parallel_loop3A_1127 = arith.constant 128 : i32
      %parallel_loop3A_1128 = arith.constant 1 : i32
      %parallel_loop3A_1129 = arith.constant 0 : i32
      %parallel_loop3A_1130 = arith.constant 0 : i32
      %parallel_loop3A_1131 = arith.constant 0 : i32
      scf.for %parallel_loop3A_1359 = %parallel_loop3A_1126 to %parallel_loop3A_1127 step %parallel_loop3A_1128  : i32 {
        %parallel_loop3A_1360 = arith.constant 0 : i32
        %parallel_loop3A_1361 = arith.constant 0 : i32
        %parallel_loop3A_1362 = tpu.memref_slice %arg9[%parallel_loop3A_1129, %parallel_loop3A_1360, %parallel_loop3A_1361] : memref<2x128x64xf32, #tpu.memory_space<vmem>> -> memref<1x128x64xf32, #tpu.memory_space<vmem>>
        %parallel_loop3A_1363 = tpu.memref_squeeze %parallel_loop3A_1362 : memref<1x128x64xf32, #tpu.memory_space<vmem>> -> memref<128x64xf32, #tpu.memory_space<vmem>>
        %parallel_loop3A_1364 = arith.index_cast %parallel_loop3A_1359 : i32 to index
        %parallel_loop3A_1365 = arith.constant 0 : index
        %parallel_loop3A_1366 = tpu.vector_load %parallel_loop3A_1363[%parallel_loop3A_1364, %parallel_loop3A_1365] {strides = array<i32>} : memref<128x64xf32, #tpu.memory_space<vmem>>, vector<1x16xf32>,
        %parallel_loop3A_1367 = vector.shape_cast %parallel_loop3A_1366 : vector<1x16xf32> to vector<16xf32>
        %parallel_loop3A_1368 = arith.constant 0 : i32
        %parallel_loop3A_1369 = arith.constant 0 : i32
        %parallel_loop3A_1370 = tpu.memref_slice %arg10[%parallel_loop3A_1130, %parallel_loop3A_1368, %parallel_loop3A_1369] : memref<2x128x64xf32, #tpu.memory_space<vmem>> -> memref<1x128x64xf32, #tpu.memory_space<vmem>>
        %parallel_loop3A_1371 = tpu.memref_squeeze %parallel_loop3A_1370 : memref<1x128x64xf32, #tpu.memory_space<vmem>> -> memref<128x64xf32, #tpu.memory_space<vmem>>
        %parallel_loop3A_1372 = arith.index_cast %parallel_loop3A_1359 : i32 to index
        %parallel_loop3A_1373 = arith.constant 0 : index
        %parallel_loop3A_1374 = tpu.vector_load %parallel_loop3A_1371[%parallel_loop3A_1372, %parallel_loop3A_1373] {strides = array<i32>} : memref<128x64xf32, #tpu.memory_space<vmem>>, vector<1x16xf32>,
        %parallel_loop3A_1375 = vector.shape_cast %parallel_loop3A_1374 : vector<1x16xf32> to vector<16xf32>
        %parallel_loop3A_1376 = arith.addf %parallel_loop3A_1367, %parallel_loop3A_1375 : vector<16xf32>
        %parallel_loop3A_1377 = arith.constant 0 : i32
        %parallel_loop3A_1378 = arith.constant 0 : i32
        %parallel_loop3A_1379 = tpu.memref_slice %arg11[%parallel_loop3A_1131, %parallel_loop3A_1377, %parallel_loop3A_1378] : memref<2x128x64xf32, #tpu.memory_space<vmem>> -> memref<1x128x64xf32, #tpu.memory_space<vmem>>
        %parallel_loop3A_1380 = tpu.memref_squeeze %parallel_loop3A_1379 : memref<1x128x64xf32, #tpu.memory_space<vmem>> -> memref<128x64xf32, #tpu.memory_space<vmem>>
        %parallel_loop3A_1381 = arith.index_cast %parallel_loop3A_1359 : i32 to index
        %parallel_loop3A_1382 = arith.constant 0 : index
        %parallel_loop3A_1383 = tpu.vector_load %parallel_loop3A_1380[%parallel_loop3A_1381, %parallel_loop3A_1382] {strides = array<i32>} : memref<128x64xf32, #tpu.memory_space<vmem>>, vector<1x16xf32>,
        %parallel_loop3A_1384 = vector.shape_cast %parallel_loop3A_1383 : vector<1x16xf32> to vector<16xf32>
        %parallel_loop3A_1385 = vector.shape_cast %parallel_loop3A_1376 : vector<16xf32> to vector<1x16xf32>
        tpu.vector_store %parallel_loop3A_1380[%parallel_loop3A_1381, %parallel_loop3A_1382], %parallel_loop3A_1385 {strides = array<i32>} : memref<128x64xf32, #tpu.memory_space<vmem>>, vector<1x16xf32>,
        %parallel_loop3A_1386 = arith.constant 0 : i32
        %parallel_loop3A_1387 = arith.constant 0 : i32
        %parallel_loop3A_1388 = tpu.memref_slice %arg9[%parallel_loop3A_1129, %parallel_loop3A_1386, %parallel_loop3A_1387] : memref<2x128x64xf32, #tpu.memory_space<vmem>> -> memref<1x128x64xf32, #tpu.memory_space<vmem>>
        %parallel_loop3A_1389 = tpu.memref_squeeze %parallel_loop3A_1388 : memref<1x128x64xf32, #tpu.memory_space<vmem>> -> memref<128x64xf32, #tpu.memory_space<vmem>>
        %parallel_loop3A_1390 = arith.index_cast %parallel_loop3A_1359 : i32 to index
        %parallel_loop3A_1391 = arith.constant 16 : index
        %parallel_loop3A_1392 = tpu.vector_load %parallel_loop3A_1389[%parallel_loop3A_1390, %parallel_loop3A_1391] {strides = array<i32>} : memref<128x64xf32, #tpu.memory_space<vmem>>, vector<1x16xf32>,
        %parallel_loop3A_1393 = vector.shape_cast %parallel_loop3A_1392 : vector<1x16xf32> to vector<16xf32>
        %parallel_loop3A_1394 = arith.constant 0 : i32
        %parallel_loop3A_1395 = arith.constant 0 : i32
        %parallel_loop3A_1396 = tpu.memref_slice %arg10[%parallel_loop3A_1130, %parallel_loop3A_1394, %parallel_loop3A_1395] : memref<2x128x64xf32, #tpu.memory_space<vmem>> -> memref<1x128x64xf32, #tpu.memory_space<vmem>>
        %parallel_loop3A_1397 = tpu.memref_squeeze %parallel_loop3A_1396 : memref<1x128x64xf32, #tpu.memory_space<vmem>> -> memref<128x64xf32, #tpu.memory_space<vmem>>
        %parallel_loop3A_1398 = arith.index_cast %parallel_loop3A_1359 : i32 to index
        %parallel_loop3A_1399 = arith.constant 16 : index
        %parallel_loop3A_1400 = tpu.vector_load %parallel_loop3A_1397[%parallel_loop3A_1398, %parallel_loop3A_1399] {strides = array<i32>} : memref<128x64xf32, #tpu.memory_space<vmem>>, vector<1x16xf32>,
        %parallel_loop3A_1401 = vector.shape_cast %parallel_loop3A_1400 : vector<1x16xf32> to vector<16xf32>
        %parallel_loop3A_1402 = arith.addf %parallel_loop3A_1393, %parallel_loop3A_1401 : vector<16xf32>
        %parallel_loop3A_1403 = arith.constant 0 : i32
        %parallel_loop3A_1404 = arith.constant 0 : i32
        %parallel_loop3A_1405 = tpu.memref_slice %arg11[%parallel_loop3A_1131, %parallel_loop3A_1403, %parallel_loop3A_1404] : memref<2x128x64xf32, #tpu.memory_space<vmem>> -> memref<1x128x64xf32, #tpu.memory_space<vmem>>
        %parallel_loop3A_1406 = tpu.memref_squeeze %parallel_loop3A_1405 : memref<1x128x64xf32, #tpu.memory_space<vmem>> -> memref<128x64xf32, #tpu.memory_space<vmem>>
        %parallel_loop3A_1407 = arith.index_cast %parallel_loop3A_1359 : i32 to index
        %parallel_loop3A_1408 = arith.constant 16 : index
        %parallel_loop3A_1409 = tpu.vector_load %parallel_loop3A_1406[%parallel_loop3A_1407, %parallel_loop3A_1408] {strides = array<i32>} : memref<128x64xf32, #tpu.memory_space<vmem>>, vector<1x16xf32>,
        %parallel_loop3A_1410 = vector.shape_cast %parallel_loop3A_1409 : vector<1x16xf32> to vector<16xf32>
        %parallel_loop3A_1411 = vector.shape_cast %parallel_loop3A_1402 : vector<16xf32> to vector<1x16xf32>
        tpu.vector_store %parallel_loop3A_1406[%parallel_loop3A_1407, %parallel_loop3A_1408], %parallel_loop3A_1411 {strides = array<i32>} : memref<128x64xf32, #tpu.memory_space<vmem>>, vector<1x16xf32>,
        %parallel_loop3A_1412 = arith.constant 0 : i32
        %parallel_loop3A_1413 = arith.constant 0 : i32
        %parallel_loop3A_1414 = tpu.memref_slice %arg9[%parallel_loop3A_1129, %parallel_loop3A_1412, %parallel_loop3A_1413] : memref<2x128x64xf32, #tpu.memory_space<vmem>> -> memref<1x128x64xf32, #tpu.memory_space<vmem>>
        %parallel_loop3A_1415 = tpu.memref_squeeze %parallel_loop3A_1414 : memref<1x128x64xf32, #tpu.memory_space<vmem>> -> memref<128x64xf32, #tpu.memory_space<vmem>>
        %parallel_loop3A_1416 = arith.index_cast %parallel_loop3A_1359 : i32 to index
        %parallel_loop3A_1417 = arith.constant 32 : index
        %parallel_loop3A_1418 = tpu.vector_load %parallel_loop3A_1415[%parallel_loop3A_1416, %parallel_loop3A_1417] {strides = array<i32>} : memref<128x64xf32, #tpu.memory_space<vmem>>, vector<1x16xf32>,
        %parallel_loop3A_1419 = vector.shape_cast %parallel_loop3A_1418 : vector<1x16xf32> to vector<16xf32>
        %parallel_loop3A_1420 = arith.constant 0 : i32
        %parallel_loop3A_1421 = arith.constant 0 : i32
        %parallel_loop3A_1422 = tpu.memref_slice %arg10[%parallel_loop3A_1130, %parallel_loop3A_1420, %parallel_loop3A_1421] : memref<2x128x64xf32, #tpu.memory_space<vmem>> -> memref<1x128x64xf32, #tpu.memory_space<vmem>>
        %parallel_loop3A_1423 = tpu.memref_squeeze %parallel_loop3A_1422 : memref<1x128x64xf32, #tpu.memory_space<vmem>> -> memref<128x64xf32, #tpu.memory_space<vmem>>
        %parallel_loop3A_1424 = arith.index_cast %parallel_loop3A_1359 : i32 to index
        %parallel_loop3A_1425 = arith.constant 32 : index
        %parallel_loop3A_1426 = tpu.vector_load %parallel_loop3A_1423[%parallel_loop3A_1424, %parallel_loop3A_1425] {strides = array<i32>} : memref<128x64xf32, #tpu.memory_space<vmem>>, vector<1x16xf32>,
        %parallel_loop3A_1427 = vector.shape_cast %parallel_loop3A_1426 : vector<1x16xf32> to vector<16xf32>
        %parallel_loop3A_1428 = arith.addf %parallel_loop3A_1419, %parallel_loop3A_1427 : vector<16xf32>
        %parallel_loop3A_1429 = arith.constant 0 : i32
        %parallel_loop3A_1430 = arith.constant 0 : i32
        %parallel_loop3A_1431 = tpu.memref_slice %arg11[%parallel_loop3A_1131, %parallel_loop3A_1429, %parallel_loop3A_1430] : memref<2x128x64xf32, #tpu.memory_space<vmem>> -> memref<1x128x64xf32, #tpu.memory_space<vmem>>
        %parallel_loop3A_1432 = tpu.memref_squeeze %parallel_loop3A_1431 : memref<1x128x64xf32, #tpu.memory_space<vmem>> -> memref<128x64xf32, #tpu.memory_space<vmem>>
        %parallel_loop3A_1433 = arith.index_cast %parallel_loop3A_1359 : i32 to index
        %parallel_loop3A_1434 = arith.constant 32 : index
        %parallel_loop3A_1435 = tpu.vector_load %parallel_loop3A_1432[%parallel_loop3A_1433, %parallel_loop3A_1434] {strides = array<i32>} : memref<128x64xf32, #tpu.memory_space<vmem>>, vector<1x16xf32>,
        %parallel_loop3A_1436 = vector.shape_cast %parallel_loop3A_1435 : vector<1x16xf32> to vector<16xf32>
        %parallel_loop3A_1437 = vector.shape_cast %parallel_loop3A_1428 : vector<16xf32> to vector<1x16xf32>
        tpu.vector_store %parallel_loop3A_1432[%parallel_loop3A_1433, %parallel_loop3A_1434], %parallel_loop3A_1437 {strides = array<i32>} : memref<128x64xf32, #tpu.memory_space<vmem>>, vector<1x16xf32>,
        %parallel_loop3A_1438 = arith.constant 0 : i32
        %parallel_loop3A_1439 = arith.constant 0 : i32
        %parallel_loop3A_1440 = tpu.memref_slice %arg9[%parallel_loop3A_1129, %parallel_loop3A_1438, %parallel_loop3A_1439] : memref<2x128x64xf32, #tpu.memory_space<vmem>> -> memref<1x128x64xf32, #tpu.memory_space<vmem>>
        %parallel_loop3A_1441 = tpu.memref_squeeze %parallel_loop3A_1440 : memref<1x128x64xf32, #tpu.memory_space<vmem>> -> memref<128x64xf32, #tpu.memory_space<vmem>>
        %parallel_loop3A_1442 = arith.index_cast %parallel_loop3A_1359 : i32 to index
        %parallel_loop3A_1443 = arith.constant 48 : index
        %parallel_loop3A_1444 = tpu.vector_load %parallel_loop3A_1441[%parallel_loop3A_1442, %parallel_loop3A_1443] {strides = array<i32>} : memref<128x64xf32, #tpu.memory_space<vmem>>, vector<1x16xf32>,
        %parallel_loop3A_1445 = vector.shape_cast %parallel_loop3A_1444 : vector<1x16xf32> to vector<16xf32>
        %parallel_loop3A_1446 = arith.constant 0 : i32
        %parallel_loop3A_1447 = arith.constant 0 : i32
        %parallel_loop3A_1448 = tpu.memref_slice %arg10[%parallel_loop3A_1130, %parallel_loop3A_1446, %parallel_loop3A_1447] : memref<2x128x64xf32, #tpu.memory_space<vmem>> -> memref<1x128x64xf32, #tpu.memory_space<vmem>>
        %parallel_loop3A_1449 = tpu.memref_squeeze %parallel_loop3A_1448 : memref<1x128x64xf32, #tpu.memory_space<vmem>> -> memref<128x64xf32, #tpu.memory_space<vmem>>
        %parallel_loop3A_1450 = arith.index_cast %parallel_loop3A_1359 : i32 to index
        %parallel_loop3A_1451 = arith.constant 48 : index
        %parallel_loop3A_1452 = tpu.vector_load %parallel_loop3A_1449[%parallel_loop3A_1450, %parallel_loop3A_1451] {strides = array<i32>} : memref<128x64xf32, #tpu.memory_space<vmem>>, vector<1x16xf32>,
        %parallel_loop3A_1453 = vector.shape_cast %parallel_loop3A_1452 : vector<1x16xf32> to vector<16xf32>
        %parallel_loop3A_1454 = arith.addf %parallel_loop3A_1445, %parallel_loop3A_1453 : vector<16xf32>
        %parallel_loop3A_1455 = arith.constant 0 : i32
        %parallel_loop3A_1456 = arith.constant 0 : i32
        %parallel_loop3A_1457 = tpu.memref_slice %arg11[%parallel_loop3A_1131, %parallel_loop3A_1455, %parallel_loop3A_1456] : memref<2x128x64xf32, #tpu.memory_space<vmem>> -> memref<1x128x64xf32, #tpu.memory_space<vmem>>
        %parallel_loop3A_1458 = tpu.memref_squeeze %parallel_loop3A_1457 : memref<1x128x64xf32, #tpu.memory_space<vmem>> -> memref<128x64xf32, #tpu.memory_space<vmem>>
        %parallel_loop3A_1459 = arith.index_cast %parallel_loop3A_1359 : i32 to index
        %parallel_loop3A_1460 = arith.constant 48 : index
        %parallel_loop3A_1461 = tpu.vector_load %parallel_loop3A_1458[%parallel_loop3A_1459, %parallel_loop3A_1460] {strides = array<i32>} : memref<128x64xf32, #tpu.memory_space<vmem>>, vector<1x16xf32>,
        %parallel_loop3A_1462 = vector.shape_cast %parallel_loop3A_1461 : vector<1x16xf32> to vector<16xf32>
        %parallel_loop3A_1463 = vector.shape_cast %parallel_loop3A_1454 : vector<16xf32> to vector<1x16xf32>
        tpu.vector_store %parallel_loop3A_1458[%parallel_loop3A_1459, %parallel_loop3A_1460], %parallel_loop3A_1463 {strides = array<i32>} : memref<128x64xf32, #tpu.memory_space<vmem>>, vector<1x16xf32>,
      } {sc.loop_unroll_factor = 4 : i64, sc.parallel_access}
      %add3A_1132 = arith.constant 2 : i32
      %add3A_1133 = arith.addi %add3A_1054, %add3A_1132 : i32
      %add3A_1134 = arith.addi %mul3A_2, %add3A_1133 : i32
      %min3A_1135 = arith.constant 6399 : i32
      %min3A_1136 = arith.minsi %add3A_1134, %min3A_1135 : i32
      %dma_wait3A_1137 = arith.constant 2 : i32
      %dma_wait3A_1138 = arith.constant 0 : i32
      %dma_wait3A_1139 = tpu.memref_slice %arg7[%dma_wait3A_1137, %dma_wait3A_1138] : memref<4x128xi32, #tpu.memory_space<vmem>> -> memref<1x128xi32, #tpu.memory_space<vmem>>
      %dma_wait3A_1140 = tpu.memref_squeeze %dma_wait3A_1139 : memref<1x128xi32, #tpu.memory_space<vmem>> -> memref<128xi32, #tpu.memory_space<vmem>>
      %dma_wait3A_1141 = arith.constant 0 : i32
      %dma_wait3A_1142 = tpu.memref_slice %arg2[%min3A_1136, %dma_wait3A_1141] : memref<6400x128xi32, #tpu.memory_space<hbm>> -> memref<1x128xi32, #tpu.memory_space<hbm>>
      %dma_wait3A_1143 = tpu.memref_squeeze %dma_wait3A_1142 : memref<1x128xi32, #tpu.memory_space<hbm>> -> memref<128xi32, #tpu.memory_space<hbm>>
      %dma_wait3A_1144 = arith.constant 0 : i32
      %dma_wait3A_1145 = tpu.memref_slice %arg7[%dma_wait3A_1137, %dma_wait3A_1144] : memref<4x128xi32, #tpu.memory_space<vmem>> -> memref<1x128xi32, #tpu.memory_space<vmem>>
      %dma_wait3A_1146 = tpu.memref_squeeze %dma_wait3A_1145 : memref<1x128xi32, #tpu.memory_space<vmem>> -> memref<128xi32, #tpu.memory_space<vmem>>
      %dma_wait3A_1147 = arith.constant 0 : i32
      %dma_wait3A_1148 = tpu.memref_slice %arg2[%min3A_1136, %dma_wait3A_1147] : memref<6400x128xi32, #tpu.memory_space<hbm>> -> memref<1x128xi32, #tpu.memory_space<hbm>>
      %dma_wait3A_1149 = tpu.memref_squeeze %dma_wait3A_1148 : memref<1x128xi32, #tpu.memory_space<hbm>> -> memref<128xi32, #tpu.memory_space<hbm>>
      tpu.wait_dma2 semaphore(%arg15 : memref<!tpu.dma_semaphore, #tpu.memory_space<semaphore_mem>>) src(%dma_wait3A_1149 : memref<128xi32, #tpu.memory_space<hbm>>) dst(%dma_wait3A_1146 : memref<128xi32, #tpu.memory_space<vmem>>)
      %add3A_1150 = arith.addi %mul3A_2, %add3A_1133 : i32
      %min3A_1151 = arith.constant 6399 : i32
      %min3A_1152 = arith.minsi %add3A_1150, %min3A_1151 : i32
      %dma_wait3A_1153 = arith.constant 2 : i32
      %dma_wait3A_1154 = arith.constant 0 : i32
      %dma_wait3A_1155 = tpu.memref_slice %arg8[%dma_wait3A_1153, %dma_wait3A_1154] : memref<4x128xi32, #tpu.memory_space<vmem>> -> memref<1x128xi32, #tpu.memory_space<vmem>>
      %dma_wait3A_1156 = tpu.memref_squeeze %dma_wait3A_1155 : memref<1x128xi32, #tpu.memory_space<vmem>> -> memref<128xi32, #tpu.memory_space<vmem>>
      %dma_wait3A_1157 = arith.constant 0 : i32
      %dma_wait3A_1158 = tpu.memref_slice %arg3[%min3A_1152, %dma_wait3A_1157] : memref<6400x128xi32, #tpu.memory_space<hbm>> -> memref<1x128xi32, #tpu.memory_space<hbm>>
      %dma_wait3A_1159 = tpu.memref_squeeze %dma_wait3A_1158 : memref<1x128xi32, #tpu.memory_space<hbm>> -> memref<128xi32, #tpu.memory_space<hbm>>
      %dma_wait3A_1160 = arith.constant 0 : i32
      %dma_wait3A_1161 = tpu.memref_slice %arg8[%dma_wait3A_1153, %dma_wait3A_1160] : memref<4x128xi32, #tpu.memory_space<vmem>> -> memref<1x128xi32, #tpu.memory_space<vmem>>
      %dma_wait3A_1162 = tpu.memref_squeeze %dma_wait3A_1161 : memref<1x128xi32, #tpu.memory_space<vmem>> -> memref<128xi32, #tpu.memory_space<vmem>>
      %dma_wait3A_1163 = arith.constant 0 : i32
      %dma_wait3A_1164 = tpu.memref_slice %arg3[%min3A_1152, %dma_wait3A_1163] : memref<6400x128xi32, #tpu.memory_space<hbm>> -> memref<1x128xi32, #tpu.memory_space<hbm>>
      %dma_wait3A_1165 = tpu.memref_squeeze %dma_wait3A_1164 : memref<1x128xi32, #tpu.memory_space<hbm>> -> memref<128xi32, #tpu.memory_space<hbm>>
      tpu.wait_dma2 semaphore(%arg15 : memref<!tpu.dma_semaphore, #tpu.memory_space<semaphore_mem>>) src(%dma_wait3A_1165 : memref<128xi32, #tpu.memory_space<hbm>>) dst(%dma_wait3A_1162 : memref<128xi32, #tpu.memory_space<vmem>>)
      %dma_start3A_1166 = arith.constant 2 : i32
      %dma_start3A_1167 = arith.constant 0 : i32
      %dma_start3A_1168 = arith.constant 0 : i32
      %dma_start3A_1169 = arith.constant 0 : i32
      %dma_start3A_1170 = tpu.memref_slice %arg9[%dma_start3A_1167, %dma_start3A_1168, %dma_start3A_1169] : memref<2x128x64xf32, #tpu.memory_space<vmem>> -> memref<1x128x64xf32, #tpu.memory_space<vmem>>
      %dma_start3A_1171 = tpu.memref_squeeze %dma_start3A_1170 : memref<1x128x64xf32, #tpu.memory_space<vmem>> -> memref<128x64xf32, #tpu.memory_space<vmem>>
      %dma_start3A_1172 = arith.constant 0 : i32
      %dma_start3A_1173 = tpu.memref_slice %arg7[%dma_start3A_1166, %dma_start3A_1172] : memref<4x128xi32, #tpu.memory_space<vmem>> -> memref<1x128xi32, #tpu.memory_space<vmem>>
      %dma_start3A_1174 = tpu.memref_squeeze %dma_start3A_1173 : memref<1x128xi32, #tpu.memory_space<vmem>> -> memref<128xi32, #tpu.memory_space<vmem>>
      %dma_start3A_1175 = arith.constant 0 : i32
      %dma_start3A_1176 = arith.constant 0 : i32
      %dma_start3A_1177 = tpu.memref_slice %arg4[%dma_start3A_1175, %dma_start3A_1176] : memref<100000x64xf32, #tpu.memory_space<hbm>> -> memref<100000x64xf32, #tpu.memory_space<hbm>>
      tpu.enqueue_indirect_dma source(%dma_start3A_1177 : memref<100000x64xf32, #tpu.memory_space<hbm>>) target(%dma_start3A_1171 : memref<128x64xf32, #tpu.memory_space<vmem>>) offsets(%dma_start3A_1174 : memref<128xi32, #tpu.memory_space<vmem>>) semaphore(%arg17 : memref<!tpu.dma_semaphore, #tpu.memory_space<semaphore_mem>>)
      %dma_start3A_1178 = arith.constant 2 : i32
      %dma_start3A_1179 = arith.constant 0 : i32
      %dma_start3A_1180 = arith.constant 0 : i32
      %dma_start3A_1181 = arith.constant 0 : i32
      %dma_start3A_1182 = tpu.memref_slice %arg10[%dma_start3A_1179, %dma_start3A_1180, %dma_start3A_1181] : memref<2x128x64xf32, #tpu.memory_space<vmem>> -> memref<1x128x64xf32, #tpu.memory_space<vmem>>
      %dma_start3A_1183 = tpu.memref_squeeze %dma_start3A_1182 : memref<1x128x64xf32, #tpu.memory_space<vmem>> -> memref<128x64xf32, #tpu.memory_space<vmem>>
      %dma_start3A_1184 = arith.constant 0 : i32
      %dma_start3A_1185 = tpu.memref_slice %arg8[%dma_start3A_1178, %dma_start3A_1184] : memref<4x128xi32, #tpu.memory_space<vmem>> -> memref<1x128xi32, #tpu.memory_space<vmem>>
      %dma_start3A_1186 = tpu.memref_squeeze %dma_start3A_1185 : memref<1x128xi32, #tpu.memory_space<vmem>> -> memref<128xi32, #tpu.memory_space<vmem>>
      %dma_start3A_1187 = arith.constant 0 : i32
      %dma_start3A_1188 = arith.constant 0 : i32
      %dma_start3A_1189 = tpu.memref_slice %arg12[%dma_start3A_1187, %dma_start3A_1188] : memref<10000x64xf32, #tpu.memory_space<vmem_shared>> -> memref<10000x64xf32, #tpu.memory_space<vmem_shared>>
      tpu.enqueue_indirect_dma source(%dma_start3A_1189 : memref<10000x64xf32, #tpu.memory_space<vmem_shared>>) target(%dma_start3A_1183 : memref<128x64xf32, #tpu.memory_space<vmem>>) offsets(%dma_start3A_1186 : memref<128xi32, #tpu.memory_space<vmem>>) semaphore(%arg19 : memref<!tpu.dma_semaphore, #tpu.memory_space<semaphore_mem>>)
      %mul3A_1190 = arith.constant 128 : i32
      %mul3A_1191 = arith.muli %add3A_1054, %mul3A_1190 : i32
      %add3A_1192 = arith.addi %mul3A_4, %mul3A_1191 : i32
      %dma_start3A_1193 = arith.constant 0 : i32
      %dma_start3A_1194 = arith.constant 0 : i32
      %dma_start3A_1195 = arith.constant 0 : i32
      %dma_start3A_1196 = tpu.memref_slice %arg11[%dma_start3A_1193, %dma_start3A_1194, %dma_start3A_1195] : memref<2x128x64xf32, #tpu.memory_space<vmem>> -> memref<1x128x64xf32, #tpu.memory_space<vmem>>
      %dma_start3A_1197 = tpu.memref_squeeze %dma_start3A_1196 : memref<1x128x64xf32, #tpu.memory_space<vmem>> -> memref<128x64xf32, #tpu.memory_space<vmem>>
      %dma_start3A_1198 = arith.constant 0 : i32
      %dma_start3A_1199 = tpu.memref_slice %arg6[%add3A_1192, %dma_start3A_1198] : memref<819200x64xf32, #tpu.memory_space<hbm>> -> memref<128x64xf32, #tpu.memory_space<hbm>>
      %dma_start3A_1200 = arith.constant 0 : i32
      %dma_start3A_1201 = tpu.memref_slice %arg6[%add3A_1192, %dma_start3A_1200] : memref<819200x64xf32, #tpu.memory_space<hbm>> -> memref<128x64xf32, #tpu.memory_space<hbm>>
      %dma_start3A_1202 = arith.constant 0 : i32
      %dma_start3A_1203 = arith.constant 0 : i32
      %dma_start3A_1204 = tpu.memref_slice %arg11[%dma_start3A_1193, %dma_start3A_1202, %dma_start3A_1203] : memref<2x128x64xf32, #tpu.memory_space<vmem>> -> memref<1x128x64xf32, #tpu.memory_space<vmem>>
      %dma_start3A_1205 = tpu.memref_squeeze %dma_start3A_1204 : memref<1x128x64xf32, #tpu.memory_space<vmem>> -> memref<128x64xf32, #tpu.memory_space<vmem>>
      tpu.enqueue_dma source(%dma_start3A_1205 : memref<128x64xf32, #tpu.memory_space<vmem>>) target(%dma_start3A_1201 : memref<128x64xf32, #tpu.memory_space<hbm>>) target_semaphore(%arg21 : memref<!tpu.dma_semaphore, #tpu.memory_space<semaphore_mem>>)
      %add3A_1206 = arith.constant 3 : i32
      %add3A_1207 = arith.addi %add3A_748, %add3A_1206 : i32
      %dma_wait3A_1208 = arith.constant 1 : i32
      %dma_wait3A_1209 = arith.constant 1 : i32
      %dma_wait3A_1210 = arith.constant 0 : i32
      %dma_wait3A_1211 = arith.constant 0 : i32
      %dma_wait3A_1212 = tpu.memref_slice %arg9[%dma_wait3A_1209, %dma_wait3A_1210, %dma_wait3A_1211] : memref<2x128x64xf32, #tpu.memory_space<vmem>> -> memref<1x128x64xf32, #tpu.memory_space<vmem>>
      %dma_wait3A_1213 = tpu.memref_squeeze %dma_wait3A_1212 : memref<1x128x64xf32, #tpu.memory_space<vmem>> -> memref<128x64xf32, #tpu.memory_space<vmem>>
      %dma_wait3A_1214 = arith.constant 0 : i32
      %dma_wait3A_1215 = tpu.memref_slice %arg7[%dma_wait3A_1208, %dma_wait3A_1214] : memref<4x128xi32, #tpu.memory_space<vmem>> -> memref<1x128xi32, #tpu.memory_space<vmem>>
      %dma_wait3A_1216 = tpu.memref_squeeze %dma_wait3A_1215 : memref<1x128xi32, #tpu.memory_space<vmem>> -> memref<128xi32, #tpu.memory_space<vmem>>
      %dma_wait3A_1217 = arith.constant 0 : i32
      %dma_wait3A_1218 = arith.constant 0 : i32
      %dma_wait3A_1219 = tpu.memref_slice %arg4[%dma_wait3A_1217, %dma_wait3A_1218] : memref<100000x64xf32, #tpu.memory_space<hbm>> -> memref<100000x64xf32, #tpu.memory_space<hbm>>
      tpu.wait_indirect_dma semaphore(%arg18 : memref<!tpu.dma_semaphore, #tpu.memory_space<semaphore_mem>>) src(%dma_wait3A_1219 : memref<100000x64xf32, #tpu.memory_space<hbm>>) dst(%dma_wait3A_1213 : memref<128x64xf32, #tpu.memory_space<vmem>>)
      %dma_wait3A_1220 = arith.constant 1 : i32
      %dma_wait3A_1221 = arith.constant 1 : i32
      %dma_wait3A_1222 = arith.constant 0 : i32
      %dma_wait3A_1223 = arith.constant 0 : i32
      %dma_wait3A_1224 = tpu.memref_slice %arg10[%dma_wait3A_1221, %dma_wait3A_1222, %dma_wait3A_1223] : memref<2x128x64xf32, #tpu.memory_space<vmem>> -> memref<1x128x64xf32, #tpu.memory_space<vmem>>
      %dma_wait3A_1225 = tpu.memref_squeeze %dma_wait3A_1224 : memref<1x128x64xf32, #tpu.memory_space<vmem>> -> memref<128x64xf32, #tpu.memory_space<vmem>>
      %dma_wait3A_1226 = arith.constant 0 : i32
      %dma_wait3A_1227 = tpu.memref_slice %arg8[%dma_wait3A_1220, %dma_wait3A_1226] : memref<4x128xi32, #tpu.memory_space<vmem>> -> memref<1x128xi32, #tpu.memory_space<vmem>>
      %dma_wait3A_1228 = tpu.memref_squeeze %dma_wait3A_1227 : memref<1x128xi32, #tpu.memory_space<vmem>> -> memref<128xi32, #tpu.memory_space<vmem>>
      %dma_wait3A_1229 = arith.constant 0 : i32
      %dma_wait3A_1230 = arith.constant 0 : i32
      %dma_wait3A_1231 = tpu.memref_slice %arg12[%dma_wait3A_1229, %dma_wait3A_1230] : memref<10000x64xf32, #tpu.memory_space<vmem_shared>> -> memref<10000x64xf32, #tpu.memory_space<vmem_shared>>
      tpu.wait_indirect_dma semaphore(%arg20 : memref<!tpu.dma_semaphore, #tpu.memory_space<semaphore_mem>>) src(%dma_wait3A_1231 : memref<10000x64xf32, #tpu.memory_space<vmem_shared>>) dst(%dma_wait3A_1225 : memref<128x64xf32, #tpu.memory_space<vmem>>)
      %add3A_1232 = arith.constant 4 : i32
      %add3A_1233 = arith.addi %add3A_1207, %add3A_1232 : i32
      %add3A_1234 = arith.addi %mul3A_2, %add3A_1233 : i32
      %min3A_1235 = arith.constant 6399 : i32
      %min3A_1236 = arith.minsi %add3A_1234, %min3A_1235 : i32
      %dma_start3A_1237 = arith.constant 1 : i32
      %dma_start3A_1238 = arith.constant 0 : i32
      %dma_start3A_1239 = tpu.memref_slice %arg7[%dma_start3A_1237, %dma_start3A_1238] : memref<4x128xi32, #tpu.memory_space<vmem>> -> memref<1x128xi32, #tpu.memory_space<vmem>>
      %dma_start3A_1240 = tpu.memref_squeeze %dma_start3A_1239 : memref<1x128xi32, #tpu.memory_space<vmem>> -> memref<128xi32, #tpu.memory_space<vmem>>
      %dma_start3A_1241 = arith.constant 0 : i32
      %dma_start3A_1242 = tpu.memref_slice %arg2[%min3A_1236, %dma_start3A_1241] : memref<6400x128xi32, #tpu.memory_space<hbm>> -> memref<1x128xi32, #tpu.memory_space<hbm>>
      %dma_start3A_1243 = tpu.memref_squeeze %dma_start3A_1242 : memref<1x128xi32, #tpu.memory_space<hbm>> -> memref<128xi32, #tpu.memory_space<hbm>>
      %dma_start3A_1244 = arith.constant 0 : i32
      %dma_start3A_1245 = tpu.memref_slice %arg7[%dma_start3A_1237, %dma_start3A_1244] : memref<4x128xi32, #tpu.memory_space<vmem>> -> memref<1x128xi32, #tpu.memory_space<vmem>>
      %dma_start3A_1246 = tpu.memref_squeeze %dma_start3A_1245 : memref<1x128xi32, #tpu.memory_space<vmem>> -> memref<128xi32, #tpu.memory_space<vmem>>
      %dma_start3A_1247 = arith.constant 0 : i32
      %dma_start3A_1248 = tpu.memref_slice %arg2[%min3A_1236, %dma_start3A_1247] : memref<6400x128xi32, #tpu.memory_space<hbm>> -> memref<1x128xi32, #tpu.memory_space<hbm>>
      %dma_start3A_1249 = tpu.memref_squeeze %dma_start3A_1248 : memref<1x128xi32, #tpu.memory_space<hbm>> -> memref<128xi32, #tpu.memory_space<hbm>>
      tpu.enqueue_dma source(%dma_start3A_1249 : memref<128xi32, #tpu.memory_space<hbm>>) target(%dma_start3A_1246 : memref<128xi32, #tpu.memory_space<vmem>>) target_semaphore(%arg14 : memref<!tpu.dma_semaphore, #tpu.memory_space<semaphore_mem>>)
      %add3A_1250 = arith.addi %mul3A_2, %add3A_1233 : i32
      %min3A_1251 = arith.constant 6399 : i32
      %min3A_1252 = arith.minsi %add3A_1250, %min3A_1251 : i32
      %dma_start3A_1253 = arith.constant 1 : i32
      %dma_start3A_1254 = arith.constant 0 : i32
      %dma_start3A_1255 = tpu.memref_slice %arg8[%dma_start3A_1253, %dma_start3A_1254] : memref<4x128xi32, #tpu.memory_space<vmem>> -> memref<1x128xi32, #tpu.memory_space<vmem>>
      %dma_start3A_1256 = tpu.memref_squeeze %dma_start3A_1255 : memref<1x128xi32, #tpu.memory_space<vmem>> -> memref<128xi32, #tpu.memory_space<vmem>>
      %dma_start3A_1257 = arith.constant 0 : i32
      %dma_start3A_1258 = tpu.memref_slice %arg3[%min3A_1252, %dma_start3A_1257] : memref<6400x128xi32, #tpu.memory_space<hbm>> -> memref<1x128xi32, #tpu.memory_space<hbm>>
      %dma_start3A_1259 = tpu.memref_squeeze %dma_start3A_1258 : memref<1x128xi32, #tpu.memory_space<hbm>> -> memref<128xi32, #tpu.memory_space<hbm>>
      %dma_start3A_1260 = arith.constant 0 : i32
      %dma_start3A_1261 = tpu.memref_slice %arg8[%dma_start3A_1253, %dma_start3A_1260] : memref<4x128xi32, #tpu.memory_space<vmem>> -> memref<1x128xi32, #tpu.memory_space<vmem>>
      %dma_start3A_1262 = tpu.memref_squeeze %dma_start3A_1261 : memref<1x128xi32, #tpu.memory_space<vmem>> -> memref<128xi32, #tpu.memory_space<vmem>>
      %dma_start3A_1263 = arith.constant 0 : i32
      %dma_start3A_1264 = tpu.memref_slice %arg3[%min3A_1252, %dma_start3A_1263] : memref<6400x128xi32, #tpu.memory_space<hbm>> -> memref<1x128xi32, #tpu.memory_space<hbm>>
      %dma_start3A_1265 = tpu.memref_squeeze %dma_start3A_1264 : memref<1x128xi32, #tpu.memory_space<hbm>> -> memref<128xi32, #tpu.memory_space<hbm>>
      tpu.enqueue_dma source(%dma_start3A_1265 : memref<128xi32, #tpu.memory_space<hbm>>) target(%dma_start3A_1262 : memref<128xi32, #tpu.memory_space<vmem>>) target_semaphore(%arg14 : memref<!tpu.dma_semaphore, #tpu.memory_space<semaphore_mem>>)
      %dma_wait3A_1266 = arith.constant 1 : i32
      %dma_wait3A_1267 = arith.constant 0 : i32
      %dma_wait3A_1268 = arith.constant 0 : i32
      %dma_wait3A_1269 = tpu.memref_slice %arg11[%dma_wait3A_1266, %dma_wait3A_1267, %dma_wait3A_1268] : memref<2x128x64xf32, #tpu.memory_space<vmem>> -> memref<1x128x64xf32, #tpu.memory_space<vmem>>
      %dma_wait3A_1270 = tpu.memref_squeeze %dma_wait3A_1269 : memref<1x128x64xf32, #tpu.memory_space<vmem>> -> memref<128x64xf32, #tpu.memory_space<vmem>>
      %dma_wait3A_1271 = arith.constant 0 : i32
      %dma_wait3A_1272 = tpu.memref_slice %arg6[%mul3A_4, %dma_wait3A_1271] : memref<819200x64xf32, #tpu.memory_space<hbm>> -> memref<128x64xf32, #tpu.memory_space<hbm>>
      %dma_wait3A_1273 = arith.constant 0 : i32
      %dma_wait3A_1274 = tpu.memref_slice %arg6[%mul3A_4, %dma_wait3A_1273] : memref<819200x64xf32, #tpu.memory_space<hbm>> -> memref<128x64xf32, #tpu.memory_space<hbm>>
      %dma_wait3A_1275 = arith.constant 0 : i32
      %dma_wait3A_1276 = arith.constant 0 : i32
      %dma_wait3A_1277 = tpu.memref_slice %arg11[%dma_wait3A_1266, %dma_wait3A_1275, %dma_wait3A_1276] : memref<2x128x64xf32, #tpu.memory_space<vmem>> -> memref<1x128x64xf32, #tpu.memory_space<vmem>>
      %dma_wait3A_1278 = tpu.memref_squeeze %dma_wait3A_1277 : memref<1x128x64xf32, #tpu.memory_space<vmem>> -> memref<128x64xf32, #tpu.memory_space<vmem>>
      tpu.wait_dma2 semaphore(%arg22 : memref<!tpu.dma_semaphore, #tpu.memory_space<semaphore_mem>>) src(%dma_wait3A_1278 : memref<128x64xf32, #tpu.memory_space<vmem>>) dst(%dma_wait3A_1274 : memref<128x64xf32, #tpu.memory_space<hbm>>)
      %parallel_loop3A_1279 = arith.constant 0 : i32
      %parallel_loop3A_1280 = arith.constant 128 : i32
      %parallel_loop3A_1281 = arith.constant 1 : i32
      %parallel_loop3A_1282 = arith.constant 1 : i32
      %parallel_loop3A_1283 = arith.constant 1 : i32
      %parallel_loop3A_1284 = arith.constant 1 : i32
      scf.for %parallel_loop3A_1359 = %parallel_loop3A_1279 to %parallel_loop3A_1280 step %parallel_loop3A_1281  : i32 {
        %parallel_loop3A_1360 = arith.constant 0 : i32
        %parallel_loop3A_1361 = arith.constant 0 : i32
        %parallel_loop3A_1362 = tpu.memref_slice %arg9[%parallel_loop3A_1282, %parallel_loop3A_1360, %parallel_loop3A_1361] : memref<2x128x64xf32, #tpu.memory_space<vmem>> -> memref<1x128x64xf32, #tpu.memory_space<vmem>>
        %parallel_loop3A_1363 = tpu.memref_squeeze %parallel_loop3A_1362 : memref<1x128x64xf32, #tpu.memory_space<vmem>> -> memref<128x64xf32, #tpu.memory_space<vmem>>
        %parallel_loop3A_1364 = arith.index_cast %parallel_loop3A_1359 : i32 to index
        %parallel_loop3A_1365 = arith.constant 0 : index
        %parallel_loop3A_1366 = tpu.vector_load %parallel_loop3A_1363[%parallel_loop3A_1364, %parallel_loop3A_1365] {strides = array<i32>} : memref<128x64xf32, #tpu.memory_space<vmem>>, vector<1x16xf32>,
        %parallel_loop3A_1367 = vector.shape_cast %parallel_loop3A_1366 : vector<1x16xf32> to vector<16xf32>
        %parallel_loop3A_1368 = arith.constant 0 : i32
        %parallel_loop3A_1369 = arith.constant 0 : i32
        %parallel_loop3A_1370 = tpu.memref_slice %arg10[%parallel_loop3A_1283, %parallel_loop3A_1368, %parallel_loop3A_1369] : memref<2x128x64xf32, #tpu.memory_space<vmem>> -> memref<1x128x64xf32, #tpu.memory_space<vmem>>
        %parallel_loop3A_1371 = tpu.memref_squeeze %parallel_loop3A_1370 : memref<1x128x64xf32, #tpu.memory_space<vmem>> -> memref<128x64xf32, #tpu.memory_space<vmem>>
        %parallel_loop3A_1372 = arith.index_cast %parallel_loop3A_1359 : i32 to index
        %parallel_loop3A_1373 = arith.constant 0 : index
        %parallel_loop3A_1374 = tpu.vector_load %parallel_loop3A_1371[%parallel_loop3A_1372, %parallel_loop3A_1373] {strides = array<i32>} : memref<128x64xf32, #tpu.memory_space<vmem>>, vector<1x16xf32>,
        %parallel_loop3A_1375 = vector.shape_cast %parallel_loop3A_1374 : vector<1x16xf32> to vector<16xf32>
        %parallel_loop3A_1376 = arith.addf %parallel_loop3A_1367, %parallel_loop3A_1375 : vector<16xf32>
        %parallel_loop3A_1377 = arith.constant 0 : i32
        %parallel_loop3A_1378 = arith.constant 0 : i32
        %parallel_loop3A_1379 = tpu.memref_slice %arg11[%parallel_loop3A_1284, %parallel_loop3A_1377, %parallel_loop3A_1378] : memref<2x128x64xf32, #tpu.memory_space<vmem>> -> memref<1x128x64xf32, #tpu.memory_space<vmem>>
        %parallel_loop3A_1380 = tpu.memref_squeeze %parallel_loop3A_1379 : memref<1x128x64xf32, #tpu.memory_space<vmem>> -> memref<128x64xf32, #tpu.memory_space<vmem>>
        %parallel_loop3A_1381 = arith.index_cast %parallel_loop3A_1359 : i32 to index
        %parallel_loop3A_1382 = arith.constant 0 : index
        %parallel_loop3A_1383 = tpu.vector_load %parallel_loop3A_1380[%parallel_loop3A_1381, %parallel_loop3A_1382] {strides = array<i32>} : memref<128x64xf32, #tpu.memory_space<vmem>>, vector<1x16xf32>,
        %parallel_loop3A_1384 = vector.shape_cast %parallel_loop3A_1383 : vector<1x16xf32> to vector<16xf32>
        %parallel_loop3A_1385 = vector.shape_cast %parallel_loop3A_1376 : vector<16xf32> to vector<1x16xf32>
        tpu.vector_store %parallel_loop3A_1380[%parallel_loop3A_1381, %parallel_loop3A_1382], %parallel_loop3A_1385 {strides = array<i32>} : memref<128x64xf32, #tpu.memory_space<vmem>>, vector<1x16xf32>,
        %parallel_loop3A_1386 = arith.constant 0 : i32
        %parallel_loop3A_1387 = arith.constant 0 : i32
        %parallel_loop3A_1388 = tpu.memref_slice %arg9[%parallel_loop3A_1282, %parallel_loop3A_1386, %parallel_loop3A_1387] : memref<2x128x64xf32, #tpu.memory_space<vmem>> -> memref<1x128x64xf32, #tpu.memory_space<vmem>>
        %parallel_loop3A_1389 = tpu.memref_squeeze %parallel_loop3A_1388 : memref<1x128x64xf32, #tpu.memory_space<vmem>> -> memref<128x64xf32, #tpu.memory_space<vmem>>
        %parallel_loop3A_1390 = arith.index_cast %parallel_loop3A_1359 : i32 to index
        %parallel_loop3A_1391 = arith.constant 16 : index
        %parallel_loop3A_1392 = tpu.vector_load %parallel_loop3A_1389[%parallel_loop3A_1390, %parallel_loop3A_1391] {strides = array<i32>} : memref<128x64xf32, #tpu.memory_space<vmem>>, vector<1x16xf32>,
        %parallel_loop3A_1393 = vector.shape_cast %parallel_loop3A_1392 : vector<1x16xf32> to vector<16xf32>
        %parallel_loop3A_1394 = arith.constant 0 : i32
        %parallel_loop3A_1395 = arith.constant 0 : i32
        %parallel_loop3A_1396 = tpu.memref_slice %arg10[%parallel_loop3A_1283, %parallel_loop3A_1394, %parallel_loop3A_1395] : memref<2x128x64xf32, #tpu.memory_space<vmem>> -> memref<1x128x64xf32, #tpu.memory_space<vmem>>
        %parallel_loop3A_1397 = tpu.memref_squeeze %parallel_loop3A_1396 : memref<1x128x64xf32, #tpu.memory_space<vmem>> -> memref<128x64xf32, #tpu.memory_space<vmem>>
        %parallel_loop3A_1398 = arith.index_cast %parallel_loop3A_1359 : i32 to index
        %parallel_loop3A_1399 = arith.constant 16 : index
        %parallel_loop3A_1400 = tpu.vector_load %parallel_loop3A_1397[%parallel_loop3A_1398, %parallel_loop3A_1399] {strides = array<i32>} : memref<128x64xf32, #tpu.memory_space<vmem>>, vector<1x16xf32>,
        %parallel_loop3A_1401 = vector.shape_cast %parallel_loop3A_1400 : vector<1x16xf32> to vector<16xf32>
        %parallel_loop3A_1402 = arith.addf %parallel_loop3A_1393, %parallel_loop3A_1401 : vector<16xf32>
        %parallel_loop3A_1403 = arith.constant 0 : i32
        %parallel_loop3A_1404 = arith.constant 0 : i32
        %parallel_loop3A_1405 = tpu.memref_slice %arg11[%parallel_loop3A_1284, %parallel_loop3A_1403, %parallel_loop3A_1404] : memref<2x128x64xf32, #tpu.memory_space<vmem>> -> memref<1x128x64xf32, #tpu.memory_space<vmem>>
        %parallel_loop3A_1406 = tpu.memref_squeeze %parallel_loop3A_1405 : memref<1x128x64xf32, #tpu.memory_space<vmem>> -> memref<128x64xf32, #tpu.memory_space<vmem>>
        %parallel_loop3A_1407 = arith.index_cast %parallel_loop3A_1359 : i32 to index
        %parallel_loop3A_1408 = arith.constant 16 : index
        %parallel_loop3A_1409 = tpu.vector_load %parallel_loop3A_1406[%parallel_loop3A_1407, %parallel_loop3A_1408] {strides = array<i32>} : memref<128x64xf32, #tpu.memory_space<vmem>>, vector<1x16xf32>,
        %parallel_loop3A_1410 = vector.shape_cast %parallel_loop3A_1409 : vector<1x16xf32> to vector<16xf32>
        %parallel_loop3A_1411 = vector.shape_cast %parallel_loop3A_1402 : vector<16xf32> to vector<1x16xf32>
        tpu.vector_store %parallel_loop3A_1406[%parallel_loop3A_1407, %parallel_loop3A_1408], %parallel_loop3A_1411 {strides = array<i32>} : memref<128x64xf32, #tpu.memory_space<vmem>>, vector<1x16xf32>,
        %parallel_loop3A_1412 = arith.constant 0 : i32
        %parallel_loop3A_1413 = arith.constant 0 : i32
        %parallel_loop3A_1414 = tpu.memref_slice %arg9[%parallel_loop3A_1282, %parallel_loop3A_1412, %parallel_loop3A_1413] : memref<2x128x64xf32, #tpu.memory_space<vmem>> -> memref<1x128x64xf32, #tpu.memory_space<vmem>>
        %parallel_loop3A_1415 = tpu.memref_squeeze %parallel_loop3A_1414 : memref<1x128x64xf32, #tpu.memory_space<vmem>> -> memref<128x64xf32, #tpu.memory_space<vmem>>
        %parallel_loop3A_1416 = arith.index_cast %parallel_loop3A_1359 : i32 to index
        %parallel_loop3A_1417 = arith.constant 32 : index
        %parallel_loop3A_1418 = tpu.vector_load %parallel_loop3A_1415[%parallel_loop3A_1416, %parallel_loop3A_1417] {strides = array<i32>} : memref<128x64xf32, #tpu.memory_space<vmem>>, vector<1x16xf32>,
        %parallel_loop3A_1419 = vector.shape_cast %parallel_loop3A_1418 : vector<1x16xf32> to vector<16xf32>
        %parallel_loop3A_1420 = arith.constant 0 : i32
        %parallel_loop3A_1421 = arith.constant 0 : i32
        %parallel_loop3A_1422 = tpu.memref_slice %arg10[%parallel_loop3A_1283, %parallel_loop3A_1420, %parallel_loop3A_1421] : memref<2x128x64xf32, #tpu.memory_space<vmem>> -> memref<1x128x64xf32, #tpu.memory_space<vmem>>
        %parallel_loop3A_1423 = tpu.memref_squeeze %parallel_loop3A_1422 : memref<1x128x64xf32, #tpu.memory_space<vmem>> -> memref<128x64xf32, #tpu.memory_space<vmem>>
        %parallel_loop3A_1424 = arith.index_cast %parallel_loop3A_1359 : i32 to index
        %parallel_loop3A_1425 = arith.constant 32 : index
        %parallel_loop3A_1426 = tpu.vector_load %parallel_loop3A_1423[%parallel_loop3A_1424, %parallel_loop3A_1425] {strides = array<i32>} : memref<128x64xf32, #tpu.memory_space<vmem>>, vector<1x16xf32>,
        %parallel_loop3A_1427 = vector.shape_cast %parallel_loop3A_1426 : vector<1x16xf32> to vector<16xf32>
        %parallel_loop3A_1428 = arith.addf %parallel_loop3A_1419, %parallel_loop3A_1427 : vector<16xf32>
        %parallel_loop3A_1429 = arith.constant 0 : i32
        %parallel_loop3A_1430 = arith.constant 0 : i32
        %parallel_loop3A_1431 = tpu.memref_slice %arg11[%parallel_loop3A_1284, %parallel_loop3A_1429, %parallel_loop3A_1430] : memref<2x128x64xf32, #tpu.memory_space<vmem>> -> memref<1x128x64xf32, #tpu.memory_space<vmem>>
        %parallel_loop3A_1432 = tpu.memref_squeeze %parallel_loop3A_1431 : memref<1x128x64xf32, #tpu.memory_space<vmem>> -> memref<128x64xf32, #tpu.memory_space<vmem>>
        %parallel_loop3A_1433 = arith.index_cast %parallel_loop3A_1359 : i32 to index
        %parallel_loop3A_1434 = arith.constant 32 : index
        %parallel_loop3A_1435 = tpu.vector_load %parallel_loop3A_1432[%parallel_loop3A_1433, %parallel_loop3A_1434] {strides = array<i32>} : memref<128x64xf32, #tpu.memory_space<vmem>>, vector<1x16xf32>,
        %parallel_loop3A_1436 = vector.shape_cast %parallel_loop3A_1435 : vector<1x16xf32> to vector<16xf32>
        %parallel_loop3A_1437 = vector.shape_cast %parallel_loop3A_1428 : vector<16xf32> to vector<1x16xf32>
        tpu.vector_store %parallel_loop3A_1432[%parallel_loop3A_1433, %parallel_loop3A_1434], %parallel_loop3A_1437 {strides = array<i32>} : memref<128x64xf32, #tpu.memory_space<vmem>>, vector<1x16xf32>,
        %parallel_loop3A_1438 = arith.constant 0 : i32
        %parallel_loop3A_1439 = arith.constant 0 : i32
        %parallel_loop3A_1440 = tpu.memref_slice %arg9[%parallel_loop3A_1282, %parallel_loop3A_1438, %parallel_loop3A_1439] : memref<2x128x64xf32, #tpu.memory_space<vmem>> -> memref<1x128x64xf32, #tpu.memory_space<vmem>>
        %parallel_loop3A_1441 = tpu.memref_squeeze %parallel_loop3A_1440 : memref<1x128x64xf32, #tpu.memory_space<vmem>> -> memref<128x64xf32, #tpu.memory_space<vmem>>
        %parallel_loop3A_1442 = arith.index_cast %parallel_loop3A_1359 : i32 to index
        %parallel_loop3A_1443 = arith.constant 48 : index
        %parallel_loop3A_1444 = tpu.vector_load %parallel_loop3A_1441[%parallel_loop3A_1442, %parallel_loop3A_1443] {strides = array<i32>} : memref<128x64xf32, #tpu.memory_space<vmem>>, vector<1x16xf32>,
        %parallel_loop3A_1445 = vector.shape_cast %parallel_loop3A_1444 : vector<1x16xf32> to vector<16xf32>
        %parallel_loop3A_1446 = arith.constant 0 : i32
        %parallel_loop3A_1447 = arith.constant 0 : i32
        %parallel_loop3A_1448 = tpu.memref_slice %arg10[%parallel_loop3A_1283, %parallel_loop3A_1446, %parallel_loop3A_1447] : memref<2x128x64xf32, #tpu.memory_space<vmem>> -> memref<1x128x64xf32, #tpu.memory_space<vmem>>
        %parallel_loop3A_1449 = tpu.memref_squeeze %parallel_loop3A_1448 : memref<1x128x64xf32, #tpu.memory_space<vmem>> -> memref<128x64xf32, #tpu.memory_space<vmem>>
        %parallel_loop3A_1450 = arith.index_cast %parallel_loop3A_1359 : i32 to index
        %parallel_loop3A_1451 = arith.constant 48 : index
        %parallel_loop3A_1452 = tpu.vector_load %parallel_loop3A_1449[%parallel_loop3A_1450, %parallel_loop3A_1451] {strides = array<i32>} : memref<128x64xf32, #tpu.memory_space<vmem>>, vector<1x16xf32>,
        %parallel_loop3A_1453 = vector.shape_cast %parallel_loop3A_1452 : vector<1x16xf32> to vector<16xf32>
        %parallel_loop3A_1454 = arith.addf %parallel_loop3A_1445, %parallel_loop3A_1453 : vector<16xf32>
        %parallel_loop3A_1455 = arith.constant 0 : i32
        %parallel_loop3A_1456 = arith.constant 0 : i32
        %parallel_loop3A_1457 = tpu.memref_slice %arg11[%parallel_loop3A_1284, %parallel_loop3A_1455, %parallel_loop3A_1456] : memref<2x128x64xf32, #tpu.memory_space<vmem>> -> memref<1x128x64xf32, #tpu.memory_space<vmem>>
        %parallel_loop3A_1458 = tpu.memref_squeeze %parallel_loop3A_1457 : memref<1x128x64xf32, #tpu.memory_space<vmem>> -> memref<128x64xf32, #tpu.memory_space<vmem>>
        %parallel_loop3A_1459 = arith.index_cast %parallel_loop3A_1359 : i32 to index
        %parallel_loop3A_1460 = arith.constant 48 : index
        %parallel_loop3A_1461 = tpu.vector_load %parallel_loop3A_1458[%parallel_loop3A_1459, %parallel_loop3A_1460] {strides = array<i32>} : memref<128x64xf32, #tpu.memory_space<vmem>>, vector<1x16xf32>,
        %parallel_loop3A_1462 = vector.shape_cast %parallel_loop3A_1461 : vector<1x16xf32> to vector<16xf32>
        %parallel_loop3A_1463 = vector.shape_cast %parallel_loop3A_1454 : vector<16xf32> to vector<1x16xf32>
        tpu.vector_store %parallel_loop3A_1458[%parallel_loop3A_1459, %parallel_loop3A_1460], %parallel_loop3A_1463 {strides = array<i32>} : memref<128x64xf32, #tpu.memory_space<vmem>>, vector<1x16xf32>,
      } {sc.loop_unroll_factor = 4 : i64, sc.parallel_access}
      %add3A_1285 = arith.constant 2 : i32
      %add3A_1286 = arith.addi %add3A_1207, %add3A_1285 : i32
      %add3A_1287 = arith.addi %mul3A_2, %add3A_1286 : i32
      %min3A_1288 = arith.constant 6399 : i32
      %min3A_1289 = arith.minsi %add3A_1287, %min3A_1288 : i32
      %dma_wait3A_1290 = arith.constant 3 : i32
      %dma_wait3A_1291 = arith.constant 0 : i32
      %dma_wait3A_1292 = tpu.memref_slice %arg7[%dma_wait3A_1290, %dma_wait3A_1291] : memref<4x128xi32, #tpu.memory_space<vmem>> -> memref<1x128xi32, #tpu.memory_space<vmem>>
      %dma_wait3A_1293 = tpu.memref_squeeze %dma_wait3A_1292 : memref<1x128xi32, #tpu.memory_space<vmem>> -> memref<128xi32, #tpu.memory_space<vmem>>
      %dma_wait3A_1294 = arith.constant 0 : i32
      %dma_wait3A_1295 = tpu.memref_slice %arg2[%min3A_1289, %dma_wait3A_1294] : memref<6400x128xi32, #tpu.memory_space<hbm>> -> memref<1x128xi32, #tpu.memory_space<hbm>>
      %dma_wait3A_1296 = tpu.memref_squeeze %dma_wait3A_1295 : memref<1x128xi32, #tpu.memory_space<hbm>> -> memref<128xi32, #tpu.memory_space<hbm>>
      %dma_wait3A_1297 = arith.constant 0 : i32
      %dma_wait3A_1298 = tpu.memref_slice %arg7[%dma_wait3A_1290, %dma_wait3A_1297] : memref<4x128xi32, #tpu.memory_space<vmem>> -> memref<1x128xi32, #tpu.memory_space<vmem>>
      %dma_wait3A_1299 = tpu.memref_squeeze %dma_wait3A_1298 : memref<1x128xi32, #tpu.memory_space<vmem>> -> memref<128xi32, #tpu.memory_space<vmem>>
      %dma_wait3A_1300 = arith.constant 0 : i32
      %dma_wait3A_1301 = tpu.memref_slice %arg2[%min3A_1289, %dma_wait3A_1300] : memref<6400x128xi32, #tpu.memory_space<hbm>> -> memref<1x128xi32, #tpu.memory_space<hbm>>
      %dma_wait3A_1302 = tpu.memref_squeeze %dma_wait3A_1301 : memref<1x128xi32, #tpu.memory_space<hbm>> -> memref<128xi32, #tpu.memory_space<hbm>>
      tpu.wait_dma2 semaphore(%arg16 : memref<!tpu.dma_semaphore, #tpu.memory_space<semaphore_mem>>) src(%dma_wait3A_1302 : memref<128xi32, #tpu.memory_space<hbm>>) dst(%dma_wait3A_1299 : memref<128xi32, #tpu.memory_space<vmem>>)
      %add3A_1303 = arith.addi %mul3A_2, %add3A_1286 : i32
      %min3A_1304 = arith.constant 6399 : i32
      %min3A_1305 = arith.minsi %add3A_1303, %min3A_1304 : i32
      %dma_wait3A_1306 = arith.constant 3 : i32
      %dma_wait3A_1307 = arith.constant 0 : i32
      %dma_wait3A_1308 = tpu.memref_slice %arg8[%dma_wait3A_1306, %dma_wait3A_1307] : memref<4x128xi32, #tpu.memory_space<vmem>> -> memref<1x128xi32, #tpu.memory_space<vmem>>
      %dma_wait3A_1309 = tpu.memref_squeeze %dma_wait3A_1308 : memref<1x128xi32, #tpu.memory_space<vmem>> -> memref<128xi32, #tpu.memory_space<vmem>>
      %dma_wait3A_1310 = arith.constant 0 : i32
      %dma_wait3A_1311 = tpu.memref_slice %arg3[%min3A_1305, %dma_wait3A_1310] : memref<6400x128xi32, #tpu.memory_space<hbm>> -> memref<1x128xi32, #tpu.memory_space<hbm>>
      %dma_wait3A_1312 = tpu.memref_squeeze %dma_wait3A_1311 : memref<1x128xi32, #tpu.memory_space<hbm>> -> memref<128xi32, #tpu.memory_space<hbm>>
      %dma_wait3A_1313 = arith.constant 0 : i32
      %dma_wait3A_1314 = tpu.memref_slice %arg8[%dma_wait3A_1306, %dma_wait3A_1313] : memref<4x128xi32, #tpu.memory_space<vmem>> -> memref<1x128xi32, #tpu.memory_space<vmem>>
      %dma_wait3A_1315 = tpu.memref_squeeze %dma_wait3A_1314 : memref<1x128xi32, #tpu.memory_space<vmem>> -> memref<128xi32, #tpu.memory_space<vmem>>
      %dma_wait3A_1316 = arith.constant 0 : i32
      %dma_wait3A_1317 = tpu.memref_slice %arg3[%min3A_1305, %dma_wait3A_1316] : memref<6400x128xi32, #tpu.memory_space<hbm>> -> memref<1x128xi32, #tpu.memory_space<hbm>>
      %dma_wait3A_1318 = tpu.memref_squeeze %dma_wait3A_1317 : memref<1x128xi32, #tpu.memory_space<hbm>> -> memref<128xi32, #tpu.memory_space<hbm>>
      tpu.wait_dma2 semaphore(%arg16 : memref<!tpu.dma_semaphore, #tpu.memory_space<semaphore_mem>>) src(%dma_wait3A_1318 : memref<128xi32, #tpu.memory_space<hbm>>) dst(%dma_wait3A_1315 : memref<128xi32, #tpu.memory_space<vmem>>)
      %dma_start3A_1319 = arith.constant 3 : i32
      %dma_start3A_1320 = arith.constant 1 : i32
      %dma_start3A_1321 = arith.constant 0 : i32
      %dma_start3A_1322 = arith.constant 0 : i32
      %dma_start3A_1323 = tpu.memref_slice %arg9[%dma_start3A_1320, %dma_start3A_1321, %dma_start3A_1322] : memref<2x128x64xf32, #tpu.memory_space<vmem>> -> memref<1x128x64xf32, #tpu.memory_space<vmem>>
      %dma_start3A_1324 = tpu.memref_squeeze %dma_start3A_1323 : memref<1x128x64xf32, #tpu.memory_space<vmem>> -> memref<128x64xf32, #tpu.memory_space<vmem>>
      %dma_start3A_1325 = arith.constant 0 : i32
      %dma_start3A_1326 = tpu.memref_slice %arg7[%dma_start3A_1319, %dma_start3A_1325] : memref<4x128xi32, #tpu.memory_space<vmem>> -> memref<1x128xi32, #tpu.memory_space<vmem>>
      %dma_start3A_1327 = tpu.memref_squeeze %dma_start3A_1326 : memref<1x128xi32, #tpu.memory_space<vmem>> -> memref<128xi32, #tpu.memory_space<vmem>>
      %dma_start3A_1328 = arith.constant 0 : i32
      %dma_start3A_1329 = arith.constant 0 : i32
      %dma_start3A_1330 = tpu.memref_slice %arg4[%dma_start3A_1328, %dma_start3A_1329] : memref<100000x64xf32, #tpu.memory_space<hbm>> -> memref<100000x64xf32, #tpu.memory_space<hbm>>
      tpu.enqueue_indirect_dma source(%dma_start3A_1330 : memref<100000x64xf32, #tpu.memory_space<hbm>>) target(%dma_start3A_1324 : memref<128x64xf32, #tpu.memory_space<vmem>>) offsets(%dma_start3A_1327 : memref<128xi32, #tpu.memory_space<vmem>>) semaphore(%arg18 : memref<!tpu.dma_semaphore, #tpu.memory_space<semaphore_mem>>)
      %dma_start3A_1331 = arith.constant 3 : i32
      %dma_start3A_1332 = arith.constant 1 : i32
      %dma_start3A_1333 = arith.constant 0 : i32
      %dma_start3A_1334 = arith.constant 0 : i32
      %dma_start3A_1335 = tpu.memref_slice %arg10[%dma_start3A_1332, %dma_start3A_1333, %dma_start3A_1334] : memref<2x128x64xf32, #tpu.memory_space<vmem>> -> memref<1x128x64xf32, #tpu.memory_space<vmem>>
      %dma_start3A_1336 = tpu.memref_squeeze %dma_start3A_1335 : memref<1x128x64xf32, #tpu.memory_space<vmem>> -> memref<128x64xf32, #tpu.memory_space<vmem>>
      %dma_start3A_1337 = arith.constant 0 : i32
      %dma_start3A_1338 = tpu.memref_slice %arg8[%dma_start3A_1331, %dma_start3A_1337] : memref<4x128xi32, #tpu.memory_space<vmem>> -> memref<1x128xi32, #tpu.memory_space<vmem>>
      %dma_start3A_1339 = tpu.memref_squeeze %dma_start3A_1338 : memref<1x128xi32, #tpu.memory_space<vmem>> -> memref<128xi32, #tpu.memory_space<vmem>>
      %dma_start3A_1340 = arith.constant 0 : i32
      %dma_start3A_1341 = arith.constant 0 : i32
      %dma_start3A_1342 = tpu.memref_slice %arg12[%dma_start3A_1340, %dma_start3A_1341] : memref<10000x64xf32, #tpu.memory_space<vmem_shared>> -> memref<10000x64xf32, #tpu.memory_space<vmem_shared>>
      tpu.enqueue_indirect_dma source(%dma_start3A_1342 : memref<10000x64xf32, #tpu.memory_space<vmem_shared>>) target(%dma_start3A_1336 : memref<128x64xf32, #tpu.memory_space<vmem>>) offsets(%dma_start3A_1339 : memref<128xi32, #tpu.memory_space<vmem>>) semaphore(%arg20 : memref<!tpu.dma_semaphore, #tpu.memory_space<semaphore_mem>>)
      %mul3A_1343 = arith.constant 128 : i32
      %mul3A_1344 = arith.muli %add3A_1207, %mul3A_1343 : i32
      %add3A_1345 = arith.addi %mul3A_4, %mul3A_1344 : i32
      %dma_start3A_1346 = arith.constant 1 : i32
      %dma_start3A_1347 = arith.constant 0 : i32
      %dma_start3A_1348 = arith.constant 0 : i32
      %dma_start3A_1349 = tpu.memref_slice %arg11[%dma_start3A_1346, %dma_start3A_1347, %dma_start3A_1348] : memref<2x128x64xf32, #tpu.memory_space<vmem>> -> memref<1x128x64xf32, #tpu.memory_space<vmem>>
      %dma_start3A_1350 = tpu.memref_squeeze %dma_start3A_1349 : memref<1x128x64xf32, #tpu.memory_space<vmem>> -> memref<128x64xf32, #tpu.memory_space<vmem>>
      %dma_start3A_1351 = arith.constant 0 : i32
      %dma_start3A_1352 = tpu.memref_slice %arg6[%add3A_1345, %dma_start3A_1351] : memref<819200x64xf32, #tpu.memory_space<hbm>> -> memref<128x64xf32, #tpu.memory_space<hbm>>
      %dma_start3A_1353 = arith.constant 0 : i32
      %dma_start3A_1354 = tpu.memref_slice %arg6[%add3A_1345, %dma_start3A_1353] : memref<819200x64xf32, #tpu.memory_space<hbm>> -> memref<128x64xf32, #tpu.memory_space<hbm>>
      %dma_start3A_1355 = arith.constant 0 : i32
      %dma_start3A_1356 = arith.constant 0 : i32
      %dma_start3A_1357 = tpu.memref_slice %arg11[%dma_start3A_1346, %dma_start3A_1355, %dma_start3A_1356] : memref<2x128x64xf32, #tpu.memory_space<vmem>> -> memref<1x128x64xf32, #tpu.memory_space<vmem>>
      %dma_start3A_1358 = tpu.memref_squeeze %dma_start3A_1357 : memref<1x128x64xf32, #tpu.memory_space<vmem>> -> memref<128x64xf32, #tpu.memory_space<vmem>>
      tpu.enqueue_dma source(%dma_start3A_1358 : memref<128x64xf32, #tpu.memory_space<vmem>>) target(%dma_start3A_1354 : memref<128x64xf32, #tpu.memory_space<hbm>>) target_semaphore(%arg22 : memref<!tpu.dma_semaphore, #tpu.memory_space<semaphore_mem>>)
    }
    %scan3A_533 = arith.constant 49 : i32
    %dma_wait3A_534 = arith.constant 2 : i32
    %dma_wait3A_535 = arith.constant 0 : i32
    %dma_wait3A_536 = arith.constant 0 : i32
    %dma_wait3A_537 = arith.constant 0 : i32
    %dma_wait3A_538 = tpu.memref_slice %arg9[%dma_wait3A_535, %dma_wait3A_536, %dma_wait3A_537] : memref<2x128x64xf32, #tpu.memory_space<vmem>> -> memref<1x128x64xf32, #tpu.memory_space<vmem>>
    %dma_wait3A_539 = tpu.memref_squeeze %dma_wait3A_538 : memref<1x128x64xf32, #tpu.memory_space<vmem>> -> memref<128x64xf32, #tpu.memory_space<vmem>>
    %dma_wait3A_540 = arith.constant 0 : i32
    %dma_wait3A_541 = tpu.memref_slice %arg7[%dma_wait3A_534, %dma_wait3A_540] : memref<4x128xi32, #tpu.memory_space<vmem>> -> memref<1x128xi32, #tpu.memory_space<vmem>>
    %dma_wait3A_542 = tpu.memref_squeeze %dma_wait3A_541 : memref<1x128xi32, #tpu.memory_space<vmem>> -> memref<128xi32, #tpu.memory_space<vmem>>
    %dma_wait3A_543 = arith.constant 0 : i32
    %dma_wait3A_544 = arith.constant 0 : i32
    %dma_wait3A_545 = tpu.memref_slice %arg4[%dma_wait3A_543, %dma_wait3A_544] : memref<100000x64xf32, #tpu.memory_space<hbm>> -> memref<100000x64xf32, #tpu.memory_space<hbm>>
    tpu.wait_indirect_dma semaphore(%arg17 : memref<!tpu.dma_semaphore, #tpu.memory_space<semaphore_mem>>) src(%dma_wait3A_545 : memref<100000x64xf32, #tpu.memory_space<hbm>>) dst(%dma_wait3A_539 : memref<128x64xf32, #tpu.memory_space<vmem>>)
    %dma_wait3A_546 = arith.constant 2 : i32
    %dma_wait3A_547 = arith.constant 0 : i32
    %dma_wait3A_548 = arith.constant 0 : i32
    %dma_wait3A_549 = arith.constant 0 : i32
    %dma_wait3A_550 = tpu.memref_slice %arg10[%dma_wait3A_547, %dma_wait3A_548, %dma_wait3A_549] : memref<2x128x64xf32, #tpu.memory_space<vmem>> -> memref<1x128x64xf32, #tpu.memory_space<vmem>>
    %dma_wait3A_551 = tpu.memref_squeeze %dma_wait3A_550 : memref<1x128x64xf32, #tpu.memory_space<vmem>> -> memref<128x64xf32, #tpu.memory_space<vmem>>
    %dma_wait3A_552 = arith.constant 0 : i32
    %dma_wait3A_553 = tpu.memref_slice %arg8[%dma_wait3A_546, %dma_wait3A_552] : memref<4x128xi32, #tpu.memory_space<vmem>> -> memref<1x128xi32, #tpu.memory_space<vmem>>
    %dma_wait3A_554 = tpu.memref_squeeze %dma_wait3A_553 : memref<1x128xi32, #tpu.memory_space<vmem>> -> memref<128xi32, #tpu.memory_space<vmem>>
    %dma_wait3A_555 = arith.constant 0 : i32
    %dma_wait3A_556 = arith.constant 0 : i32
    %dma_wait3A_557 = tpu.memref_slice %arg12[%dma_wait3A_555, %dma_wait3A_556] : memref<10000x64xf32, #tpu.memory_space<vmem_shared>> -> memref<10000x64xf32, #tpu.memory_space<vmem_shared>>
    tpu.wait_indirect_dma semaphore(%arg19 : memref<!tpu.dma_semaphore, #tpu.memory_space<semaphore_mem>>) src(%dma_wait3A_557 : memref<10000x64xf32, #tpu.memory_space<vmem_shared>>) dst(%dma_wait3A_551 : memref<128x64xf32, #tpu.memory_space<vmem>>)
    %dma_wait3A_558 = arith.constant 0 : i32
    %dma_wait3A_559 = arith.constant 0 : i32
    %dma_wait3A_560 = arith.constant 0 : i32
    %dma_wait3A_561 = tpu.memref_slice %arg11[%dma_wait3A_558, %dma_wait3A_559, %dma_wait3A_560] : memref<2x128x64xf32, #tpu.memory_space<vmem>> -> memref<1x128x64xf32, #tpu.memory_space<vmem>>
    %dma_wait3A_562 = tpu.memref_squeeze %dma_wait3A_561 : memref<1x128x64xf32, #tpu.memory_space<vmem>> -> memref<128x64xf32, #tpu.memory_space<vmem>>
    %dma_wait3A_563 = arith.constant 0 : i32
    %dma_wait3A_564 = tpu.memref_slice %arg6[%mul3A_4, %dma_wait3A_563] : memref<819200x64xf32, #tpu.memory_space<hbm>> -> memref<128x64xf32, #tpu.memory_space<hbm>>
    %dma_wait3A_565 = arith.constant 0 : i32
    %dma_wait3A_566 = tpu.memref_slice %arg6[%mul3A_4, %dma_wait3A_565] : memref<819200x64xf32, #tpu.memory_space<hbm>> -> memref<128x64xf32, #tpu.memory_space<hbm>>
    %dma_wait3A_567 = arith.constant 0 : i32
    %dma_wait3A_568 = arith.constant 0 : i32
    %dma_wait3A_569 = tpu.memref_slice %arg11[%dma_wait3A_558, %dma_wait3A_567, %dma_wait3A_568] : memref<2x128x64xf32, #tpu.memory_space<vmem>> -> memref<1x128x64xf32, #tpu.memory_space<vmem>>
    %dma_wait3A_570 = tpu.memref_squeeze %dma_wait3A_569 : memref<1x128x64xf32, #tpu.memory_space<vmem>> -> memref<128x64xf32, #tpu.memory_space<vmem>>
    tpu.wait_dma2 semaphore(%arg21 : memref<!tpu.dma_semaphore, #tpu.memory_space<semaphore_mem>>) src(%dma_wait3A_570 : memref<128x64xf32, #tpu.memory_space<vmem>>) dst(%dma_wait3A_566 : memref<128x64xf32, #tpu.memory_space<hbm>>)
    %parallel_loop3A_571 = arith.constant 0 : i32
    %parallel_loop3A_572 = arith.constant 128 : i32
    %parallel_loop3A_573 = arith.constant 1 : i32
    %parallel_loop3A_574 = arith.constant 0 : i32
    %parallel_loop3A_575 = arith.constant 0 : i32
    %parallel_loop3A_576 = arith.constant 0 : i32
    scf.for %parallel_loop3A_744 = %parallel_loop3A_571 to %parallel_loop3A_572 step %parallel_loop3A_573  : i32 {
      %parallel_loop3A_745 = arith.constant 0 : i32
      %parallel_loop3A_746 = arith.constant 0 : i32
      %parallel_loop3A_747 = tpu.memref_slice %arg9[%parallel_loop3A_574, %parallel_loop3A_745, %parallel_loop3A_746] : memref<2x128x64xf32, #tpu.memory_space<vmem>> -> memref<1x128x64xf32, #tpu.memory_space<vmem>>
      %parallel_loop3A_748 = tpu.memref_squeeze %parallel_loop3A_747 : memref<1x128x64xf32, #tpu.memory_space<vmem>> -> memref<128x64xf32, #tpu.memory_space<vmem>>
      %parallel_loop3A_749 = arith.index_cast %parallel_loop3A_744 : i32 to index
      %parallel_loop3A_750 = arith.constant 0 : index
      %parallel_loop3A_751 = tpu.vector_load %parallel_loop3A_748[%parallel_loop3A_749, %parallel_loop3A_750] {strides = array<i32>} : memref<128x64xf32, #tpu.memory_space<vmem>>, vector<1x16xf32>,
      %parallel_loop3A_752 = vector.shape_cast %parallel_loop3A_751 : vector<1x16xf32> to vector<16xf32>
      %parallel_loop3A_753 = arith.constant 0 : i32
      %parallel_loop3A_754 = arith.constant 0 : i32
      %parallel_loop3A_755 = tpu.memref_slice %arg10[%parallel_loop3A_575, %parallel_loop3A_753, %parallel_loop3A_754] : memref<2x128x64xf32, #tpu.memory_space<vmem>> -> memref<1x128x64xf32, #tpu.memory_space<vmem>>
      %parallel_loop3A_756 = tpu.memref_squeeze %parallel_loop3A_755 : memref<1x128x64xf32, #tpu.memory_space<vmem>> -> memref<128x64xf32, #tpu.memory_space<vmem>>
      %parallel_loop3A_757 = arith.index_cast %parallel_loop3A_744 : i32 to index
      %parallel_loop3A_758 = arith.constant 0 : index
      %parallel_loop3A_759 = tpu.vector_load %parallel_loop3A_756[%parallel_loop3A_757, %parallel_loop3A_758] {strides = array<i32>} : memref<128x64xf32, #tpu.memory_space<vmem>>, vector<1x16xf32>,
      %parallel_loop3A_760 = vector.shape_cast %parallel_loop3A_759 : vector<1x16xf32> to vector<16xf32>
      %parallel_loop3A_761 = arith.addf %parallel_loop3A_752, %parallel_loop3A_760 : vector<16xf32>
      %parallel_loop3A_762 = arith.constant 0 : i32
      %parallel_loop3A_763 = arith.constant 0 : i32
      %parallel_loop3A_764 = tpu.memref_slice %arg11[%parallel_loop3A_576, %parallel_loop3A_762, %parallel_loop3A_763] : memref<2x128x64xf32, #tpu.memory_space<vmem>> -> memref<1x128x64xf32, #tpu.memory_space<vmem>>
      %parallel_loop3A_765 = tpu.memref_squeeze %parallel_loop3A_764 : memref<1x128x64xf32, #tpu.memory_space<vmem>> -> memref<128x64xf32, #tpu.memory_space<vmem>>
      %parallel_loop3A_766 = arith.index_cast %parallel_loop3A_744 : i32 to index
      %parallel_loop3A_767 = arith.constant 0 : index
      %parallel_loop3A_768 = tpu.vector_load %parallel_loop3A_765[%parallel_loop3A_766, %parallel_loop3A_767] {strides = array<i32>} : memref<128x64xf32, #tpu.memory_space<vmem>>, vector<1x16xf32>,
      %parallel_loop3A_769 = vector.shape_cast %parallel_loop3A_768 : vector<1x16xf32> to vector<16xf32>
      %parallel_loop3A_770 = vector.shape_cast %parallel_loop3A_761 : vector<16xf32> to vector<1x16xf32>
      tpu.vector_store %parallel_loop3A_765[%parallel_loop3A_766, %parallel_loop3A_767], %parallel_loop3A_770 {strides = array<i32>} : memref<128x64xf32, #tpu.memory_space<vmem>>, vector<1x16xf32>,
      %parallel_loop3A_771 = arith.constant 0 : i32
      %parallel_loop3A_772 = arith.constant 0 : i32
      %parallel_loop3A_773 = tpu.memref_slice %arg9[%parallel_loop3A_574, %parallel_loop3A_771, %parallel_loop3A_772] : memref<2x128x64xf32, #tpu.memory_space<vmem>> -> memref<1x128x64xf32, #tpu.memory_space<vmem>>
      %parallel_loop3A_774 = tpu.memref_squeeze %parallel_loop3A_773 : memref<1x128x64xf32, #tpu.memory_space<vmem>> -> memref<128x64xf32, #tpu.memory_space<vmem>>
      %parallel_loop3A_775 = arith.index_cast %parallel_loop3A_744 : i32 to index
      %parallel_loop3A_776 = arith.constant 16 : index
      %parallel_loop3A_777 = tpu.vector_load %parallel_loop3A_774[%parallel_loop3A_775, %parallel_loop3A_776] {strides = array<i32>} : memref<128x64xf32, #tpu.memory_space<vmem>>, vector<1x16xf32>,
      %parallel_loop3A_778 = vector.shape_cast %parallel_loop3A_777 : vector<1x16xf32> to vector<16xf32>
      %parallel_loop3A_779 = arith.constant 0 : i32
      %parallel_loop3A_780 = arith.constant 0 : i32
      %parallel_loop3A_781 = tpu.memref_slice %arg10[%parallel_loop3A_575, %parallel_loop3A_779, %parallel_loop3A_780] : memref<2x128x64xf32, #tpu.memory_space<vmem>> -> memref<1x128x64xf32, #tpu.memory_space<vmem>>
      %parallel_loop3A_782 = tpu.memref_squeeze %parallel_loop3A_781 : memref<1x128x64xf32, #tpu.memory_space<vmem>> -> memref<128x64xf32, #tpu.memory_space<vmem>>
      %parallel_loop3A_783 = arith.index_cast %parallel_loop3A_744 : i32 to index
      %parallel_loop3A_784 = arith.constant 16 : index
      %parallel_loop3A_785 = tpu.vector_load %parallel_loop3A_782[%parallel_loop3A_783, %parallel_loop3A_784] {strides = array<i32>} : memref<128x64xf32, #tpu.memory_space<vmem>>, vector<1x16xf32>,
      %parallel_loop3A_786 = vector.shape_cast %parallel_loop3A_785 : vector<1x16xf32> to vector<16xf32>
      %parallel_loop3A_787 = arith.addf %parallel_loop3A_778, %parallel_loop3A_786 : vector<16xf32>
      %parallel_loop3A_788 = arith.constant 0 : i32
      %parallel_loop3A_789 = arith.constant 0 : i32
      %parallel_loop3A_790 = tpu.memref_slice %arg11[%parallel_loop3A_576, %parallel_loop3A_788, %parallel_loop3A_789] : memref<2x128x64xf32, #tpu.memory_space<vmem>> -> memref<1x128x64xf32, #tpu.memory_space<vmem>>
      %parallel_loop3A_791 = tpu.memref_squeeze %parallel_loop3A_790 : memref<1x128x64xf32, #tpu.memory_space<vmem>> -> memref<128x64xf32, #tpu.memory_space<vmem>>
      %parallel_loop3A_792 = arith.index_cast %parallel_loop3A_744 : i32 to index
      %parallel_loop3A_793 = arith.constant 16 : index
      %parallel_loop3A_794 = tpu.vector_load %parallel_loop3A_791[%parallel_loop3A_792, %parallel_loop3A_793] {strides = array<i32>} : memref<128x64xf32, #tpu.memory_space<vmem>>, vector<1x16xf32>,
      %parallel_loop3A_795 = vector.shape_cast %parallel_loop3A_794 : vector<1x16xf32> to vector<16xf32>
      %parallel_loop3A_796 = vector.shape_cast %parallel_loop3A_787 : vector<16xf32> to vector<1x16xf32>
      tpu.vector_store %parallel_loop3A_791[%parallel_loop3A_792, %parallel_loop3A_793], %parallel_loop3A_796 {strides = array<i32>} : memref<128x64xf32, #tpu.memory_space<vmem>>, vector<1x16xf32>,
      %parallel_loop3A_797 = arith.constant 0 : i32
      %parallel_loop3A_798 = arith.constant 0 : i32
      %parallel_loop3A_799 = tpu.memref_slice %arg9[%parallel_loop3A_574, %parallel_loop3A_797, %parallel_loop3A_798] : memref<2x128x64xf32, #tpu.memory_space<vmem>> -> memref<1x128x64xf32, #tpu.memory_space<vmem>>
      %parallel_loop3A_800 = tpu.memref_squeeze %parallel_loop3A_799 : memref<1x128x64xf32, #tpu.memory_space<vmem>> -> memref<128x64xf32, #tpu.memory_space<vmem>>
      %parallel_loop3A_801 = arith.index_cast %parallel_loop3A_744 : i32 to index
      %parallel_loop3A_802 = arith.constant 32 : index
      %parallel_loop3A_803 = tpu.vector_load %parallel_loop3A_800[%parallel_loop3A_801, %parallel_loop3A_802] {strides = array<i32>} : memref<128x64xf32, #tpu.memory_space<vmem>>, vector<1x16xf32>,
      %parallel_loop3A_804 = vector.shape_cast %parallel_loop3A_803 : vector<1x16xf32> to vector<16xf32>
      %parallel_loop3A_805 = arith.constant 0 : i32
      %parallel_loop3A_806 = arith.constant 0 : i32
      %parallel_loop3A_807 = tpu.memref_slice %arg10[%parallel_loop3A_575, %parallel_loop3A_805, %parallel_loop3A_806] : memref<2x128x64xf32, #tpu.memory_space<vmem>> -> memref<1x128x64xf32, #tpu.memory_space<vmem>>
      %parallel_loop3A_808 = tpu.memref_squeeze %parallel_loop3A_807 : memref<1x128x64xf32, #tpu.memory_space<vmem>> -> memref<128x64xf32, #tpu.memory_space<vmem>>
      %parallel_loop3A_809 = arith.index_cast %parallel_loop3A_744 : i32 to index
      %parallel_loop3A_810 = arith.constant 32 : index
      %parallel_loop3A_811 = tpu.vector_load %parallel_loop3A_808[%parallel_loop3A_809, %parallel_loop3A_810] {strides = array<i32>} : memref<128x64xf32, #tpu.memory_space<vmem>>, vector<1x16xf32>,
      %parallel_loop3A_812 = vector.shape_cast %parallel_loop3A_811 : vector<1x16xf32> to vector<16xf32>
      %parallel_loop3A_813 = arith.addf %parallel_loop3A_804, %parallel_loop3A_812 : vector<16xf32>
      %parallel_loop3A_814 = arith.constant 0 : i32
      %parallel_loop3A_815 = arith.constant 0 : i32
      %parallel_loop3A_816 = tpu.memref_slice %arg11[%parallel_loop3A_576, %parallel_loop3A_814, %parallel_loop3A_815] : memref<2x128x64xf32, #tpu.memory_space<vmem>> -> memref<1x128x64xf32, #tpu.memory_space<vmem>>
      %parallel_loop3A_817 = tpu.memref_squeeze %parallel_loop3A_816 : memref<1x128x64xf32, #tpu.memory_space<vmem>> -> memref<128x64xf32, #tpu.memory_space<vmem>>
      %parallel_loop3A_818 = arith.index_cast %parallel_loop3A_744 : i32 to index
      %parallel_loop3A_819 = arith.constant 32 : index
      %parallel_loop3A_820 = tpu.vector_load %parallel_loop3A_817[%parallel_loop3A_818, %parallel_loop3A_819] {strides = array<i32>} : memref<128x64xf32, #tpu.memory_space<vmem>>, vector<1x16xf32>,
      %parallel_loop3A_821 = vector.shape_cast %parallel_loop3A_820 : vector<1x16xf32> to vector<16xf32>
      %parallel_loop3A_822 = vector.shape_cast %parallel_loop3A_813 : vector<16xf32> to vector<1x16xf32>
      tpu.vector_store %parallel_loop3A_817[%parallel_loop3A_818, %parallel_loop3A_819], %parallel_loop3A_822 {strides = array<i32>} : memref<128x64xf32, #tpu.memory_space<vmem>>, vector<1x16xf32>,
      %parallel_loop3A_823 = arith.constant 0 : i32
      %parallel_loop3A_824 = arith.constant 0 : i32
      %parallel_loop3A_825 = tpu.memref_slice %arg9[%parallel_loop3A_574, %parallel_loop3A_823, %parallel_loop3A_824] : memref<2x128x64xf32, #tpu.memory_space<vmem>> -> memref<1x128x64xf32, #tpu.memory_space<vmem>>
      %parallel_loop3A_826 = tpu.memref_squeeze %parallel_loop3A_825 : memref<1x128x64xf32, #tpu.memory_space<vmem>> -> memref<128x64xf32, #tpu.memory_space<vmem>>
      %parallel_loop3A_827 = arith.index_cast %parallel_loop3A_744 : i32 to index
      %parallel_loop3A_828 = arith.constant 48 : index
      %parallel_loop3A_829 = tpu.vector_load %parallel_loop3A_826[%parallel_loop3A_827, %parallel_loop3A_828] {strides = array<i32>} : memref<128x64xf32, #tpu.memory_space<vmem>>, vector<1x16xf32>,
      %parallel_loop3A_830 = vector.shape_cast %parallel_loop3A_829 : vector<1x16xf32> to vector<16xf32>
      %parallel_loop3A_831 = arith.constant 0 : i32
      %parallel_loop3A_832 = arith.constant 0 : i32
      %parallel_loop3A_833 = tpu.memref_slice %arg10[%parallel_loop3A_575, %parallel_loop3A_831, %parallel_loop3A_832] : memref<2x128x64xf32, #tpu.memory_space<vmem>> -> memref<1x128x64xf32, #tpu.memory_space<vmem>>
      %parallel_loop3A_834 = tpu.memref_squeeze %parallel_loop3A_833 : memref<1x128x64xf32, #tpu.memory_space<vmem>> -> memref<128x64xf32, #tpu.memory_space<vmem>>
      %parallel_loop3A_835 = arith.index_cast %parallel_loop3A_744 : i32 to index
      %parallel_loop3A_836 = arith.constant 48 : index
      %parallel_loop3A_837 = tpu.vector_load %parallel_loop3A_834[%parallel_loop3A_835, %parallel_loop3A_836] {strides = array<i32>} : memref<128x64xf32, #tpu.memory_space<vmem>>, vector<1x16xf32>,
      %parallel_loop3A_838 = vector.shape_cast %parallel_loop3A_837 : vector<1x16xf32> to vector<16xf32>
      %parallel_loop3A_839 = arith.addf %parallel_loop3A_830, %parallel_loop3A_838 : vector<16xf32>
      %parallel_loop3A_840 = arith.constant 0 : i32
      %parallel_loop3A_841 = arith.constant 0 : i32
      %parallel_loop3A_842 = tpu.memref_slice %arg11[%parallel_loop3A_576, %parallel_loop3A_840, %parallel_loop3A_841] : memref<2x128x64xf32, #tpu.memory_space<vmem>> -> memref<1x128x64xf32, #tpu.memory_space<vmem>>
      %parallel_loop3A_843 = tpu.memref_squeeze %parallel_loop3A_842 : memref<1x128x64xf32, #tpu.memory_space<vmem>> -> memref<128x64xf32, #tpu.memory_space<vmem>>
      %parallel_loop3A_844 = arith.index_cast %parallel_loop3A_744 : i32 to index
      %parallel_loop3A_845 = arith.constant 48 : index
      %parallel_loop3A_846 = tpu.vector_load %parallel_loop3A_843[%parallel_loop3A_844, %parallel_loop3A_845] {strides = array<i32>} : memref<128x64xf32, #tpu.memory_space<vmem>>, vector<1x16xf32>,
      %parallel_loop3A_847 = vector.shape_cast %parallel_loop3A_846 : vector<1x16xf32> to vector<16xf32>
      %parallel_loop3A_848 = vector.shape_cast %parallel_loop3A_839 : vector<16xf32> to vector<1x16xf32>
      tpu.vector_store %parallel_loop3A_843[%parallel_loop3A_844, %parallel_loop3A_845], %parallel_loop3A_848 {strides = array<i32>} : memref<128x64xf32, #tpu.memory_space<vmem>>, vector<1x16xf32>,
    } {sc.loop_unroll_factor = 4 : i64, sc.parallel_access}
    %add3A_577 = arith.constant 25344 : i32
    %add3A_578 = arith.addi %mul3A_4, %add3A_577 : i32
    %dma_start3A_579 = arith.constant 0 : i32
    %dma_start3A_580 = arith.constant 0 : i32
    %dma_start3A_581 = arith.constant 0 : i32
    %dma_start3A_582 = tpu.memref_slice %arg11[%dma_start3A_579, %dma_start3A_580, %dma_start3A_581] : memref<2x128x64xf32, #tpu.memory_space<vmem>> -> memref<1x128x64xf32, #tpu.memory_space<vmem>>
    %dma_start3A_583 = tpu.memref_squeeze %dma_start3A_582 : memref<1x128x64xf32, #tpu.memory_space<vmem>> -> memref<128x64xf32, #tpu.memory_space<vmem>>
    %dma_start3A_584 = arith.constant 0 : i32
    %dma_start3A_585 = tpu.memref_slice %arg6[%add3A_578, %dma_start3A_584] : memref<819200x64xf32, #tpu.memory_space<hbm>> -> memref<128x64xf32, #tpu.memory_space<hbm>>
    %dma_start3A_586 = arith.constant 0 : i32
    %dma_start3A_587 = tpu.memref_slice %arg6[%add3A_578, %dma_start3A_586] : memref<819200x64xf32, #tpu.memory_space<hbm>> -> memref<128x64xf32, #tpu.memory_space<hbm>>
    %dma_start3A_588 = arith.constant 0 : i32
    %dma_start3A_589 = arith.constant 0 : i32
    %dma_start3A_590 = tpu.memref_slice %arg11[%dma_start3A_579, %dma_start3A_588, %dma_start3A_589] : memref<2x128x64xf32, #tpu.memory_space<vmem>> -> memref<1x128x64xf32, #tpu.memory_space<vmem>>
    %dma_start3A_591 = tpu.memref_squeeze %dma_start3A_590 : memref<1x128x64xf32, #tpu.memory_space<vmem>> -> memref<128x64xf32, #tpu.memory_space<vmem>>
    tpu.enqueue_dma source(%dma_start3A_591 : memref<128x64xf32, #tpu.memory_space<vmem>>) target(%dma_start3A_587 : memref<128x64xf32, #tpu.memory_space<hbm>>) target_semaphore(%arg21 : memref<!tpu.dma_semaphore, #tpu.memory_space<semaphore_mem>>)
    %dma_wait3A_592 = arith.constant 3 : i32
    %dma_wait3A_593 = arith.constant 1 : i32
    %dma_wait3A_594 = arith.constant 0 : i32
    %dma_wait3A_595 = arith.constant 0 : i32
    %dma_wait3A_596 = tpu.memref_slice %arg9[%dma_wait3A_593, %dma_wait3A_594, %dma_wait3A_595] : memref<2x128x64xf32, #tpu.memory_space<vmem>> -> memref<1x128x64xf32, #tpu.memory_space<vmem>>
    %dma_wait3A_597 = tpu.memref_squeeze %dma_wait3A_596 : memref<1x128x64xf32, #tpu.memory_space<vmem>> -> memref<128x64xf32, #tpu.memory_space<vmem>>
    %dma_wait3A_598 = arith.constant 0 : i32
    %dma_wait3A_599 = tpu.memref_slice %arg7[%dma_wait3A_592, %dma_wait3A_598] : memref<4x128xi32, #tpu.memory_space<vmem>> -> memref<1x128xi32, #tpu.memory_space<vmem>>
    %dma_wait3A_600 = tpu.memref_squeeze %dma_wait3A_599 : memref<1x128xi32, #tpu.memory_space<vmem>> -> memref<128xi32, #tpu.memory_space<vmem>>
    %dma_wait3A_601 = arith.constant 0 : i32
    %dma_wait3A_602 = arith.constant 0 : i32
    %dma_wait3A_603 = tpu.memref_slice %arg4[%dma_wait3A_601, %dma_wait3A_602] : memref<100000x64xf32, #tpu.memory_space<hbm>> -> memref<100000x64xf32, #tpu.memory_space<hbm>>
    tpu.wait_indirect_dma semaphore(%arg18 : memref<!tpu.dma_semaphore, #tpu.memory_space<semaphore_mem>>) src(%dma_wait3A_603 : memref<100000x64xf32, #tpu.memory_space<hbm>>) dst(%dma_wait3A_597 : memref<128x64xf32, #tpu.memory_space<vmem>>)
    %dma_wait3A_604 = arith.constant 3 : i32
    %dma_wait3A_605 = arith.constant 1 : i32
    %dma_wait3A_606 = arith.constant 0 : i32
    %dma_wait3A_607 = arith.constant 0 : i32
    %dma_wait3A_608 = tpu.memref_slice %arg10[%dma_wait3A_605, %dma_wait3A_606, %dma_wait3A_607] : memref<2x128x64xf32, #tpu.memory_space<vmem>> -> memref<1x128x64xf32, #tpu.memory_space<vmem>>
    %dma_wait3A_609 = tpu.memref_squeeze %dma_wait3A_608 : memref<1x128x64xf32, #tpu.memory_space<vmem>> -> memref<128x64xf32, #tpu.memory_space<vmem>>
    %dma_wait3A_610 = arith.constant 0 : i32
    %dma_wait3A_611 = tpu.memref_slice %arg8[%dma_wait3A_604, %dma_wait3A_610] : memref<4x128xi32, #tpu.memory_space<vmem>> -> memref<1x128xi32, #tpu.memory_space<vmem>>
    %dma_wait3A_612 = tpu.memref_squeeze %dma_wait3A_611 : memref<1x128xi32, #tpu.memory_space<vmem>> -> memref<128xi32, #tpu.memory_space<vmem>>
    %dma_wait3A_613 = arith.constant 0 : i32
    %dma_wait3A_614 = arith.constant 0 : i32
    %dma_wait3A_615 = tpu.memref_slice %arg12[%dma_wait3A_613, %dma_wait3A_614] : memref<10000x64xf32, #tpu.memory_space<vmem_shared>> -> memref<10000x64xf32, #tpu.memory_space<vmem_shared>>
    tpu.wait_indirect_dma semaphore(%arg20 : memref<!tpu.dma_semaphore, #tpu.memory_space<semaphore_mem>>) src(%dma_wait3A_615 : memref<10000x64xf32, #tpu.memory_space<vmem_shared>>) dst(%dma_wait3A_609 : memref<128x64xf32, #tpu.memory_space<vmem>>)
    %dma_wait3A_616 = arith.constant 1 : i32
    %dma_wait3A_617 = arith.constant 0 : i32
    %dma_wait3A_618 = arith.constant 0 : i32
    %dma_wait3A_619 = tpu.memref_slice %arg11[%dma_wait3A_616, %dma_wait3A_617, %dma_wait3A_618] : memref<2x128x64xf32, #tpu.memory_space<vmem>> -> memref<1x128x64xf32, #tpu.memory_space<vmem>>
    %dma_wait3A_620 = tpu.memref_squeeze %dma_wait3A_619 : memref<1x128x64xf32, #tpu.memory_space<vmem>> -> memref<128x64xf32, #tpu.memory_space<vmem>>
    %dma_wait3A_621 = arith.constant 0 : i32
    %dma_wait3A_622 = tpu.memref_slice %arg6[%mul3A_4, %dma_wait3A_621] : memref<819200x64xf32, #tpu.memory_space<hbm>> -> memref<128x64xf32, #tpu.memory_space<hbm>>
    %dma_wait3A_623 = arith.constant 0 : i32
    %dma_wait3A_624 = tpu.memref_slice %arg6[%mul3A_4, %dma_wait3A_623] : memref<819200x64xf32, #tpu.memory_space<hbm>> -> memref<128x64xf32, #tpu.memory_space<hbm>>
    %dma_wait3A_625 = arith.constant 0 : i32
    %dma_wait3A_626 = arith.constant 0 : i32
    %dma_wait3A_627 = tpu.memref_slice %arg11[%dma_wait3A_616, %dma_wait3A_625, %dma_wait3A_626] : memref<2x128x64xf32, #tpu.memory_space<vmem>> -> memref<1x128x64xf32, #tpu.memory_space<vmem>>
    %dma_wait3A_628 = tpu.memref_squeeze %dma_wait3A_627 : memref<1x128x64xf32, #tpu.memory_space<vmem>> -> memref<128x64xf32, #tpu.memory_space<vmem>>
    tpu.wait_dma2 semaphore(%arg22 : memref<!tpu.dma_semaphore, #tpu.memory_space<semaphore_mem>>) src(%dma_wait3A_628 : memref<128x64xf32, #tpu.memory_space<vmem>>) dst(%dma_wait3A_624 : memref<128x64xf32, #tpu.memory_space<hbm>>)
    %parallel_loop3A_629 = arith.constant 0 : i32
    %parallel_loop3A_630 = arith.constant 128 : i32
    %parallel_loop3A_631 = arith.constant 1 : i32
    %parallel_loop3A_632 = arith.constant 1 : i32
    %parallel_loop3A_633 = arith.constant 1 : i32
    %parallel_loop3A_634 = arith.constant 1 : i32
    scf.for %parallel_loop3A_744 = %parallel_loop3A_629 to %parallel_loop3A_630 step %parallel_loop3A_631  : i32 {
      %parallel_loop3A_745 = arith.constant 0 : i32
      %parallel_loop3A_746 = arith.constant 0 : i32
      %parallel_loop3A_747 = tpu.memref_slice %arg9[%parallel_loop3A_632, %parallel_loop3A_745, %parallel_loop3A_746] : memref<2x128x64xf32, #tpu.memory_space<vmem>> -> memref<1x128x64xf32, #tpu.memory_space<vmem>>
      %parallel_loop3A_748 = tpu.memref_squeeze %parallel_loop3A_747 : memref<1x128x64xf32, #tpu.memory_space<vmem>> -> memref<128x64xf32, #tpu.memory_space<vmem>>
      %parallel_loop3A_749 = arith.index_cast %parallel_loop3A_744 : i32 to index
      %parallel_loop3A_750 = arith.constant 0 : index
      %parallel_loop3A_751 = tpu.vector_load %parallel_loop3A_748[%parallel_loop3A_749, %parallel_loop3A_750] {strides = array<i32>} : memref<128x64xf32, #tpu.memory_space<vmem>>, vector<1x16xf32>,
      %parallel_loop3A_752 = vector.shape_cast %parallel_loop3A_751 : vector<1x16xf32> to vector<16xf32>
      %parallel_loop3A_753 = arith.constant 0 : i32
      %parallel_loop3A_754 = arith.constant 0 : i32
      %parallel_loop3A_755 = tpu.memref_slice %arg10[%parallel_loop3A_633, %parallel_loop3A_753, %parallel_loop3A_754] : memref<2x128x64xf32, #tpu.memory_space<vmem>> -> memref<1x128x64xf32, #tpu.memory_space<vmem>>
      %parallel_loop3A_756 = tpu.memref_squeeze %parallel_loop3A_755 : memref<1x128x64xf32, #tpu.memory_space<vmem>> -> memref<128x64xf32, #tpu.memory_space<vmem>>
      %parallel_loop3A_757 = arith.index_cast %parallel_loop3A_744 : i32 to index
      %parallel_loop3A_758 = arith.constant 0 : index
      %parallel_loop3A_759 = tpu.vector_load %parallel_loop3A_756[%parallel_loop3A_757, %parallel_loop3A_758] {strides = array<i32>} : memref<128x64xf32, #tpu.memory_space<vmem>>, vector<1x16xf32>,
      %parallel_loop3A_760 = vector.shape_cast %parallel_loop3A_759 : vector<1x16xf32> to vector<16xf32>
      %parallel_loop3A_761 = arith.addf %parallel_loop3A_752, %parallel_loop3A_760 : vector<16xf32>
      %parallel_loop3A_762 = arith.constant 0 : i32
      %parallel_loop3A_763 = arith.constant 0 : i32
      %parallel_loop3A_764 = tpu.memref_slice %arg11[%parallel_loop3A_634, %parallel_loop3A_762, %parallel_loop3A_763] : memref<2x128x64xf32, #tpu.memory_space<vmem>> -> memref<1x128x64xf32, #tpu.memory_space<vmem>>
      %parallel_loop3A_765 = tpu.memref_squeeze %parallel_loop3A_764 : memref<1x128x64xf32, #tpu.memory_space<vmem>> -> memref<128x64xf32, #tpu.memory_space<vmem>>
      %parallel_loop3A_766 = arith.index_cast %parallel_loop3A_744 : i32 to index
      %parallel_loop3A_767 = arith.constant 0 : index
      %parallel_loop3A_768 = tpu.vector_load %parallel_loop3A_765[%parallel_loop3A_766, %parallel_loop3A_767] {strides = array<i32>} : memref<128x64xf32, #tpu.memory_space<vmem>>, vector<1x16xf32>,
      %parallel_loop3A_769 = vector.shape_cast %parallel_loop3A_768 : vector<1x16xf32> to vector<16xf32>
      %parallel_loop3A_770 = vector.shape_cast %parallel_loop3A_761 : vector<16xf32> to vector<1x16xf32>
      tpu.vector_store %parallel_loop3A_765[%parallel_loop3A_766, %parallel_loop3A_767], %parallel_loop3A_770 {strides = array<i32>} : memref<128x64xf32, #tpu.memory_space<vmem>>, vector<1x16xf32>,
      %parallel_loop3A_771 = arith.constant 0 : i32
      %parallel_loop3A_772 = arith.constant 0 : i32
      %parallel_loop3A_773 = tpu.memref_slice %arg9[%parallel_loop3A_632, %parallel_loop3A_771, %parallel_loop3A_772] : memref<2x128x64xf32, #tpu.memory_space<vmem>> -> memref<1x128x64xf32, #tpu.memory_space<vmem>>
      %parallel_loop3A_774 = tpu.memref_squeeze %parallel_loop3A_773 : memref<1x128x64xf32, #tpu.memory_space<vmem>> -> memref<128x64xf32, #tpu.memory_space<vmem>>
      %parallel_loop3A_775 = arith.index_cast %parallel_loop3A_744 : i32 to index
      %parallel_loop3A_776 = arith.constant 16 : index
      %parallel_loop3A_777 = tpu.vector_load %parallel_loop3A_774[%parallel_loop3A_775, %parallel_loop3A_776] {strides = array<i32>} : memref<128x64xf32, #tpu.memory_space<vmem>>, vector<1x16xf32>,
      %parallel_loop3A_778 = vector.shape_cast %parallel_loop3A_777 : vector<1x16xf32> to vector<16xf32>
      %parallel_loop3A_779 = arith.constant 0 : i32
      %parallel_loop3A_780 = arith.constant 0 : i32
      %parallel_loop3A_781 = tpu.memref_slice %arg10[%parallel_loop3A_633, %parallel_loop3A_779, %parallel_loop3A_780] : memref<2x128x64xf32, #tpu.memory_space<vmem>> -> memref<1x128x64xf32, #tpu.memory_space<vmem>>
      %parallel_loop3A_782 = tpu.memref_squeeze %parallel_loop3A_781 : memref<1x128x64xf32, #tpu.memory_space<vmem>> -> memref<128x64xf32, #tpu.memory_space<vmem>>
      %parallel_loop3A_783 = arith.index_cast %parallel_loop3A_744 : i32 to index
      %parallel_loop3A_784 = arith.constant 16 : index
      %parallel_loop3A_785 = tpu.vector_load %parallel_loop3A_782[%parallel_loop3A_783, %parallel_loop3A_784] {strides = array<i32>} : memref<128x64xf32, #tpu.memory_space<vmem>>, vector<1x16xf32>,
      %parallel_loop3A_786 = vector.shape_cast %parallel_loop3A_785 : vector<1x16xf32> to vector<16xf32>
      %parallel_loop3A_787 = arith.addf %parallel_loop3A_778, %parallel_loop3A_786 : vector<16xf32>
      %parallel_loop3A_788 = arith.constant 0 : i32
      %parallel_loop3A_789 = arith.constant 0 : i32
      %parallel_loop3A_790 = tpu.memref_slice %arg11[%parallel_loop3A_634, %parallel_loop3A_788, %parallel_loop3A_789] : memref<2x128x64xf32, #tpu.memory_space<vmem>> -> memref<1x128x64xf32, #tpu.memory_space<vmem>>
      %parallel_loop3A_791 = tpu.memref_squeeze %parallel_loop3A_790 : memref<1x128x64xf32, #tpu.memory_space<vmem>> -> memref<128x64xf32, #tpu.memory_space<vmem>>
      %parallel_loop3A_792 = arith.index_cast %parallel_loop3A_744 : i32 to index
      %parallel_loop3A_793 = arith.constant 16 : index
      %parallel_loop3A_794 = tpu.vector_load %parallel_loop3A_791[%parallel_loop3A_792, %parallel_loop3A_793] {strides = array<i32>} : memref<128x64xf32, #tpu.memory_space<vmem>>, vector<1x16xf32>,
      %parallel_loop3A_795 = vector.shape_cast %parallel_loop3A_794 : vector<1x16xf32> to vector<16xf32>
      %parallel_loop3A_796 = vector.shape_cast %parallel_loop3A_787 : vector<16xf32> to vector<1x16xf32>
      tpu.vector_store %parallel_loop3A_791[%parallel_loop3A_792, %parallel_loop3A_793], %parallel_loop3A_796 {strides = array<i32>} : memref<128x64xf32, #tpu.memory_space<vmem>>, vector<1x16xf32>,
      %parallel_loop3A_797 = arith.constant 0 : i32
      %parallel_loop3A_798 = arith.constant 0 : i32
      %parallel_loop3A_799 = tpu.memref_slice %arg9[%parallel_loop3A_632, %parallel_loop3A_797, %parallel_loop3A_798] : memref<2x128x64xf32, #tpu.memory_space<vmem>> -> memref<1x128x64xf32, #tpu.memory_space<vmem>>
      %parallel_loop3A_800 = tpu.memref_squeeze %parallel_loop3A_799 : memref<1x128x64xf32, #tpu.memory_space<vmem>> -> memref<128x64xf32, #tpu.memory_space<vmem>>
      %parallel_loop3A_801 = arith.index_cast %parallel_loop3A_744 : i32 to index
      %parallel_loop3A_802 = arith.constant 32 : index
      %parallel_loop3A_803 = tpu.vector_load %parallel_loop3A_800[%parallel_loop3A_801, %parallel_loop3A_802] {strides = array<i32>} : memref<128x64xf32, #tpu.memory_space<vmem>>, vector<1x16xf32>,
      %parallel_loop3A_804 = vector.shape_cast %parallel_loop3A_803 : vector<1x16xf32> to vector<16xf32>
      %parallel_loop3A_805 = arith.constant 0 : i32
      %parallel_loop3A_806 = arith.constant 0 : i32
      %parallel_loop3A_807 = tpu.memref_slice %arg10[%parallel_loop3A_633, %parallel_loop3A_805, %parallel_loop3A_806] : memref<2x128x64xf32, #tpu.memory_space<vmem>> -> memref<1x128x64xf32, #tpu.memory_space<vmem>>
      %parallel_loop3A_808 = tpu.memref_squeeze %parallel_loop3A_807 : memref<1x128x64xf32, #tpu.memory_space<vmem>> -> memref<128x64xf32, #tpu.memory_space<vmem>>
      %parallel_loop3A_809 = arith.index_cast %parallel_loop3A_744 : i32 to index
      %parallel_loop3A_810 = arith.constant 32 : index
      %parallel_loop3A_811 = tpu.vector_load %parallel_loop3A_808[%parallel_loop3A_809, %parallel_loop3A_810] {strides = array<i32>} : memref<128x64xf32, #tpu.memory_space<vmem>>, vector<1x16xf32>,
      %parallel_loop3A_812 = vector.shape_cast %parallel_loop3A_811 : vector<1x16xf32> to vector<16xf32>
      %parallel_loop3A_813 = arith.addf %parallel_loop3A_804, %parallel_loop3A_812 : vector<16xf32>
      %parallel_loop3A_814 = arith.constant 0 : i32
      %parallel_loop3A_815 = arith.constant 0 : i32
      %parallel_loop3A_816 = tpu.memref_slice %arg11[%parallel_loop3A_634, %parallel_loop3A_814, %parallel_loop3A_815] : memref<2x128x64xf32, #tpu.memory_space<vmem>> -> memref<1x128x64xf32, #tpu.memory_space<vmem>>
      %parallel_loop3A_817 = tpu.memref_squeeze %parallel_loop3A_816 : memref<1x128x64xf32, #tpu.memory_space<vmem>> -> memref<128x64xf32, #tpu.memory_space<vmem>>
      %parallel_loop3A_818 = arith.index_cast %parallel_loop3A_744 : i32 to index
      %parallel_loop3A_819 = arith.constant 32 : index
      %parallel_loop3A_820 = tpu.vector_load %parallel_loop3A_817[%parallel_loop3A_818, %parallel_loop3A_819] {strides = array<i32>} : memref<128x64xf32, #tpu.memory_space<vmem>>, vector<1x16xf32>,
      %parallel_loop3A_821 = vector.shape_cast %parallel_loop3A_820 : vector<1x16xf32> to vector<16xf32>
      %parallel_loop3A_822 = vector.shape_cast %parallel_loop3A_813 : vector<16xf32> to vector<1x16xf32>
      tpu.vector_store %parallel_loop3A_817[%parallel_loop3A_818, %parallel_loop3A_819], %parallel_loop3A_822 {strides = array<i32>} : memref<128x64xf32, #tpu.memory_space<vmem>>, vector<1x16xf32>,
      %parallel_loop3A_823 = arith.constant 0 : i32
      %parallel_loop3A_824 = arith.constant 0 : i32
      %parallel_loop3A_825 = tpu.memref_slice %arg9[%parallel_loop3A_632, %parallel_loop3A_823, %parallel_loop3A_824] : memref<2x128x64xf32, #tpu.memory_space<vmem>> -> memref<1x128x64xf32, #tpu.memory_space<vmem>>
      %parallel_loop3A_826 = tpu.memref_squeeze %parallel_loop3A_825 : memref<1x128x64xf32, #tpu.memory_space<vmem>> -> memref<128x64xf32, #tpu.memory_space<vmem>>
      %parallel_loop3A_827 = arith.index_cast %parallel_loop3A_744 : i32 to index
      %parallel_loop3A_828 = arith.constant 48 : index
      %parallel_loop3A_829 = tpu.vector_load %parallel_loop3A_826[%parallel_loop3A_827, %parallel_loop3A_828] {strides = array<i32>} : memref<128x64xf32, #tpu.memory_space<vmem>>, vector<1x16xf32>,
      %parallel_loop3A_830 = vector.shape_cast %parallel_loop3A_829 : vector<1x16xf32> to vector<16xf32>
      %parallel_loop3A_831 = arith.constant 0 : i32
      %parallel_loop3A_832 = arith.constant 0 : i32
      %parallel_loop3A_833 = tpu.memref_slice %arg10[%parallel_loop3A_633, %parallel_loop3A_831, %parallel_loop3A_832] : memref<2x128x64xf32, #tpu.memory_space<vmem>> -> memref<1x128x64xf32, #tpu.memory_space<vmem>>
      %parallel_loop3A_834 = tpu.memref_squeeze %parallel_loop3A_833 : memref<1x128x64xf32, #tpu.memory_space<vmem>> -> memref<128x64xf32, #tpu.memory_space<vmem>>
      %parallel_loop3A_835 = arith.index_cast %parallel_loop3A_744 : i32 to index
      %parallel_loop3A_836 = arith.constant 48 : index
      %parallel_loop3A_837 = tpu.vector_load %parallel_loop3A_834[%parallel_loop3A_835, %parallel_loop3A_836] {strides = array<i32>} : memref<128x64xf32, #tpu.memory_space<vmem>>, vector<1x16xf32>,
      %parallel_loop3A_838 = vector.shape_cast %parallel_loop3A_837 : vector<1x16xf32> to vector<16xf32>
      %parallel_loop3A_839 = arith.addf %parallel_loop3A_830, %parallel_loop3A_838 : vector<16xf32>
      %parallel_loop3A_840 = arith.constant 0 : i32
      %parallel_loop3A_841 = arith.constant 0 : i32
      %parallel_loop3A_842 = tpu.memref_slice %arg11[%parallel_loop3A_634, %parallel_loop3A_840, %parallel_loop3A_841] : memref<2x128x64xf32, #tpu.memory_space<vmem>> -> memref<1x128x64xf32, #tpu.memory_space<vmem>>
      %parallel_loop3A_843 = tpu.memref_squeeze %parallel_loop3A_842 : memref<1x128x64xf32, #tpu.memory_space<vmem>> -> memref<128x64xf32, #tpu.memory_space<vmem>>
      %parallel_loop3A_844 = arith.index_cast %parallel_loop3A_744 : i32 to index
      %parallel_loop3A_845 = arith.constant 48 : index
      %parallel_loop3A_846 = tpu.vector_load %parallel_loop3A_843[%parallel_loop3A_844, %parallel_loop3A_845] {strides = array<i32>} : memref<128x64xf32, #tpu.memory_space<vmem>>, vector<1x16xf32>,
      %parallel_loop3A_847 = vector.shape_cast %parallel_loop3A_846 : vector<1x16xf32> to vector<16xf32>
      %parallel_loop3A_848 = vector.shape_cast %parallel_loop3A_839 : vector<16xf32> to vector<1x16xf32>
      tpu.vector_store %parallel_loop3A_843[%parallel_loop3A_844, %parallel_loop3A_845], %parallel_loop3A_848 {strides = array<i32>} : memref<128x64xf32, #tpu.memory_space<vmem>>, vector<1x16xf32>,
    } {sc.loop_unroll_factor = 4 : i64, sc.parallel_access}
    %add3A_635 = arith.constant 25472 : i32
    %add3A_636 = arith.addi %mul3A_4, %add3A_635 : i32
    %dma_start3A_637 = arith.constant 1 : i32
    %dma_start3A_638 = arith.constant 0 : i32
    %dma_start3A_639 = arith.constant 0 : i32
    %dma_start3A_640 = tpu.memref_slice %arg11[%dma_start3A_637, %dma_start3A_638, %dma_start3A_639] : memref<2x128x64xf32, #tpu.memory_space<vmem>> -> memref<1x128x64xf32, #tpu.memory_space<vmem>>
    %dma_start3A_641 = tpu.memref_squeeze %dma_start3A_640 : memref<1x128x64xf32, #tpu.memory_space<vmem>> -> memref<128x64xf32, #tpu.memory_space<vmem>>
    %dma_start3A_642 = arith.constant 0 : i32
    %dma_start3A_643 = tpu.memref_slice %arg6[%add3A_636, %dma_start3A_642] : memref<819200x64xf32, #tpu.memory_space<hbm>> -> memref<128x64xf32, #tpu.memory_space<hbm>>
    %dma_start3A_644 = arith.constant 0 : i32
    %dma_start3A_645 = tpu.memref_slice %arg6[%add3A_636, %dma_start3A_644] : memref<819200x64xf32, #tpu.memory_space<hbm>> -> memref<128x64xf32, #tpu.memory_space<hbm>>
    %dma_start3A_646 = arith.constant 0 : i32
    %dma_start3A_647 = arith.constant 0 : i32
    %dma_start3A_648 = tpu.memref_slice %arg11[%dma_start3A_637, %dma_start3A_646, %dma_start3A_647] : memref<2x128x64xf32, #tpu.memory_space<vmem>> -> memref<1x128x64xf32, #tpu.memory_space<vmem>>
    %dma_start3A_649 = tpu.memref_squeeze %dma_start3A_648 : memref<1x128x64xf32, #tpu.memory_space<vmem>> -> memref<128x64xf32, #tpu.memory_space<vmem>>
    tpu.enqueue_dma source(%dma_start3A_649 : memref<128x64xf32, #tpu.memory_space<vmem>>) target(%dma_start3A_645 : memref<128x64xf32, #tpu.memory_space<hbm>>) target_semaphore(%arg22 : memref<!tpu.dma_semaphore, #tpu.memory_space<semaphore_mem>>)
    %dma_wait3A_650 = arith.constant 0 : i32
    %dma_wait3A_651 = arith.constant 0 : i32
    %dma_wait3A_652 = arith.constant 0 : i32
    %dma_wait3A_653 = tpu.memref_slice %arg11[%dma_wait3A_650, %dma_wait3A_651, %dma_wait3A_652] : memref<2x128x64xf32, #tpu.memory_space<vmem>> -> memref<1x128x64xf32, #tpu.memory_space<vmem>>
    %dma_wait3A_654 = tpu.memref_squeeze %dma_wait3A_653 : memref<1x128x64xf32, #tpu.memory_space<vmem>> -> memref<128x64xf32, #tpu.memory_space<vmem>>
    %dma_wait3A_655 = arith.constant 0 : i32
    %dma_wait3A_656 = tpu.memref_slice %arg6[%mul3A_4, %dma_wait3A_655] : memref<819200x64xf32, #tpu.memory_space<hbm>> -> memref<128x64xf32, #tpu.memory_space<hbm>>
    %dma_wait3A_657 = arith.constant 0 : i32
    %dma_wait3A_658 = tpu.memref_slice %arg6[%mul3A_4, %dma_wait3A_657] : memref<819200x64xf32, #tpu.memory_space<hbm>> -> memref<128x64xf32, #tpu.memory_space<hbm>>
    %dma_wait3A_659 = arith.constant 0 : i32
    %dma_wait3A_660 = arith.constant 0 : i32
    %dma_wait3A_661 = tpu.memref_slice %arg11[%dma_wait3A_650, %dma_wait3A_659, %dma_wait3A_660] : memref<2x128x64xf32, #tpu.memory_space<vmem>> -> memref<1x128x64xf32, #tpu.memory_space<vmem>>
    %dma_wait3A_662 = tpu.memref_squeeze %dma_wait3A_661 : memref<1x128x64xf32, #tpu.memory_space<vmem>> -> memref<128x64xf32, #tpu.memory_space<vmem>>
    tpu.wait_dma2 semaphore(%arg21 : memref<!tpu.dma_semaphore, #tpu.memory_space<semaphore_mem>>) src(%dma_wait3A_662 : memref<128x64xf32, #tpu.memory_space<vmem>>) dst(%dma_wait3A_658 : memref<128x64xf32, #tpu.memory_space<hbm>>)
    %dma_wait3A_663 = arith.constant 1 : i32
    %dma_wait3A_664 = arith.constant 0 : i32
    %dma_wait3A_665 = arith.constant 0 : i32
    %dma_wait3A_666 = tpu.memref_slice %arg11[%dma_wait3A_663, %dma_wait3A_664, %dma_wait3A_665] : memref<2x128x64xf32, #tpu.memory_space<vmem>> -> memref<1x128x64xf32, #tpu.memory_space<vmem>>
    %dma_wait3A_667 = tpu.memref_squeeze %dma_wait3A_666 : memref<1x128x64xf32, #tpu.memory_space<vmem>> -> memref<128x64xf32, #tpu.memory_space<vmem>>
    %dma_wait3A_668 = arith.constant 0 : i32
    %dma_wait3A_669 = tpu.memref_slice %arg6[%mul3A_4, %dma_wait3A_668] : memref<819200x64xf32, #tpu.memory_space<hbm>> -> memref<128x64xf32, #tpu.memory_space<hbm>>
    %dma_wait3A_670 = arith.constant 0 : i32
    %dma_wait3A_671 = tpu.memref_slice %arg6[%mul3A_4, %dma_wait3A_670] : memref<819200x64xf32, #tpu.memory_space<hbm>> -> memref<128x64xf32, #tpu.memory_space<hbm>>
    %dma_wait3A_672 = arith.constant 0 : i32
    %dma_wait3A_673 = arith.constant 0 : i32
    %dma_wait3A_674 = tpu.memref_slice %arg11[%dma_wait3A_663, %dma_wait3A_672, %dma_wait3A_673] : memref<2x128x64xf32, #tpu.memory_space<vmem>> -> memref<1x128x64xf32, #tpu.memory_space<vmem>>
    %dma_wait3A_675 = tpu.memref_squeeze %dma_wait3A_674 : memref<1x128x64xf32, #tpu.memory_space<vmem>> -> memref<128x64xf32, #tpu.memory_space<vmem>>
    tpu.wait_dma2 semaphore(%arg22 : memref<!tpu.dma_semaphore, #tpu.memory_space<semaphore_mem>>) src(%dma_wait3A_675 : memref<128x64xf32, #tpu.memory_space<vmem>>) dst(%dma_wait3A_671 : memref<128x64xf32, #tpu.memory_space<hbm>>)
    %add3A_676 = arith.constant 200 : i32
    %add3A_677 = arith.addi %mul3A_2, %add3A_676 : i32
    %min3A_678 = arith.constant 6399 : i32
    %min3A_679 = arith.minsi %add3A_677, %min3A_678 : i32
    %dma_wait3A_680 = arith.constant 0 : i32
    %dma_wait3A_681 = arith.constant 0 : i32
    %dma_wait3A_682 = tpu.memref_slice %arg7[%dma_wait3A_680, %dma_wait3A_681] : memref<4x128xi32, #tpu.memory_space<vmem>> -> memref<1x128xi32, #tpu.memory_space<vmem>>
    %dma_wait3A_683 = tpu.memref_squeeze %dma_wait3A_682 : memref<1x128xi32, #tpu.memory_space<vmem>> -> memref<128xi32, #tpu.memory_space<vmem>>
    %dma_wait3A_684 = arith.constant 0 : i32
    %dma_wait3A_685 = tpu.memref_slice %arg2[%min3A_679, %dma_wait3A_684] : memref<6400x128xi32, #tpu.memory_space<hbm>> -> memref<1x128xi32, #tpu.memory_space<hbm>>
    %dma_wait3A_686 = tpu.memref_squeeze %dma_wait3A_685 : memref<1x128xi32, #tpu.memory_space<hbm>> -> memref<128xi32, #tpu.memory_space<hbm>>
    %dma_wait3A_687 = arith.constant 0 : i32
    %dma_wait3A_688 = tpu.memref_slice %arg7[%dma_wait3A_680, %dma_wait3A_687] : memref<4x128xi32, #tpu.memory_space<vmem>> -> memref<1x128xi32, #tpu.memory_space<vmem>>
    %dma_wait3A_689 = tpu.memref_squeeze %dma_wait3A_688 : memref<1x128xi32, #tpu.memory_space<vmem>> -> memref<128xi32, #tpu.memory_space<vmem>>
    %dma_wait3A_690 = arith.constant 0 : i32
    %dma_wait3A_691 = tpu.memref_slice %arg2[%min3A_679, %dma_wait3A_690] : memref<6400x128xi32, #tpu.memory_space<hbm>> -> memref<1x128xi32, #tpu.memory_space<hbm>>
    %dma_wait3A_692 = tpu.memref_squeeze %dma_wait3A_691 : memref<1x128xi32, #tpu.memory_space<hbm>> -> memref<128xi32, #tpu.memory_space<hbm>>
    tpu.wait_dma2 semaphore(%arg13 : memref<!tpu.dma_semaphore, #tpu.memory_space<semaphore_mem>>) src(%dma_wait3A_692 : memref<128xi32, #tpu.memory_space<hbm>>) dst(%dma_wait3A_689 : memref<128xi32, #tpu.memory_space<vmem>>)
    %add3A_693 = arith.constant 200 : i32
    %add3A_694 = arith.addi %mul3A_2, %add3A_693 : i32
    %min3A_695 = arith.constant 6399 : i32
    %min3A_696 = arith.minsi %add3A_694, %min3A_695 : i32
    %dma_wait3A_697 = arith.constant 0 : i32
    %dma_wait3A_698 = arith.constant 0 : i32
    %dma_wait3A_699 = tpu.memref_slice %arg8[%dma_wait3A_697, %dma_wait3A_698] : memref<4x128xi32, #tpu.memory_space<vmem>> -> memref<1x128xi32, #tpu.memory_space<vmem>>
    %dma_wait3A_700 = tpu.memref_squeeze %dma_wait3A_699 : memref<1x128xi32, #tpu.memory_space<vmem>> -> memref<128xi32, #tpu.memory_space<vmem>>
    %dma_wait3A_701 = arith.constant 0 : i32
    %dma_wait3A_702 = tpu.memref_slice %arg3[%min3A_696, %dma_wait3A_701] : memref<6400x128xi32, #tpu.memory_space<hbm>> -> memref<1x128xi32, #tpu.memory_space<hbm>>
    %dma_wait3A_703 = tpu.memref_squeeze %dma_wait3A_702 : memref<1x128xi32, #tpu.memory_space<hbm>> -> memref<128xi32, #tpu.memory_space<hbm>>
    %dma_wait3A_704 = arith.constant 0 : i32
    %dma_wait3A_705 = tpu.memref_slice %arg8[%dma_wait3A_697, %dma_wait3A_704] : memref<4x128xi32, #tpu.memory_space<vmem>> -> memref<1x128xi32, #tpu.memory_space<vmem>>
    %dma_wait3A_706 = tpu.memref_squeeze %dma_wait3A_705 : memref<1x128xi32, #tpu.memory_space<vmem>> -> memref<128xi32, #tpu.memory_space<vmem>>
    %dma_wait3A_707 = arith.constant 0 : i32
    %dma_wait3A_708 = tpu.memref_slice %arg3[%min3A_696, %dma_wait3A_707] : memref<6400x128xi32, #tpu.memory_space<hbm>> -> memref<1x128xi32, #tpu.memory_space<hbm>>
    %dma_wait3A_709 = tpu.memref_squeeze %dma_wait3A_708 : memref<1x128xi32, #tpu.memory_space<hbm>> -> memref<128xi32, #tpu.memory_space<hbm>>
    tpu.wait_dma2 semaphore(%arg13 : memref<!tpu.dma_semaphore, #tpu.memory_space<semaphore_mem>>) src(%dma_wait3A_709 : memref<128xi32, #tpu.memory_space<hbm>>) dst(%dma_wait3A_706 : memref<128xi32, #tpu.memory_space<vmem>>)
    %add3A_710 = arith.constant 201 : i32
    %add3A_711 = arith.addi %mul3A_2, %add3A_710 : i32
    %min3A_712 = arith.constant 6399 : i32
    %min3A_713 = arith.minsi %add3A_711, %min3A_712 : i32
    %dma_wait3A_714 = arith.constant 1 : i32
    %dma_wait3A_715 = arith.constant 0 : i32
    %dma_wait3A_716 = tpu.memref_slice %arg7[%dma_wait3A_714, %dma_wait3A_715] : memref<4x128xi32, #tpu.memory_space<vmem>> -> memref<1x128xi32, #tpu.memory_space<vmem>>
    %dma_wait3A_717 = tpu.memref_squeeze %dma_wait3A_716 : memref<1x128xi32, #tpu.memory_space<vmem>> -> memref<128xi32, #tpu.memory_space<vmem>>
    %dma_wait3A_718 = arith.constant 0 : i32
    %dma_wait3A_719 = tpu.memref_slice %arg2[%min3A_713, %dma_wait3A_718] : memref<6400x128xi32, #tpu.memory_space<hbm>> -> memref<1x128xi32, #tpu.memory_space<hbm>>
    %dma_wait3A_720 = tpu.memref_squeeze %dma_wait3A_719 : memref<1x128xi32, #tpu.memory_space<hbm>> -> memref<128xi32, #tpu.memory_space<hbm>>
    %dma_wait3A_721 = arith.constant 0 : i32
    %dma_wait3A_722 = tpu.memref_slice %arg7[%dma_wait3A_714, %dma_wait3A_721] : memref<4x128xi32, #tpu.memory_space<vmem>> -> memref<1x128xi32, #tpu.memory_space<vmem>>
    %dma_wait3A_723 = tpu.memref_squeeze %dma_wait3A_722 : memref<1x128xi32, #tpu.memory_space<vmem>> -> memref<128xi32, #tpu.memory_space<vmem>>
    %dma_wait3A_724 = arith.constant 0 : i32
    %dma_wait3A_725 = tpu.memref_slice %arg2[%min3A_713, %dma_wait3A_724] : memref<6400x128xi32, #tpu.memory_space<hbm>> -> memref<1x128xi32, #tpu.memory_space<hbm>>
    %dma_wait3A_726 = tpu.memref_squeeze %dma_wait3A_725 : memref<1x128xi32, #tpu.memory_space<hbm>> -> memref<128xi32, #tpu.memory_space<hbm>>
    tpu.wait_dma2 semaphore(%arg14 : memref<!tpu.dma_semaphore, #tpu.memory_space<semaphore_mem>>) src(%dma_wait3A_726 : memref<128xi32, #tpu.memory_space<hbm>>) dst(%dma_wait3A_723 : memref<128xi32, #tpu.memory_space<vmem>>)
    %add3A_727 = arith.constant 201 : i32
    %add3A_728 = arith.addi %mul3A_2, %add3A_727 : i32
    %min3A_729 = arith.constant 6399 : i32
    %min3A_730 = arith.minsi %add3A_728, %min3A_729 : i32
    %dma_wait3A_731 = arith.constant 1 : i32
    %dma_wait3A_732 = arith.constant 0 : i32
    %dma_wait3A_733 = tpu.memref_slice %arg8[%dma_wait3A_731, %dma_wait3A_732] : memref<4x128xi32, #tpu.memory_space<vmem>> -> memref<1x128xi32, #tpu.memory_space<vmem>>
    %dma_wait3A_734 = tpu.memref_squeeze %dma_wait3A_733 : memref<1x128xi32, #tpu.memory_space<vmem>> -> memref<128xi32, #tpu.memory_space<vmem>>
    %dma_wait3A_735 = arith.constant 0 : i32
    %dma_wait3A_736 = tpu.memref_slice %arg3[%min3A_730, %dma_wait3A_735] : memref<6400x128xi32, #tpu.memory_space<hbm>> -> memref<1x128xi32, #tpu.memory_space<hbm>>
    %dma_wait3A_737 = tpu.memref_squeeze %dma_wait3A_736 : memref<1x128xi32, #tpu.memory_space<hbm>> -> memref<128xi32, #tpu.memory_space<hbm>>
    %dma_wait3A_738 = arith.constant 0 : i32
    %dma_wait3A_739 = tpu.memref_slice %arg8[%dma_wait3A_731, %dma_wait3A_738] : memref<4x128xi32, #tpu.memory_space<vmem>> -> memref<1x128xi32, #tpu.memory_space<vmem>>
    %dma_wait3A_740 = tpu.memref_squeeze %dma_wait3A_739 : memref<1x128xi32, #tpu.memory_space<vmem>> -> memref<128xi32, #tpu.memory_space<vmem>>
    %dma_wait3A_741 = arith.constant 0 : i32
    %dma_wait3A_742 = tpu.memref_slice %arg3[%min3A_730, %dma_wait3A_741] : memref<6400x128xi32, #tpu.memory_space<hbm>> -> memref<1x128xi32, #tpu.memory_space<hbm>>
    %dma_wait3A_743 = tpu.memref_squeeze %dma_wait3A_742 : memref<1x128xi32, #tpu.memory_space<hbm>> -> memref<128xi32, #tpu.memory_space<hbm>>
    tpu.wait_dma2 semaphore(%arg14 : memref<!tpu.dma_semaphore, #tpu.memory_space<semaphore_mem>>) src(%dma_wait3A_743 : memref<128xi32, #tpu.memory_space<hbm>>) dst(%dma_wait3A_740 : memref<128xi32, #tpu.memory_space<vmem>>)
    return
  }
}

</mosaic_0001>

<sc_bundles>
// kernel: kernel.3.cloned.1.call-start
scs
__scs_entry_jumppad:
0x0: {  	(pc) =	sbr.rel $0x88, $3  }
0x1: {  	(tag) =	ssettag $0x0;
	lr =	simm.s32 $0x1  }
0x2: {  	[smem:$0x3F9E] =	sst lr;
	_ =	strace $0xD0000000  }
0x3: {  	_ = 	snop  }
0x4: {  	_ = 	snop  }
0x5: {  	_ = 	snop  }
0x6: {  	_ = 	snop  }
0x7: {  	_ = 	snop  }
__scs_overlays_trampoline_lowered:
0x8: {  	[smem:$0x3FAD] =	sst s0  }
0x9: {  	[smem:$0x3FAE] =	sst s1  }
0xa: {  	[smem:$0x3FAF] =	sst s2  }
0xb: {  	[smem:$0x3FB0] =	sst s3  }
0xc: {  	[smem:$0x3FB1] =	sst s4  }
0xd: {  	[smem:$0x3FB2] =	sst s5  }
0xe: {  	[smem:$0x3FB3] =	sst s6  }
0xf: {  	[smem:$0x3FB4] =	sst s7  }
0x10: {  	[smem:$0x3FB5] =	sst s8  }
0x11: {  	[smem:$0x3FB6] =	sst s9;
	s0 =	simm.s32 @!p0 $0x0  }
0x12: {  	s1 =	sld [smem:$0x3F9C];
	s0 =	simm.s32 @p0 $0x1  }
0x13: {  	[smem:$0x3FB7] =	sst s0;
	s0 =	simm.s32 @!p1 $0x0  }
0x14: {  	s2 =	sld [smem:$0x3F9B];
	s0 =	simm.s32 @p1 $0x1  }
0x15: {  	[smem:$0x3FB8] =	sst s0;
	s0 =	simm.s32 @!p2 $0x0  }
0x16: {  	s3 =	sld [smem:$0x3FDB];
	s0 =	simm.s32 @p2 $0x1  }
0x17: {  	s4 =	simm.s32 $0x1BF5;
	[smem:$0x3FBA] =	sst s0  }
0x18: {  	s0 =	sld [smem:$0x3F9D];
	_ =	swait.ge [sflag:s4], $0x0  }
0x19: {  	s7 =	sld [smem:$0x3F9E]  }
0x1a: {  	s8 =	sadd.s32 $0xFFFFE003, lr  }
0x1b: {  	s9 =	sadd.s32 $0xFFFFFEF7, lr;
	s5 =	simm.s32 $0xFFFFFFFF;
	p2 =	slt.u32 s8, $0xFFFFF086  }
0x1c: {  	p1 =	slt.u32 s9, $0xF7A;
	s5 =	simm.s32 @!p2 $0x0  }
0x1d: {  	s5 =	simm.s32 @p1 $0x1;
	p0 =	seq.s32 s7, s2  }
0x1e: {  	s7 =	smul.u32 @!p0 $0xF7A, s2;
	p2 =	seq.s32 @!p0 s5, $0x0  }
0x1f: {  	s9 =	smul.u32 $0xF7A, s1;
	s8 =	simm.s32 @!p0 $0x1BF5;
	p2 =	por !p2, p0  }
0x20: {  	[sflag:s8] =	ssyncset.s32 @!p0 $0xFFFFF086;
	s6 =	sadd.s32 @!p0 s3, s7;
	s7 =	simm.s32 @!p0 $0x108  }
0x21: {  	s3 =	sadd.s32 s3, s9;
	s6 =	sadd.s32 @!p0 $0x88, s6;
	s7 =	simm.s32 @p2 $0x1082  }
0x22: {  	[simem:s7], [sflag:s8] =	dma.local @!p0 [hbm:s6], $0xF7A  }
0x23: {  	s9 =	sor.u32 $0xD0000000, s2;
	s6 =	simm.s32 $0x108;
	_ =	swait.ge @!p0 [sflag:s8], $0x0  }
0x24: {  	s3 =	sadd.s32 $0x88, s3;
	s6 =	simm.s32 @!p1 $0x1082;
	[sflag:s4] =	ssyncset.s32 $0xFFFFF086  }
0x25: {  	[simem:s6], [sflag:s4] =	dma.local [hbm:s3], $0xF7A  }
0x26: {  	[smem:$0x3F9E] =	sst s1;
	(tag) =	ssettag s2;
	_ =	strace s9  }
0x27: {  	s1 =	sld [smem:$0x3FAE]  }
0x28: {  	s2 =	sld [smem:$0x3FAF]  }
0x29: {  	s4 =	sld [smem:$0x3FB1]  }
0x2a: {  	p0 =	seq.s32 s5, $0x0;
	s5 =	sld [smem:$0x3FB2]  }
0x2b: {  	s6 =	sld [smem:$0x3FB3]  }
0x2c: {  	s7 =	sld [smem:$0x3FB4]  }
0x2d: {  	s3 =	simm.s32 $0x108;
	s8 =	sld [smem:$0x3FB5]  }
0x2e: {  	s3 =	simm.s32 @!p0 $0x1082;
	s9 =	sld [smem:$0x3FB6]  }
0x2f: {  	lr =	sadd.s32 s0, s3;
	s0 =	sld [smem:$0x3FAD]  }
0x30: {  	s3 =	sld [smem:$0x3FB0]  }
0x31: {  	[smem:$0x3FB9] =	sst s10  }
0x32: {  	s10 =	sld [smem:$0x3FB7];
	_ =	sdelay $0x3  }
0x33: {  	p0 =	seq.s32 s10, $0x1;
	s10 =	sld [smem:$0x3FB9];
	_ =	sdelay $0x3  }
0x34: {  	[smem:$0x3FB9] =	sst s10  }
0x35: {  	s10 =	sld [smem:$0x3FB8];
	_ =	sdelay $0x3  }
0x36: {  	p1 =	seq.s32 s10, $0x1;
	s10 =	sld [smem:$0x3FB9];
	_ =	sdelay $0x3  }
0x37: {  	[smem:$0x3FB9] =	sst s10  }
0x38: {  	s10 =	sld [smem:$0x3FBA]  }
0x39: {  	_ = 	snop;
	(pc) =	sbr.ind lr, $3  }
0x3a: {  	_ = 	snop  }
0x3b: {  	_ = 	snop  }
0x3c: {  	p2 =	seq.s32 s10, $0x1;
	s10 =	sld [smem:$0x3FB9]  }
0x3d: {  	_ =	shalt  }
0x3e: {  	_ =	shalt  }
0x3f: {  	_ =	shalt  }
0x40: {  	_ =	shalt  }
0x41: {  	_ =	shalt  }
0x42: {  	_ =	shalt  }
0x43: {  	_ =	shalt  }
0x44: {  	_ =	shalt  }
0x45: {  	_ =	shalt  }
0x46: {  	_ =	shalt  }
0x47: {  	_ =	shalt  }
0x48: {  	_ =	shalt  }
0x49: {  	_ =	shalt  }
0x4a: {  	_ =	shalt  }
0x4b: {  	_ =	shalt  }
0x4c: {  	_ =	shalt  }
0x4d: {  	_ =	shalt  }
0x4e: {  	_ =	shalt  }
0x4f: {  	_ =	shalt  }
0x50: {  	_ =	shalt  }
0x51: {  	_ =	shalt  }
0x52: {  	_ =	shalt  }
0x53: {  	_ =	shalt  }
0x54: {  	_ =	shalt  }
0x55: {  	_ =	shalt  }
0x56: {  	_ =	shalt  }
0x57: {  	_ =	shalt  }
0x58: {  	_ =	shalt  }
0x59: {  	_ =	shalt  }
0x5a: {  	_ =	shalt  }
0x5b: {  	_ =	shalt  }
0x5c: {  	_ =	shalt  }
0x5d: {  	_ =	shalt  }
0x5e: {  	_ =	shalt  }
0x5f: {  	_ =	shalt  }
0x60: {  	_ =	shalt  }
0x61: {  	_ =	shalt  }
0x62: {  	_ =	shalt  }
0x63: {  	_ =	shalt  }
0x64: {  	_ =	shalt  }
0x65: {  	_ =	shalt  }
0x66: {  	_ =	shalt  }
0x67: {  	_ =	shalt  }
0x68: {  	_ =	shalt  }
0x69: {  	_ =	shalt  }
0x6a: {  	_ =	shalt  }
0x6b: {  	_ =	shalt  }
0x6c: {  	_ =	shalt  }
0x6d: {  	_ =	shalt  }
0x6e: {  	_ =	shalt  }
0x6f: {  	_ =	shalt  }
0x70: {  	_ =	shalt  }
0x71: {  	_ =	shalt  }
0x72: {  	_ =	shalt  }
0x73: {  	_ =	shalt  }
0x74: {  	_ =	shalt  }
0x75: {  	_ =	shalt  }
0x76: {  	_ =	shalt  }
0x77: {  	_ =	shalt  }
0x78: {  	_ =	shalt  }
0x79: {  	_ =	shalt  }
0x7a: {  	_ =	shalt  }
0x7b: {  	_ =	shalt  }
0x7c: {  	_ =	shalt  }
0x7d: {  	_ =	shalt  }
0x7e: {  	_ =	shalt  }
0x7f: {  	_ =	shalt  }
0x80: {  	_ =	shalt  }
0x81: {  	_ =	shalt  }
0x82: {  	_ =	shalt  }
0x83: {  	_ =	shalt  }
0x84: {  	_ =	shalt  }
0x85: {  	_ =	shalt  }
0x86: {  	_ =	shalt  }
0x87: {  	_ =	shalt  }
.Lfunc_end0:
.L_simem_size_0:
called_computation.1_lowered:
.L_overlay_start_0:
0x88: {  	s2 =	sld [smem:$0x3FD9]  }
0x89: {  	s3 =	sld [smem:$0x3FFE];
	_ =	sdelay $0x1  }
0x8a: {  	s1 =	srdreg.scid  }
0x8b: {  	s0 =	sand.u32 $0x1, s1  }
0x8c: {  	s17 =	sshll.u32 s0, $0xA;
	s2 =	sadd.s32 s3, s2  }
0x8d: {  	s2 =	sadd.s32 s2, s17  }
0x8e: {  	[smem:$0x3FC5] =	sst s2  }
0x8f: {  	_ = 	snop  }
0x90: {  	s2 =	sld [smem:$0x3FD0];
	(tm) =	ssettm $0x1  }
0x91: {  	s18 =	sld [smem:$0x3FFB];
	_ =	sdelay $0x3  }
0x92: {  	_ =	strace s18  }
0x93: {  	s3 =	sld [smem:$0x3FFC];
	_ =	sdelay $0x3  }
0x94: {  	_ =	strace s3  }
0x95: {  	s3 =	sld [smem:$0x3FFD];
	_ =	sdelay $0x3  }
0x96: {  	_ =	strace s3  }
0x97: {  	_ =	strace $0x8FFFFFFF  }
0x98: {  	s19 =	sld [smem:$0x3FDB];
	_ =	sdelay $0x1  }
0x99: {  	s4 =	simm.s32 $_scs_section_size  }
0x9a: {  	s5 =	simm.s32 $_size__tile_overlayer_lowered;
	s6 =	simm.s32 $_tile_overlayer_lowered  }
0x9b: {  	s22 =	simm.s32 $0x1BFF;
	s21 =	sshll.u32 s6, $0x1;
	s3 =	sadd.s32 s4, s19  }
0x9c: {  	s7 =	simm.s32 $0x0;
	s20 =	sshll.u32 s5, $0x1;
	s5 =	sadd.s32 s21, s3  }
0x9d: {  	[timem:s7], [sflag:s22] =	dma.local [hbm:s5], s20  }
0x9e: {  	_ =	swait.ge [sflag:s22], s20  }
0x9f: {  	s4 =	ssub.s32 $0x0, s20;
	[sflag:s22] =	ssyncset.done $0x0  }
0xa0: {  	[sflag:s22] =	ssyncadd.s32 s4;
	_ =	sdelay $0x1  }
0xa1: {  	s23 =	simm.s32 $0x1B8B  }
0xa2: {  	_ =	swait.ge [sflag:s23], $0x1  }
0xa3: {  	[sflag:s23] =	ssyncset.done $0x0  }
0xa4: {  	s25 =	simm.s32 $0x1B8E;
	s24 =	sld [smem:$0x3FFE];
	[sflag:s23] =	ssyncadd.s32 $0xFFFFFFFF  }
0xa5: {  	s26 =	simm.s32 $execute0_lowered;
	[smem:$0x3FD2] =	sst s25  }
0xa6: {  	s5 =	sshll.u32 s26, $0x1;
	_ =	strace $0x80000046;
	[dreg:$0x1] =	wrdreg $0xFFFFFFFF  }
0xa7: {  	s28 =	simm.s32 $_size_execute0_lowered;
	s3 =	sadd.s32 s3, s5;
	[dreg:$0x0] =	wrdreg $0x0  }
0xa8: {  	s5 =	sshll.u32 s28, $0x1;
	[dreg:$0x2] =	wrdreg s3  }
0xa9: {  	[dreg:$0x3] =	wrdreg s5  }
0xaa: {  	[dreg:$0x4] =	wrdreg $0xC0  }
0xab: {  	_ =	task [dreg:s7], $0x5FFFF  }
0xac: {  	[dreg:$0x1] =	wrdreg $0xFFFFFFFF  }
0xad: {  	[dreg:$0x0] =	wrdreg $0x60  }
0xae: {  	[dreg:$0x2] =	wrdreg s24  }
0xaf: {  	[dreg:$0x3] =	wrdreg s2  }
0xb0: {  	[dreg:$0x4] =	wrdreg $0xC4000  }
0xb1: {  	[dreg:$0x5] =	wrdreg $0x9  }
0xb2: {  	_ =	task.clear_ibuf [dreg:s7], $0x6FFFF;
	_ =	strace $0x90000046  }
0xb3: {  	s29 =	simm.s32 $0x9;
	_ =	strace $0x80000048  }
0xb4: {  	_ =	swait.ge [sflag:s29], $0x1  }
0xb5: {  	[sflag:s29] =	ssyncadd.s32 $0xFFFFFFFF  }
0xb6: {  	_ =	strace $0x90000048  }
0xb7: {  	_ =	sfence  }
0xb8: {  	s30 =	sld [smem:$0x0];
	_ =	sdelay $0x2  }
0xb9: {  	s31 =	sshll.u32 s1, $0xD;
	s1 =	sshrl.u32 s1, $0x2  }
0xba: {  	s3 =	sand.u32 $0x4000, s31;
	s1 =	sadd.s32 s1, s30  }
0xbb: {  	s0 =	sor.u32 s3, s0;
	s1 =	sshll.u32 s1, $0x11  }
0xbc: {  	s0 =	sor.u32 s1, s0  }
0xbd: {  	s0 =	sadd.s32 $0x8F2B, s0  }
0xbe: {  	[sflag:s0] =	ssyncadd.remote.s32 $0x1  }
0xbf: {  	_ =	sfence.sel $0xFFFF  }
0xc0: {  	[dreg:$0x0] =	wrdreg $0xFFFFFFFF;
	(pc) =	sbr.abs _section_cstart, $3  }
0xc1: {  	[dreg:$0x1] =	wrdreg $0xFFFFFFFF  }
0xc2: {  	_ =	task.clear_ibuf [dreg:s7], $0x2FFFF;
	_ =	strace $0x9FFFFFFF  }
0xc3: {  	(tm) =	ssettm $0x7FFFFFFF  }
tec
execute0_lowered:
.L_overlay_start_1:
0x0: {  	(tag) =	ssettag $0x1  }
0x1: {  	s0 =	rddreg [dreg:$0x0]  }
0x2: {  	s1 =	rddreg [dreg:$0x1]  }
0x3: {  	s2 =	rddreg [dreg:$0x2];
	s4 =	simm.s32 $0x0;
	s13 =	stileid.u32  }
0x4: {  	s3 =	srdreg.scid;
	[smem:$0x7FF] =	sst s4  }
0x5: {  	s5 =	sadd.s32 $0x2F000, s0;
	s6 =	sadd.s32 $0x16000, s0;
	s8 =	smul.u32 $0x9C40, s13  }
0x6: {  	s3 =	sand.u32 $0x1, s3;
	s7 =	sadd.s32 $0x48000, s0;
	s10 =	sshll.u32 s13, $0x1  }
0x7: {  	s15 =	sshll.u32 s13, $0x6;
	_ =	strace $0x80000047;
	s9 =	ssub.s32 $0x2, s3  }
0x8: {  	s3 =	sor.u32 s3, s10;
	s16 =	sor.u32 $0x1C0B, s15;
	s11 =	sshrl.u32 s8, $0x3  }
0x9: {  	s12 =	sshrl.u32 s9, $0x1;
	s10 =	smul.u32 $0xC80, s3;
	s0 =	sadd.s32 s11, s0  }
0xa: {  	s8 =	sadd.s32 s8, s2;
	[dreg:$0x5] =	wrdreg s16;
	s0 =	sadd.s32 $0x2600, s0  }
0xb: {  	s30 =	smul.u32 $0x32000, s3;
	s18 =	sadd.s32 s5, s10;
	[dreg:$0x4] =	wrdreg s0  }
0xc: {  	s9 =	ssub.s32 s9, s12;
	s19 =	sadd.s32 s6, s10;
	[dreg:$0x6] =	wrdreg s18  }
0xd: {  	s12 =	sadd.s32 s1, s30;
	s30 =	sshrl.u32 s8, $0x3;
	[dreg:$0x7] =	wrdreg s19  }
0xe: {  	s17 =	sor.u32 $0x10, s10;
	[dreg:$0x1e] =	wrdreg s30  }
0xf: {  	s20 =	sadd.s32 s5, s17;
	[dreg:$0x10] =	wrdreg s12  }
0x10: {  	s21 =	sor.u32 $0x20, s10;
	s0 =	sadd.s32 s6, s17;
	[dreg:$0x8] =	wrdreg s20  }
0x11: {  	s22 =	sor.u32 $0x30, s10;
	s23 =	sadd.s32 s5, s21;
	[dreg:$0x9] =	wrdreg s0  }
0x12: {  	s11 =	smul.u32 $0xC8, s3;
	s24 =	sadd.s32 s5, s22;
	[dreg:$0xa] =	wrdreg s23  }
0x13: {  	s26 =	sor.u32 $0x40, s10;
	s25 =	sadd.s32 s6, s22;
	[dreg:$0xc] =	wrdreg s24  }
0x14: {  	s10 =	sor.u32 $0x50, s10;
	s31 =	sadd.s32 s5, s26;
	[dreg:$0xd] =	wrdreg s25  }
0x15: {  	s15 =	sadd.s32 s5, s10;
	[dreg:$0xe] =	wrdreg s31  }
0x16: {  	s28 =	simm.s32 $0x9;
	s17 =	sor.u32 $0x6, s11;
	[dreg:$0x11] =	wrdreg s15  }
0x17: {  	s14 =	smul.u32 $0x6400, s3;
	s18 =	sor.u32 $0x7, s11;
	[dreg:$0x13] =	wrdreg s17  }
0x18: {  	s29 =	simm.s32 $0xA;
	s19 =	sadd.s32 $0x8, s11;
	[dreg:$0x14] =	wrdreg s18  }
0x19: {  	s13 =	simm.s32 $0x80;
	s22 =	sor.u32 $0x180, s14;
	[dreg:$0x15] =	wrdreg s19  }
0x1a: {  	s16 =	smul.u32 $0x190000, s3;
	s0 =	sadd.s32 s6, s21;
	[dreg:$0x18] =	wrdreg s22  }
0x1b: {  	s8 =	simm.s32 $0x0;
	s20 =	sadd.s32 $0x9, s11;
	[dreg:$0xb] =	wrdreg s0  }
0x1c: {  	s21 =	sor.u32 $0x100, s14;
	s23 =	sor.u32 $0x200, s14;
	[dreg:$0x16] =	wrdreg s20  }
0x1d: {  	s24 =	sor.u32 $0x280, s14;
	s31 =	sadd.s32 $0x400, s12;
	[dreg:$0x17] =	wrdreg s21  }
0x1e: {  	s12 =	simm.s32 $0x200;
	s14 =	simm.s32 $0x280;
	[dreg:$0x19] =	wrdreg s23  }
0x1f: {  	s19 =	simm.s32 $0x1;
	s11 =	simm.s32 $0x8400;
	[dreg:$0x1a] =	wrdreg s24  }
0x20: {  	s0 =	sadd.s32 s6, s26;
	s26 =	smax.u32 s9, $0x1;
	[dreg:$0x1f] =	wrdreg s31  }
0x21: {  	s9 =	simm.s32 $0x5;
	[dreg:$0xf] =	wrdreg s0;
	s0 =	sadd.s32 s6, s10  }
0x22: {  	s20 =	simm.s32 $0x3;
	[dreg:$0x12] =	wrdreg s0;
	s0 =	sshrl.u32 s16, $0x3  }
0x23: {  	s23 =	simm.s32 $0x6;
	s24 =	simm.s32 $0x8;
	s0 =	sadd.s32 s1, s0  }
0x24: {  	[dreg:$0x1d] =	wrdreg s26;
	s10 =	simm.s32 $0x7;
	s25 =	sadd.s32 $0x31800, s0  }
0x25: {  	s26 =	simm.s32 $0xA400;
	s0 =	sadd.s32 $0x31C00, s0;
	[dreg:$0x1b] =	wrdreg s25  }
0x26: {  	[dreg:$0x1c] =	wrdreg s0;
	s0 =	simm.s32 $0x2;
	s25 =	simm.s32 $0x4  }
.LBB2_1:
0x27: {  	[smem:$0x7FD] =	sst s8  }
0x28: {  	s3 =	rddreg [dreg:$0x4]  }
0x29: {  	s22 =	rddreg [dreg:$0x5]  }
0x2a: {  	s15 =	rddreg [dreg:$0x1e];
	s30 =	simm.s32 $0xB  }
0x2b: {  	[spmem:s15], [sflag:s22] =	dma.local [hbm:s3], $0x1388  }
0x2c: {  	_ =	swait.ge [sflag:s30], $0x1388  }
0x2d: {  	[sflag:s30] =	ssyncset.done $0x0  }
0x2e: {  	[sflag:s30] =	ssyncadd.s32 $0xFFFFEC78  }
0x2f: {  	[bflag:$0x0] =	sbarrier.arrive $0xFFFF  }
0x30: {  	s31 =	rddreg [dreg:$0x6]  }
0x31: {  	[tilespmem:s4], [sflag:$0x1] =	stream.linear.gather [hbm4b:s31+s4], $0x80, $0x38;
	[tilespmem:$0x16040] =	vst v63  }
0x32: {  	s8 =	rddreg [dreg:$0x7]  }
0x33: {  	[tilespmem:s12], [sflag:$0x1] =	stream.linear.gather [hbm4b:s8+s4], $0x80, $0x38;
	[tilespmem:$0x16040] =	vst v63  }
0x34: {  	s15 =	rddreg [dreg:$0x8]  }
0x35: {  	[tilespmem:s13], [sflag:$0x2] =	stream.linear.gather [hbm4b:s15+s4], $0x80, $0x38;
	[tilespmem:$0x16040] =	vst v63  }
0x36: {  	s16 =	rddreg [dreg:$0x9]  }
0x37: {  	[tilespmem:s14], [sflag:$0x2] =	stream.linear.gather [hbm4b:s16+s4], $0x80, $0x38;
	[tilespmem:$0x16040] =	vst v63  }
0x38: {  	s18 =	simm.s32 $0x100;
	s17 =	rddreg [dreg:$0xa]  }
0x39: {  	[tilespmem:s18], [sflag:$0x3] =	stream.linear.gather [hbm4b:s17+s4], $0x80, $0x38;
	[tilespmem:$0x16040] =	vst v63  }
0x3a: {  	s22 =	simm.s32 $0x300;
	s21 =	rddreg [dreg:$0xb]  }
0x3b: {  	[tilespmem:s22], [sflag:$0x3] =	stream.linear.gather [hbm4b:s21+s4], $0x80, $0x38;
	[tilespmem:$0x16040] =	vst v63  }
0x3c: {  	s30 =	rddreg [dreg:$0xc];
	s31 =	simm.s32 $0x180  }
0x3d: {  	[tilespmem:s31], [sflag:$0x4] =	stream.linear.gather [hbm4b:s30+s4], $0x80, $0x38;
	[tilespmem:$0x16040] =	vst v63  }
0x3e: {  	s15 =	rddreg [dreg:$0xd];
	s16 =	simm.s32 $0x380  }
0x3f: {  	[tilespmem:s16], [sflag:$0x4] =	stream.linear.gather [hbm4b:s15+s4], $0x80, $0x38;
	[tilespmem:$0x16040] =	vst v63  }
0x40: {  	_ =	swait.ge [sflag:s19], $0x80  }
0x41: {  	[sflag:s19] =	ssyncset.done $0x0  }
0x42: {  	[sflag:s19] =	ssyncadd.s32 $0xFFFFFF80  }
0x43: {  	_ =	swait.ge [sflag:s19], $0x80  }
0x44: {  	[sflag:s19] =	ssyncset.done $0x0  }
0x45: {  	s17 =	simm.s32 $0x400;
	[sflag:s19] =	ssyncadd.s32 $0xFFFFFF80  }
0x46: {  	[tilespmem:s17], [sflag:$0x5] =	stream.indirect.gather [hbm4b:s7+s13], $0x40, s4, s13, $0xb8;
	[tilespmem:$0x16040] =	vst v63  }
0x47: {  	s18 =	simm.s32 $0x4400  }
0x48: {  	[tilespmem:s18], [sflag:$0x7] =	stream.indirect.gather [spmem:s2], $0x40, s12, s13, $0xb8;
	[tilespmem:$0x16040] =	vst v63  }
0x49: {  	_ =	swait.ge [sflag:s0], $0x80  }
0x4a: {  	[sflag:s0] =	ssyncset.done $0x0  }
0x4b: {  	[sflag:s0] =	ssyncadd.s32 $0xFFFFFF80  }
0x4c: {  	_ =	swait.ge [sflag:s0], $0x80  }
0x4d: {  	[sflag:s0] =	ssyncset.done $0x0  }
0x4e: {  	s21 =	simm.s32 $0x2400;
	[sflag:s0] =	ssyncadd.s32 $0xFFFFFF80  }
0x4f: {  	[tilespmem:s21], [sflag:$0x6] =	stream.indirect.gather [hbm4b:s7+s13], $0x40, s13, s13, $0xb8;
	[tilespmem:$0x16040] =	vst v63  }
0x50: {  	s22 =	simm.s32 $0x6400  }
0x51: {  	[tilespmem:s22], [sflag:$0x8] =	stream.indirect.gather [spmem:s2], $0x40, s14, s13, $0xb8;
	[tilespmem:$0x16040] =	vst v63  }
0x52: {  	_ =	swait.ge [sflag:s9], $0x2000  }
0x53: {  	[sflag:s9] =	ssyncset.done $0x0  }
0x54: {  	[sflag:s9] =	ssyncadd.s32 $0xFFFFE000  }
0x55: {  	_ =	swait.ge [sflag:s10], $0x2000  }
0x56: {  	[sflag:s10] =	ssyncset.done $0x0  }
0x57: {  	s30 =	rddreg [dreg:$0xe];
	[sflag:s10] =	ssyncadd.s32 $0xFFFFE000  }
0x58: {  	[tilespmem:s4], [sflag:$0x1] =	stream.linear.gather [hbm4b:s30+s4], $0x80, $0x38;
	[tilespmem:$0x16040] =	vst v63  }
0x59: {  	s15 =	simm.s32 $0x480;
	s31 =	rddreg [dreg:$0xf]  }
0x5a: {  	[tilespmem:s12], [sflag:$0x1] =	stream.linear.gather [hbm4b:s31+s4], $0x80, $0x38;
	[tilespmem:$0x16040] =	vst v63  }
0x5b: {  	s17 =	simm.s32 $0x4480;
	v0 =	vld [tilespmem:s15+$0x40]  }
0x5c: {  	v1 =	vld [tilespmem:s17+$0x40]  }
0x5d: {  	v2 =	vld [tilespmem:s17+$0xFFFFFF80]  }
0x5e: {  	v3 =	vld [tilespmem:s15+$0xFFFFFFC0]  }
0x5f: {  	v4 =	vld [tilespmem:s17+$0xFFFFFFC0]  }
0x60: {  	v5 =	vld [tilespmem:s15+$0x0]  }
0x61: {  	v6 =	vld [tilespmem:s17+$0x0];
	v0 =	vadd.f32 v1, v0  }
0x62: {  	s16 =	simm.s32 $0x8480;
	v1 =	vld [tilespmem:s15+$0xFFFFFF80]  }
0x63: {  	[tilespmem:s16+$0x40] =	vst v0  }
0x64: {  	v0 =	vadd.f32 v4, v3;
	v3 =	vld [tilespmem:s15+$0x50]  }
0x65: {  	v4 =	vld [tilespmem:s17+$0x50]  }
0x66: {  	[tilespmem:s16+$0xFFFFFFC0] =	vst v0;
	v0 =	vadd.f32 v6, v5  }
0x67: {  	v1 =	vadd.f32 v2, v1;
	v2 =	vld [tilespmem:s15+$0xFFFFFFD0]  }
0x68: {  	v5 =	vld [tilespmem:s17+$0xFFFFFFD0];
	[tilespmem:s16+$0x0] =	vst v0  }
0x69: {  	[tilespmem:s16+$0xFFFFFF80] =	vst v1;
	v0 =	vld [tilespmem:s15+$0x10]  }
0x6a: {  	v1 =	vld [tilespmem:s15+$0xFFFFFF90];
	v3 =	vadd.f32 v4, v3  }
0x6b: {  	v4 =	vld [tilespmem:s17+$0xFFFFFF90]  }
0x6c: {  	v6 =	vld [tilespmem:s17+$0x10];
	[tilespmem:s16+$0x50] =	vst v3  }
0x6d: {  	v2 =	vadd.f32 v5, v2;
	v3 =	vld [tilespmem:s15+$0x60]  }
0x6e: {  	v5 =	vld [tilespmem:s17+$0x60]  }
0x6f: {  	[tilespmem:s16+$0xFFFFFFD0] =	vst v2  }
0x70: {  	v1 =	vadd.f32 v4, v1;
	v2 =	vld [tilespmem:s15+$0xFFFFFFE0]  }
0x71: {  	v4 =	vld [tilespmem:s17+$0xFFFFFFE0]  }
0x72: {  	v0 =	vadd.f32 v6, v0;
	[tilespmem:s16+$0xFFFFFF90] =	vst v1  }
0x73: {  	v6 =	vld [tilespmem:s15+$0xFFFFFFA0];
	v1 =	vadd.f32 v5, v3  }
0x74: {  	[tilespmem:s16+$0x10] =	vst v0;
	v7 =	vld [tilespmem:s17+$0xFFFFFFA0]  }
0x75: {  	v0 =	vld [tilespmem:s15+$0x20];
	[tilespmem:s16+$0x60] =	vst v1  }
0x76: {  	v3 =	vadd.f32 v4, v2;
	v1 =	vld [tilespmem:s15+$0x70]  }
0x77: {  	v2 =	vld [tilespmem:s17+$0x70]  }
0x78: {  	v5 =	vld [tilespmem:s17+$0x20];
	[tilespmem:s16+$0xFFFFFFE0] =	vst v3  }
0x79: {  	s3 =	simm.s32 $0x580;
	v3 =	vld [tilespmem:s15+$0xFFFFFFF0];
	v6 =	vadd.f32 v7, v6  }
0x7a: {  	s18 =	simm.s32 $0x8480;
	s21 =	simm.s32 $0x4480;
	s22 =	simm.s32 $0x0;
	v4 =	vld [tilespmem:s17+$0xFFFFFFF0]  }
.LBB2_2:
0x7b: {  	v7 =	vld [tilespmem:s3+$0x40];
	[tilespmem:s16+$0xFFFFFFA0] =	vst v6;
	s17 =	sadd.s32 $0x100, s17  }
0x7c: {  	v6 =	vld [tilespmem:s17+$0x40];
	v1 =	vadd.f32 v2, v1  }
0x7d: {  	v2 =	vld [tilespmem:s17+$0xFFFFFF80];
	v0 =	vadd.f32 v5, v0  }
0x7e: {  	v5 =	vld [tilespmem:s3+$0xFFFFFFC0];
	[tilespmem:s16+$0x70] =	vst v1  }
0x7f: {  	s22 =	sadd.s32 $0x4, s22;
	v1 =	vld [tilespmem:s17+$0xFFFFFFC0];
	v3 =	vadd.f32 v4, v3;
	[tilespmem:s16+$0x20] =	vst v0  }
0x80: {  	p0 =	slt.u32 s22, $0x7C;
	v0 =	vld [tilespmem:s3+$0x0]  }
0x81: {  	v4 =	vld [tilespmem:s17+$0x0];
	v6 =	vadd.f32 v6, v7;
	[tilespmem:s16+$0xFFFFFFF0] =	vst v3  }
0x82: {  	s16 =	sadd.s32 $0x100, s16;
	v3 =	vld [tilespmem:s3+$0xFFFFFF80]  }
0x83: {  	[tilespmem:s16+$0x40] =	vst v6;
	v6 =	vld [tilespmem:s15+$0xFFFFFFB0]  }
0x84: {  	v1 =	vadd.f32 v1, v5;
	v5 =	vld [tilespmem:s3+$0x50]  }
0x85: {  	v7 =	vld [tilespmem:s17+$0x50]  }
0x86: {  	[tilespmem:s16+$0xFFFFFFC0] =	vst v1;
	v0 =	vadd.f32 v4, v0;
	v1 =	vld [tilespmem:s21+$0xFFFFFFB0]  }
0x87: {  	v2 =	vadd.f32 v2, v3;
	v3 =	vld [tilespmem:s3+$0xFFFFFFD0]  }
0x88: {  	v4 =	vld [tilespmem:s17+$0xFFFFFFD0];
	[tilespmem:s16+$0x0] =	vst v0  }
0x89: {  	[tilespmem:s16+$0xFFFFFF80] =	vst v2;
	v0 =	vld [tilespmem:s3+$0x10]  }
0x8a: {  	v2 =	vld [tilespmem:s3+$0xFFFFFF90];
	v5 =	vadd.f32 v7, v5  }
0x8b: {  	v7 =	vld [tilespmem:s17+$0xFFFFFF90];
	v1 =	vadd.f32 v1, v6  }
0x8c: {  	v6 =	vld [tilespmem:s17+$0x10];
	[tilespmem:s16+$0x50] =	vst v5  }
0x8d: {  	v3 =	vadd.f32 v4, v3;
	v4 =	vld [tilespmem:s3+$0x60];
	[tilespmem:s18+$0xFFFFFFB0] =	vst v1  }
0x8e: {  	v1 =	vld [tilespmem:s17+$0x60]  }
0x8f: {  	[tilespmem:s16+$0xFFFFFFD0] =	vst v3;
	v3 =	vld [tilespmem:s15+$0x30];
	s15 =	smov.u32 s3  }
0x90: {  	v2 =	vadd.f32 v7, v2;
	v5 =	vld [tilespmem:s3+$0xFFFFFFE0]  }
0x91: {  	v7 =	vld [tilespmem:s17+$0xFFFFFFE0];
	v0 =	vadd.f32 v6, v0  }
0x92: {  	[tilespmem:s16+$0xFFFFFF90] =	vst v2;
	v6 =	vld [tilespmem:s21+$0x30];
	s21 =	smov.u32 s17  }
0x93: {  	v8 =	vld [tilespmem:s3+$0xFFFFFFA0];
	[tilespmem:s16+$0x10] =	vst v0;
	v1 =	vadd.f32 v1, v4  }
0x94: {  	v4 =	vld [tilespmem:s17+$0xFFFFFFA0]  }
0x95: {  	v0 =	vld [tilespmem:s3+$0x20];
	[tilespmem:s16+$0x60] =	vst v1  }
.Ltmp0:
0x96: {  	v5 =	vadd.f32 v7, v5;
	v1 =	vld [tilespmem:s3+$0x70];
	(pc) =	sbr.rel @p0 .LBB2_2-.Ltmp0, $4  }
0x97: {  	v2 =	vld [tilespmem:s17+$0x70];
	v7 =	vadd.f32 v6, v3  }
0x98: {  	[tilespmem:s16+$0xFFFFFFE0] =	vst v5;
	v5 =	vld [tilespmem:s17+$0x20]  }
0x99: {  	v6 =	vadd.f32 v4, v8;
	v3 =	vld [tilespmem:s3+$0xFFFFFFF0];
	[tilespmem:s18+$0x30] =	vst v7;
	s18 =	smov.u32 s16  }
0x9a: {  	s3 =	sadd.s32 $0x100, s3;
	v4 =	vld [tilespmem:s17+$0xFFFFFFF0]  }
0x9b: {  	_ =	sdelay $0x1  }
0x9c: {  	[tilespmem:s16+$0xFFFFFFA0] =	vst v6;
	v0 =	vadd.f32 v5, v0  }
0x9d: {  	v5 =	vld [tilespmem:s15+$0xFFFFFFB0]  }
0x9e: {  	[tilespmem:s16+$0x20] =	vst v0;
	v0 =	vld [tilespmem:s21+$0xFFFFFFB0]  }
0x9f: {  	v6 =	vld [tilespmem:s15+$0x30]  }
0xa0: {  	v7 =	vld [tilespmem:s21+$0x30];
	_ =	sdelay $0x1  }
0xa1: {  	v1 =	vadd.f32 v2, v1  }
0xa2: {  	v2 =	vadd.f32 v4, v3  }
0xa3: {  	[tilespmem:s16+$0x70] =	vst v1;
	v0 =	vadd.f32 v0, v5  }
0xa4: {  	[tilespmem:s16+$0xFFFFFFF0] =	vst v2;
	v1 =	vadd.f32 v7, v6  }
0xa5: {  	[tilespmem:s18+$0xFFFFFFB0] =	vst v0  }
0xa6: {  	[tilespmem:s18+$0x30] =	vst v1  }
0xa7: {  	_ =	swait.ge [sflag:s20], $0x80  }
0xa8: {  	[sflag:s20] =	ssyncset.done $0x0  }
0xa9: {  	[sflag:s20] =	ssyncadd.s32 $0xFFFFFF80  }
0xaa: {  	_ =	swait.ge [sflag:s20], $0x80  }
0xab: {  	[sflag:s20] =	ssyncset.done $0x0  }
0xac: {  	s3 =	simm.s32 $0x100;
	s8 =	simm.s32 $0x400;
	[sflag:s20] =	ssyncadd.s32 $0xFFFFFF80  }
0xad: {  	[tilespmem:s8], [sflag:$0x5] =	stream.indirect.gather [hbm4b:s7+s13], $0x40, s3, s13, $0xb8;
	[tilespmem:$0x16040] =	vst v63  }
0xae: {  	s21 =	simm.s32 $0x4400;
	s18 =	simm.s32 $0x300  }
0xaf: {  	[tilespmem:s21], [sflag:$0x7] =	stream.indirect.gather [spmem:s2], $0x40, s18, s13, $0xb8;
	[tilespmem:$0x16040] =	vst v63  }
0xb0: {  	s22 =	rddreg [dreg:$0x10]  }
0xb1: {  	[hbm4b:s22+s4] =	stream.linear.scatter [tilespmem:s11], [sflag:$0x9], $0x2000, $0x38;
	[tilespmem:$0x16040] =	vst v63  }
0xb2: {  	_ =	swait.ge [sflag:s23], $0x2000  }
0xb3: {  	[sflag:s23] =	ssyncset.done $0x0  }
0xb4: {  	[sflag:s23] =	ssyncadd.s32 $0xFFFFE000  }
0xb5: {  	_ =	swait.ge [sflag:s24], $0x2000  }
0xb6: {  	[sflag:s24] =	ssyncset.done $0x0  }
0xb7: {  	s30 =	rddreg [dreg:$0x11];
	[sflag:s24] =	ssyncadd.s32 $0xFFFFE000  }
0xb8: {  	[tilespmem:s13], [sflag:$0x2] =	stream.linear.gather [hbm4b:s30+s4], $0x80, $0x38;
	[tilespmem:$0x16040] =	vst v63  }
0xb9: {  	s15 =	simm.s32 $0x24F0;
	s31 =	rddreg [dreg:$0x12]  }
0xba: {  	[tilespmem:s14], [sflag:$0x2] =	stream.linear.gather [hbm4b:s31+s4], $0x80, $0x38;
	[tilespmem:$0x16040] =	vst v63  }
0xbb: {  	s17 =	simm.s32 $0x64F0;
	v0 =	vld [tilespmem:s15+$0xFFFFFFD0]  }
0xbc: {  	v1 =	vld [tilespmem:s17+$0xFFFFFFD0]  }
0xbd: {  	v2 =	vld [tilespmem:s17+$0xFFFFFF10]  }
0xbe: {  	v3 =	vld [tilespmem:s15+$0xFFFFFF50]  }
0xbf: {  	v4 =	vld [tilespmem:s17+$0xFFFFFF50]  }
0xc0: {  	v5 =	vld [tilespmem:s15+$0xFFFFFF90]  }
0xc1: {  	v6 =	vld [tilespmem:s17+$0xFFFFFF90];
	v0 =	vadd.f32 v1, v0  }
0xc2: {  	s16 =	simm.s32 $0xA4F0;
	v1 =	vld [tilespmem:s15+$0xFFFFFF10]  }
0xc3: {  	[tilespmem:s16+$0xFFFFFFD0] =	vst v0  }
0xc4: {  	v0 =	vadd.f32 v4, v3;
	v3 =	vld [tilespmem:s15+$0xFFFFFFE0]  }
0xc5: {  	v4 =	vld [tilespmem:s17+$0xFFFFFFE0]  }
0xc6: {  	[tilespmem:s16+$0xFFFFFF50] =	vst v0;
	v0 =	vadd.f32 v6, v5  }
0xc7: {  	v1 =	vadd.f32 v2, v1;
	v2 =	vld [tilespmem:s15+$0xFFFFFF60]  }
0xc8: {  	v5 =	vld [tilespmem:s17+$0xFFFFFF60];
	[tilespmem:s16+$0xFFFFFF90] =	vst v0  }
0xc9: {  	[tilespmem:s16+$0xFFFFFF10] =	vst v1;
	v0 =	vld [tilespmem:s15+$0xFFFFFFA0]  }
0xca: {  	v1 =	vld [tilespmem:s15+$0xFFFFFF20];
	v3 =	vadd.f32 v4, v3  }
0xcb: {  	v4 =	vld [tilespmem:s17+$0xFFFFFF20]  }
0xcc: {  	v6 =	vld [tilespmem:s17+$0xFFFFFFA0];
	[tilespmem:s16+$0xFFFFFFE0] =	vst v3  }
0xcd: {  	v2 =	vadd.f32 v5, v2;
	v3 =	vld [tilespmem:s15+$0xFFFFFFF0]  }
0xce: {  	v5 =	vld [tilespmem:s17+$0xFFFFFFF0]  }
0xcf: {  	[tilespmem:s16+$0xFFFFFF60] =	vst v2  }
0xd0: {  	v1 =	vadd.f32 v4, v1;
	v2 =	vld [tilespmem:s15+$0xFFFFFF70]  }
0xd1: {  	v4 =	vld [tilespmem:s17+$0xFFFFFF70]  }
0xd2: {  	v0 =	vadd.f32 v6, v0;
	[tilespmem:s16+$0xFFFFFF20] =	vst v1  }
0xd3: {  	v6 =	vld [tilespmem:s15+$0xFFFFFF30];
	v1 =	vadd.f32 v5, v3  }
0xd4: {  	[tilespmem:s16+$0xFFFFFFA0] =	vst v0;
	v7 =	vld [tilespmem:s17+$0xFFFFFF30]  }
0xd5: {  	v0 =	vld [tilespmem:s15+$0xFFFFFFB0];
	[tilespmem:s16+$0xFFFFFFF0] =	vst v1  }
0xd6: {  	v3 =	vadd.f32 v4, v2;
	v1 =	vld [tilespmem:s15+$0x0]  }
0xd7: {  	v2 =	vld [tilespmem:s17+$0x0]  }
0xd8: {  	v5 =	vld [tilespmem:s17+$0xFFFFFFB0];
	[tilespmem:s16+$0xFFFFFF70] =	vst v3  }
0xd9: {  	s3 =	simm.s32 $0x25F0;
	v3 =	vld [tilespmem:s15+$0xFFFFFF80];
	v6 =	vadd.f32 v7, v6  }
0xda: {  	s21 =	simm.s32 $0x64F0;
	s18 =	simm.s32 $0xA4F0;
	s22 =	simm.s32 $0x0;
	v4 =	vld [tilespmem:s17+$0xFFFFFF80]  }
.LBB2_4:
0xdb: {  	v7 =	vld [tilespmem:s3+$0xFFFFFFD0];
	[tilespmem:s16+$0xFFFFFF30] =	vst v6;
	s17 =	sadd.s32 $0x100, s17  }
0xdc: {  	v6 =	vld [tilespmem:s17+$0xFFFFFFD0];
	v1 =	vadd.f32 v2, v1  }
0xdd: {  	v2 =	vld [tilespmem:s17+$0xFFFFFF10];
	v0 =	vadd.f32 v5, v0  }
0xde: {  	v5 =	vld [tilespmem:s3+$0xFFFFFF50];
	[tilespmem:s16+$0x0] =	vst v1  }
0xdf: {  	s22 =	sadd.s32 $0x4, s22;
	v1 =	vld [tilespmem:s17+$0xFFFFFF50];
	v3 =	vadd.f32 v4, v3;
	[tilespmem:s16+$0xFFFFFFB0] =	vst v0  }
0xe0: {  	p0 =	slt.u32 s22, $0x7C;
	v0 =	vld [tilespmem:s3+$0xFFFFFF90]  }
0xe1: {  	v4 =	vld [tilespmem:s17+$0xFFFFFF90];
	v6 =	vadd.f32 v6, v7;
	[tilespmem:s16+$0xFFFFFF80] =	vst v3  }
0xe2: {  	s16 =	sadd.s32 $0x100, s16;
	v3 =	vld [tilespmem:s3+$0xFFFFFF10]  }
0xe3: {  	[tilespmem:s16+$0xFFFFFFD0] =	vst v6;
	v6 =	vld [tilespmem:s15+$0xFFFFFF40]  }
0xe4: {  	v1 =	vadd.f32 v1, v5;
	v5 =	vld [tilespmem:s3+$0xFFFFFFE0]  }
0xe5: {  	v7 =	vld [tilespmem:s17+$0xFFFFFFE0]  }
0xe6: {  	[tilespmem:s16+$0xFFFFFF50] =	vst v1;
	v0 =	vadd.f32 v4, v0;
	v1 =	vld [tilespmem:s21+$0xFFFFFF40]  }
0xe7: {  	v2 =	vadd.f32 v2, v3;
	v3 =	vld [tilespmem:s3+$0xFFFFFF60]  }
0xe8: {  	v4 =	vld [tilespmem:s17+$0xFFFFFF60];
	[tilespmem:s16+$0xFFFFFF90] =	vst v0  }
0xe9: {  	[tilespmem:s16+$0xFFFFFF10] =	vst v2;
	v0 =	vld [tilespmem:s3+$0xFFFFFFA0]  }
0xea: {  	v2 =	vld [tilespmem:s3+$0xFFFFFF20];
	v5 =	vadd.f32 v7, v5  }
0xeb: {  	v7 =	vld [tilespmem:s17+$0xFFFFFF20];
	v1 =	vadd.f32 v1, v6  }
0xec: {  	v6 =	vld [tilespmem:s17+$0xFFFFFFA0];
	[tilespmem:s16+$0xFFFFFFE0] =	vst v5  }
0xed: {  	v3 =	vadd.f32 v4, v3;
	v4 =	vld [tilespmem:s3+$0xFFFFFFF0];
	[tilespmem:s18+$0xFFFFFF40] =	vst v1  }
0xee: {  	v1 =	vld [tilespmem:s17+$0xFFFFFFF0]  }
0xef: {  	[tilespmem:s16+$0xFFFFFF60] =	vst v3;
	v3 =	vld [tilespmem:s15+$0xFFFFFFC0];
	s15 =	smov.u32 s3  }
0xf0: {  	v2 =	vadd.f32 v7, v2;
	v5 =	vld [tilespmem:s3+$0xFFFFFF70]  }
0xf1: {  	v7 =	vld [tilespmem:s17+$0xFFFFFF70];
	v0 =	vadd.f32 v6, v0  }
0xf2: {  	[tilespmem:s16+$0xFFFFFF20] =	vst v2;
	v6 =	vld [tilespmem:s21+$0xFFFFFFC0];
	s21 =	smov.u32 s17  }
0xf3: {  	v8 =	vld [tilespmem:s3+$0xFFFFFF30];
	[tilespmem:s16+$0xFFFFFFA0] =	vst v0;
	v1 =	vadd.f32 v1, v4  }
0xf4: {  	v4 =	vld [tilespmem:s17+$0xFFFFFF30]  }
0xf5: {  	v0 =	vld [tilespmem:s3+$0xFFFFFFB0];
	[tilespmem:s16+$0xFFFFFFF0] =	vst v1  }
.Ltmp1:
0xf6: {  	v5 =	vadd.f32 v7, v5;
	v1 =	vld [tilespmem:s3+$0x0];
	(pc) =	sbr.rel @p0 .LBB2_4-.Ltmp1, $4  }
0xf7: {  	v2 =	vld [tilespmem:s17+$0x0];
	v7 =	vadd.f32 v6, v3  }
0xf8: {  	[tilespmem:s16+$0xFFFFFF70] =	vst v5;
	v5 =	vld [tilespmem:s17+$0xFFFFFFB0]  }
0xf9: {  	v6 =	vadd.f32 v4, v8;
	v3 =	vld [tilespmem:s3+$0xFFFFFF80];
	[tilespmem:s18+$0xFFFFFFC0] =	vst v7;
	s18 =	smov.u32 s16  }
0xfa: {  	s3 =	sadd.s32 $0x100, s3;
	v4 =	vld [tilespmem:s17+$0xFFFFFF80]  }
0xfb: {  	_ =	sdelay $0x1  }
0xfc: {  	[tilespmem:s16+$0xFFFFFF30] =	vst v6;
	v0 =	vadd.f32 v5, v0  }
0xfd: {  	v59 =	vld [tilespmem:s15+$0xFFFFFF40]  }
0xfe: {  	v60 =	vld [tilespmem:s21+$0xFFFFFF40];
	[tilespmem:s16+$0xFFFFFFB0] =	vst v0  }
0xff: {  	v61 =	vld [tilespmem:s15+$0xFFFFFFC0]  }
0x100: {  	v7 =	vld [tilespmem:s21+$0xFFFFFFC0];
	_ =	sdelay $0x1  }
0x101: {  	v1 =	vadd.f32 v2, v1  }
0x102: {  	v62 =	vadd.f32 v4, v3  }
0x103: {  	[tilespmem:s16+$0x0] =	vst v1;
	v0 =	vadd.f32 v60, v59  }
0x104: {  	[tilespmem:s16+$0xFFFFFF80] =	vst v62;
	v63 =	vadd.f32 v7, v61  }
0x105: {  	[tilespmem:s18+$0xFFFFFF40] =	vst v0  }
0x106: {  	[tilespmem:s18+$0xFFFFFFC0] =	vst v63  }
0x107: {  	_ =	swait.ge [sflag:s25], $0x80  }
0x108: {  	[sflag:s25] =	ssyncset.done $0x0  }
0x109: {  	[sflag:s25] =	ssyncadd.s32 $0xFFFFFF80  }
0x10a: {  	_ =	swait.ge [sflag:s25], $0x80  }
0x10b: {  	[sflag:s25] =	ssyncset.done $0x0  }
0x10c: {  	s3 =	simm.s32 $0x180;
	s8 =	simm.s32 $0x2400;
	[sflag:s25] =	ssyncadd.s32 $0xFFFFFF80  }
0x10d: {  	[tilespmem:s8], [sflag:$0x6] =	stream.indirect.gather [hbm4b:s7+s13], $0x40, s3, s13, $0xb8;
	[tilespmem:$0x16040] =	vst v63  }
0x10e: {  	s22 =	simm.s32 $0x6400;
	s21 =	simm.s32 $0x380  }
0x10f: {  	[tilespmem:s22], [sflag:$0x8] =	stream.indirect.gather [spmem:s2], $0x40, s21, s13, $0xb8;
	[tilespmem:$0x16040] =	vst v63  }
0x110: {  	s30 =	simm.s32 $0x0;
	s31 =	rddreg [dreg:$0x1f]  }
0x111: {  	[hbm4b:s31+s30] =	stream.linear.scatter [tilespmem:s26], [sflag:$0xA], $0x2000, $0x38;
	[tilespmem:$0x16040] =	vst v63  }
.LBB2_6:
0x112: {  	_ =	swait.ge [sflag:s9], $0x2000  }
0x113: {  	[sflag:s9] =	ssyncset.done $0x0  }
0x114: {  	[sflag:s9] =	ssyncadd.s32 $0xFFFFE000  }
0x115: {  	_ =	swait.ge [sflag:s10], $0x2000  }
0x116: {  	s31 =	sshll.u32 s30, $0x2;
	s3 =	rddreg [dreg:$0x13]  }
0x117: {  	s3 =	sadd.s32 s31, s3  }
0x118: {  	[sflag:s10] =	ssyncset.done $0x0;
	s3 =	sshll.u32 s3, $0x4  }
0x119: {  	s15 =	simm.s32 $0x100;
	[sflag:s10] =	ssyncadd.s32 $0xFFFFE000;
	s8 =	sadd.s32 s5, s3  }
0x11a: {  	[tilespmem:s15], [sflag:$0x3] =	stream.linear.gather [hbm4b:s8+s4], $0x80, $0x38;
	[tilespmem:$0x16040] =	vst v63  }
0x11b: {  	s22 =	simm.s32 $0x300;
	s3 =	sadd.s32 s6, s3  }
0x11c: {  	[tilespmem:s22], [sflag:$0x3] =	stream.linear.gather [hbm4b:s3+s4], $0x80, $0x38;
	[tilespmem:$0x16040] =	vst v63  }
0x11d: {  	_ =	swait.ge [sflag:s28], $0x2000  }
0x11e: {  	[sflag:s28] =	ssyncset.done $0x0  }
0x11f: {  	s15 =	simm.s32 $0x480;
	[sflag:s28] =	ssyncadd.s32 $0xFFFFE000  }
0x120: {  	s17 =	simm.s32 $0x4480;
	v0 =	vld [tilespmem:s15+$0x40]  }
0x121: {  	v1 =	vld [tilespmem:s17+$0x40]  }
0x122: {  	v2 =	vld [tilespmem:s17+$0xFFFFFF80]  }
0x123: {  	v3 =	vld [tilespmem:s15+$0xFFFFFFC0]  }
0x124: {  	v4 =	vld [tilespmem:s17+$0xFFFFFFC0]  }
0x125: {  	v5 =	vld [tilespmem:s15+$0x0]  }
0x126: {  	v6 =	vld [tilespmem:s17+$0x0];
	v0 =	vadd.f32 v1, v0  }
0x127: {  	s16 =	simm.s32 $0x8480;
	v1 =	vld [tilespmem:s15+$0xFFFFFF80]  }
0x128: {  	[tilespmem:s16+$0x40] =	vst v0  }
0x129: {  	v0 =	vadd.f32 v4, v3;
	v3 =	vld [tilespmem:s15+$0x50]  }
0x12a: {  	v4 =	vld [tilespmem:s17+$0x50]  }
0x12b: {  	[tilespmem:s16+$0xFFFFFFC0] =	vst v0;
	v0 =	vadd.f32 v6, v5  }
0x12c: {  	v1 =	vadd.f32 v2, v1;
	v2 =	vld [tilespmem:s15+$0xFFFFFFD0]  }
0x12d: {  	v5 =	vld [tilespmem:s17+$0xFFFFFFD0];
	[tilespmem:s16+$0x0] =	vst v0  }
0x12e: {  	[tilespmem:s16+$0xFFFFFF80] =	vst v1;
	v0 =	vld [tilespmem:s15+$0x10]  }
0x12f: {  	v1 =	vld [tilespmem:s15+$0xFFFFFF90];
	v3 =	vadd.f32 v4, v3  }
0x130: {  	v4 =	vld [tilespmem:s17+$0xFFFFFF90]  }
0x131: {  	v6 =	vld [tilespmem:s17+$0x10];
	[tilespmem:s16+$0x50] =	vst v3  }
0x132: {  	v2 =	vadd.f32 v5, v2;
	v3 =	vld [tilespmem:s15+$0x60]  }
0x133: {  	v5 =	vld [tilespmem:s17+$0x60]  }
0x134: {  	[tilespmem:s16+$0xFFFFFFD0] =	vst v2  }
0x135: {  	v1 =	vadd.f32 v4, v1;
	v2 =	vld [tilespmem:s15+$0xFFFFFFE0]  }
0x136: {  	v4 =	vld [tilespmem:s17+$0xFFFFFFE0]  }
0x137: {  	v0 =	vadd.f32 v6, v0;
	[tilespmem:s16+$0xFFFFFF90] =	vst v1  }
0x138: {  	v6 =	vld [tilespmem:s15+$0xFFFFFFA0];
	v1 =	vadd.f32 v5, v3  }
0x139: {  	[tilespmem:s16+$0x10] =	vst v0;
	v7 =	vld [tilespmem:s17+$0xFFFFFFA0]  }
0x13a: {  	v0 =	vld [tilespmem:s15+$0x20];
	[tilespmem:s16+$0x60] =	vst v1  }
0x13b: {  	v3 =	vadd.f32 v4, v2;
	v1 =	vld [tilespmem:s15+$0x70]  }
0x13c: {  	v2 =	vld [tilespmem:s17+$0x70]  }
0x13d: {  	v5 =	vld [tilespmem:s17+$0x20];
	[tilespmem:s16+$0xFFFFFFE0] =	vst v3  }
0x13e: {  	s21 =	simm.s32 $0x4480;
	v3 =	vld [tilespmem:s15+$0xFFFFFFF0];
	v6 =	vadd.f32 v7, v6  }
0x13f: {  	s18 =	simm.s32 $0x8480;
	s22 =	simm.s32 $0x0;
	s3 =	simm.s32 $0x580;
	v4 =	vld [tilespmem:s17+$0xFFFFFFF0]  }
.LBB2_7:
0x140: {  	v7 =	vld [tilespmem:s3+$0x40];
	[tilespmem:s16+$0xFFFFFFA0] =	vst v6;
	s17 =	sadd.s32 $0x100, s17  }
0x141: {  	v6 =	vld [tilespmem:s17+$0x40];
	v1 =	vadd.f32 v2, v1  }
0x142: {  	v2 =	vld [tilespmem:s17+$0xFFFFFF80];
	v0 =	vadd.f32 v5, v0  }
0x143: {  	v5 =	vld [tilespmem:s3+$0xFFFFFFC0];
	[tilespmem:s16+$0x70] =	vst v1  }
0x144: {  	s22 =	sadd.s32 $0x4, s22;
	v1 =	vld [tilespmem:s17+$0xFFFFFFC0];
	v3 =	vadd.f32 v4, v3;
	[tilespmem:s16+$0x20] =	vst v0  }
0x145: {  	p0 =	slt.u32 s22, $0x7C;
	v0 =	vld [tilespmem:s3+$0x0]  }
0x146: {  	v4 =	vld [tilespmem:s17+$0x0];
	v6 =	vadd.f32 v6, v7;
	[tilespmem:s16+$0xFFFFFFF0] =	vst v3  }
0x147: {  	s16 =	sadd.s32 $0x100, s16;
	v3 =	vld [tilespmem:s3+$0xFFFFFF80]  }
0x148: {  	[tilespmem:s16+$0x40] =	vst v6;
	v6 =	vld [tilespmem:s15+$0xFFFFFFB0]  }
0x149: {  	v1 =	vadd.f32 v1, v5;
	v5 =	vld [tilespmem:s3+$0x50]  }
0x14a: {  	v7 =	vld [tilespmem:s17+$0x50]  }
0x14b: {  	[tilespmem:s16+$0xFFFFFFC0] =	vst v1;
	v0 =	vadd.f32 v4, v0;
	v1 =	vld [tilespmem:s21+$0xFFFFFFB0]  }
0x14c: {  	v2 =	vadd.f32 v2, v3;
	v3 =	vld [tilespmem:s3+$0xFFFFFFD0]  }
0x14d: {  	v4 =	vld [tilespmem:s17+$0xFFFFFFD0];
	[tilespmem:s16+$0x0] =	vst v0  }
0x14e: {  	[tilespmem:s16+$0xFFFFFF80] =	vst v2;
	v0 =	vld [tilespmem:s3+$0x10]  }
0x14f: {  	v2 =	vld [tilespmem:s3+$0xFFFFFF90];
	v5 =	vadd.f32 v7, v5  }
0x150: {  	v7 =	vld [tilespmem:s17+$0xFFFFFF90];
	v1 =	vadd.f32 v1, v6  }
0x151: {  	v6 =	vld [tilespmem:s17+$0x10];
	[tilespmem:s16+$0x50] =	vst v5  }
0x152: {  	v3 =	vadd.f32 v4, v3;
	v4 =	vld [tilespmem:s3+$0x60];
	[tilespmem:s18+$0xFFFFFFB0] =	vst v1  }
0x153: {  	v1 =	vld [tilespmem:s17+$0x60]  }
0x154: {  	[tilespmem:s16+$0xFFFFFFD0] =	vst v3;
	v3 =	vld [tilespmem:s15+$0x30];
	s15 =	smov.u32 s3  }
0x155: {  	v2 =	vadd.f32 v7, v2;
	v5 =	vld [tilespmem:s3+$0xFFFFFFE0]  }
0x156: {  	v7 =	vld [tilespmem:s17+$0xFFFFFFE0];
	v0 =	vadd.f32 v6, v0  }
0x157: {  	[tilespmem:s16+$0xFFFFFF90] =	vst v2;
	v6 =	vld [tilespmem:s21+$0x30];
	s21 =	smov.u32 s17  }
0x158: {  	v8 =	vld [tilespmem:s3+$0xFFFFFFA0];
	[tilespmem:s16+$0x10] =	vst v0;
	v1 =	vadd.f32 v1, v4  }
0x159: {  	v4 =	vld [tilespmem:s17+$0xFFFFFFA0]  }
0x15a: {  	v0 =	vld [tilespmem:s3+$0x20];
	[tilespmem:s16+$0x60] =	vst v1  }
.Ltmp2:
0x15b: {  	v5 =	vadd.f32 v7, v5;
	v1 =	vld [tilespmem:s3+$0x70];
	(pc) =	sbr.rel @p0 .LBB2_7-.Ltmp2, $4  }
0x15c: {  	v2 =	vld [tilespmem:s17+$0x70];
	v7 =	vadd.f32 v6, v3  }
0x15d: {  	[tilespmem:s16+$0xFFFFFFE0] =	vst v5;
	v5 =	vld [tilespmem:s17+$0x20]  }
0x15e: {  	v6 =	vadd.f32 v4, v8;
	v3 =	vld [tilespmem:s3+$0xFFFFFFF0];
	[tilespmem:s18+$0x30] =	vst v7;
	s18 =	smov.u32 s16  }
0x15f: {  	s3 =	sadd.s32 $0x100, s3;
	v4 =	vld [tilespmem:s17+$0xFFFFFFF0]  }
0x160: {  	_ =	sdelay $0x1  }
0x161: {  	[tilespmem:s16+$0xFFFFFFA0] =	vst v6;
	v0 =	vadd.f32 v5, v0  }
0x162: {  	v5 =	vld [tilespmem:s15+$0xFFFFFFB0]  }
0x163: {  	[tilespmem:s16+$0x20] =	vst v0;
	v0 =	vld [tilespmem:s21+$0xFFFFFFB0]  }
0x164: {  	v6 =	vld [tilespmem:s15+$0x30]  }
0x165: {  	v7 =	vld [tilespmem:s21+$0x30];
	_ =	sdelay $0x1  }
0x166: {  	v1 =	vadd.f32 v2, v1  }
0x167: {  	v2 =	vadd.f32 v4, v3  }
0x168: {  	[tilespmem:s16+$0x70] =	vst v1;
	v0 =	vadd.f32 v0, v5  }
0x169: {  	[tilespmem:s16+$0xFFFFFFF0] =	vst v2;
	v1 =	vadd.f32 v7, v6  }
0x16a: {  	[tilespmem:s18+$0xFFFFFFB0] =	vst v0  }
0x16b: {  	[tilespmem:s18+$0x30] =	vst v1  }
0x16c: {  	_ =	swait.ge [sflag:s19], $0x80  }
0x16d: {  	[sflag:s19] =	ssyncset.done $0x0  }
0x16e: {  	[sflag:s19] =	ssyncadd.s32 $0xFFFFFF80  }
0x16f: {  	_ =	swait.ge [sflag:s19], $0x80  }
0x170: {  	s3 =	simm.s32 $0x400;
	[sflag:s19] =	ssyncset.done $0x0  }
0x171: {  	s15 =	sshll.u32 s30, $0x9;
	s17 =	rddreg [dreg:$0x17];
	[sflag:s19] =	ssyncadd.s32 $0xFFFFFF80  }
0x172: {  	[tilespmem:s3], [sflag:$0x5] =	stream.indirect.gather [hbm4b:s7+s13], $0x40, s4, s13, $0xb8;
	[tilespmem:$0x16040] =	vst v63  }
0x173: {  	s3 =	sadd.s32 s15, s17  }
0x174: {  	s16 =	simm.s32 $0x4400;
	s3 =	sshll.u32 s3, $0x3  }
0x175: {  	[tilespmem:s16], [sflag:$0x7] =	stream.indirect.gather [spmem:s2], $0x40, s12, s13, $0xb8;
	[tilespmem:$0x16040] =	vst v63  }
0x176: {  	s3 =	sand.u32 $0x1FFFF800, s3  }
0x177: {  	s3 =	sadd.s32 s1, s3  }
0x178: {  	[hbm4b:s3+s4] =	stream.linear.scatter [tilespmem:s11], [sflag:$0x9], $0x2000, $0x38;
	[tilespmem:$0x16040] =	vst v63  }
0x179: {  	_ =	swait.ge [sflag:s23], $0x2000  }
0x17a: {  	[sflag:s23] =	ssyncset.done $0x0  }
0x17b: {  	[sflag:s23] =	ssyncadd.s32 $0xFFFFE000  }
0x17c: {  	_ =	swait.ge [sflag:s24], $0x2000  }
0x17d: {  	s18 =	rddreg [dreg:$0x14]  }
0x17e: {  	s3 =	sadd.s32 s31, s18  }
0x17f: {  	[sflag:s24] =	ssyncset.done $0x0;
	s3 =	sshll.u32 s3, $0x4  }
0x180: {  	s21 =	simm.s32 $0x180;
	[sflag:s24] =	ssyncadd.s32 $0xFFFFE000;
	s8 =	sadd.s32 s5, s3  }
0x181: {  	[tilespmem:s21], [sflag:$0x4] =	stream.linear.gather [hbm4b:s8+s4], $0x80, $0x38;
	[tilespmem:$0x16040] =	vst v63  }
0x182: {  	s22 =	simm.s32 $0x380;
	s3 =	sadd.s32 s6, s3  }
0x183: {  	[tilespmem:s22], [sflag:$0x4] =	stream.linear.gather [hbm4b:s3+s4], $0x80, $0x38;
	[tilespmem:$0x16040] =	vst v63  }
0x184: {  	_ =	swait.ge [sflag:s29], $0x2000  }
0x185: {  	[sflag:s29] =	ssyncset.done $0x0  }
0x186: {  	s16 =	simm.s32 $0x24F0;
	[sflag:s29] =	ssyncadd.s32 $0xFFFFE000  }
0x187: {  	s18 =	simm.s32 $0x64F0;
	v0 =	vld [tilespmem:s16+$0xFFFFFFD0]  }
0x188: {  	v1 =	vld [tilespmem:s18+$0xFFFFFFD0]  }
0x189: {  	v2 =	vld [tilespmem:s18+$0xFFFFFF10]  }
0x18a: {  	v3 =	vld [tilespmem:s16+$0xFFFFFF50]  }
0x18b: {  	v4 =	vld [tilespmem:s18+$0xFFFFFF50]  }
0x18c: {  	v5 =	vld [tilespmem:s16+$0xFFFFFF90]  }
0x18d: {  	v6 =	vld [tilespmem:s18+$0xFFFFFF90];
	v0 =	vadd.f32 v1, v0  }
0x18e: {  	s17 =	simm.s32 $0xA4F0;
	v1 =	vld [tilespmem:s16+$0xFFFFFF10]  }
0x18f: {  	[tilespmem:s17+$0xFFFFFFD0] =	vst v0  }
0x190: {  	v0 =	vadd.f32 v4, v3;
	v3 =	vld [tilespmem:s16+$0xFFFFFFE0]  }
0x191: {  	v4 =	vld [tilespmem:s18+$0xFFFFFFE0]  }
0x192: {  	[tilespmem:s17+$0xFFFFFF50] =	vst v0;
	v0 =	vadd.f32 v6, v5  }
0x193: {  	v1 =	vadd.f32 v2, v1;
	v2 =	vld [tilespmem:s16+$0xFFFFFF60]  }
0x194: {  	v5 =	vld [tilespmem:s18+$0xFFFFFF60];
	[tilespmem:s17+$0xFFFFFF90] =	vst v0  }
0x195: {  	[tilespmem:s17+$0xFFFFFF10] =	vst v1;
	v0 =	vld [tilespmem:s16+$0xFFFFFFA0]  }
0x196: {  	v1 =	vld [tilespmem:s16+$0xFFFFFF20];
	v3 =	vadd.f32 v4, v3  }
0x197: {  	v4 =	vld [tilespmem:s18+$0xFFFFFF20]  }
0x198: {  	v6 =	vld [tilespmem:s18+$0xFFFFFFA0];
	[tilespmem:s17+$0xFFFFFFE0] =	vst v3  }
0x199: {  	v2 =	vadd.f32 v5, v2;
	v3 =	vld [tilespmem:s16+$0xFFFFFFF0]  }
0x19a: {  	v5 =	vld [tilespmem:s18+$0xFFFFFFF0]  }
0x19b: {  	[tilespmem:s17+$0xFFFFFF60] =	vst v2  }
0x19c: {  	v1 =	vadd.f32 v4, v1;
	v2 =	vld [tilespmem:s16+$0xFFFFFF70]  }
0x19d: {  	v4 =	vld [tilespmem:s18+$0xFFFFFF70]  }
0x19e: {  	v0 =	vadd.f32 v6, v0;
	[tilespmem:s17+$0xFFFFFF20] =	vst v1  }
0x19f: {  	v6 =	vld [tilespmem:s16+$0xFFFFFF30];
	v1 =	vadd.f32 v5, v3  }
0x1a0: {  	[tilespmem:s17+$0xFFFFFFA0] =	vst v0;
	v7 =	vld [tilespmem:s18+$0xFFFFFF30]  }
0x1a1: {  	v0 =	vld [tilespmem:s16+$0xFFFFFFB0];
	[tilespmem:s17+$0xFFFFFFF0] =	vst v1  }
0x1a2: {  	v3 =	vadd.f32 v4, v2;
	v1 =	vld [tilespmem:s16+$0x0]  }
0x1a3: {  	v2 =	vld [tilespmem:s18+$0x0]  }
0x1a4: {  	v5 =	vld [tilespmem:s18+$0xFFFFFFB0];
	[tilespmem:s17+$0xFFFFFF70] =	vst v3  }
0x1a5: {  	s8 =	simm.s32 $0x25F0;
	v3 =	vld [tilespmem:s16+$0xFFFFFF80];
	v6 =	vadd.f32 v7, v6  }
0x1a6: {  	s21 =	simm.s32 $0xA4F0;
	s3 =	simm.s32 $0x0;
	s22 =	simm.s32 $0x64F0;
	v4 =	vld [tilespmem:s18+$0xFFFFFF80]  }
.LBB2_9:
0x1a7: {  	v7 =	vld [tilespmem:s8+$0xFFFFFFD0];
	[tilespmem:s17+$0xFFFFFF30] =	vst v6;
	s18 =	sadd.s32 $0x100, s18  }
0x1a8: {  	v6 =	vld [tilespmem:s18+$0xFFFFFFD0];
	v1 =	vadd.f32 v2, v1  }
0x1a9: {  	v2 =	vld [tilespmem:s18+$0xFFFFFF10];
	v0 =	vadd.f32 v5, v0  }
0x1aa: {  	v5 =	vld [tilespmem:s8+$0xFFFFFF50];
	[tilespmem:s17+$0x0] =	vst v1  }
0x1ab: {  	s3 =	sadd.s32 $0x4, s3;
	v1 =	vld [tilespmem:s18+$0xFFFFFF50];
	v3 =	vadd.f32 v4, v3;
	[tilespmem:s17+$0xFFFFFFB0] =	vst v0  }
0x1ac: {  	p0 =	slt.u32 s3, $0x7C;
	v0 =	vld [tilespmem:s8+$0xFFFFFF90]  }
0x1ad: {  	v4 =	vld [tilespmem:s18+$0xFFFFFF90];
	v6 =	vadd.f32 v6, v7;
	[tilespmem:s17+$0xFFFFFF80] =	vst v3  }
0x1ae: {  	s17 =	sadd.s32 $0x100, s17;
	v3 =	vld [tilespmem:s8+$0xFFFFFF10]  }
0x1af: {  	[tilespmem:s17+$0xFFFFFFD0] =	vst v6;
	v6 =	vld [tilespmem:s16+$0xFFFFFF40]  }
0x1b0: {  	v1 =	vadd.f32 v1, v5;
	v5 =	vld [tilespmem:s8+$0xFFFFFFE0]  }
0x1b1: {  	v7 =	vld [tilespmem:s18+$0xFFFFFFE0]  }
0x1b2: {  	[tilespmem:s17+$0xFFFFFF50] =	vst v1;
	v0 =	vadd.f32 v4, v0;
	v1 =	vld [tilespmem:s22+$0xFFFFFF40]  }
0x1b3: {  	v2 =	vadd.f32 v2, v3;
	v3 =	vld [tilespmem:s8+$0xFFFFFF60]  }
0x1b4: {  	v4 =	vld [tilespmem:s18+$0xFFFFFF60];
	[tilespmem:s17+$0xFFFFFF90] =	vst v0  }
0x1b5: {  	[tilespmem:s17+$0xFFFFFF10] =	vst v2;
	v0 =	vld [tilespmem:s8+$0xFFFFFFA0]  }
0x1b6: {  	v2 =	vld [tilespmem:s8+$0xFFFFFF20];
	v5 =	vadd.f32 v7, v5  }
0x1b7: {  	v7 =	vld [tilespmem:s18+$0xFFFFFF20];
	v1 =	vadd.f32 v1, v6  }
0x1b8: {  	v6 =	vld [tilespmem:s18+$0xFFFFFFA0];
	[tilespmem:s17+$0xFFFFFFE0] =	vst v5  }
0x1b9: {  	v3 =	vadd.f32 v4, v3;
	v4 =	vld [tilespmem:s8+$0xFFFFFFF0];
	[tilespmem:s21+$0xFFFFFF40] =	vst v1  }
0x1ba: {  	v1 =	vld [tilespmem:s18+$0xFFFFFFF0]  }
0x1bb: {  	[tilespmem:s17+$0xFFFFFF60] =	vst v3;
	v3 =	vld [tilespmem:s16+$0xFFFFFFC0];
	s16 =	smov.u32 s8  }
0x1bc: {  	v2 =	vadd.f32 v7, v2;
	v5 =	vld [tilespmem:s8+$0xFFFFFF70]  }
0x1bd: {  	v7 =	vld [tilespmem:s18+$0xFFFFFF70];
	v0 =	vadd.f32 v6, v0  }
0x1be: {  	[tilespmem:s17+$0xFFFFFF20] =	vst v2;
	v6 =	vld [tilespmem:s22+$0xFFFFFFC0];
	s22 =	smov.u32 s18  }
0x1bf: {  	v8 =	vld [tilespmem:s8+$0xFFFFFF30];
	[tilespmem:s17+$0xFFFFFFA0] =	vst v0;
	v1 =	vadd.f32 v1, v4  }
0x1c0: {  	v4 =	vld [tilespmem:s18+$0xFFFFFF30]  }
0x1c1: {  	v0 =	vld [tilespmem:s8+$0xFFFFFFB0];
	[tilespmem:s17+$0xFFFFFFF0] =	vst v1  }
.Ltmp3:
0x1c2: {  	v5 =	vadd.f32 v7, v5;
	v1 =	vld [tilespmem:s8+$0x0];
	(pc) =	sbr.rel @p0 .LBB2_9-.Ltmp3, $4  }
0x1c3: {  	v2 =	vld [tilespmem:s18+$0x0];
	v7 =	vadd.f32 v6, v3  }
0x1c4: {  	[tilespmem:s17+$0xFFFFFF70] =	vst v5;
	v5 =	vld [tilespmem:s18+$0xFFFFFFB0]  }
0x1c5: {  	v6 =	vadd.f32 v4, v8;
	v3 =	vld [tilespmem:s8+$0xFFFFFF80];
	[tilespmem:s21+$0xFFFFFFC0] =	vst v7;
	s21 =	smov.u32 s17  }
0x1c6: {  	s8 =	sadd.s32 $0x100, s8;
	v4 =	vld [tilespmem:s18+$0xFFFFFF80]  }
0x1c7: {  	_ =	sdelay $0x1  }
0x1c8: {  	[tilespmem:s17+$0xFFFFFF30] =	vst v6;
	v0 =	vadd.f32 v5, v0  }
0x1c9: {  	v5 =	vld [tilespmem:s16+$0xFFFFFF40]  }
0x1ca: {  	[tilespmem:s17+$0xFFFFFFB0] =	vst v0;
	v0 =	vld [tilespmem:s22+$0xFFFFFF40]  }
0x1cb: {  	v6 =	vld [tilespmem:s16+$0xFFFFFFC0]  }
0x1cc: {  	v7 =	vld [tilespmem:s22+$0xFFFFFFC0];
	_ =	sdelay $0x1  }
0x1cd: {  	v1 =	vadd.f32 v2, v1  }
0x1ce: {  	v2 =	vadd.f32 v4, v3  }
0x1cf: {  	[tilespmem:s17+$0x0] =	vst v1;
	v0 =	vadd.f32 v0, v5  }
0x1d0: {  	[tilespmem:s17+$0xFFFFFF80] =	vst v2;
	v1 =	vadd.f32 v7, v6  }
0x1d1: {  	[tilespmem:s21+$0xFFFFFF40] =	vst v0  }
0x1d2: {  	[tilespmem:s21+$0xFFFFFFC0] =	vst v1  }
0x1d3: {  	_ =	swait.ge [sflag:s0], $0x80  }
0x1d4: {  	[sflag:s0] =	ssyncset.done $0x0  }
0x1d5: {  	[sflag:s0] =	ssyncadd.s32 $0xFFFFFF80  }
0x1d6: {  	_ =	swait.ge [sflag:s0], $0x80  }
0x1d7: {  	[sflag:s0] =	ssyncset.done $0x0  }
0x1d8: {  	s3 =	simm.s32 $0x2400;
	s21 =	rddreg [dreg:$0x18];
	[sflag:s0] =	ssyncadd.s32 $0xFFFFFF80  }
0x1d9: {  	[tilespmem:s3], [sflag:$0x6] =	stream.indirect.gather [hbm4b:s7+s13], $0x40, s13, s13, $0xb8;
	[tilespmem:$0x16040] =	vst v63  }
0x1da: {  	s3 =	sadd.s32 s15, s21  }
0x1db: {  	s18 =	simm.s32 $0x6400;
	s3 =	sshll.u32 s3, $0x3  }
0x1dc: {  	[tilespmem:s18], [sflag:$0x8] =	stream.indirect.gather [spmem:s2], $0x40, s14, s13, $0xb8;
	[tilespmem:$0x16040] =	vst v63  }
0x1dd: {  	s3 =	sand.u32 $0x1FFFFC00, s3  }
0x1de: {  	s3 =	sadd.s32 s1, s3  }
0x1df: {  	[hbm4b:s3+s4] =	stream.linear.scatter [tilespmem:s26], [sflag:$0xA], $0x2000, $0x38;
	[tilespmem:$0x16040] =	vst v63  }
0x1e0: {  	_ =	swait.ge [sflag:s9], $0x2000  }
0x1e1: {  	[sflag:s9] =	ssyncset.done $0x0;
	s22 =	rddreg [dreg:$0x15]  }
0x1e2: {  	[sflag:s9] =	ssyncadd.s32 $0xFFFFE000;
	s3 =	sadd.s32 s31, s22  }
0x1e3: {  	_ =	swait.ge [sflag:s10], $0x2000;
	s3 =	smin.u32 s3, $0x18FF  }
0x1e4: {  	[sflag:s10] =	ssyncset.done $0x0;
	s3 =	sshll.u32 s3, $0x4  }
0x1e5: {  	[sflag:s10] =	ssyncadd.s32 $0xFFFFE000;
	s8 =	sadd.s32 s5, s3  }
0x1e6: {  	[tilespmem:s4], [sflag:$0x1] =	stream.linear.gather [hbm4b:s8+s4], $0x80, $0x38;
	[tilespmem:$0x16040] =	vst v63  }
0x1e7: {  	s3 =	sadd.s32 s6, s3  }
0x1e8: {  	[tilespmem:s12], [sflag:$0x1] =	stream.linear.gather [hbm4b:s3+s4], $0x80, $0x38;
	[tilespmem:$0x16040] =	vst v63  }
0x1e9: {  	_ =	swait.ge [sflag:s28], $0x2000  }
0x1ea: {  	[sflag:s28] =	ssyncset.done $0x0  }
0x1eb: {  	s16 =	simm.s32 $0x480;
	[sflag:s28] =	ssyncadd.s32 $0xFFFFE000  }
0x1ec: {  	s18 =	simm.s32 $0x4480;
	v0 =	vld [tilespmem:s16+$0x40]  }
0x1ed: {  	v1 =	vld [tilespmem:s18+$0x40]  }
0x1ee: {  	v2 =	vld [tilespmem:s18+$0xFFFFFF80]  }
0x1ef: {  	v3 =	vld [tilespmem:s16+$0xFFFFFFC0]  }
0x1f0: {  	v4 =	vld [tilespmem:s18+$0xFFFFFFC0]  }
0x1f1: {  	v5 =	vld [tilespmem:s16+$0x0]  }
0x1f2: {  	v6 =	vld [tilespmem:s18+$0x0];
	v0 =	vadd.f32 v1, v0  }
0x1f3: {  	s17 =	simm.s32 $0x8480;
	v1 =	vld [tilespmem:s16+$0xFFFFFF80]  }
0x1f4: {  	[tilespmem:s17+$0x40] =	vst v0  }
0x1f5: {  	v0 =	vadd.f32 v4, v3;
	v3 =	vld [tilespmem:s16+$0x50]  }
0x1f6: {  	v4 =	vld [tilespmem:s18+$0x50]  }
0x1f7: {  	[tilespmem:s17+$0xFFFFFFC0] =	vst v0;
	v0 =	vadd.f32 v6, v5  }
0x1f8: {  	v1 =	vadd.f32 v2, v1;
	v2 =	vld [tilespmem:s16+$0xFFFFFFD0]  }
0x1f9: {  	v5 =	vld [tilespmem:s18+$0xFFFFFFD0];
	[tilespmem:s17+$0x0] =	vst v0  }
0x1fa: {  	[tilespmem:s17+$0xFFFFFF80] =	vst v1;
	v0 =	vld [tilespmem:s16+$0x10]  }
0x1fb: {  	v1 =	vld [tilespmem:s16+$0xFFFFFF90];
	v3 =	vadd.f32 v4, v3  }
0x1fc: {  	v4 =	vld [tilespmem:s18+$0xFFFFFF90]  }
0x1fd: {  	v6 =	vld [tilespmem:s18+$0x10];
	[tilespmem:s17+$0x50] =	vst v3  }
0x1fe: {  	v2 =	vadd.f32 v5, v2;
	v3 =	vld [tilespmem:s16+$0x60]  }
0x1ff: {  	v5 =	vld [tilespmem:s18+$0x60]  }
0x200: {  	[tilespmem:s17+$0xFFFFFFD0] =	vst v2  }
0x201: {  	v1 =	vadd.f32 v4, v1;
	v2 =	vld [tilespmem:s16+$0xFFFFFFE0]  }
0x202: {  	v4 =	vld [tilespmem:s18+$0xFFFFFFE0]  }
0x203: {  	v0 =	vadd.f32 v6, v0;
	[tilespmem:s17+$0xFFFFFF90] =	vst v1  }
0x204: {  	v6 =	vld [tilespmem:s16+$0xFFFFFFA0];
	v1 =	vadd.f32 v5, v3  }
0x205: {  	[tilespmem:s17+$0x10] =	vst v0;
	v7 =	vld [tilespmem:s18+$0xFFFFFFA0]  }
0x206: {  	v0 =	vld [tilespmem:s16+$0x20];
	[tilespmem:s17+$0x60] =	vst v1  }
0x207: {  	v3 =	vadd.f32 v4, v2;
	v1 =	vld [tilespmem:s16+$0x70]  }
0x208: {  	v2 =	vld [tilespmem:s18+$0x70]  }
0x209: {  	v5 =	vld [tilespmem:s18+$0x20];
	[tilespmem:s17+$0xFFFFFFE0] =	vst v3  }
0x20a: {  	s21 =	simm.s32 $0x8480;
	v3 =	vld [tilespmem:s16+$0xFFFFFFF0];
	v6 =	vadd.f32 v7, v6  }
0x20b: {  	s22 =	simm.s32 $0x4480;
	s8 =	simm.s32 $0x580;
	s3 =	simm.s32 $0x0;
	v4 =	vld [tilespmem:s18+$0xFFFFFFF0]  }
.LBB2_11:
0x20c: {  	v7 =	vld [tilespmem:s8+$0x40];
	[tilespmem:s17+$0xFFFFFFA0] =	vst v6;
	s18 =	sadd.s32 $0x100, s18  }
0x20d: {  	v6 =	vld [tilespmem:s18+$0x40];
	v1 =	vadd.f32 v2, v1  }
0x20e: {  	v2 =	vld [tilespmem:s18+$0xFFFFFF80];
	v0 =	vadd.f32 v5, v0  }
0x20f: {  	v5 =	vld [tilespmem:s8+$0xFFFFFFC0];
	[tilespmem:s17+$0x70] =	vst v1  }
0x210: {  	s3 =	sadd.s32 $0x4, s3;
	v1 =	vld [tilespmem:s18+$0xFFFFFFC0];
	v3 =	vadd.f32 v4, v3;
	[tilespmem:s17+$0x20] =	vst v0  }
0x211: {  	p0 =	slt.u32 s3, $0x7C;
	v0 =	vld [tilespmem:s8+$0x0]  }
0x212: {  	v4 =	vld [tilespmem:s18+$0x0];
	v6 =	vadd.f32 v6, v7;
	[tilespmem:s17+$0xFFFFFFF0] =	vst v3  }
0x213: {  	s17 =	sadd.s32 $0x100, s17;
	v3 =	vld [tilespmem:s8+$0xFFFFFF80]  }
0x214: {  	[tilespmem:s17+$0x40] =	vst v6;
	v6 =	vld [tilespmem:s16+$0xFFFFFFB0]  }
0x215: {  	v1 =	vadd.f32 v1, v5;
	v5 =	vld [tilespmem:s8+$0x50]  }
0x216: {  	v7 =	vld [tilespmem:s18+$0x50]  }
0x217: {  	[tilespmem:s17+$0xFFFFFFC0] =	vst v1;
	v0 =	vadd.f32 v4, v0;
	v1 =	vld [tilespmem:s22+$0xFFFFFFB0]  }
0x218: {  	v2 =	vadd.f32 v2, v3;
	v3 =	vld [tilespmem:s8+$0xFFFFFFD0]  }
0x219: {  	v4 =	vld [tilespmem:s18+$0xFFFFFFD0];
	[tilespmem:s17+$0x0] =	vst v0  }
0x21a: {  	[tilespmem:s17+$0xFFFFFF80] =	vst v2;
	v0 =	vld [tilespmem:s8+$0x10]  }
0x21b: {  	v2 =	vld [tilespmem:s8+$0xFFFFFF90];
	v5 =	vadd.f32 v7, v5  }
0x21c: {  	v7 =	vld [tilespmem:s18+$0xFFFFFF90];
	v1 =	vadd.f32 v1, v6  }
0x21d: {  	v6 =	vld [tilespmem:s18+$0x10];
	[tilespmem:s17+$0x50] =	vst v5  }
0x21e: {  	v3 =	vadd.f32 v4, v3;
	v4 =	vld [tilespmem:s8+$0x60];
	[tilespmem:s21+$0xFFFFFFB0] =	vst v1  }
0x21f: {  	v1 =	vld [tilespmem:s18+$0x60]  }
0x220: {  	[tilespmem:s17+$0xFFFFFFD0] =	vst v3;
	v3 =	vld [tilespmem:s16+$0x30];
	s16 =	smov.u32 s8  }
0x221: {  	v2 =	vadd.f32 v7, v2;
	v5 =	vld [tilespmem:s8+$0xFFFFFFE0]  }
0x222: {  	v7 =	vld [tilespmem:s18+$0xFFFFFFE0];
	v0 =	vadd.f32 v6, v0  }
0x223: {  	[tilespmem:s17+$0xFFFFFF90] =	vst v2;
	v6 =	vld [tilespmem:s22+$0x30];
	s22 =	smov.u32 s18  }
0x224: {  	v8 =	vld [tilespmem:s8+$0xFFFFFFA0];
	[tilespmem:s17+$0x10] =	vst v0;
	v1 =	vadd.f32 v1, v4  }
0x225: {  	v4 =	vld [tilespmem:s18+$0xFFFFFFA0]  }
0x226: {  	v0 =	vld [tilespmem:s8+$0x20];
	[tilespmem:s17+$0x60] =	vst v1  }
.Ltmp4:
0x227: {  	v5 =	vadd.f32 v7, v5;
	v1 =	vld [tilespmem:s8+$0x70];
	(pc) =	sbr.rel @p0 .LBB2_11-.Ltmp4, $4  }
0x228: {  	v2 =	vld [tilespmem:s18+$0x70];
	v7 =	vadd.f32 v6, v3  }
0x229: {  	[tilespmem:s17+$0xFFFFFFE0] =	vst v5;
	v5 =	vld [tilespmem:s18+$0x20]  }
0x22a: {  	v6 =	vadd.f32 v4, v8;
	v3 =	vld [tilespmem:s8+$0xFFFFFFF0];
	[tilespmem:s21+$0x30] =	vst v7;
	s21 =	smov.u32 s17  }
0x22b: {  	s8 =	sadd.s32 $0x100, s8;
	v4 =	vld [tilespmem:s18+$0xFFFFFFF0]  }
0x22c: {  	_ =	sdelay $0x1  }
0x22d: {  	[tilespmem:s17+$0xFFFFFFA0] =	vst v6;
	v0 =	vadd.f32 v5, v0  }
0x22e: {  	v5 =	vld [tilespmem:s16+$0xFFFFFFB0]  }
0x22f: {  	[tilespmem:s17+$0x20] =	vst v0;
	v0 =	vld [tilespmem:s22+$0xFFFFFFB0]  }
0x230: {  	v6 =	vld [tilespmem:s16+$0x30]  }
0x231: {  	v7 =	vld [tilespmem:s22+$0x30];
	_ =	sdelay $0x1  }
0x232: {  	v1 =	vadd.f32 v2, v1  }
0x233: {  	v2 =	vadd.f32 v4, v3  }
0x234: {  	[tilespmem:s17+$0x70] =	vst v1;
	v0 =	vadd.f32 v0, v5  }
0x235: {  	[tilespmem:s17+$0xFFFFFFF0] =	vst v2;
	v1 =	vadd.f32 v7, v6  }
0x236: {  	[tilespmem:s21+$0xFFFFFFB0] =	vst v0  }
0x237: {  	[tilespmem:s21+$0x30] =	vst v1  }
0x238: {  	_ =	swait.ge [sflag:s20], $0x80  }
0x239: {  	[sflag:s20] =	ssyncset.done $0x0  }
0x23a: {  	[sflag:s20] =	ssyncadd.s32 $0xFFFFFF80  }
0x23b: {  	_ =	swait.ge [sflag:s20], $0x80  }
0x23c: {  	s3 =	simm.s32 $0x100;
	[sflag:s20] =	ssyncset.done $0x0  }
0x23d: {  	s8 =	simm.s32 $0x400;
	s21 =	rddreg [dreg:$0x19];
	[sflag:s20] =	ssyncadd.s32 $0xFFFFFF80  }
0x23e: {  	[tilespmem:s8], [sflag:$0x5] =	stream.indirect.gather [hbm4b:s7+s13], $0x40, s3, s13, $0xb8;
	[tilespmem:$0x16040] =	vst v63  }
0x23f: {  	s3 =	sadd.s32 s15, s21  }
0x240: {  	s18 =	simm.s32 $0x4400;
	s17 =	simm.s32 $0x300;
	s3 =	sshll.u32 s3, $0x3  }
0x241: {  	[tilespmem:s18], [sflag:$0x7] =	stream.indirect.gather [spmem:s2], $0x40, s17, s13, $0xb8;
	[tilespmem:$0x16040] =	vst v63  }
0x242: {  	s3 =	sand.u32 $0x1FFFF000, s3  }
0x243: {  	s3 =	sadd.s32 s1, s3  }
0x244: {  	[hbm4b:s3+s4] =	stream.linear.scatter [tilespmem:s11], [sflag:$0x9], $0x2000, $0x38;
	[tilespmem:$0x16040] =	vst v63  }
0x245: {  	_ =	swait.ge [sflag:s23], $0x2000  }
0x246: {  	[sflag:s23] =	ssyncset.done $0x0;
	s22 =	rddreg [dreg:$0x16]  }
0x247: {  	[sflag:s23] =	ssyncadd.s32 $0xFFFFE000;
	s3 =	sadd.s32 s31, s22  }
0x248: {  	_ =	swait.ge [sflag:s24], $0x2000;
	s3 =	smin.u32 s3, $0x18FF  }
0x249: {  	[sflag:s24] =	ssyncset.done $0x0;
	s3 =	sshll.u32 s3, $0x4  }
0x24a: {  	[sflag:s24] =	ssyncadd.s32 $0xFFFFE000;
	s31 =	sadd.s32 s5, s3  }
0x24b: {  	[tilespmem:s13], [sflag:$0x2] =	stream.linear.gather [hbm4b:s31+s4], $0x80, $0x38;
	[tilespmem:$0x16040] =	vst v63  }
0x24c: {  	s3 =	sadd.s32 s6, s3  }
0x24d: {  	[tilespmem:s14], [sflag:$0x2] =	stream.linear.gather [hbm4b:s3+s4], $0x80, $0x38;
	[tilespmem:$0x16040] =	vst v63  }
0x24e: {  	_ =	swait.ge [sflag:s29], $0x2000  }
0x24f: {  	[sflag:s29] =	ssyncset.done $0x0  }
0x250: {  	s16 =	simm.s32 $0x24F0;
	[sflag:s29] =	ssyncadd.s32 $0xFFFFE000  }
0x251: {  	s18 =	simm.s32 $0x64F0;
	v0 =	vld [tilespmem:s16+$0xFFFFFFD0]  }
0x252: {  	v1 =	vld [tilespmem:s18+$0xFFFFFFD0]  }
0x253: {  	v2 =	vld [tilespmem:s18+$0xFFFFFF10]  }
0x254: {  	v3 =	vld [tilespmem:s16+$0xFFFFFF50]  }
0x255: {  	v4 =	vld [tilespmem:s18+$0xFFFFFF50]  }
0x256: {  	v5 =	vld [tilespmem:s16+$0xFFFFFF90]  }
0x257: {  	v6 =	vld [tilespmem:s18+$0xFFFFFF90];
	v0 =	vadd.f32 v1, v0  }
0x258: {  	s17 =	simm.s32 $0xA4F0;
	v1 =	vld [tilespmem:s16+$0xFFFFFF10]  }
0x259: {  	[tilespmem:s17+$0xFFFFFFD0] =	vst v0  }
0x25a: {  	v0 =	vadd.f32 v4, v3;
	v3 =	vld [tilespmem:s16+$0xFFFFFFE0]  }
0x25b: {  	v4 =	vld [tilespmem:s18+$0xFFFFFFE0]  }
0x25c: {  	[tilespmem:s17+$0xFFFFFF50] =	vst v0;
	v0 =	vadd.f32 v6, v5  }
0x25d: {  	v1 =	vadd.f32 v2, v1;
	v2 =	vld [tilespmem:s16+$0xFFFFFF60]  }
0x25e: {  	v5 =	vld [tilespmem:s18+$0xFFFFFF60];
	[tilespmem:s17+$0xFFFFFF90] =	vst v0  }
0x25f: {  	[tilespmem:s17+$0xFFFFFF10] =	vst v1;
	v0 =	vld [tilespmem:s16+$0xFFFFFFA0]  }
0x260: {  	v1 =	vld [tilespmem:s16+$0xFFFFFF20];
	v3 =	vadd.f32 v4, v3  }
0x261: {  	v4 =	vld [tilespmem:s18+$0xFFFFFF20]  }
0x262: {  	v6 =	vld [tilespmem:s18+$0xFFFFFFA0];
	[tilespmem:s17+$0xFFFFFFE0] =	vst v3  }
0x263: {  	v2 =	vadd.f32 v5, v2;
	v3 =	vld [tilespmem:s16+$0xFFFFFFF0]  }
0x264: {  	v5 =	vld [tilespmem:s18+$0xFFFFFFF0]  }
0x265: {  	[tilespmem:s17+$0xFFFFFF60] =	vst v2  }
0x266: {  	v1 =	vadd.f32 v4, v1;
	v2 =	vld [tilespmem:s16+$0xFFFFFF70]  }
0x267: {  	v4 =	vld [tilespmem:s18+$0xFFFFFF70]  }
0x268: {  	v0 =	vadd.f32 v6, v0;
	[tilespmem:s17+$0xFFFFFF20] =	vst v1  }
0x269: {  	v6 =	vld [tilespmem:s16+$0xFFFFFF30];
	v1 =	vadd.f32 v5, v3  }
0x26a: {  	[tilespmem:s17+$0xFFFFFFA0] =	vst v0;
	v7 =	vld [tilespmem:s18+$0xFFFFFF30]  }
0x26b: {  	v0 =	vld [tilespmem:s16+$0xFFFFFFB0];
	[tilespmem:s17+$0xFFFFFFF0] =	vst v1  }
0x26c: {  	v3 =	vadd.f32 v4, v2;
	v1 =	vld [tilespmem:s16+$0x0]  }
0x26d: {  	v2 =	vld [tilespmem:s18+$0x0]  }
0x26e: {  	v5 =	vld [tilespmem:s18+$0xFFFFFFB0];
	[tilespmem:s17+$0xFFFFFF70] =	vst v3  }
0x26f: {  	s8 =	simm.s32 $0x25F0;
	v3 =	vld [tilespmem:s16+$0xFFFFFF80];
	v6 =	vadd.f32 v7, v6  }
0x270: {  	s21 =	simm.s32 $0xA4F0;
	s22 =	simm.s32 $0x64F0;
	s3 =	simm.s32 $0x0;
	v4 =	vld [tilespmem:s18+$0xFFFFFF80]  }
.LBB2_13:
0x271: {  	v7 =	vld [tilespmem:s8+$0xFFFFFFD0];
	[tilespmem:s17+$0xFFFFFF30] =	vst v6;
	s18 =	sadd.s32 $0x100, s18  }
0x272: {  	v6 =	vld [tilespmem:s18+$0xFFFFFFD0];
	v1 =	vadd.f32 v2, v1  }
0x273: {  	v2 =	vld [tilespmem:s18+$0xFFFFFF10];
	v0 =	vadd.f32 v5, v0  }
0x274: {  	v5 =	vld [tilespmem:s8+$0xFFFFFF50];
	[tilespmem:s17+$0x0] =	vst v1  }
0x275: {  	s3 =	sadd.s32 $0x4, s3;
	v1 =	vld [tilespmem:s18+$0xFFFFFF50];
	v3 =	vadd.f32 v4, v3;
	[tilespmem:s17+$0xFFFFFFB0] =	vst v0  }
0x276: {  	p0 =	slt.u32 s3, $0x7C;
	v0 =	vld [tilespmem:s8+$0xFFFFFF90]  }
0x277: {  	v4 =	vld [tilespmem:s18+$0xFFFFFF90];
	v6 =	vadd.f32 v6, v7;
	[tilespmem:s17+$0xFFFFFF80] =	vst v3  }
0x278: {  	s17 =	sadd.s32 $0x100, s17;
	v3 =	vld [tilespmem:s8+$0xFFFFFF10]  }
0x279: {  	[tilespmem:s17+$0xFFFFFFD0] =	vst v6;
	v6 =	vld [tilespmem:s16+$0xFFFFFF40]  }
0x27a: {  	v1 =	vadd.f32 v1, v5;
	v5 =	vld [tilespmem:s8+$0xFFFFFFE0]  }
0x27b: {  	v7 =	vld [tilespmem:s18+$0xFFFFFFE0]  }
0x27c: {  	[tilespmem:s17+$0xFFFFFF50] =	vst v1;
	v0 =	vadd.f32 v4, v0;
	v1 =	vld [tilespmem:s22+$0xFFFFFF40]  }
0x27d: {  	v2 =	vadd.f32 v2, v3;
	v3 =	vld [tilespmem:s8+$0xFFFFFF60]  }
0x27e: {  	v4 =	vld [tilespmem:s18+$0xFFFFFF60];
	[tilespmem:s17+$0xFFFFFF90] =	vst v0  }
0x27f: {  	[tilespmem:s17+$0xFFFFFF10] =	vst v2;
	v0 =	vld [tilespmem:s8+$0xFFFFFFA0]  }
0x280: {  	v2 =	vld [tilespmem:s8+$0xFFFFFF20];
	v5 =	vadd.f32 v7, v5  }
0x281: {  	v7 =	vld [tilespmem:s18+$0xFFFFFF20];
	v1 =	vadd.f32 v1, v6  }
0x282: {  	v6 =	vld [tilespmem:s18+$0xFFFFFFA0];
	[tilespmem:s17+$0xFFFFFFE0] =	vst v5  }
0x283: {  	v3 =	vadd.f32 v4, v3;
	v4 =	vld [tilespmem:s8+$0xFFFFFFF0];
	[tilespmem:s21+$0xFFFFFF40] =	vst v1  }
0x284: {  	v1 =	vld [tilespmem:s18+$0xFFFFFFF0]  }
0x285: {  	[tilespmem:s17+$0xFFFFFF60] =	vst v3;
	v3 =	vld [tilespmem:s16+$0xFFFFFFC0];
	s16 =	smov.u32 s8  }
0x286: {  	v2 =	vadd.f32 v7, v2;
	v5 =	vld [tilespmem:s8+$0xFFFFFF70]  }
0x287: {  	v7 =	vld [tilespmem:s18+$0xFFFFFF70];
	v0 =	vadd.f32 v6, v0  }
0x288: {  	[tilespmem:s17+$0xFFFFFF20] =	vst v2;
	v6 =	vld [tilespmem:s22+$0xFFFFFFC0];
	s22 =	smov.u32 s18  }
0x289: {  	v8 =	vld [tilespmem:s8+$0xFFFFFF30];
	[tilespmem:s17+$0xFFFFFFA0] =	vst v0;
	v1 =	vadd.f32 v1, v4  }
0x28a: {  	v4 =	vld [tilespmem:s18+$0xFFFFFF30]  }
0x28b: {  	v0 =	vld [tilespmem:s8+$0xFFFFFFB0];
	[tilespmem:s17+$0xFFFFFFF0] =	vst v1  }
.Ltmp5:
0x28c: {  	v5 =	vadd.f32 v7, v5;
	v1 =	vld [tilespmem:s8+$0x0];
	(pc) =	sbr.rel @p0 .LBB2_13-.Ltmp5, $4  }
0x28d: {  	v2 =	vld [tilespmem:s18+$0x0];
	v7 =	vadd.f32 v6, v3  }
0x28e: {  	[tilespmem:s17+$0xFFFFFF70] =	vst v5;
	v5 =	vld [tilespmem:s18+$0xFFFFFFB0]  }
0x28f: {  	v6 =	vadd.f32 v4, v8;
	v3 =	vld [tilespmem:s8+$0xFFFFFF80];
	[tilespmem:s21+$0xFFFFFFC0] =	vst v7;
	s21 =	smov.u32 s17  }
0x290: {  	s8 =	sadd.s32 $0x100, s8;
	v4 =	vld [tilespmem:s18+$0xFFFFFF80]  }
0x291: {  	_ =	sdelay $0x1  }
0x292: {  	[tilespmem:s17+$0xFFFFFF30] =	vst v6;
	v0 =	vadd.f32 v5, v0  }
0x293: {  	v59 =	vld [tilespmem:s16+$0xFFFFFF40]  }
0x294: {  	v60 =	vld [tilespmem:s22+$0xFFFFFF40];
	[tilespmem:s17+$0xFFFFFFB0] =	vst v0  }
0x295: {  	v61 =	vld [tilespmem:s16+$0xFFFFFFC0]  }
0x296: {  	v7 =	vld [tilespmem:s22+$0xFFFFFFC0];
	_ =	sdelay $0x1  }
0x297: {  	v1 =	vadd.f32 v2, v1  }
0x298: {  	v62 =	vadd.f32 v4, v3  }
0x299: {  	[tilespmem:s17+$0x0] =	vst v1;
	v0 =	vadd.f32 v60, v59  }
0x29a: {  	[tilespmem:s17+$0xFFFFFF80] =	vst v62;
	v63 =	vadd.f32 v7, v61  }
0x29b: {  	[tilespmem:s21+$0xFFFFFF40] =	vst v0  }
0x29c: {  	[tilespmem:s21+$0xFFFFFFC0] =	vst v63  }
0x29d: {  	_ =	swait.ge [sflag:s25], $0x80  }
0x29e: {  	[sflag:s25] =	ssyncset.done $0x0  }
0x29f: {  	[sflag:s25] =	ssyncadd.s32 $0xFFFFFF80  }
0x2a0: {  	_ =	swait.ge [sflag:s25], $0x80  }
0x2a1: {  	s3 =	simm.s32 $0x180;
	s8 =	simm.s32 $0x2400;
	[sflag:s25] =	ssyncset.done $0x0  }
0x2a2: {  	s30 =	sadd.s32 $0x1, s30;
	s31 =	rddreg [dreg:$0x1a];
	[sflag:s25] =	ssyncadd.s32 $0xFFFFFF80  }
0x2a3: {  	[tilespmem:s8], [sflag:$0x6] =	stream.indirect.gather [hbm4b:s7+s13], $0x40, s3, s13, $0xb8;
	[tilespmem:$0x16040] =	vst v63  }
0x2a4: {  	p0 =	sne.s32 s30, $0x31;
	s22 =	simm.s32 $0x6400;
	s3 =	sadd.s32 s15, s31  }
.Ltmp6:
0x2a5: {  	s21 =	simm.s32 $0x380;
	s3 =	sshll.u32 s3, $0x3;
	(pc) =	sbr.rel @p0 .LBB2_6-.Ltmp6, $4  }
0x2a6: {  	[tilespmem:s22], [sflag:$0x8] =	stream.indirect.gather [spmem:s2], $0x40, s21, s13, $0xb8;
	[tilespmem:$0x16040] =	vst v63  }
0x2a7: {  	s3 =	sand.u32 $0x1FFFF400, s3  }
0x2a8: {  	s3 =	sadd.s32 s1, s3  }
0x2a9: {  	[hbm4b:s3+s4] =	stream.linear.scatter [tilespmem:s26], [sflag:$0xA], $0x2000, $0x38;
	[tilespmem:$0x16040] =	vst v63  }
0x2aa: {  	_ =	swait.ge [sflag:s9], $0x2000  }
0x2ab: {  	[sflag:s9] =	ssyncset.done $0x0  }
0x2ac: {  	[sflag:s9] =	ssyncadd.s32 $0xFFFFE000  }
0x2ad: {  	_ =	swait.ge [sflag:s10], $0x2000  }
0x2ae: {  	[sflag:s10] =	ssyncset.done $0x0  }
0x2af: {  	[sflag:s10] =	ssyncadd.s32 $0xFFFFE000  }
0x2b0: {  	_ =	swait.ge [sflag:s28], $0x2000  }
0x2b1: {  	[sflag:s28] =	ssyncset.done $0x0  }
0x2b2: {  	s15 =	simm.s32 $0x480;
	[sflag:s28] =	ssyncadd.s32 $0xFFFFE000  }
0x2b3: {  	s17 =	simm.s32 $0x4480;
	v0 =	vld [tilespmem:s15+$0x40]  }
0x2b4: {  	v1 =	vld [tilespmem:s17+$0x40]  }
0x2b5: {  	v2 =	vld [tilespmem:s17+$0xFFFFFF80]  }
0x2b6: {  	v3 =	vld [tilespmem:s15+$0xFFFFFFC0]  }
0x2b7: {  	v4 =	vld [tilespmem:s17+$0xFFFFFFC0]  }
0x2b8: {  	v5 =	vld [tilespmem:s15+$0x0]  }
0x2b9: {  	v6 =	vld [tilespmem:s17+$0x0];
	v0 =	vadd.f32 v1, v0  }
0x2ba: {  	s16 =	simm.s32 $0x8480;
	v1 =	vld [tilespmem:s15+$0xFFFFFF80]  }
0x2bb: {  	[tilespmem:s16+$0x40] =	vst v0  }
0x2bc: {  	v0 =	vadd.f32 v4, v3;
	v3 =	vld [tilespmem:s15+$0x50]  }
0x2bd: {  	v4 =	vld [tilespmem:s17+$0x50]  }
0x2be: {  	[tilespmem:s16+$0xFFFFFFC0] =	vst v0;
	v0 =	vadd.f32 v6, v5  }
0x2bf: {  	v1 =	vadd.f32 v2, v1;
	v2 =	vld [tilespmem:s15+$0xFFFFFFD0]  }
0x2c0: {  	v5 =	vld [tilespmem:s17+$0xFFFFFFD0];
	[tilespmem:s16+$0x0] =	vst v0  }
0x2c1: {  	[tilespmem:s16+$0xFFFFFF80] =	vst v1;
	v0 =	vld [tilespmem:s15+$0x10]  }
0x2c2: {  	v1 =	vld [tilespmem:s15+$0xFFFFFF90];
	v3 =	vadd.f32 v4, v3  }
0x2c3: {  	v4 =	vld [tilespmem:s17+$0xFFFFFF90]  }
0x2c4: {  	v6 =	vld [tilespmem:s17+$0x10];
	[tilespmem:s16+$0x50] =	vst v3  }
0x2c5: {  	v2 =	vadd.f32 v5, v2;
	v3 =	vld [tilespmem:s15+$0x60]  }
0x2c6: {  	v5 =	vld [tilespmem:s17+$0x60]  }
0x2c7: {  	[tilespmem:s16+$0xFFFFFFD0] =	vst v2  }
0x2c8: {  	v1 =	vadd.f32 v4, v1;
	v2 =	vld [tilespmem:s15+$0xFFFFFFE0]  }
0x2c9: {  	v4 =	vld [tilespmem:s17+$0xFFFFFFE0]  }
0x2ca: {  	v0 =	vadd.f32 v6, v0;
	[tilespmem:s16+$0xFFFFFF90] =	vst v1  }
0x2cb: {  	v6 =	vld [tilespmem:s15+$0xFFFFFFA0];
	v1 =	vadd.f32 v5, v3  }
0x2cc: {  	[tilespmem:s16+$0x10] =	vst v0;
	v7 =	vld [tilespmem:s17+$0xFFFFFFA0]  }
0x2cd: {  	v0 =	vld [tilespmem:s15+$0x20];
	[tilespmem:s16+$0x60] =	vst v1  }
0x2ce: {  	v3 =	vadd.f32 v4, v2;
	v1 =	vld [tilespmem:s15+$0x70]  }
0x2cf: {  	v2 =	vld [tilespmem:s17+$0x70]  }
0x2d0: {  	v5 =	vld [tilespmem:s17+$0x20];
	[tilespmem:s16+$0xFFFFFFE0] =	vst v3  }
0x2d1: {  	s3 =	simm.s32 $0x0;
	v3 =	vld [tilespmem:s15+$0xFFFFFFF0];
	v6 =	vadd.f32 v7, v6  }
0x2d2: {  	s8 =	simm.s32 $0x580;
	s21 =	simm.s32 $0x4480;
	s18 =	simm.s32 $0x8480;
	v4 =	vld [tilespmem:s17+$0xFFFFFFF0]  }
.LBB2_16:
0x2d3: {  	v7 =	vld [tilespmem:s8+$0x40];
	[tilespmem:s16+$0xFFFFFFA0] =	vst v6;
	s17 =	sadd.s32 $0x100, s17  }
0x2d4: {  	v6 =	vld [tilespmem:s17+$0x40];
	v1 =	vadd.f32 v2, v1  }
0x2d5: {  	v2 =	vld [tilespmem:s17+$0xFFFFFF80];
	v0 =	vadd.f32 v5, v0  }
0x2d6: {  	v5 =	vld [tilespmem:s8+$0xFFFFFFC0];
	[tilespmem:s16+$0x70] =	vst v1  }
0x2d7: {  	s3 =	sadd.s32 $0x4, s3;
	v1 =	vld [tilespmem:s17+$0xFFFFFFC0];
	v3 =	vadd.f32 v4, v3;
	[tilespmem:s16+$0x20] =	vst v0  }
0x2d8: {  	p0 =	slt.u32 s3, $0x7C;
	v0 =	vld [tilespmem:s8+$0x0]  }
0x2d9: {  	v4 =	vld [tilespmem:s17+$0x0];
	v6 =	vadd.f32 v6, v7;
	[tilespmem:s16+$0xFFFFFFF0] =	vst v3  }
0x2da: {  	s16 =	sadd.s32 $0x100, s16;
	v3 =	vld [tilespmem:s8+$0xFFFFFF80]  }
0x2db: {  	[tilespmem:s16+$0x40] =	vst v6;
	v6 =	vld [tilespmem:s15+$0xFFFFFFB0]  }
0x2dc: {  	v1 =	vadd.f32 v1, v5;
	v5 =	vld [tilespmem:s8+$0x50]  }
0x2dd: {  	v7 =	vld [tilespmem:s17+$0x50]  }
0x2de: {  	[tilespmem:s16+$0xFFFFFFC0] =	vst v1;
	v0 =	vadd.f32 v4, v0;
	v1 =	vld [tilespmem:s21+$0xFFFFFFB0]  }
0x2df: {  	v2 =	vadd.f32 v2, v3;
	v3 =	vld [tilespmem:s8+$0xFFFFFFD0]  }
0x2e0: {  	v4 =	vld [tilespmem:s17+$0xFFFFFFD0];
	[tilespmem:s16+$0x0] =	vst v0  }
0x2e1: {  	[tilespmem:s16+$0xFFFFFF80] =	vst v2;
	v0 =	vld [tilespmem:s8+$0x10]  }
0x2e2: {  	v2 =	vld [tilespmem:s8+$0xFFFFFF90];
	v5 =	vadd.f32 v7, v5  }
0x2e3: {  	v7 =	vld [tilespmem:s17+$0xFFFFFF90];
	v1 =	vadd.f32 v1, v6  }
0x2e4: {  	v6 =	vld [tilespmem:s17+$0x10];
	[tilespmem:s16+$0x50] =	vst v5  }
0x2e5: {  	v3 =	vadd.f32 v4, v3;
	v4 =	vld [tilespmem:s8+$0x60];
	[tilespmem:s18+$0xFFFFFFB0] =	vst v1  }
0x2e6: {  	v1 =	vld [tilespmem:s17+$0x60]  }
0x2e7: {  	[tilespmem:s16+$0xFFFFFFD0] =	vst v3;
	v3 =	vld [tilespmem:s15+$0x30];
	s15 =	smov.u32 s8  }
0x2e8: {  	v2 =	vadd.f32 v7, v2;
	v5 =	vld [tilespmem:s8+$0xFFFFFFE0]  }
0x2e9: {  	v7 =	vld [tilespmem:s17+$0xFFFFFFE0];
	v0 =	vadd.f32 v6, v0  }
0x2ea: {  	[tilespmem:s16+$0xFFFFFF90] =	vst v2;
	v6 =	vld [tilespmem:s21+$0x30];
	s21 =	smov.u32 s17  }
0x2eb: {  	v8 =	vld [tilespmem:s8+$0xFFFFFFA0];
	[tilespmem:s16+$0x10] =	vst v0;
	v1 =	vadd.f32 v1, v4  }
0x2ec: {  	v4 =	vld [tilespmem:s17+$0xFFFFFFA0]  }
0x2ed: {  	v0 =	vld [tilespmem:s8+$0x20];
	[tilespmem:s16+$0x60] =	vst v1  }
.Ltmp7:
0x2ee: {  	v5 =	vadd.f32 v7, v5;
	v1 =	vld [tilespmem:s8+$0x70];
	(pc) =	sbr.rel @p0 .LBB2_16-.Ltmp7, $4  }
0x2ef: {  	v2 =	vld [tilespmem:s17+$0x70];
	v7 =	vadd.f32 v6, v3  }
0x2f0: {  	[tilespmem:s16+$0xFFFFFFE0] =	vst v5;
	v5 =	vld [tilespmem:s17+$0x20]  }
0x2f1: {  	v6 =	vadd.f32 v4, v8;
	v3 =	vld [tilespmem:s8+$0xFFFFFFF0];
	[tilespmem:s18+$0x30] =	vst v7;
	s18 =	smov.u32 s16  }
0x2f2: {  	s8 =	sadd.s32 $0x100, s8;
	v4 =	vld [tilespmem:s17+$0xFFFFFFF0]  }
0x2f3: {  	_ =	sdelay $0x1  }
0x2f4: {  	[tilespmem:s16+$0xFFFFFFA0] =	vst v6;
	v0 =	vadd.f32 v5, v0  }
0x2f5: {  	v5 =	vld [tilespmem:s15+$0xFFFFFFB0]  }
0x2f6: {  	[tilespmem:s16+$0x20] =	vst v0;
	v0 =	vld [tilespmem:s21+$0xFFFFFFB0]  }
0x2f7: {  	v6 =	vld [tilespmem:s15+$0x30]  }
0x2f8: {  	v7 =	vld [tilespmem:s21+$0x30];
	_ =	sdelay $0x1  }
0x2f9: {  	v1 =	vadd.f32 v2, v1  }
0x2fa: {  	v2 =	vadd.f32 v4, v3  }
0x2fb: {  	[tilespmem:s16+$0x70] =	vst v1;
	v0 =	vadd.f32 v0, v5  }
0x2fc: {  	[tilespmem:s16+$0xFFFFFFF0] =	vst v2;
	v1 =	vadd.f32 v7, v6  }
0x2fd: {  	[tilespmem:s18+$0xFFFFFFB0] =	vst v0  }
0x2fe: {  	[tilespmem:s18+$0x30] =	vst v1  }
0x2ff: {  	s3 =	rddreg [dreg:$0x1b]  }
0x300: {  	[hbm4b:s3+s4] =	stream.linear.scatter [tilespmem:s11], [sflag:$0x9], $0x2000, $0x38;
	[tilespmem:$0x16040] =	vst v63  }
0x301: {  	_ =	swait.ge [sflag:s23], $0x2000  }
0x302: {  	[sflag:s23] =	ssyncset.done $0x0  }
0x303: {  	[sflag:s23] =	ssyncadd.s32 $0xFFFFE000  }
0x304: {  	_ =	swait.ge [sflag:s24], $0x2000  }
0x305: {  	[sflag:s24] =	ssyncset.done $0x0  }
0x306: {  	[sflag:s24] =	ssyncadd.s32 $0xFFFFE000  }
0x307: {  	_ =	swait.ge [sflag:s29], $0x2000  }
0x308: {  	[sflag:s29] =	ssyncset.done $0x0  }
0x309: {  	s15 =	simm.s32 $0x24F0;
	[sflag:s29] =	ssyncadd.s32 $0xFFFFE000  }
0x30a: {  	s17 =	simm.s32 $0x64F0;
	v0 =	vld [tilespmem:s15+$0xFFFFFFD0]  }
0x30b: {  	v1 =	vld [tilespmem:s17+$0xFFFFFFD0]  }
0x30c: {  	v2 =	vld [tilespmem:s17+$0xFFFFFF10]  }
0x30d: {  	v3 =	vld [tilespmem:s15+$0xFFFFFF50]  }
0x30e: {  	v4 =	vld [tilespmem:s17+$0xFFFFFF50]  }
0x30f: {  	v5 =	vld [tilespmem:s15+$0xFFFFFF90]  }
0x310: {  	v6 =	vld [tilespmem:s17+$0xFFFFFF90];
	v0 =	vadd.f32 v1, v0  }
0x311: {  	s16 =	simm.s32 $0xA4F0;
	v1 =	vld [tilespmem:s15+$0xFFFFFF10]  }
0x312: {  	[tilespmem:s16+$0xFFFFFFD0] =	vst v0  }
0x313: {  	v0 =	vadd.f32 v4, v3;
	v3 =	vld [tilespmem:s15+$0xFFFFFFE0]  }
0x314: {  	v4 =	vld [tilespmem:s17+$0xFFFFFFE0]  }
0x315: {  	[tilespmem:s16+$0xFFFFFF50] =	vst v0;
	v0 =	vadd.f32 v6, v5  }
0x316: {  	v1 =	vadd.f32 v2, v1;
	v2 =	vld [tilespmem:s15+$0xFFFFFF60]  }
0x317: {  	v5 =	vld [tilespmem:s17+$0xFFFFFF60];
	[tilespmem:s16+$0xFFFFFF90] =	vst v0  }
0x318: {  	[tilespmem:s16+$0xFFFFFF10] =	vst v1;
	v0 =	vld [tilespmem:s15+$0xFFFFFFA0]  }
0x319: {  	v1 =	vld [tilespmem:s15+$0xFFFFFF20];
	v3 =	vadd.f32 v4, v3  }
0x31a: {  	v4 =	vld [tilespmem:s17+$0xFFFFFF20]  }
0x31b: {  	v6 =	vld [tilespmem:s17+$0xFFFFFFA0];
	[tilespmem:s16+$0xFFFFFFE0] =	vst v3  }
0x31c: {  	v2 =	vadd.f32 v5, v2;
	v3 =	vld [tilespmem:s15+$0xFFFFFFF0]  }
0x31d: {  	v5 =	vld [tilespmem:s17+$0xFFFFFFF0]  }
0x31e: {  	[tilespmem:s16+$0xFFFFFF60] =	vst v2  }
0x31f: {  	v1 =	vadd.f32 v4, v1;
	v2 =	vld [tilespmem:s15+$0xFFFFFF70]  }
0x320: {  	v4 =	vld [tilespmem:s17+$0xFFFFFF70]  }
0x321: {  	v0 =	vadd.f32 v6, v0;
	[tilespmem:s16+$0xFFFFFF20] =	vst v1  }
0x322: {  	v6 =	vld [tilespmem:s15+$0xFFFFFF30];
	v1 =	vadd.f32 v5, v3  }
0x323: {  	[tilespmem:s16+$0xFFFFFFA0] =	vst v0;
	v7 =	vld [tilespmem:s17+$0xFFFFFF30]  }
0x324: {  	v0 =	vld [tilespmem:s15+$0xFFFFFFB0];
	[tilespmem:s16+$0xFFFFFFF0] =	vst v1  }
0x325: {  	v3 =	vadd.f32 v4, v2;
	v1 =	vld [tilespmem:s15+$0x0]  }
0x326: {  	v2 =	vld [tilespmem:s17+$0x0]  }
0x327: {  	v5 =	vld [tilespmem:s17+$0xFFFFFFB0];
	[tilespmem:s16+$0xFFFFFF70] =	vst v3  }
0x328: {  	s8 =	simm.s32 $0x25F0;
	v3 =	vld [tilespmem:s15+$0xFFFFFF80];
	v6 =	vadd.f32 v7, v6  }
0x329: {  	s21 =	simm.s32 $0x64F0;
	s18 =	simm.s32 $0xA4F0;
	s3 =	simm.s32 $0x0;
	v4 =	vld [tilespmem:s17+$0xFFFFFF80]  }
.LBB2_18:
0x32a: {  	v7 =	vld [tilespmem:s8+$0xFFFFFFD0];
	[tilespmem:s16+$0xFFFFFF30] =	vst v6;
	s17 =	sadd.s32 $0x100, s17  }
0x32b: {  	v6 =	vld [tilespmem:s17+$0xFFFFFFD0];
	v1 =	vadd.f32 v2, v1  }
0x32c: {  	v2 =	vld [tilespmem:s17+$0xFFFFFF10];
	v0 =	vadd.f32 v5, v0  }
0x32d: {  	v5 =	vld [tilespmem:s8+$0xFFFFFF50];
	[tilespmem:s16+$0x0] =	vst v1  }
0x32e: {  	s3 =	sadd.s32 $0x4, s3;
	v1 =	vld [tilespmem:s17+$0xFFFFFF50];
	v3 =	vadd.f32 v4, v3;
	[tilespmem:s16+$0xFFFFFFB0] =	vst v0  }
0x32f: {  	p0 =	slt.u32 s3, $0x7C;
	v0 =	vld [tilespmem:s8+$0xFFFFFF90]  }
0x330: {  	v4 =	vld [tilespmem:s17+$0xFFFFFF90];
	v6 =	vadd.f32 v6, v7;
	[tilespmem:s16+$0xFFFFFF80] =	vst v3  }
0x331: {  	s16 =	sadd.s32 $0x100, s16;
	v3 =	vld [tilespmem:s8+$0xFFFFFF10]  }
0x332: {  	[tilespmem:s16+$0xFFFFFFD0] =	vst v6;
	v6 =	vld [tilespmem:s15+$0xFFFFFF40]  }
0x333: {  	v1 =	vadd.f32 v1, v5;
	v5 =	vld [tilespmem:s8+$0xFFFFFFE0]  }
0x334: {  	v7 =	vld [tilespmem:s17+$0xFFFFFFE0]  }
0x335: {  	[tilespmem:s16+$0xFFFFFF50] =	vst v1;
	v0 =	vadd.f32 v4, v0;
	v1 =	vld [tilespmem:s21+$0xFFFFFF40]  }
0x336: {  	v2 =	vadd.f32 v2, v3;
	v3 =	vld [tilespmem:s8+$0xFFFFFF60]  }
0x337: {  	v4 =	vld [tilespmem:s17+$0xFFFFFF60];
	[tilespmem:s16+$0xFFFFFF90] =	vst v0  }
0x338: {  	[tilespmem:s16+$0xFFFFFF10] =	vst v2;
	v0 =	vld [tilespmem:s8+$0xFFFFFFA0]  }
0x339: {  	v2 =	vld [tilespmem:s8+$0xFFFFFF20];
	v5 =	vadd.f32 v7, v5  }
0x33a: {  	v7 =	vld [tilespmem:s17+$0xFFFFFF20];
	v1 =	vadd.f32 v1, v6  }
0x33b: {  	v6 =	vld [tilespmem:s17+$0xFFFFFFA0];
	[tilespmem:s16+$0xFFFFFFE0] =	vst v5  }
0x33c: {  	v3 =	vadd.f32 v4, v3;
	v4 =	vld [tilespmem:s8+$0xFFFFFFF0];
	[tilespmem:s18+$0xFFFFFF40] =	vst v1  }
0x33d: {  	v1 =	vld [tilespmem:s17+$0xFFFFFFF0]  }
0x33e: {  	[tilespmem:s16+$0xFFFFFF60] =	vst v3;
	v3 =	vld [tilespmem:s15+$0xFFFFFFC0];
	s15 =	smov.u32 s8  }
0x33f: {  	v2 =	vadd.f32 v7, v2;
	v5 =	vld [tilespmem:s8+$0xFFFFFF70]  }
0x340: {  	v7 =	vld [tilespmem:s17+$0xFFFFFF70];
	v0 =	vadd.f32 v6, v0  }
0x341: {  	[tilespmem:s16+$0xFFFFFF20] =	vst v2;
	v6 =	vld [tilespmem:s21+$0xFFFFFFC0];
	s21 =	smov.u32 s17  }
0x342: {  	v8 =	vld [tilespmem:s8+$0xFFFFFF30];
	[tilespmem:s16+$0xFFFFFFA0] =	vst v0;
	v1 =	vadd.f32 v1, v4  }
0x343: {  	v4 =	vld [tilespmem:s17+$0xFFFFFF30]  }
0x344: {  	v0 =	vld [tilespmem:s8+$0xFFFFFFB0];
	[tilespmem:s16+$0xFFFFFFF0] =	vst v1  }
.Ltmp8:
0x345: {  	v5 =	vadd.f32 v7, v5;
	v1 =	vld [tilespmem:s8+$0x0];
	(pc) =	sbr.rel @p0 .LBB2_18-.Ltmp8, $4  }
0x346: {  	v2 =	vld [tilespmem:s17+$0x0];
	v7 =	vadd.f32 v6, v3  }
0x347: {  	[tilespmem:s16+$0xFFFFFF70] =	vst v5;
	v5 =	vld [tilespmem:s17+$0xFFFFFFB0]  }
0x348: {  	v6 =	vadd.f32 v4, v8;
	v3 =	vld [tilespmem:s8+$0xFFFFFF80];
	[tilespmem:s18+$0xFFFFFFC0] =	vst v7;
	s18 =	smov.u32 s16  }
0x349: {  	s8 =	sadd.s32 $0x100, s8;
	v4 =	vld [tilespmem:s17+$0xFFFFFF80]  }
0x34a: {  	_ =	sdelay $0x1  }
0x34b: {  	[tilespmem:s16+$0xFFFFFF30] =	vst v6;
	v0 =	vadd.f32 v5, v0  }
0x34c: {  	v59 =	vld [tilespmem:s15+$0xFFFFFF40]  }
0x34d: {  	v60 =	vld [tilespmem:s21+$0xFFFFFF40];
	[tilespmem:s16+$0xFFFFFFB0] =	vst v0  }
0x34e: {  	v61 =	vld [tilespmem:s15+$0xFFFFFFC0]  }
0x34f: {  	v7 =	vld [tilespmem:s21+$0xFFFFFFC0];
	_ =	sdelay $0x1  }
0x350: {  	v1 =	vadd.f32 v2, v1  }
0x351: {  	v62 =	vadd.f32 v4, v3  }
0x352: {  	[tilespmem:s16+$0x0] =	vst v1;
	v0 =	vadd.f32 v60, v59  }
0x353: {  	[tilespmem:s16+$0xFFFFFF80] =	vst v62;
	v63 =	vadd.f32 v7, v61  }
0x354: {  	[tilespmem:s18+$0xFFFFFF40] =	vst v0  }
0x355: {  	[tilespmem:s18+$0xFFFFFFC0] =	vst v63  }
0x356: {  	s3 =	rddreg [dreg:$0x1c]  }
0x357: {  	[hbm4b:s3+s4] =	stream.linear.scatter [tilespmem:s26], [sflag:$0xA], $0x2000, $0x38;
	[tilespmem:$0x16040] =	vst v63  }
0x358: {  	_ =	swait.ge [sflag:s28], $0x2000  }
0x359: {  	[sflag:s28] =	ssyncset.done $0x0  }
0x35a: {  	[sflag:s28] =	ssyncadd.s32 $0xFFFFE000  }
0x35b: {  	_ =	swait.ge [sflag:s29], $0x2000  }
0x35c: {  	[sflag:s29] =	ssyncset.done $0x0  }
0x35d: {  	[sflag:s29] =	ssyncadd.s32 $0xFFFFE000  }
0x35e: {  	_ =	swait.ge [sflag:s19], $0x80  }
0x35f: {  	[sflag:s19] =	ssyncset.done $0x0  }
0x360: {  	[sflag:s19] =	ssyncadd.s32 $0xFFFFFF80  }
0x361: {  	_ =	swait.ge [sflag:s19], $0x80  }
0x362: {  	[sflag:s19] =	ssyncset.done $0x0  }
0x363: {  	[sflag:s19] =	ssyncadd.s32 $0xFFFFFF80  }
0x364: {  	_ =	swait.ge [sflag:s0], $0x80  }
0x365: {  	[sflag:s0] =	ssyncset.done $0x0  }
0x366: {  	[sflag:s0] =	ssyncadd.s32 $0xFFFFFF80  }
0x367: {  	_ =	swait.ge [sflag:s0], $0x80  }
0x368: {  	s8 =	sld [smem:$0x7FD];
	_ =	sdelay $0x2  }
0x369: {  	s31 =	rddreg [dreg:$0x1d];
	s8 =	sadd.s32 $0x1, s8  }
0x36a: {  	p0 =	sne.s32 s8, s31  }
.Ltmp9:
0x36b: {  	_ = 	snop;
	(pc) =	sbr.rel @p0 .LBB2_1-.Ltmp9, $3  }
0x36c: {  	_ =	sdelay $0x1  }
0x36d: {  	[sflag:s0] =	ssyncset.done $0x0  }
0x36e: {  	[sflag:s0] =	ssyncadd.s32 $0xFFFFFF80  }
0x36f: {  	_ =	sfence.sel $0x180000  }
0x370: {  	[bflag:$0x0] =	sbarrier.arrive $0xFFFF  }
0x371: {  	_ =	strace $0x90000047  }
0x372: {  	s0 =	stileid.u32;
	[bflag:$0x2] =	sbarrier.arrive $0xFFFF  }
0x373: {  	p0 =	sne.s32 s0, $0x0;
	s0 =	rddreg [dreg:$0x3]  }
0x374: {  	s0 =	sadd.s32 @!p0 $0x100000, s0  }
0x375: {  	[sflag:s0] =	ssyncadd.tile.s32 @!p0 $0x1;
	_ =	shalt  }
.Lfunc_end2:
_tile_overlayer_lowered:
.L_overlay_start_2:
0x376: {  	(tag) =	ssettag $0x2  }
0x377: {  	s0 =	rddreg [dreg:$0x0];
	s2 =	stileid.u32  }
0x378: {  	s1 =	rddreg [dreg:$0x1];
	p0 =	sne.s32 s2, $0x0  }
0x379: {  	s3 =	rddreg [dreg:$0x2];
	[bflag:$0x3] =	sbarrier.arrive $0xFFFF;
	s2 =	simm.s32 @!p0 $0x1C0B  }
0x37a: {  	[timem:s3], [sflag:s2] =	dma.local @!p0 [hbm:s0], s1  }
0x37b: {  	s0 =	simm.s32 @!p0 $0xB  }
0x37c: {  	_ =	swait.ge @!p0 [sflag:s0], s1  }
0x37d: {  	s1 =	ssub.s32 @!p0 $0x0, s1;
	[sflag:s0] =	ssyncset.done @!p0 $0x0  }
0x37e: {  	[sflag:s0] =	ssyncadd.s32 @!p0 s1  }
0x37f: {  	[bflag:$0x3] =	sbarrier.arrive $0xFFFF  }
0x380: {  	_ =	shalt  }

// kernel: sparse-core-data-format-call.cloned.1.call-start
scs
called_computation_lowered:
.L_overlay_start_0:
0x0: {  	s2 =	sld [smem:$0x3FD9]  }
0x1: {  	s3 =	sld [smem:$0x3FFE];
	_ =	sdelay $0x1  }
0x2: {  	s1 =	srdreg.scid  }
0x3: {  	s0 =	sand.u32 $0x1, s1  }
0x4: {  	s18 =	sshll.u32 s0, $0xA;
	s2 =	sadd.s32 s3, s2  }
0x5: {  	s2 =	sadd.s32 s2, s18  }
0x6: {  	[smem:$0x3FC5] =	sst s2  }
0x7: {  	_ = 	snop  }
0x8: {  	s2 =	sld [smem:$0x3FD0];
	(tm) =	ssettm $0x1  }
0x9: {  	s19 =	sld [smem:$0x3FFB];
	_ =	sdelay $0x3  }
0xa: {  	_ =	strace s19  }
0xb: {  	s3 =	sld [smem:$0x3FFC];
	_ =	sdelay $0x3  }
0xc: {  	_ =	strace s3  }
0xd: {  	s3 =	sld [smem:$0x3FFD];
	_ =	sdelay $0x3  }
0xe: {  	_ =	strace s3  }
0xf: {  	_ =	strace $0x8FFFFFFF  }
0x10: {  	s20 =	sld [smem:$0x3FDB];
	_ =	sdelay $0x1  }
0x11: {  	s4 =	simm.s32 $_scs_section_size  }
0x12: {  	s5 =	simm.s32 $_size__tile_overlayer_lowered;
	s6 =	simm.s32 $_tile_overlayer_lowered  }
0x13: {  	s23 =	simm.s32 $0x1BFF;
	s22 =	sshll.u32 s6, $0x1;
	s3 =	sadd.s32 s4, s20  }
0x14: {  	s7 =	simm.s32 $0x0;
	s21 =	sshll.u32 s5, $0x1;
	s5 =	sadd.s32 s22, s3  }
0x15: {  	[timem:s7], [sflag:s23] =	dma.local [hbm:s5], s21  }
0x16: {  	_ =	swait.ge [sflag:s23], s21  }
0x17: {  	s4 =	ssub.s32 $0x0, s21;
	[sflag:s23] =	ssyncset.done $0x0  }
0x18: {  	[sflag:s23] =	ssyncadd.s32 s4;
	_ =	sdelay $0x1  }
0x19: {  	s24 =	simm.s32 $0x1B8B  }
0x1a: {  	_ =	swait.ge [sflag:s24], $0x1  }
0x1b: {  	[sflag:s24] =	ssyncset.done $0x0  }
0x1c: {  	s26 =	simm.s32 $0x1B8E;
	s25 =	sld [smem:$0x3FFE];
	[sflag:s24] =	ssyncadd.s32 $0xFFFFFFFF  }
0x1d: {  	s27 =	simm.s32 $execute0_lowered;
	[smem:$0x3FD2] =	sst s26  }
0x1e: {  	s5 =	sshll.u32 s27, $0x1;
	_ =	strace $0x80000049;
	[dreg:$0x1] =	wrdreg $0xFFFFFFFF  }
0x1f: {  	s28 =	simm.s32 $_size_execute0_lowered;
	s3 =	sadd.s32 s3, s5;
	[dreg:$0x0] =	wrdreg $0x0  }
0x20: {  	s5 =	sshll.u32 s28, $0x1;
	[dreg:$0x2] =	wrdreg s3  }
0x21: {  	[dreg:$0x3] =	wrdreg s5  }
0x22: {  	[dreg:$0x4] =	wrdreg $0xC0  }
0x23: {  	_ =	task [dreg:s7], $0x5FFFF  }
0x24: {  	[dreg:$0x1] =	wrdreg $0xFFFFFFFF  }
0x25: {  	[dreg:$0x0] =	wrdreg $0x60  }
0x26: {  	[dreg:$0x2] =	wrdreg s25  }
0x27: {  	[dreg:$0x3] =	wrdreg s2  }
0x28: {  	[dreg:$0x4] =	wrdreg $0x9  }
0x29: {  	_ =	task.clear_ibuf [dreg:s7], $0x5FFFF;
	_ =	strace $0x90000049  }
0x2a: {  	s29 =	simm.s32 $0x9;
	_ =	strace $0x8000004B  }
0x2b: {  	_ =	swait.ge [sflag:s29], $0x1  }
0x2c: {  	[sflag:s29] =	ssyncadd.s32 $0xFFFFFFFF  }
0x2d: {  	_ =	strace $0x9000004B  }
0x2e: {  	_ =	sfence  }
0x2f: {  	s30 =	sld [smem:$0x0];
	_ =	sdelay $0x2  }
0x30: {  	s31 =	sshll.u32 s1, $0xD;
	s1 =	sshrl.u32 s1, $0x2  }
0x31: {  	s3 =	sand.u32 $0x4000, s31;
	s1 =	sadd.s32 s1, s30  }
0x32: {  	s0 =	sor.u32 s3, s0;
	s1 =	sshll.u32 s1, $0x11  }
0x33: {  	s0 =	sor.u32 s1, s0  }
0x34: {  	s0 =	sadd.s32 $0x8F2B, s0  }
0x35: {  	[sflag:s0] =	ssyncadd.remote.s32 $0x1  }
0x36: {  	_ =	sfence.sel $0xFFFF  }
0x37: {  	[dreg:$0x0] =	wrdreg $0xFFFFFFFF;
	(pc) =	sbr.abs _section_cstart, $3  }
0x38: {  	[dreg:$0x1] =	wrdreg $0xFFFFFFFF  }
0x39: {  	_ =	task.clear_ibuf [dreg:s7], $0x2FFFF;
	_ =	strace $0x9FFFFFFF  }
0x3a: {  	(tm) =	ssettm $0x7FFFFFFF  }
0x3b: {  	_ =	shalt  }
tec
execute0_lowered:
.L_overlay_start_1:
0x0: {  	(tag) =	ssettag $0x1  }
0x1: {  	s0 =	srdreg.scid  }
0x2: {  	s1 =	sshll.u32 s0, $0x4  }
0x3: {  	s0 =	stileid.u32;
	s1 =	sand.u32 $0x10, s1  }
0x4: {  	s1 =	sor.u32 s0, s1  }
0x5: {  	s6 =	rddreg [dreg:$0x0];
	s4 =	simm.s32 $0x1;
	s2 =	sshll.u32 s1, $0x7  }
0x6: {  	s7 =	simm.s32 $0x2;
	s12 =	simm.s32 $0x0;
	s1 =	ssub.s32 $0x1000, s2  }
0x7: {  	s8 =	simm.s32 $0x8000;
	s13 =	simm.s32 $0x0;
	s3 =	sand.u32 $0xF80, s1  }
0x8: {  	s9 =	simm.s32 $0x0;
	s5 =	sshrl.u32 s1, $0xC;
	p0 =	sne.s32 s3, $0x0  }
.Ltmp0:
0x9: {  	s1 =	rddreg [dreg:$0x2];
	s4 =	simm.s32 @!p0 $0x0;
	(pc) =	sbr.rel .LBB1_1-.Ltmp0, $4  }
0xa: {  	s11 =	simm.s32 $0x0;
	s3 =	rddreg [dreg:$0x1];
	s5 =	sadd.s32 s4, s5  }
0xb: {  	_ =	strace $0x8000004A;
	s4 =	simm.s32 $0x1;
	s5 =	smul.u32 $0xC8, s5  }
0xc: {  	s6 =	sadd.s32 $0x2600, s6;
	s10 =	smov.u32 s2;
	[sflag:s4] =	ssyncpa.u1 $0x0  }
0xd: {  	p0 =	por $0x0, $0x0;
	[sflag:s7] =	ssyncpa.u1 $0x0;
	s7 =	sor.u32 $0x1, s5  }
.LBB1_4:
0xe: {  	s16 =	sshll.u32 s13, $0x3;
	s17 =	sand.u32 $0x78, s13  }
0xf: {  	s30 =	sand.u32 $0x7E00, s13;
	s12 =	sshll.u32 s12, $0xF;
	s16 =	sand.u32 $0xC00, s16  }
0x10: {  	[tilespmem:s15+$0x810 ss:$0x81] =	vst.msk $0xffff, v2;
	s31 =	sand.u32 $0x7, s13;
	s16 =	sor.u32 s17, s16;
	s17 =	sadd.s32 s3, s30  }
0x11: {  	[tilespmem:s15+$0x1020 ss:$0x81] =	vst.msk $0xffff, v0;
	s13 =	sshll.u32 s31, $0x12;
	s12 =	sadd.s32 s12, s17;
	s16 =	sshrl.u32 s16, $0x3  }
0x12: {  	[tilespmem:s15+$0x0 ss:$0x81] =	vst.msk $0xffff, v1;
	s13 =	sor.u32 $0x400, s13;
	s12 =	sadd.s32 s16, s12  }
0x13: {  	[hbm4b:s12+s13] =	stream.strided.scatter [tilespmem:s14], [sflag:$0x2], $0x2000, s8, s13, $0x20;
	[tilespmem:$0x8080] =	vst v63  }
.LBB1_5:
0x14: {  	s14 =	sadd.s32 $0x1, s9  }
0x15: {  	s12 =	sadd.s32 $0x1000, s10;
	s16 =	smov.u32 s10;
	p2 =	sgt.s32 s14, $0xC7  }
0x16: {  	s16 =	smov.u32 @p2 s12  }
0x17: {  	s14 =	simm.s32 @p2 $0x0;
	p2 =	sgt.s32 s16, $0xFFF  }
0x18: {  	s16 =	smov.u32 @p2 s2;
	p2 =	sne.s32 s11, s7  }
.Ltmp1:
0x19: {  	p1 =	slt.u32 s11, $0x2;
	(pc) =	sbr.rel @!p2 .LBB1_6-.Ltmp1, $4  }
0x1a: {  	s15 =	simm.s32 @!p1 $0x2  }
0x1b: {  	s13 =	smov.u32 s10;
	p0 =	por !p0, !p0;
	_ =	swait.ge @!p1 [sflag:s15], $0x2000  }
0x1c: {  	s12 =	smov.u32 s9;
	[sflag:s15] =	ssyncset.done @!p1 $0x0;
	s9 =	smov.u32 s14  }
0x1d: {  	s11 =	sadd.s32 $0x1, s11;
	[sflag:s15] =	ssyncadd.s32 @!p1 $0xFFFFE000;
	s10 =	smov.u32 s16  }
.LBB1_1:
0x1e: {  	p1 =	sge.u32 s11, s5  }
0x1f: {  	s14 =	sand.u32 @!p1 $0x1FFFFFF, s9  }
0x20: {  	s15 =	smulhi.u32 @!p1 $0x147AE15, s14;
	_ =	sdelay $0x1  }
0x21: {  	s15 =	smul.u32 @!p1 $0xC8, s15  }
0x22: {  	s16 =	sxor.u32 @!p1 $0xFFFFFFFF, s11;
	s17 =	smul.u32 @!p1 $0xC80, s10  }
0x23: {  	s31 =	sadd.s32 $0xFFFFFFFF, s11;
	s16 =	sshll.u32 @!p1 s16, $0xD;
	s14 =	ssub.s32 @!p1 s14, s15  }
0x24: {  	s15 =	sand.u32 @!p1 $0x2000, s16;
	s16 =	sadd.s32 @!p1 s6, s17;
	s14 =	sshll.u32 @!p1 s14, $0x4  }
0x25: {  	s17 =	simm.s32 @!p1 $0x6400;
	s14 =	sadd.s32 @!p1 s14, s16;
	s16 =	simm.s32 @!p1 $0x40  }
0x26: {  	[tilespmem:s15], [sflag:$0x1] =	stream.strided.gather @!p1 [hbm4b:s14+s16], $0x2000, s17, s16, $0x38;
	[tilespmem:$0x8080] =	vst v63  }
0x27: {  	p1 =	sge.u32 s31, s5  }
.Ltmp2:
0x28: {  	_ = 	snop;
	(pc) =	sbr.rel @p1 .LBB1_5-.Ltmp2, $1  }
0x29: {  	_ =	sdelay $0x3  }
0x2a: {  	s14 =	simm.s32 $0x1  }
0x2b: {  	_ =	swait.ge [sflag:s4], $0x2000;
	s14 =	simm.s32 @!p0 $0x0  }
0x2c: {  	[sflag:s4] =	ssyncset.done $0x0;
	s15 =	sshll.u32 s14, $0xD  }
0x2d: {  	[sflag:s4] =	ssyncadd.s32 $0xFFFFE000;
	s18 =	sor.u32 $0x20, s15  }
0x2e: {  	s14 =	smul.u32 $0x8100, s14;
	v3 =	vld [tilespmem:s18+$0x10]  }
0x2f: {  	s30 =	sand.u32 $0x1, s11;
	v2 =	vld [tilespmem:s18+$0xFFFFFFF0]  }
0x30: {  	s15 =	smul.u32 $0x8100, s30;
	s14 =	sshrl.u32 s14, $0x2;
	v0 =	vld [tilespmem:s18+$0x0]  }
0x31: {  	v1 =	vld [tilespmem:s18+$0xFFFFFFE0];
	s16 =	sor.u32 $0x4000, s14  }
0x32: {  	s31 =	sshrl.u32 s15, $0x2;
	s15 =	sadd.s32 $0x0, s16  }
0x33: {  	s17 =	simm.s32 $0x4;
	s18 =	sadd.s32 $0x40, s18;
	s14 =	sor.u32 $0x4000, s31;
	[tilespmem:s15+$0x1830 ss:$0x81] =	vst.msk $0xffff, v3  }
.LBB1_3:
0x34: {  	v3 =	vld [tilespmem:s18+$0x10];
	p1 =	sne.s32 s17, $0x1FC;
	[tilespmem:s15+$0x810 ss:$0x81] =	vst.msk $0xffff, v2;
	s19 =	smov.u32 s17;
	s17 =	sadd.s32 $0x4, s17  }
.Ltmp3:
0x35: {  	v2 =	vld [tilespmem:s18+$0xFFFFFFF0];
	[tilespmem:s15+$0x1020 ss:$0x81] =	vst.msk $0xffff, v0;
	(pc) =	sbr.rel @p1 .LBB1_3-.Ltmp3, $4  }
0x36: {  	v0 =	vld [tilespmem:s18+$0x0];
	[tilespmem:s15+$0x0 ss:$0x81] =	vst.msk $0xffff, v1  }
0x37: {  	s15 =	sshra.s32 s19, $0x2;
	v1 =	vld [tilespmem:s18+$0xFFFFFFE0]  }
0x38: {  	s15 =	sadd.s32 s15, s16  }
0x39: {  	s18 =	sadd.s32 $0x40, s18;
	[tilespmem:s15+$0x1830 ss:$0x81] =	vst.msk $0xffff, v3  }
.Ltmp4:
0x3a: {  	_ = 	snop;
	(pc) =	sbr.rel .LBB1_4-.Ltmp4, $1  }
0x3b: {  	_ =	sdelay $0x3  }
.LBB1_6:
0x3c: {  	_ =	sfence.sel $0x180000  }
0x3d: {  	s2 =	simm.s32 $0x1;
	[bflag:$0x0] =	sbarrier.arrive $0xFFFF  }
0x3e: {  	s31 =	simm.s32 $0x2;
	[sflag:s2] =	ssyncpa.u1 $0x1  }
0x3f: {  	[sflag:s31] =	ssyncpa.u1 $0x1  }
0x40: {  	p0 =	sne.s32 s0, $0x0;
	_ =	strace $0x9000004A  }
0x41: {  	s0 =	sadd.s32 @!p0 $0x100000, s1;
	[bflag:$0x2] =	sbarrier.arrive $0xFFFF  }
0x42: {  	[sflag:s0] =	ssyncadd.tile.s32 @!p0 $0x1;
	_ =	shalt  }
.Lfunc_end1:
_tile_overlayer_lowered:
.L_overlay_start_2:
0x43: {  	(tag) =	ssettag $0x2  }
0x44: {  	s0 =	rddreg [dreg:$0x0];
	s2 =	stileid.u32  }
0x45: {  	s1 =	rddreg [dreg:$0x1];
	p0 =	sne.s32 s2, $0x0  }
0x46: {  	s3 =	rddreg [dreg:$0x2];
	[bflag:$0x3] =	sbarrier.arrive $0xFFFF;
	s2 =	simm.s32 @!p0 $0x1C01  }
0x47: {  	[timem:s3], [sflag:s2] =	dma.local @!p0 [hbm:s0], s1  }
0x48: {  	s0 =	simm.s32 @!p0 $0x1  }
0x49: {  	_ =	swait.ge @!p0 [sflag:s0], s1  }
0x4a: {  	s1 =	ssub.s32 @!p0 $0x0, s1;
	[sflag:s0] =	ssyncset.done @!p0 $0x0  }
0x4b: {  	[sflag:s0] =	ssyncadd.s32 @!p0 s1  }
0x4c: {  	[bflag:$0x3] =	sbarrier.arrive $0xFFFF  }
0x4d: {  	_ =	shalt  }

</sc_bundles>
